<compile_context>
chip_gen: v7x
topology: tpu7x:2x2x1
jax: 0.10.2.dev20260603
libtpu: 0.0.44.dev20260713+nightly
codegen_flags: <defaults>
</compile_context>

<pallas_src>
import functools

import jax
import jax.numpy as jnp
from jax import lax
from jax.experimental import pallas as pl
from jax.experimental.pallas import tpu as pltpu
from jax.experimental.pallas import tpu_sc as plsc

N = 10000
E = 320000
D = 128
R = 4
B = 128
EMB = 128

NC = 2
NS = 16
NW = NC * NS

EC = E // 128
ECP = 2560
CHT = ECP // NW
NSH = 10240
SLICE = NSH // NS

TN = 400
GRID = N // TN

_DOT = functools.partial(lax.dot_general, precision=lax.Precision.HIGHEST,
                         preferred_element_type=jnp.float32)


def _mm(a, w):
    return _DOT(a, w, (((1,), (0,)), ((), ())))



def _xr_body(h_ref, wr_ref, xr_ref):
    h = h_ref[...]
    xr_ref[...] = jnp.stack([_mm(h, wr_ref[r]) for r in range(R)])


def _tc_xr(h, w_rel):
    return pl.pallas_call(
        _xr_body,
        grid=(GRID,),
        in_specs=[
            pl.BlockSpec((TN, D), lambda i: (i, 0)),
            pl.BlockSpec((R, D, D), lambda i: (0, 0, 0)),
        ],
        out_specs=pl.BlockSpec((R, TN, D), lambda i: (0, i, 0)),
        out_shape=jax.ShapeDtypeStruct((R, N, D), jnp.float32),
    )(h, w_rel)


def _mid_body(h_ref, agg_ref, deg_ref, ws_ref, b_ref, wr_ref, h1_ref, xr_ref):
    agg = agg_ref[0] + agg_ref[1]
    deg = deg_ref[0, :, 0:1] + deg_ref[1, :, 0:1]
    deg = jnp.maximum(deg, 1.0)
    h1 = _mm(h_ref[...], ws_ref[...]) + agg / deg + b_ref[...]
    h1 = jnp.maximum(h1, 0.0)
    h1_ref[...] = h1
    xr_ref[...] = jnp.stack([_mm(h1, wr_ref[r]) for r in range(R)])


def _tc_mid(h, agg, deg, w_self, b0, w_rel):
    return pl.pallas_call(
        _mid_body,
        grid=(GRID,),
        in_specs=[
            pl.BlockSpec((TN, D), lambda i: (i, 0)),
            pl.BlockSpec((NC, TN, D), lambda i: (0, i, 0)),
            pl.BlockSpec((NC, TN, D), lambda i: (0, i, 0)),
            pl.BlockSpec((D, D), lambda i: (0, 0)),
            pl.BlockSpec((1, D), lambda i: (0, 0)),
            pl.BlockSpec((R, D, D), lambda i: (0, 0, 0)),
        ],
        out_specs=[
            pl.BlockSpec((TN, D), lambda i: (i, 0)),
            pl.BlockSpec((R, TN, D), lambda i: (0, i, 0)),
        ],
        out_shape=[
            jax.ShapeDtypeStruct((N, D), jnp.float32),
            jax.ShapeDtypeStruct((R, N, D), jnp.float32),
        ],
    )(h, agg, deg, w_self, b0, w_rel)


def _final_body(h1_ref, agg_ref, deg_ref, asg_ref, ws_ref, b_ref, wo_ref,
                bo_ref, out_ref, pool_ref, cnt_ref):
    i = pl.program_id(0)

    @pl.when(i == 0)
    def _():
        pool_ref[...] = jnp.zeros((B, D), jnp.float32)
        cnt_ref[...] = jnp.zeros((8, B), jnp.float32)

    agg = agg_ref[0] + agg_ref[1]
    deg = deg_ref[0, :, 0:1] + deg_ref[1, :, 0:1]
    deg = jnp.maximum(deg, 1.0)
    h2 = _mm(h1_ref[...], ws_ref[...]) + agg / deg + b_ref[...]

    a = asg_ref[0, 0, :]
    onehot = (a[:, None] == lax.broadcasted_iota(jnp.int32, (TN, B), 1))
    onehot = onehot.astype(jnp.float32)
    pool_ref[...] += _DOT(onehot, h2, (((0,), (0,)), ((), ())))
    cnt_ref[0, :] += jnp.sum(onehot, axis=0)

    @pl.when(i == GRID - 1)
    def _():
        cnt = jnp.maximum(cnt_ref[0, :], 1.0)
        pooled = pool_ref[...] / cnt[:, None]
        out_ref[...] = _mm(pooled, wo_ref[...]) + bo_ref[...]


def _tc_final(h1, agg, deg, asg, w_self, b1, w_out, b_out):
    return pl.pallas_call(
        _final_body,
        grid=(GRID,),
        in_specs=[
            pl.BlockSpec((TN, D), lambda i: (i, 0)),
            pl.BlockSpec((NC, TN, D), lambda i: (0, i, 0)),
            pl.BlockSpec((NC, TN, D), lambda i: (0, i, 0)),
            pl.BlockSpec((1, 1, TN), lambda i: (i, 0, 0)),
            pl.BlockSpec((D, D), lambda i: (0, 0)),
            pl.BlockSpec((1, D), lambda i: (0, 0)),
            pl.BlockSpec((D, EMB), lambda i: (0, 0)),
            pl.BlockSpec((1, EMB), lambda i: (0, 0)),
        ],
        out_specs=pl.BlockSpec((B, EMB), lambda i: (0, 0)),
        out_shape=jax.ShapeDtypeStruct((B, EMB), jnp.float32),
        scratch_shapes=[
            pltpu.VMEM((B, D), jnp.float32),
            pltpu.VMEM((8, B), jnp.float32),
        ],
    )(h1, agg, deg, asg, w_self, b1, w_out, b_out)



_MESH = plsc.VectorSubcoreMesh(core_axis_name="c", subcore_axis_name="s",
                               num_cores=NC, num_subcores=NS)

NB = 2
GRP = 16


def _edge_body(xr_hbm, flat_hbm, dst_hbm, z_hbm,
               agg_out,
               flatv, dstv, rows, agg_sh, sem0, sem1):
    c = lax.axis_index("c")
    s = lax.axis_index("s")
    base = (c * NS + s) * CHT
    row0 = s * SLICE
    sems = [sem0, sem1]

    pltpu.sync_copy(z_hbm, agg_sh.at[pl.ds(row0, SLICE)])
    plsc.subcore_barrier()

    def gather(j, k):
        pltpu.async_copy(xr_hbm.at[flatv.at[j]],
                         rows.at[pl.ds(k * 128, 128)], sems[k])

    def drain(j, k):
        pltpu.make_async_copy(xr_hbm.at[flatv.at[j]],
                              rows.at[pl.ds(k * 128, 128)], sems[k]).wait()
        pltpu.sync_copy(rows.at[pl.ds(k * 128, 128)],
                        agg_sh.at[dstv.at[j]], add=True)

    def group(g, carry):
        pltpu.sync_copy(flat_hbm.at[pl.ds(base + g * GRP, GRP)], flatv)
        pltpu.sync_copy(dst_hbm.at[pl.ds(base + g * GRP, GRP)], dstv)
        for k in range(NB):
            gather(k, k)
        for j in range(GRP - NB):
            drain(j, j % NB)
            gather(j + NB, j % NB)
        for j in range(GRP - NB, GRP):
            drain(j, j % NB)
        return carry

    lax.fori_loop(0, CHT // GRP, group, 0)

    plsc.subcore_barrier()
    pltpu.sync_copy(agg_sh.at[pl.ds(row0, SLICE)],
                    agg_out.at[c, pl.ds(row0, SLICE)])


def _deg_body(dst_hbm, z_hbm, ones_hbm, deg_out, dstv, ones_v, deg_sh):
    c = lax.axis_index("c")
    s = lax.axis_index("s")
    base = (c * NS + s) * CHT
    row0 = s * SLICE
    pltpu.sync_copy(z_hbm, deg_sh.at[pl.ds(row0, SLICE)])
    pltpu.sync_copy(ones_hbm, ones_v)
    pltpu.sync_copy(dst_hbm.at[pl.ds(base, CHT)], dstv)
    plsc.subcore_barrier()

    def ebody(j, cc):
        pltpu.sync_copy(ones_v, deg_sh.at[dstv.at[j]], add=True)
        return cc

    lax.fori_loop(0, CHT, ebody, 0)
    plsc.subcore_barrier()
    pltpu.sync_copy(deg_sh.at[pl.ds(row0, SLICE)],
                    deg_out.at[c, pl.ds(row0, SLICE)])


_sc_edge = pl.kernel(
    _edge_body,
    out_type=jax.ShapeDtypeStruct((NC, NSH, D), jnp.float32),
    mesh=_MESH,
    scratch_types=[
        pltpu.VMEM((GRP, 128), jnp.int32),
        pltpu.VMEM((GRP, 128), jnp.int32),
        pltpu.VMEM((NB * 128, D), jnp.float32),
        pltpu.VMEM_SHARED((NSH, D), jnp.float32),
        pltpu.SemaphoreType.DMA,
        pltpu.SemaphoreType.DMA,
    ],
)

_sc_deg = pl.kernel(
    _deg_body,
    out_type=jax.ShapeDtypeStruct((NC, NSH, D), jnp.float32),
    mesh=_MESH,
    scratch_types=[
        pltpu.VMEM((CHT, 128), jnp.int32),
        pltpu.VMEM((128, D), jnp.float32),
        pltpu.VMEM_SHARED((NSH, D), jnp.float32),
    ],
)



def kernel(treatment_node_features, treatment_edges, edge_types,
           batch_assignments, W_self, W_rel, b, W_out, b_out):
    h = treatment_node_features.astype(jnp.float32)
    src = treatment_edges[0].astype(jnp.int32)
    dst = treatment_edges[1].astype(jnp.int32)
    et = edge_types.astype(jnp.int32)

    pad = ECP * 128 - E
    padi = jnp.arange(pad, dtype=jnp.int32)
    flat = et * N + src
    flatp = jnp.concatenate([flat, padi % (R * N)]).reshape(ECP, 128)
    dstp = jnp.concatenate([dst, N + padi % (NSH - N)]).reshape(ECP, 128)

    z_hbm = jnp.zeros((SLICE, D), jnp.float32)
    ones_hbm = jnp.ones((128, D), jnp.float32)

    degp = _sc_deg(dstp, z_hbm, ones_hbm)
    xr1 = _tc_xr(h, W_rel[0])
    agg1 = _sc_edge(xr1.reshape(R * N, D), flatp, dstp, z_hbm)
    h1, xr2 = _tc_mid(h, agg1, degp, W_self[0], b[0].reshape(1, D), W_rel[1])
    agg2 = _sc_edge(xr2.reshape(R * N, D), flatp, dstp, z_hbm)

    asg = batch_assignments.astype(jnp.int32).reshape(GRID, 1, TN)
    out = _tc_final(h1, agg2, degp, asg, W_self[1], b[1].reshape(1, D),
                    W_out, b_out.reshape(1, EMB))
    return out[:, None, :]

# --- scband reference (transcript-rebuilt; emitter-appended) ---
"""Pipeline reference for scband-treatment-feature-extractor-att-89163521065027 (READ-ONLY COPY).

The authoritative reference and input builder live on the scoring server;
editing this copy changes nothing except your own understanding.
"""

import jax, jax.numpy as jnp
import numpy as np

N = 10000
E = 320000
D = 128
R = 4
L = 2
B = 128
EMB = 128


def setup_inputs(seed: int = 0) -> dict:
    key = jax.random.key(seed)
    ks = jax.random.split(key, 10)
    x = jax.random.normal(ks[0], (N, D), dtype=jnp.float32)
    edge_index = jax.random.randint(ks[1], (2, E), 0, N, dtype=jnp.int64)
    edge_types = jax.random.randint(ks[2], (E,), 0, R, dtype=jnp.int64)
    batch_assignments = jnp.sort(jax.random.randint(ks[3], (N,), 0, B, dtype=jnp.int64))
    scale = 1.0 / np.sqrt(D)
    W_self = jax.random.normal(ks[4], (L, D, D), dtype=jnp.float32) * scale
    W_rel = jax.random.normal(ks[5], (L, R, D, D), dtype=jnp.float32) * scale
    b = jnp.zeros((L, D), dtype=jnp.float32)
    W_out = jax.random.normal(ks[6], (D, EMB), dtype=jnp.float32) * scale
    b_out = jnp.zeros((EMB,), dtype=jnp.float32)
    return {
        "treatment_node_features": x,
        "treatment_edges": edge_index,
        "edge_types": edge_types,
        "batch_assignments": batch_assignments,
        "W_self": W_self,
        "W_rel": W_rel,
        "b": b,
        "W_out": W_out,
        "b_out": b_out,
    }


def reference(treatment_node_features, treatment_edges, edge_types, batch_assignments,
              W_self, W_rel, b, W_out, b_out):
    src = treatment_edges[0]
    dst = treatment_edges[1]
    h = treatment_node_features
    deg = jax.ops.segment_sum(jnp.ones((E,), dtype=jnp.float32), dst, num_segments=N)
    deg = jnp.clip(deg, 1.0)[:, None]
    for i in range(L):
        # per-relation transform on nodes: [N, R, D]
        xr = jnp.einsum('nd,rde->nre', h, W_rel[i])
        # gather per-edge relation-specific message (memory-bound gather)
        msg = xr[src, edge_types]  # [E, D]
        agg = jax.ops.segment_sum(msg, dst, num_segments=N) / deg
        h = h @ W_self[i] + agg + b[i]
        if i < L - 1:
            h = jax.nn.relu(h)
        # output_activation_treatment_features = False -> no activation on last layer
    # global mean pool by graph
    counts = jax.ops.segment_sum(jnp.ones((N,), dtype=jnp.float32), batch_assignments, num_segments=B)
    pooled = jax.ops.segment_sum(h, batch_assignments, num_segments=B) / jnp.clip(counts, 1.0)[:, None]
    out = pooled @ W_out + b_out
    return out[:, None, :]  # [B, 1, EMB] (unsqueeze(1))

if __name__ == "__main__":
    import jax
    _d = setup_inputs()
    print(jax.jit(kernel)(*tuple(_d.values())))

</pallas_src>

<mosaic_0001>
#map = affine_map<(d0, d1) -> (0, 0)>
#map1 = affine_map<(d0, d1) -> (0, 0, 0)>
module attributes {stable_mosaic.version = 14 : i64} {
  func.func @_edge_body(%arg0: i32, %arg1: i32, %arg2: memref<40000x128xf32, #tpu.memory_space<hbm>>, %arg3: memref<2560x128xi32, #tpu.memory_space<hbm>>, %arg4: memref<2560x128xi32, #tpu.memory_space<hbm>>, %arg5: memref<640x128xf32, #tpu.memory_space<hbm>>, %arg6: memref<2x10240x128xf32, #tpu.memory_space<hbm>>, %arg7: memref<16x128xi32, #tpu.memory_space<vmem>>, %arg8: memref<16x128xi32, #tpu.memory_space<vmem>>, %arg9: memref<256x128xf32, #tpu.memory_space<vmem>>, %arg10: memref<10240x128xf32, #tpu.memory_space<vmem_shared>>, %arg11: memref<!tpu.dma_semaphore, #tpu.memory_space<semaphore_mem>>, %arg12: memref<!tpu.dma_semaphore, #tpu.memory_space<semaphore_mem>>) attributes {dimension_semantics = [#tpu.dimension_semantics<core_parallel>, #tpu.dimension_semantics<subcore_parallel>], iteration_bounds = array<i64: 2, 16>, scalar_prefetch = 0 : i64, scratch_operands = 6 : i64, tpu.core_type = #tpu.core_type<sc_vector_subcore>, window_params = [{transform_indices = #map}, {transform_indices = #map}, {transform_indices = #map}, {transform_indices = #map}, {transform_indices = #map1}]} {
    %mul3A = arith.constant 16 : i32
    %mul3A_0 = arith.muli %arg0, %mul3A : i32
    %add3A = arith.addi %mul3A_0, %arg1 : i32
    %mul3A_1 = arith.constant 80 : i32
    %mul3A_2 = arith.muli %add3A, %mul3A_1 : i32
    %mul3A_3 = arith.constant 640 : i32
    %mul3A_4 = arith.muli %arg1, %mul3A_3 : i32
    "tpu.region"() ({
      %run_scoped3A = tpu.sem_alloc : memref<!tpu.dma_semaphore, #tpu.memory_space<semaphore_mem>>
      %dma_start3A = arith.constant 0 : i32
      %dma_start3A_11 = tpu.memref_slice %arg10[%mul3A_4, %dma_start3A] : memref<10240x128xf32, #tpu.memory_space<vmem_shared>> -> memref<640x128xf32, #tpu.memory_space<vmem_shared>>
      tpu.enqueue_dma source(%arg5 : memref<640x128xf32, #tpu.memory_space<hbm>>) target(%dma_start3A_11 : memref<640x128xf32, #tpu.memory_space<vmem_shared>>) target_semaphore(%run_scoped3A : memref<!tpu.dma_semaphore, #tpu.memory_space<semaphore_mem>>)
      %dma_wait3A = arith.constant 0 : i32
      %dma_wait3A_12 = tpu.memref_slice %arg10[%mul3A_4, %dma_wait3A] : memref<10240x128xf32, #tpu.memory_space<vmem_shared>> -> memref<640x128xf32, #tpu.memory_space<vmem_shared>>
      tpu.wait_dma2 semaphore(%run_scoped3A : memref<!tpu.dma_semaphore, #tpu.memory_space<semaphore_mem>>) src(%arg5 : memref<640x128xf32, #tpu.memory_space<hbm>>) dst(%dma_wait3A_12 : memref<640x128xf32, #tpu.memory_space<vmem_shared>>)
      tpu.yield
    }) : () -> ()
    %barrier3A = arith.constant 0 : index
    tpu.barrier barrier_id(%barrier3A)
    %scan3A = arith.constant 0 : i32
    %scan3A_5 = arith.constant 0 : i32
    %scan3A_6 = arith.constant 5 : i32
    %scan3A_7 = arith.addi %scan3A_5, %scan3A_6 : i32
    %scan3A_8 = arith.constant 1 : i32
    scf.for %scan3A_11 = %scan3A_5 to %scan3A_7 step %scan3A_8  : i32 {
      %mul3A_12 = arith.constant 16 : i32
      %mul3A_13 = arith.muli %scan3A_11, %mul3A_12 : i32
      %add3A_14 = arith.addi %mul3A_2, %mul3A_13 : i32
      "tpu.region"() ({
        %run_scoped3A_351 = tpu.sem_alloc : memref<!tpu.dma_semaphore, #tpu.memory_space<semaphore_mem>>
        %dma_start3A_352 = arith.constant 0 : i32
        %dma_start3A_353 = tpu.memref_slice %arg3[%add3A_14, %dma_start3A_352] : memref<2560x128xi32, #tpu.memory_space<hbm>> -> memref<16x128xi32, #tpu.memory_space<hbm>>
        %dma_start3A_354 = arith.constant 0 : i32
        %dma_start3A_355 = tpu.memref_slice %arg3[%add3A_14, %dma_start3A_354] : memref<2560x128xi32, #tpu.memory_space<hbm>> -> memref<16x128xi32, #tpu.memory_space<hbm>>
        tpu.enqueue_dma source(%dma_start3A_355 : memref<16x128xi32, #tpu.memory_space<hbm>>) target(%arg7 : memref<16x128xi32, #tpu.memory_space<vmem>>) target_semaphore(%run_scoped3A_351 : memref<!tpu.dma_semaphore, #tpu.memory_space<semaphore_mem>>)
        %dma_wait3A_356 = arith.constant 0 : i32
        %dma_wait3A_357 = tpu.memref_slice %arg3[%add3A_14, %dma_wait3A_356] : memref<2560x128xi32, #tpu.memory_space<hbm>> -> memref<16x128xi32, #tpu.memory_space<hbm>>
        %dma_wait3A_358 = arith.constant 0 : i32
        %dma_wait3A_359 = tpu.memref_slice %arg3[%add3A_14, %dma_wait3A_358] : memref<2560x128xi32, #tpu.memory_space<hbm>> -> memref<16x128xi32, #tpu.memory_space<hbm>>
        tpu.wait_dma2 semaphore(%run_scoped3A_351 : memref<!tpu.dma_semaphore, #tpu.memory_space<semaphore_mem>>) src(%dma_wait3A_359 : memref<16x128xi32, #tpu.memory_space<hbm>>) dst(%arg7 : memref<16x128xi32, #tpu.memory_space<vmem>>)
        tpu.yield
      }) : () -> ()
      %mul3A_15 = arith.constant 16 : i32
      %mul3A_16 = arith.muli %scan3A_11, %mul3A_15 : i32
      %add3A_17 = arith.addi %mul3A_2, %mul3A_16 : i32
      "tpu.region"() ({
        %run_scoped3A_351 = tpu.sem_alloc : memref<!tpu.dma_semaphore, #tpu.memory_space<semaphore_mem>>
        %dma_start3A_352 = arith.constant 0 : i32
        %dma_start3A_353 = tpu.memref_slice %arg4[%add3A_17, %dma_start3A_352] : memref<2560x128xi32, #tpu.memory_space<hbm>> -> memref<16x128xi32, #tpu.memory_space<hbm>>
        %dma_start3A_354 = arith.constant 0 : i32
        %dma_start3A_355 = tpu.memref_slice %arg4[%add3A_17, %dma_start3A_354] : memref<2560x128xi32, #tpu.memory_space<hbm>> -> memref<16x128xi32, #tpu.memory_space<hbm>>
        tpu.enqueue_dma source(%dma_start3A_355 : memref<16x128xi32, #tpu.memory_space<hbm>>) target(%arg8 : memref<16x128xi32, #tpu.memory_space<vmem>>) target_semaphore(%run_scoped3A_351 : memref<!tpu.dma_semaphore, #tpu.memory_space<semaphore_mem>>)
        %dma_wait3A_356 = arith.constant 0 : i32
        %dma_wait3A_357 = tpu.memref_slice %arg4[%add3A_17, %dma_wait3A_356] : memref<2560x128xi32, #tpu.memory_space<hbm>> -> memref<16x128xi32, #tpu.memory_space<hbm>>
        %dma_wait3A_358 = arith.constant 0 : i32
        %dma_wait3A_359 = tpu.memref_slice %arg4[%add3A_17, %dma_wait3A_358] : memref<2560x128xi32, #tpu.memory_space<hbm>> -> memref<16x128xi32, #tpu.memory_space<hbm>>
        tpu.wait_dma2 semaphore(%run_scoped3A_351 : memref<!tpu.dma_semaphore, #tpu.memory_space<semaphore_mem>>) src(%dma_wait3A_359 : memref<16x128xi32, #tpu.memory_space<hbm>>) dst(%arg8 : memref<16x128xi32, #tpu.memory_space<vmem>>)
        tpu.yield
      }) : () -> ()
      %dma_start3A = arith.constant 0 : i32
      %dma_start3A_18 = arith.constant 0 : i32
      %dma_start3A_19 = arith.constant 0 : i32
      %dma_start3A_20 = tpu.memref_slice %arg9[%dma_start3A_18, %dma_start3A_19] : memref<256x128xf32, #tpu.memory_space<vmem>> -> memref<128x128xf32, #tpu.memory_space<vmem>>
      %dma_start3A_21 = arith.constant 0 : i32
      %dma_start3A_22 = tpu.memref_slice %arg7[%dma_start3A, %dma_start3A_21] : memref<16x128xi32, #tpu.memory_space<vmem>> -> memref<1x128xi32, #tpu.memory_space<vmem>>
      %dma_start3A_23 = tpu.memref_squeeze %dma_start3A_22 : memref<1x128xi32, #tpu.memory_space<vmem>> -> memref<128xi32, #tpu.memory_space<vmem>>
      %dma_start3A_24 = arith.constant 0 : i32
      %dma_start3A_25 = arith.constant 0 : i32
      %dma_start3A_26 = tpu.memref_slice %arg2[%dma_start3A_24, %dma_start3A_25] : memref<40000x128xf32, #tpu.memory_space<hbm>> -> memref<40000x128xf32, #tpu.memory_space<hbm>>
      tpu.enqueue_indirect_dma source(%dma_start3A_26 : memref<40000x128xf32, #tpu.memory_space<hbm>>) target(%dma_start3A_20 : memref<128x128xf32, #tpu.memory_space<vmem>>) offsets(%dma_start3A_23 : memref<128xi32, #tpu.memory_space<vmem>>) semaphore(%arg11 : memref<!tpu.dma_semaphore, #tpu.memory_space<semaphore_mem>>)
      %dma_start3A_27 = arith.constant 1 : i32
      %dma_start3A_28 = arith.constant 128 : i32
      %dma_start3A_29 = arith.constant 0 : i32
      %dma_start3A_30 = tpu.memref_slice %arg9[%dma_start3A_28, %dma_start3A_29] : memref<256x128xf32, #tpu.memory_space<vmem>> -> memref<128x128xf32, #tpu.memory_space<vmem>>
      %dma_start3A_31 = arith.constant 0 : i32
      %dma_start3A_32 = tpu.memref_slice %arg7[%dma_start3A_27, %dma_start3A_31] : memref<16x128xi32, #tpu.memory_space<vmem>> -> memref<1x128xi32, #tpu.memory_space<vmem>>
      %dma_start3A_33 = tpu.memref_squeeze %dma_start3A_32 : memref<1x128xi32, #tpu.memory_space<vmem>> -> memref<128xi32, #tpu.memory_space<vmem>>
      %dma_start3A_34 = arith.constant 0 : i32
      %dma_start3A_35 = arith.constant 0 : i32
      %dma_start3A_36 = tpu.memref_slice %arg2[%dma_start3A_34, %dma_start3A_35] : memref<40000x128xf32, #tpu.memory_space<hbm>> -> memref<40000x128xf32, #tpu.memory_space<hbm>>
      tpu.enqueue_indirect_dma source(%dma_start3A_36 : memref<40000x128xf32, #tpu.memory_space<hbm>>) target(%dma_start3A_30 : memref<128x128xf32, #tpu.memory_space<vmem>>) offsets(%dma_start3A_33 : memref<128xi32, #tpu.memory_space<vmem>>) semaphore(%arg12 : memref<!tpu.dma_semaphore, #tpu.memory_space<semaphore_mem>>)
      %dma_wait3A = arith.constant 0 : i32
      %dma_wait3A_37 = arith.constant 0 : i32
      %dma_wait3A_38 = arith.constant 0 : i32
      %dma_wait3A_39 = tpu.memref_slice %arg9[%dma_wait3A_37, %dma_wait3A_38] : memref<256x128xf32, #tpu.memory_space<vmem>> -> memref<128x128xf32, #tpu.memory_space<vmem>>
      %dma_wait3A_40 = arith.constant 0 : i32
      %dma_wait3A_41 = tpu.memref_slice %arg7[%dma_wait3A, %dma_wait3A_40] : memref<16x128xi32, #tpu.memory_space<vmem>> -> memref<1x128xi32, #tpu.memory_space<vmem>>
      %dma_wait3A_42 = tpu.memref_squeeze %dma_wait3A_41 : memref<1x128xi32, #tpu.memory_space<vmem>> -> memref<128xi32, #tpu.memory_space<vmem>>
      %dma_wait3A_43 = arith.constant 0 : i32
      %dma_wait3A_44 = arith.constant 0 : i32
      %dma_wait3A_45 = tpu.memref_slice %arg2[%dma_wait3A_43, %dma_wait3A_44] : memref<40000x128xf32, #tpu.memory_space<hbm>> -> memref<40000x128xf32, #tpu.memory_space<hbm>>
      tpu.wait_indirect_dma semaphore(%arg11 : memref<!tpu.dma_semaphore, #tpu.memory_space<semaphore_mem>>) src(%dma_wait3A_45 : memref<40000x128xf32, #tpu.memory_space<hbm>>) dst(%dma_wait3A_39 : memref<128x128xf32, #tpu.memory_space<vmem>>)
      %run_scoped3A = arith.constant 0 : i32
      "tpu.region"() ({
        %run_scoped3A_351 = tpu.sem_alloc : memref<!tpu.dma_semaphore, #tpu.memory_space<semaphore_mem>>
        %dma_start3A_352 = arith.constant 0 : i32
        %dma_start3A_353 = arith.constant 0 : i32
        %dma_start3A_354 = tpu.memref_slice %arg9[%dma_start3A_352, %dma_start3A_353] : memref<256x128xf32, #tpu.memory_space<vmem>> -> memref<128x128xf32, #tpu.memory_space<vmem>>
        %dma_start3A_355 = arith.constant 0 : i32
        %dma_start3A_356 = tpu.memref_slice %arg8[%run_scoped3A, %dma_start3A_355] : memref<16x128xi32, #tpu.memory_space<vmem>> -> memref<1x128xi32, #tpu.memory_space<vmem>>
        %dma_start3A_357 = tpu.memref_squeeze %dma_start3A_356 : memref<1x128xi32, #tpu.memory_space<vmem>> -> memref<128xi32, #tpu.memory_space<vmem>>
        %dma_start3A_358 = arith.constant 0 : i32
        %dma_start3A_359 = arith.constant 0 : i32
        %dma_start3A_360 = tpu.memref_slice %arg10[%dma_start3A_358, %dma_start3A_359] : memref<10240x128xf32, #tpu.memory_space<vmem_shared>> -> memref<10240x128xf32, #tpu.memory_space<vmem_shared>>
        tpu.enqueue_indirect_dma source(%dma_start3A_354 : memref<128x128xf32, #tpu.memory_space<vmem>>) target(%dma_start3A_360 : memref<10240x128xf32, #tpu.memory_space<vmem_shared>>) offsets(%dma_start3A_357 : memref<128xi32, #tpu.memory_space<vmem>>) semaphore(%run_scoped3A_351 : memref<!tpu.dma_semaphore, #tpu.memory_space<semaphore_mem>>) {add = true}
        %dma_wait3A_361 = arith.constant 0 : i32
        %dma_wait3A_362 = arith.constant 0 : i32
        %dma_wait3A_363 = tpu.memref_slice %arg9[%dma_wait3A_361, %dma_wait3A_362] : memref<256x128xf32, #tpu.memory_space<vmem>> -> memref<128x128xf32, #tpu.memory_space<vmem>>
        %dma_wait3A_364 = arith.constant 0 : i32
        %dma_wait3A_365 = tpu.memref_slice %arg8[%run_scoped3A, %dma_wait3A_364] : memref<16x128xi32, #tpu.memory_space<vmem>> -> memref<1x128xi32, #tpu.memory_space<vmem>>
        %dma_wait3A_366 = tpu.memref_squeeze %dma_wait3A_365 : memref<1x128xi32, #tpu.memory_space<vmem>> -> memref<128xi32, #tpu.memory_space<vmem>>
        %dma_wait3A_367 = arith.constant 0 : i32
        %dma_wait3A_368 = arith.constant 0 : i32
        %dma_wait3A_369 = tpu.memref_slice %arg10[%dma_wait3A_367, %dma_wait3A_368] : memref<10240x128xf32, #tpu.memory_space<vmem_shared>> -> memref<10240x128xf32, #tpu.memory_space<vmem_shared>>
        tpu.wait_indirect_dma semaphore(%run_scoped3A_351 : memref<!tpu.dma_semaphore, #tpu.memory_space<semaphore_mem>>) src(%dma_wait3A_363 : memref<128x128xf32, #tpu.memory_space<vmem>>) dst(%dma_wait3A_369 : memref<10240x128xf32, #tpu.memory_space<vmem_shared>>)
        tpu.yield
      }) : () -> ()
      %dma_start3A_46 = arith.constant 2 : i32
      %dma_start3A_47 = arith.constant 0 : i32
      %dma_start3A_48 = arith.constant 0 : i32
      %dma_start3A_49 = tpu.memref_slice %arg9[%dma_start3A_47, %dma_start3A_48] : memref<256x128xf32, #tpu.memory_space<vmem>> -> memref<128x128xf32, #tpu.memory_space<vmem>>
      %dma_start3A_50 = arith.constant 0 : i32
      %dma_start3A_51 = tpu.memref_slice %arg7[%dma_start3A_46, %dma_start3A_50] : memref<16x128xi32, #tpu.memory_space<vmem>> -> memref<1x128xi32, #tpu.memory_space<vmem>>
      %dma_start3A_52 = tpu.memref_squeeze %dma_start3A_51 : memref<1x128xi32, #tpu.memory_space<vmem>> -> memref<128xi32, #tpu.memory_space<vmem>>
      %dma_start3A_53 = arith.constant 0 : i32
      %dma_start3A_54 = arith.constant 0 : i32
      %dma_start3A_55 = tpu.memref_slice %arg2[%dma_start3A_53, %dma_start3A_54] : memref<40000x128xf32, #tpu.memory_space<hbm>> -> memref<40000x128xf32, #tpu.memory_space<hbm>>
      tpu.enqueue_indirect_dma source(%dma_start3A_55 : memref<40000x128xf32, #tpu.memory_space<hbm>>) target(%dma_start3A_49 : memref<128x128xf32, #tpu.memory_space<vmem>>) offsets(%dma_start3A_52 : memref<128xi32, #tpu.memory_space<vmem>>) semaphore(%arg11 : memref<!tpu.dma_semaphore, #tpu.memory_space<semaphore_mem>>)
      %dma_wait3A_56 = arith.constant 1 : i32
      %dma_wait3A_57 = arith.constant 128 : i32
      %dma_wait3A_58 = arith.constant 0 : i32
      %dma_wait3A_59 = tpu.memref_slice %arg9[%dma_wait3A_57, %dma_wait3A_58] : memref<256x128xf32, #tpu.memory_space<vmem>> -> memref<128x128xf32, #tpu.memory_space<vmem>>
      %dma_wait3A_60 = arith.constant 0 : i32
      %dma_wait3A_61 = tpu.memref_slice %arg7[%dma_wait3A_56, %dma_wait3A_60] : memref<16x128xi32, #tpu.memory_space<vmem>> -> memref<1x128xi32, #tpu.memory_space<vmem>>
      %dma_wait3A_62 = tpu.memref_squeeze %dma_wait3A_61 : memref<1x128xi32, #tpu.memory_space<vmem>> -> memref<128xi32, #tpu.memory_space<vmem>>
      %dma_wait3A_63 = arith.constant 0 : i32
      %dma_wait3A_64 = arith.constant 0 : i32
      %dma_wait3A_65 = tpu.memref_slice %arg2[%dma_wait3A_63, %dma_wait3A_64] : memref<40000x128xf32, #tpu.memory_space<hbm>> -> memref<40000x128xf32, #tpu.memory_space<hbm>>
      tpu.wait_indirect_dma semaphore(%arg12 : memref<!tpu.dma_semaphore, #tpu.memory_space<semaphore_mem>>) src(%dma_wait3A_65 : memref<40000x128xf32, #tpu.memory_space<hbm>>) dst(%dma_wait3A_59 : memref<128x128xf32, #tpu.memory_space<vmem>>)
      %run_scoped3A_66 = arith.constant 1 : i32
      "tpu.region"() ({
        %run_scoped3A_351 = tpu.sem_alloc : memref<!tpu.dma_semaphore, #tpu.memory_space<semaphore_mem>>
        %dma_start3A_352 = arith.constant 128 : i32
        %dma_start3A_353 = arith.constant 0 : i32
        %dma_start3A_354 = tpu.memref_slice %arg9[%dma_start3A_352, %dma_start3A_353] : memref<256x128xf32, #tpu.memory_space<vmem>> -> memref<128x128xf32, #tpu.memory_space<vmem>>
        %dma_start3A_355 = arith.constant 0 : i32
        %dma_start3A_356 = tpu.memref_slice %arg8[%run_scoped3A_66, %dma_start3A_355] : memref<16x128xi32, #tpu.memory_space<vmem>> -> memref<1x128xi32, #tpu.memory_space<vmem>>
        %dma_start3A_357 = tpu.memref_squeeze %dma_start3A_356 : memref<1x128xi32, #tpu.memory_space<vmem>> -> memref<128xi32, #tpu.memory_space<vmem>>
        %dma_start3A_358 = arith.constant 0 : i32
        %dma_start3A_359 = arith.constant 0 : i32
        %dma_start3A_360 = tpu.memref_slice %arg10[%dma_start3A_358, %dma_start3A_359] : memref<10240x128xf32, #tpu.memory_space<vmem_shared>> -> memref<10240x128xf32, #tpu.memory_space<vmem_shared>>
        tpu.enqueue_indirect_dma source(%dma_start3A_354 : memref<128x128xf32, #tpu.memory_space<vmem>>) target(%dma_start3A_360 : memref<10240x128xf32, #tpu.memory_space<vmem_shared>>) offsets(%dma_start3A_357 : memref<128xi32, #tpu.memory_space<vmem>>) semaphore(%run_scoped3A_351 : memref<!tpu.dma_semaphore, #tpu.memory_space<semaphore_mem>>) {add = true}
        %dma_wait3A_361 = arith.constant 128 : i32
        %dma_wait3A_362 = arith.constant 0 : i32
        %dma_wait3A_363 = tpu.memref_slice %arg9[%dma_wait3A_361, %dma_wait3A_362] : memref<256x128xf32, #tpu.memory_space<vmem>> -> memref<128x128xf32, #tpu.memory_space<vmem>>
        %dma_wait3A_364 = arith.constant 0 : i32
        %dma_wait3A_365 = tpu.memref_slice %arg8[%run_scoped3A_66, %dma_wait3A_364] : memref<16x128xi32, #tpu.memory_space<vmem>> -> memref<1x128xi32, #tpu.memory_space<vmem>>
        %dma_wait3A_366 = tpu.memref_squeeze %dma_wait3A_365 : memref<1x128xi32, #tpu.memory_space<vmem>> -> memref<128xi32, #tpu.memory_space<vmem>>
        %dma_wait3A_367 = arith.constant 0 : i32
        %dma_wait3A_368 = arith.constant 0 : i32
        %dma_wait3A_369 = tpu.memref_slice %arg10[%dma_wait3A_367, %dma_wait3A_368] : memref<10240x128xf32, #tpu.memory_space<vmem_shared>> -> memref<10240x128xf32, #tpu.memory_space<vmem_shared>>
        tpu.wait_indirect_dma semaphore(%run_scoped3A_351 : memref<!tpu.dma_semaphore, #tpu.memory_space<semaphore_mem>>) src(%dma_wait3A_363 : memref<128x128xf32, #tpu.memory_space<vmem>>) dst(%dma_wait3A_369 : memref<10240x128xf32, #tpu.memory_space<vmem_shared>>)
        tpu.yield
      }) : () -> ()
      %dma_start3A_67 = arith.constant 3 : i32
      %dma_start3A_68 = arith.constant 128 : i32
      %dma_start3A_69 = arith.constant 0 : i32
      %dma_start3A_70 = tpu.memref_slice %arg9[%dma_start3A_68, %dma_start3A_69] : memref<256x128xf32, #tpu.memory_space<vmem>> -> memref<128x128xf32, #tpu.memory_space<vmem>>
      %dma_start3A_71 = arith.constant 0 : i32
      %dma_start3A_72 = tpu.memref_slice %arg7[%dma_start3A_67, %dma_start3A_71] : memref<16x128xi32, #tpu.memory_space<vmem>> -> memref<1x128xi32, #tpu.memory_space<vmem>>
      %dma_start3A_73 = tpu.memref_squeeze %dma_start3A_72 : memref<1x128xi32, #tpu.memory_space<vmem>> -> memref<128xi32, #tpu.memory_space<vmem>>
      %dma_start3A_74 = arith.constant 0 : i32
      %dma_start3A_75 = arith.constant 0 : i32
      %dma_start3A_76 = tpu.memref_slice %arg2[%dma_start3A_74, %dma_start3A_75] : memref<40000x128xf32, #tpu.memory_space<hbm>> -> memref<40000x128xf32, #tpu.memory_space<hbm>>
      tpu.enqueue_indirect_dma source(%dma_start3A_76 : memref<40000x128xf32, #tpu.memory_space<hbm>>) target(%dma_start3A_70 : memref<128x128xf32, #tpu.memory_space<vmem>>) offsets(%dma_start3A_73 : memref<128xi32, #tpu.memory_space<vmem>>) semaphore(%arg12 : memref<!tpu.dma_semaphore, #tpu.memory_space<semaphore_mem>>)
      %dma_wait3A_77 = arith.constant 2 : i32
      %dma_wait3A_78 = arith.constant 0 : i32
      %dma_wait3A_79 = arith.constant 0 : i32
      %dma_wait3A_80 = tpu.memref_slice %arg9[%dma_wait3A_78, %dma_wait3A_79] : memref<256x128xf32, #tpu.memory_space<vmem>> -> memref<128x128xf32, #tpu.memory_space<vmem>>
      %dma_wait3A_81 = arith.constant 0 : i32
      %dma_wait3A_82 = tpu.memref_slice %arg7[%dma_wait3A_77, %dma_wait3A_81] : memref<16x128xi32, #tpu.memory_space<vmem>> -> memref<1x128xi32, #tpu.memory_space<vmem>>
      %dma_wait3A_83 = tpu.memref_squeeze %dma_wait3A_82 : memref<1x128xi32, #tpu.memory_space<vmem>> -> memref<128xi32, #tpu.memory_space<vmem>>
      %dma_wait3A_84 = arith.constant 0 : i32
      %dma_wait3A_85 = arith.constant 0 : i32
      %dma_wait3A_86 = tpu.memref_slice %arg2[%dma_wait3A_84, %dma_wait3A_85] : memref<40000x128xf32, #tpu.memory_space<hbm>> -> memref<40000x128xf32, #tpu.memory_space<hbm>>
      tpu.wait_indirect_dma semaphore(%arg11 : memref<!tpu.dma_semaphore, #tpu.memory_space<semaphore_mem>>) src(%dma_wait3A_86 : memref<40000x128xf32, #tpu.memory_space<hbm>>) dst(%dma_wait3A_80 : memref<128x128xf32, #tpu.memory_space<vmem>>)
      %run_scoped3A_87 = arith.constant 2 : i32
      "tpu.region"() ({
        %run_scoped3A_351 = tpu.sem_alloc : memref<!tpu.dma_semaphore, #tpu.memory_space<semaphore_mem>>
        %dma_start3A_352 = arith.constant 0 : i32
        %dma_start3A_353 = arith.constant 0 : i32
        %dma_start3A_354 = tpu.memref_slice %arg9[%dma_start3A_352, %dma_start3A_353] : memref<256x128xf32, #tpu.memory_space<vmem>> -> memref<128x128xf32, #tpu.memory_space<vmem>>
        %dma_start3A_355 = arith.constant 0 : i32
        %dma_start3A_356 = tpu.memref_slice %arg8[%run_scoped3A_87, %dma_start3A_355] : memref<16x128xi32, #tpu.memory_space<vmem>> -> memref<1x128xi32, #tpu.memory_space<vmem>>
        %dma_start3A_357 = tpu.memref_squeeze %dma_start3A_356 : memref<1x128xi32, #tpu.memory_space<vmem>> -> memref<128xi32, #tpu.memory_space<vmem>>
        %dma_start3A_358 = arith.constant 0 : i32
        %dma_start3A_359 = arith.constant 0 : i32
        %dma_start3A_360 = tpu.memref_slice %arg10[%dma_start3A_358, %dma_start3A_359] : memref<10240x128xf32, #tpu.memory_space<vmem_shared>> -> memref<10240x128xf32, #tpu.memory_space<vmem_shared>>
        tpu.enqueue_indirect_dma source(%dma_start3A_354 : memref<128x128xf32, #tpu.memory_space<vmem>>) target(%dma_start3A_360 : memref<10240x128xf32, #tpu.memory_space<vmem_shared>>) offsets(%dma_start3A_357 : memref<128xi32, #tpu.memory_space<vmem>>) semaphore(%run_scoped3A_351 : memref<!tpu.dma_semaphore, #tpu.memory_space<semaphore_mem>>) {add = true}
        %dma_wait3A_361 = arith.constant 0 : i32
        %dma_wait3A_362 = arith.constant 0 : i32
        %dma_wait3A_363 = tpu.memref_slice %arg9[%dma_wait3A_361, %dma_wait3A_362] : memref<256x128xf32, #tpu.memory_space<vmem>> -> memref<128x128xf32, #tpu.memory_space<vmem>>
        %dma_wait3A_364 = arith.constant 0 : i32
        %dma_wait3A_365 = tpu.memref_slice %arg8[%run_scoped3A_87, %dma_wait3A_364] : memref<16x128xi32, #tpu.memory_space<vmem>> -> memref<1x128xi32, #tpu.memory_space<vmem>>
        %dma_wait3A_366 = tpu.memref_squeeze %dma_wait3A_365 : memref<1x128xi32, #tpu.memory_space<vmem>> -> memref<128xi32, #tpu.memory_space<vmem>>
        %dma_wait3A_367 = arith.constant 0 : i32
        %dma_wait3A_368 = arith.constant 0 : i32
        %dma_wait3A_369 = tpu.memref_slice %arg10[%dma_wait3A_367, %dma_wait3A_368] : memref<10240x128xf32, #tpu.memory_space<vmem_shared>> -> memref<10240x128xf32, #tpu.memory_space<vmem_shared>>
        tpu.wait_indirect_dma semaphore(%run_scoped3A_351 : memref<!tpu.dma_semaphore, #tpu.memory_space<semaphore_mem>>) src(%dma_wait3A_363 : memref<128x128xf32, #tpu.memory_space<vmem>>) dst(%dma_wait3A_369 : memref<10240x128xf32, #tpu.memory_space<vmem_shared>>)
        tpu.yield
      }) : () -> ()
      %dma_start3A_88 = arith.constant 4 : i32
      %dma_start3A_89 = arith.constant 0 : i32
      %dma_start3A_90 = arith.constant 0 : i32
      %dma_start3A_91 = tpu.memref_slice %arg9[%dma_start3A_89, %dma_start3A_90] : memref<256x128xf32, #tpu.memory_space<vmem>> -> memref<128x128xf32, #tpu.memory_space<vmem>>
      %dma_start3A_92 = arith.constant 0 : i32
      %dma_start3A_93 = tpu.memref_slice %arg7[%dma_start3A_88, %dma_start3A_92] : memref<16x128xi32, #tpu.memory_space<vmem>> -> memref<1x128xi32, #tpu.memory_space<vmem>>
      %dma_start3A_94 = tpu.memref_squeeze %dma_start3A_93 : memref<1x128xi32, #tpu.memory_space<vmem>> -> memref<128xi32, #tpu.memory_space<vmem>>
      %dma_start3A_95 = arith.constant 0 : i32
      %dma_start3A_96 = arith.constant 0 : i32
      %dma_start3A_97 = tpu.memref_slice %arg2[%dma_start3A_95, %dma_start3A_96] : memref<40000x128xf32, #tpu.memory_space<hbm>> -> memref<40000x128xf32, #tpu.memory_space<hbm>>
      tpu.enqueue_indirect_dma source(%dma_start3A_97 : memref<40000x128xf32, #tpu.memory_space<hbm>>) target(%dma_start3A_91 : memref<128x128xf32, #tpu.memory_space<vmem>>) offsets(%dma_start3A_94 : memref<128xi32, #tpu.memory_space<vmem>>) semaphore(%arg11 : memref<!tpu.dma_semaphore, #tpu.memory_space<semaphore_mem>>)
      %dma_wait3A_98 = arith.constant 3 : i32
      %dma_wait3A_99 = arith.constant 128 : i32
      %dma_wait3A_100 = arith.constant 0 : i32
      %dma_wait3A_101 = tpu.memref_slice %arg9[%dma_wait3A_99, %dma_wait3A_100] : memref<256x128xf32, #tpu.memory_space<vmem>> -> memref<128x128xf32, #tpu.memory_space<vmem>>
      %dma_wait3A_102 = arith.constant 0 : i32
      %dma_wait3A_103 = tpu.memref_slice %arg7[%dma_wait3A_98, %dma_wait3A_102] : memref<16x128xi32, #tpu.memory_space<vmem>> -> memref<1x128xi32, #tpu.memory_space<vmem>>
      %dma_wait3A_104 = tpu.memref_squeeze %dma_wait3A_103 : memref<1x128xi32, #tpu.memory_space<vmem>> -> memref<128xi32, #tpu.memory_space<vmem>>
      %dma_wait3A_105 = arith.constant 0 : i32
      %dma_wait3A_106 = arith.constant 0 : i32
      %dma_wait3A_107 = tpu.memref_slice %arg2[%dma_wait3A_105, %dma_wait3A_106] : memref<40000x128xf32, #tpu.memory_space<hbm>> -> memref<40000x128xf32, #tpu.memory_space<hbm>>
      tpu.wait_indirect_dma semaphore(%arg12 : memref<!tpu.dma_semaphore, #tpu.memory_space<semaphore_mem>>) src(%dma_wait3A_107 : memref<40000x128xf32, #tpu.memory_space<hbm>>) dst(%dma_wait3A_101 : memref<128x128xf32, #tpu.memory_space<vmem>>)
      %run_scoped3A_108 = arith.constant 3 : i32
      "tpu.region"() ({
        %run_scoped3A_351 = tpu.sem_alloc : memref<!tpu.dma_semaphore, #tpu.memory_space<semaphore_mem>>
        %dma_start3A_352 = arith.constant 128 : i32
        %dma_start3A_353 = arith.constant 0 : i32
        %dma_start3A_354 = tpu.memref_slice %arg9[%dma_start3A_352, %dma_start3A_353] : memref<256x128xf32, #tpu.memory_space<vmem>> -> memref<128x128xf32, #tpu.memory_space<vmem>>
        %dma_start3A_355 = arith.constant 0 : i32
        %dma_start3A_356 = tpu.memref_slice %arg8[%run_scoped3A_108, %dma_start3A_355] : memref<16x128xi32, #tpu.memory_space<vmem>> -> memref<1x128xi32, #tpu.memory_space<vmem>>
        %dma_start3A_357 = tpu.memref_squeeze %dma_start3A_356 : memref<1x128xi32, #tpu.memory_space<vmem>> -> memref<128xi32, #tpu.memory_space<vmem>>
        %dma_start3A_358 = arith.constant 0 : i32
        %dma_start3A_359 = arith.constant 0 : i32
        %dma_start3A_360 = tpu.memref_slice %arg10[%dma_start3A_358, %dma_start3A_359] : memref<10240x128xf32, #tpu.memory_space<vmem_shared>> -> memref<10240x128xf32, #tpu.memory_space<vmem_shared>>
        tpu.enqueue_indirect_dma source(%dma_start3A_354 : memref<128x128xf32, #tpu.memory_space<vmem>>) target(%dma_start3A_360 : memref<10240x128xf32, #tpu.memory_space<vmem_shared>>) offsets(%dma_start3A_357 : memref<128xi32, #tpu.memory_space<vmem>>) semaphore(%run_scoped3A_351 : memref<!tpu.dma_semaphore, #tpu.memory_space<semaphore_mem>>) {add = true}
        %dma_wait3A_361 = arith.constant 128 : i32
        %dma_wait3A_362 = arith.constant 0 : i32
        %dma_wait3A_363 = tpu.memref_slice %arg9[%dma_wait3A_361, %dma_wait3A_362] : memref<256x128xf32, #tpu.memory_space<vmem>> -> memref<128x128xf32, #tpu.memory_space<vmem>>
        %dma_wait3A_364 = arith.constant 0 : i32
        %dma_wait3A_365 = tpu.memref_slice %arg8[%run_scoped3A_108, %dma_wait3A_364] : memref<16x128xi32, #tpu.memory_space<vmem>> -> memref<1x128xi32, #tpu.memory_space<vmem>>
        %dma_wait3A_366 = tpu.memref_squeeze %dma_wait3A_365 : memref<1x128xi32, #tpu.memory_space<vmem>> -> memref<128xi32, #tpu.memory_space<vmem>>
        %dma_wait3A_367 = arith.constant 0 : i32
        %dma_wait3A_368 = arith.constant 0 : i32
        %dma_wait3A_369 = tpu.memref_slice %arg10[%dma_wait3A_367, %dma_wait3A_368] : memref<10240x128xf32, #tpu.memory_space<vmem_shared>> -> memref<10240x128xf32, #tpu.memory_space<vmem_shared>>
        tpu.wait_indirect_dma semaphore(%run_scoped3A_351 : memref<!tpu.dma_semaphore, #tpu.memory_space<semaphore_mem>>) src(%dma_wait3A_363 : memref<128x128xf32, #tpu.memory_space<vmem>>) dst(%dma_wait3A_369 : memref<10240x128xf32, #tpu.memory_space<vmem_shared>>)
        tpu.yield
      }) : () -> ()
      %dma_start3A_109 = arith.constant 5 : i32
      %dma_start3A_110 = arith.constant 128 : i32
      %dma_start3A_111 = arith.constant 0 : i32
      %dma_start3A_112 = tpu.memref_slice %arg9[%dma_start3A_110, %dma_start3A_111] : memref<256x128xf32, #tpu.memory_space<vmem>> -> memref<128x128xf32, #tpu.memory_space<vmem>>
      %dma_start3A_113 = arith.constant 0 : i32
      %dma_start3A_114 = tpu.memref_slice %arg7[%dma_start3A_109, %dma_start3A_113] : memref<16x128xi32, #tpu.memory_space<vmem>> -> memref<1x128xi32, #tpu.memory_space<vmem>>
      %dma_start3A_115 = tpu.memref_squeeze %dma_start3A_114 : memref<1x128xi32, #tpu.memory_space<vmem>> -> memref<128xi32, #tpu.memory_space<vmem>>
      %dma_start3A_116 = arith.constant 0 : i32
      %dma_start3A_117 = arith.constant 0 : i32
      %dma_start3A_118 = tpu.memref_slice %arg2[%dma_start3A_116, %dma_start3A_117] : memref<40000x128xf32, #tpu.memory_space<hbm>> -> memref<40000x128xf32, #tpu.memory_space<hbm>>
      tpu.enqueue_indirect_dma source(%dma_start3A_118 : memref<40000x128xf32, #tpu.memory_space<hbm>>) target(%dma_start3A_112 : memref<128x128xf32, #tpu.memory_space<vmem>>) offsets(%dma_start3A_115 : memref<128xi32, #tpu.memory_space<vmem>>) semaphore(%arg12 : memref<!tpu.dma_semaphore, #tpu.memory_space<semaphore_mem>>)
      %dma_wait3A_119 = arith.constant 4 : i32
      %dma_wait3A_120 = arith.constant 0 : i32
      %dma_wait3A_121 = arith.constant 0 : i32
      %dma_wait3A_122 = tpu.memref_slice %arg9[%dma_wait3A_120, %dma_wait3A_121] : memref<256x128xf32, #tpu.memory_space<vmem>> -> memref<128x128xf32, #tpu.memory_space<vmem>>
      %dma_wait3A_123 = arith.constant 0 : i32
      %dma_wait3A_124 = tpu.memref_slice %arg7[%dma_wait3A_119, %dma_wait3A_123] : memref<16x128xi32, #tpu.memory_space<vmem>> -> memref<1x128xi32, #tpu.memory_space<vmem>>
      %dma_wait3A_125 = tpu.memref_squeeze %dma_wait3A_124 : memref<1x128xi32, #tpu.memory_space<vmem>> -> memref<128xi32, #tpu.memory_space<vmem>>
      %dma_wait3A_126 = arith.constant 0 : i32
      %dma_wait3A_127 = arith.constant 0 : i32
      %dma_wait3A_128 = tpu.memref_slice %arg2[%dma_wait3A_126, %dma_wait3A_127] : memref<40000x128xf32, #tpu.memory_space<hbm>> -> memref<40000x128xf32, #tpu.memory_space<hbm>>
      tpu.wait_indirect_dma semaphore(%arg11 : memref<!tpu.dma_semaphore, #tpu.memory_space<semaphore_mem>>) src(%dma_wait3A_128 : memref<40000x128xf32, #tpu.memory_space<hbm>>) dst(%dma_wait3A_122 : memref<128x128xf32, #tpu.memory_space<vmem>>)
      %run_scoped3A_129 = arith.constant 4 : i32
      "tpu.region"() ({
        %run_scoped3A_351 = tpu.sem_alloc : memref<!tpu.dma_semaphore, #tpu.memory_space<semaphore_mem>>
        %dma_start3A_352 = arith.constant 0 : i32
        %dma_start3A_353 = arith.constant 0 : i32
        %dma_start3A_354 = tpu.memref_slice %arg9[%dma_start3A_352, %dma_start3A_353] : memref<256x128xf32, #tpu.memory_space<vmem>> -> memref<128x128xf32, #tpu.memory_space<vmem>>
        %dma_start3A_355 = arith.constant 0 : i32
        %dma_start3A_356 = tpu.memref_slice %arg8[%run_scoped3A_129, %dma_start3A_355] : memref<16x128xi32, #tpu.memory_space<vmem>> -> memref<1x128xi32, #tpu.memory_space<vmem>>
        %dma_start3A_357 = tpu.memref_squeeze %dma_start3A_356 : memref<1x128xi32, #tpu.memory_space<vmem>> -> memref<128xi32, #tpu.memory_space<vmem>>
        %dma_start3A_358 = arith.constant 0 : i32
        %dma_start3A_359 = arith.constant 0 : i32
        %dma_start3A_360 = tpu.memref_slice %arg10[%dma_start3A_358, %dma_start3A_359] : memref<10240x128xf32, #tpu.memory_space<vmem_shared>> -> memref<10240x128xf32, #tpu.memory_space<vmem_shared>>
        tpu.enqueue_indirect_dma source(%dma_start3A_354 : memref<128x128xf32, #tpu.memory_space<vmem>>) target(%dma_start3A_360 : memref<10240x128xf32, #tpu.memory_space<vmem_shared>>) offsets(%dma_start3A_357 : memref<128xi32, #tpu.memory_space<vmem>>) semaphore(%run_scoped3A_351 : memref<!tpu.dma_semaphore, #tpu.memory_space<semaphore_mem>>) {add = true}
        %dma_wait3A_361 = arith.constant 0 : i32
        %dma_wait3A_362 = arith.constant 0 : i32
        %dma_wait3A_363 = tpu.memref_slice %arg9[%dma_wait3A_361, %dma_wait3A_362] : memref<256x128xf32, #tpu.memory_space<vmem>> -> memref<128x128xf32, #tpu.memory_space<vmem>>
        %dma_wait3A_364 = arith.constant 0 : i32
        %dma_wait3A_365 = tpu.memref_slice %arg8[%run_scoped3A_129, %dma_wait3A_364] : memref<16x128xi32, #tpu.memory_space<vmem>> -> memref<1x128xi32, #tpu.memory_space<vmem>>
        %dma_wait3A_366 = tpu.memref_squeeze %dma_wait3A_365 : memref<1x128xi32, #tpu.memory_space<vmem>> -> memref<128xi32, #tpu.memory_space<vmem>>
        %dma_wait3A_367 = arith.constant 0 : i32
        %dma_wait3A_368 = arith.constant 0 : i32
        %dma_wait3A_369 = tpu.memref_slice %arg10[%dma_wait3A_367, %dma_wait3A_368] : memref<10240x128xf32, #tpu.memory_space<vmem_shared>> -> memref<10240x128xf32, #tpu.memory_space<vmem_shared>>
        tpu.wait_indirect_dma semaphore(%run_scoped3A_351 : memref<!tpu.dma_semaphore, #tpu.memory_space<semaphore_mem>>) src(%dma_wait3A_363 : memref<128x128xf32, #tpu.memory_space<vmem>>) dst(%dma_wait3A_369 : memref<10240x128xf32, #tpu.memory_space<vmem_shared>>)
        tpu.yield
      }) : () -> ()
      %dma_start3A_130 = arith.constant 6 : i32
      %dma_start3A_131 = arith.constant 0 : i32
      %dma_start3A_132 = arith.constant 0 : i32
      %dma_start3A_133 = tpu.memref_slice %arg9[%dma_start3A_131, %dma_start3A_132] : memref<256x128xf32, #tpu.memory_space<vmem>> -> memref<128x128xf32, #tpu.memory_space<vmem>>
      %dma_start3A_134 = arith.constant 0 : i32
      %dma_start3A_135 = tpu.memref_slice %arg7[%dma_start3A_130, %dma_start3A_134] : memref<16x128xi32, #tpu.memory_space<vmem>> -> memref<1x128xi32, #tpu.memory_space<vmem>>
      %dma_start3A_136 = tpu.memref_squeeze %dma_start3A_135 : memref<1x128xi32, #tpu.memory_space<vmem>> -> memref<128xi32, #tpu.memory_space<vmem>>
      %dma_start3A_137 = arith.constant 0 : i32
      %dma_start3A_138 = arith.constant 0 : i32
      %dma_start3A_139 = tpu.memref_slice %arg2[%dma_start3A_137, %dma_start3A_138] : memref<40000x128xf32, #tpu.memory_space<hbm>> -> memref<40000x128xf32, #tpu.memory_space<hbm>>
      tpu.enqueue_indirect_dma source(%dma_start3A_139 : memref<40000x128xf32, #tpu.memory_space<hbm>>) target(%dma_start3A_133 : memref<128x128xf32, #tpu.memory_space<vmem>>) offsets(%dma_start3A_136 : memref<128xi32, #tpu.memory_space<vmem>>) semaphore(%arg11 : memref<!tpu.dma_semaphore, #tpu.memory_space<semaphore_mem>>)
      %dma_wait3A_140 = arith.constant 5 : i32
      %dma_wait3A_141 = arith.constant 128 : i32
      %dma_wait3A_142 = arith.constant 0 : i32
      %dma_wait3A_143 = tpu.memref_slice %arg9[%dma_wait3A_141, %dma_wait3A_142] : memref<256x128xf32, #tpu.memory_space<vmem>> -> memref<128x128xf32, #tpu.memory_space<vmem>>
      %dma_wait3A_144 = arith.constant 0 : i32
      %dma_wait3A_145 = tpu.memref_slice %arg7[%dma_wait3A_140, %dma_wait3A_144] : memref<16x128xi32, #tpu.memory_space<vmem>> -> memref<1x128xi32, #tpu.memory_space<vmem>>
      %dma_wait3A_146 = tpu.memref_squeeze %dma_wait3A_145 : memref<1x128xi32, #tpu.memory_space<vmem>> -> memref<128xi32, #tpu.memory_space<vmem>>
      %dma_wait3A_147 = arith.constant 0 : i32
      %dma_wait3A_148 = arith.constant 0 : i32
      %dma_wait3A_149 = tpu.memref_slice %arg2[%dma_wait3A_147, %dma_wait3A_148] : memref<40000x128xf32, #tpu.memory_space<hbm>> -> memref<40000x128xf32, #tpu.memory_space<hbm>>
      tpu.wait_indirect_dma semaphore(%arg12 : memref<!tpu.dma_semaphore, #tpu.memory_space<semaphore_mem>>) src(%dma_wait3A_149 : memref<40000x128xf32, #tpu.memory_space<hbm>>) dst(%dma_wait3A_143 : memref<128x128xf32, #tpu.memory_space<vmem>>)
      %run_scoped3A_150 = arith.constant 5 : i32
      "tpu.region"() ({
        %run_scoped3A_351 = tpu.sem_alloc : memref<!tpu.dma_semaphore, #tpu.memory_space<semaphore_mem>>
        %dma_start3A_352 = arith.constant 128 : i32
        %dma_start3A_353 = arith.constant 0 : i32
        %dma_start3A_354 = tpu.memref_slice %arg9[%dma_start3A_352, %dma_start3A_353] : memref<256x128xf32, #tpu.memory_space<vmem>> -> memref<128x128xf32, #tpu.memory_space<vmem>>
        %dma_start3A_355 = arith.constant 0 : i32
        %dma_start3A_356 = tpu.memref_slice %arg8[%run_scoped3A_150, %dma_start3A_355] : memref<16x128xi32, #tpu.memory_space<vmem>> -> memref<1x128xi32, #tpu.memory_space<vmem>>
        %dma_start3A_357 = tpu.memref_squeeze %dma_start3A_356 : memref<1x128xi32, #tpu.memory_space<vmem>> -> memref<128xi32, #tpu.memory_space<vmem>>
        %dma_start3A_358 = arith.constant 0 : i32
        %dma_start3A_359 = arith.constant 0 : i32
        %dma_start3A_360 = tpu.memref_slice %arg10[%dma_start3A_358, %dma_start3A_359] : memref<10240x128xf32, #tpu.memory_space<vmem_shared>> -> memref<10240x128xf32, #tpu.memory_space<vmem_shared>>
        tpu.enqueue_indirect_dma source(%dma_start3A_354 : memref<128x128xf32, #tpu.memory_space<vmem>>) target(%dma_start3A_360 : memref<10240x128xf32, #tpu.memory_space<vmem_shared>>) offsets(%dma_start3A_357 : memref<128xi32, #tpu.memory_space<vmem>>) semaphore(%run_scoped3A_351 : memref<!tpu.dma_semaphore, #tpu.memory_space<semaphore_mem>>) {add = true}
        %dma_wait3A_361 = arith.constant 128 : i32
        %dma_wait3A_362 = arith.constant 0 : i32
        %dma_wait3A_363 = tpu.memref_slice %arg9[%dma_wait3A_361, %dma_wait3A_362] : memref<256x128xf32, #tpu.memory_space<vmem>> -> memref<128x128xf32, #tpu.memory_space<vmem>>
        %dma_wait3A_364 = arith.constant 0 : i32
        %dma_wait3A_365 = tpu.memref_slice %arg8[%run_scoped3A_150, %dma_wait3A_364] : memref<16x128xi32, #tpu.memory_space<vmem>> -> memref<1x128xi32, #tpu.memory_space<vmem>>
        %dma_wait3A_366 = tpu.memref_squeeze %dma_wait3A_365 : memref<1x128xi32, #tpu.memory_space<vmem>> -> memref<128xi32, #tpu.memory_space<vmem>>
        %dma_wait3A_367 = arith.constant 0 : i32
        %dma_wait3A_368 = arith.constant 0 : i32
        %dma_wait3A_369 = tpu.memref_slice %arg10[%dma_wait3A_367, %dma_wait3A_368] : memref<10240x128xf32, #tpu.memory_space<vmem_shared>> -> memref<10240x128xf32, #tpu.memory_space<vmem_shared>>
        tpu.wait_indirect_dma semaphore(%run_scoped3A_351 : memref<!tpu.dma_semaphore, #tpu.memory_space<semaphore_mem>>) src(%dma_wait3A_363 : memref<128x128xf32, #tpu.memory_space<vmem>>) dst(%dma_wait3A_369 : memref<10240x128xf32, #tpu.memory_space<vmem_shared>>)
        tpu.yield
      }) : () -> ()
      %dma_start3A_151 = arith.constant 7 : i32
      %dma_start3A_152 = arith.constant 128 : i32
      %dma_start3A_153 = arith.constant 0 : i32
      %dma_start3A_154 = tpu.memref_slice %arg9[%dma_start3A_152, %dma_start3A_153] : memref<256x128xf32, #tpu.memory_space<vmem>> -> memref<128x128xf32, #tpu.memory_space<vmem>>
      %dma_start3A_155 = arith.constant 0 : i32
      %dma_start3A_156 = tpu.memref_slice %arg7[%dma_start3A_151, %dma_start3A_155] : memref<16x128xi32, #tpu.memory_space<vmem>> -> memref<1x128xi32, #tpu.memory_space<vmem>>
      %dma_start3A_157 = tpu.memref_squeeze %dma_start3A_156 : memref<1x128xi32, #tpu.memory_space<vmem>> -> memref<128xi32, #tpu.memory_space<vmem>>
      %dma_start3A_158 = arith.constant 0 : i32
      %dma_start3A_159 = arith.constant 0 : i32
      %dma_start3A_160 = tpu.memref_slice %arg2[%dma_start3A_158, %dma_start3A_159] : memref<40000x128xf32, #tpu.memory_space<hbm>> -> memref<40000x128xf32, #tpu.memory_space<hbm>>
      tpu.enqueue_indirect_dma source(%dma_start3A_160 : memref<40000x128xf32, #tpu.memory_space<hbm>>) target(%dma_start3A_154 : memref<128x128xf32, #tpu.memory_space<vmem>>) offsets(%dma_start3A_157 : memref<128xi32, #tpu.memory_space<vmem>>) semaphore(%arg12 : memref<!tpu.dma_semaphore, #tpu.memory_space<semaphore_mem>>)
      %dma_wait3A_161 = arith.constant 6 : i32
      %dma_wait3A_162 = arith.constant 0 : i32
      %dma_wait3A_163 = arith.constant 0 : i32
      %dma_wait3A_164 = tpu.memref_slice %arg9[%dma_wait3A_162, %dma_wait3A_163] : memref<256x128xf32, #tpu.memory_space<vmem>> -> memref<128x128xf32, #tpu.memory_space<vmem>>
      %dma_wait3A_165 = arith.constant 0 : i32
      %dma_wait3A_166 = tpu.memref_slice %arg7[%dma_wait3A_161, %dma_wait3A_165] : memref<16x128xi32, #tpu.memory_space<vmem>> -> memref<1x128xi32, #tpu.memory_space<vmem>>
      %dma_wait3A_167 = tpu.memref_squeeze %dma_wait3A_166 : memref<1x128xi32, #tpu.memory_space<vmem>> -> memref<128xi32, #tpu.memory_space<vmem>>
      %dma_wait3A_168 = arith.constant 0 : i32
      %dma_wait3A_169 = arith.constant 0 : i32
      %dma_wait3A_170 = tpu.memref_slice %arg2[%dma_wait3A_168, %dma_wait3A_169] : memref<40000x128xf32, #tpu.memory_space<hbm>> -> memref<40000x128xf32, #tpu.memory_space<hbm>>
      tpu.wait_indirect_dma semaphore(%arg11 : memref<!tpu.dma_semaphore, #tpu.memory_space<semaphore_mem>>) src(%dma_wait3A_170 : memref<40000x128xf32, #tpu.memory_space<hbm>>) dst(%dma_wait3A_164 : memref<128x128xf32, #tpu.memory_space<vmem>>)
      %run_scoped3A_171 = arith.constant 6 : i32
      "tpu.region"() ({
        %run_scoped3A_351 = tpu.sem_alloc : memref<!tpu.dma_semaphore, #tpu.memory_space<semaphore_mem>>
        %dma_start3A_352 = arith.constant 0 : i32
        %dma_start3A_353 = arith.constant 0 : i32
        %dma_start3A_354 = tpu.memref_slice %arg9[%dma_start3A_352, %dma_start3A_353] : memref<256x128xf32, #tpu.memory_space<vmem>> -> memref<128x128xf32, #tpu.memory_space<vmem>>
        %dma_start3A_355 = arith.constant 0 : i32
        %dma_start3A_356 = tpu.memref_slice %arg8[%run_scoped3A_171, %dma_start3A_355] : memref<16x128xi32, #tpu.memory_space<vmem>> -> memref<1x128xi32, #tpu.memory_space<vmem>>
        %dma_start3A_357 = tpu.memref_squeeze %dma_start3A_356 : memref<1x128xi32, #tpu.memory_space<vmem>> -> memref<128xi32, #tpu.memory_space<vmem>>
        %dma_start3A_358 = arith.constant 0 : i32
        %dma_start3A_359 = arith.constant 0 : i32
        %dma_start3A_360 = tpu.memref_slice %arg10[%dma_start3A_358, %dma_start3A_359] : memref<10240x128xf32, #tpu.memory_space<vmem_shared>> -> memref<10240x128xf32, #tpu.memory_space<vmem_shared>>
        tpu.enqueue_indirect_dma source(%dma_start3A_354 : memref<128x128xf32, #tpu.memory_space<vmem>>) target(%dma_start3A_360 : memref<10240x128xf32, #tpu.memory_space<vmem_shared>>) offsets(%dma_start3A_357 : memref<128xi32, #tpu.memory_space<vmem>>) semaphore(%run_scoped3A_351 : memref<!tpu.dma_semaphore, #tpu.memory_space<semaphore_mem>>) {add = true}
        %dma_wait3A_361 = arith.constant 0 : i32
        %dma_wait3A_362 = arith.constant 0 : i32
        %dma_wait3A_363 = tpu.memref_slice %arg9[%dma_wait3A_361, %dma_wait3A_362] : memref<256x128xf32, #tpu.memory_space<vmem>> -> memref<128x128xf32, #tpu.memory_space<vmem>>
        %dma_wait3A_364 = arith.constant 0 : i32
        %dma_wait3A_365 = tpu.memref_slice %arg8[%run_scoped3A_171, %dma_wait3A_364] : memref<16x128xi32, #tpu.memory_space<vmem>> -> memref<1x128xi32, #tpu.memory_space<vmem>>
        %dma_wait3A_366 = tpu.memref_squeeze %dma_wait3A_365 : memref<1x128xi32, #tpu.memory_space<vmem>> -> memref<128xi32, #tpu.memory_space<vmem>>
        %dma_wait3A_367 = arith.constant 0 : i32
        %dma_wait3A_368 = arith.constant 0 : i32
        %dma_wait3A_369 = tpu.memref_slice %arg10[%dma_wait3A_367, %dma_wait3A_368] : memref<10240x128xf32, #tpu.memory_space<vmem_shared>> -> memref<10240x128xf32, #tpu.memory_space<vmem_shared>>
        tpu.wait_indirect_dma semaphore(%run_scoped3A_351 : memref<!tpu.dma_semaphore, #tpu.memory_space<semaphore_mem>>) src(%dma_wait3A_363 : memref<128x128xf32, #tpu.memory_space<vmem>>) dst(%dma_wait3A_369 : memref<10240x128xf32, #tpu.memory_space<vmem_shared>>)
        tpu.yield
      }) : () -> ()
      %dma_start3A_172 = arith.constant 8 : i32
      %dma_start3A_173 = arith.constant 0 : i32
      %dma_start3A_174 = arith.constant 0 : i32
      %dma_start3A_175 = tpu.memref_slice %arg9[%dma_start3A_173, %dma_start3A_174] : memref<256x128xf32, #tpu.memory_space<vmem>> -> memref<128x128xf32, #tpu.memory_space<vmem>>
      %dma_start3A_176 = arith.constant 0 : i32
      %dma_start3A_177 = tpu.memref_slice %arg7[%dma_start3A_172, %dma_start3A_176] : memref<16x128xi32, #tpu.memory_space<vmem>> -> memref<1x128xi32, #tpu.memory_space<vmem>>
      %dma_start3A_178 = tpu.memref_squeeze %dma_start3A_177 : memref<1x128xi32, #tpu.memory_space<vmem>> -> memref<128xi32, #tpu.memory_space<vmem>>
      %dma_start3A_179 = arith.constant 0 : i32
      %dma_start3A_180 = arith.constant 0 : i32
      %dma_start3A_181 = tpu.memref_slice %arg2[%dma_start3A_179, %dma_start3A_180] : memref<40000x128xf32, #tpu.memory_space<hbm>> -> memref<40000x128xf32, #tpu.memory_space<hbm>>
      tpu.enqueue_indirect_dma source(%dma_start3A_181 : memref<40000x128xf32, #tpu.memory_space<hbm>>) target(%dma_start3A_175 : memref<128x128xf32, #tpu.memory_space<vmem>>) offsets(%dma_start3A_178 : memref<128xi32, #tpu.memory_space<vmem>>) semaphore(%arg11 : memref<!tpu.dma_semaphore, #tpu.memory_space<semaphore_mem>>)
      %dma_wait3A_182 = arith.constant 7 : i32
      %dma_wait3A_183 = arith.constant 128 : i32
      %dma_wait3A_184 = arith.constant 0 : i32
      %dma_wait3A_185 = tpu.memref_slice %arg9[%dma_wait3A_183, %dma_wait3A_184] : memref<256x128xf32, #tpu.memory_space<vmem>> -> memref<128x128xf32, #tpu.memory_space<vmem>>
      %dma_wait3A_186 = arith.constant 0 : i32
      %dma_wait3A_187 = tpu.memref_slice %arg7[%dma_wait3A_182, %dma_wait3A_186] : memref<16x128xi32, #tpu.memory_space<vmem>> -> memref<1x128xi32, #tpu.memory_space<vmem>>
      %dma_wait3A_188 = tpu.memref_squeeze %dma_wait3A_187 : memref<1x128xi32, #tpu.memory_space<vmem>> -> memref<128xi32, #tpu.memory_space<vmem>>
      %dma_wait3A_189 = arith.constant 0 : i32
      %dma_wait3A_190 = arith.constant 0 : i32
      %dma_wait3A_191 = tpu.memref_slice %arg2[%dma_wait3A_189, %dma_wait3A_190] : memref<40000x128xf32, #tpu.memory_space<hbm>> -> memref<40000x128xf32, #tpu.memory_space<hbm>>
      tpu.wait_indirect_dma semaphore(%arg12 : memref<!tpu.dma_semaphore, #tpu.memory_space<semaphore_mem>>) src(%dma_wait3A_191 : memref<40000x128xf32, #tpu.memory_space<hbm>>) dst(%dma_wait3A_185 : memref<128x128xf32, #tpu.memory_space<vmem>>)
      %run_scoped3A_192 = arith.constant 7 : i32
      "tpu.region"() ({
        %run_scoped3A_351 = tpu.sem_alloc : memref<!tpu.dma_semaphore, #tpu.memory_space<semaphore_mem>>
        %dma_start3A_352 = arith.constant 128 : i32
        %dma_start3A_353 = arith.constant 0 : i32
        %dma_start3A_354 = tpu.memref_slice %arg9[%dma_start3A_352, %dma_start3A_353] : memref<256x128xf32, #tpu.memory_space<vmem>> -> memref<128x128xf32, #tpu.memory_space<vmem>>
        %dma_start3A_355 = arith.constant 0 : i32
        %dma_start3A_356 = tpu.memref_slice %arg8[%run_scoped3A_192, %dma_start3A_355] : memref<16x128xi32, #tpu.memory_space<vmem>> -> memref<1x128xi32, #tpu.memory_space<vmem>>
        %dma_start3A_357 = tpu.memref_squeeze %dma_start3A_356 : memref<1x128xi32, #tpu.memory_space<vmem>> -> memref<128xi32, #tpu.memory_space<vmem>>
        %dma_start3A_358 = arith.constant 0 : i32
        %dma_start3A_359 = arith.constant 0 : i32
        %dma_start3A_360 = tpu.memref_slice %arg10[%dma_start3A_358, %dma_start3A_359] : memref<10240x128xf32, #tpu.memory_space<vmem_shared>> -> memref<10240x128xf32, #tpu.memory_space<vmem_shared>>
        tpu.enqueue_indirect_dma source(%dma_start3A_354 : memref<128x128xf32, #tpu.memory_space<vmem>>) target(%dma_start3A_360 : memref<10240x128xf32, #tpu.memory_space<vmem_shared>>) offsets(%dma_start3A_357 : memref<128xi32, #tpu.memory_space<vmem>>) semaphore(%run_scoped3A_351 : memref<!tpu.dma_semaphore, #tpu.memory_space<semaphore_mem>>) {add = true}
        %dma_wait3A_361 = arith.constant 128 : i32
        %dma_wait3A_362 = arith.constant 0 : i32
        %dma_wait3A_363 = tpu.memref_slice %arg9[%dma_wait3A_361, %dma_wait3A_362] : memref<256x128xf32, #tpu.memory_space<vmem>> -> memref<128x128xf32, #tpu.memory_space<vmem>>
        %dma_wait3A_364 = arith.constant 0 : i32
        %dma_wait3A_365 = tpu.memref_slice %arg8[%run_scoped3A_192, %dma_wait3A_364] : memref<16x128xi32, #tpu.memory_space<vmem>> -> memref<1x128xi32, #tpu.memory_space<vmem>>
        %dma_wait3A_366 = tpu.memref_squeeze %dma_wait3A_365 : memref<1x128xi32, #tpu.memory_space<vmem>> -> memref<128xi32, #tpu.memory_space<vmem>>
        %dma_wait3A_367 = arith.constant 0 : i32
        %dma_wait3A_368 = arith.constant 0 : i32
        %dma_wait3A_369 = tpu.memref_slice %arg10[%dma_wait3A_367, %dma_wait3A_368] : memref<10240x128xf32, #tpu.memory_space<vmem_shared>> -> memref<10240x128xf32, #tpu.memory_space<vmem_shared>>
        tpu.wait_indirect_dma semaphore(%run_scoped3A_351 : memref<!tpu.dma_semaphore, #tpu.memory_space<semaphore_mem>>) src(%dma_wait3A_363 : memref<128x128xf32, #tpu.memory_space<vmem>>) dst(%dma_wait3A_369 : memref<10240x128xf32, #tpu.memory_space<vmem_shared>>)
        tpu.yield
      }) : () -> ()
      %dma_start3A_193 = arith.constant 9 : i32
      %dma_start3A_194 = arith.constant 128 : i32
      %dma_start3A_195 = arith.constant 0 : i32
      %dma_start3A_196 = tpu.memref_slice %arg9[%dma_start3A_194, %dma_start3A_195] : memref<256x128xf32, #tpu.memory_space<vmem>> -> memref<128x128xf32, #tpu.memory_space<vmem>>
      %dma_start3A_197 = arith.constant 0 : i32
      %dma_start3A_198 = tpu.memref_slice %arg7[%dma_start3A_193, %dma_start3A_197] : memref<16x128xi32, #tpu.memory_space<vmem>> -> memref<1x128xi32, #tpu.memory_space<vmem>>
      %dma_start3A_199 = tpu.memref_squeeze %dma_start3A_198 : memref<1x128xi32, #tpu.memory_space<vmem>> -> memref<128xi32, #tpu.memory_space<vmem>>
      %dma_start3A_200 = arith.constant 0 : i32
      %dma_start3A_201 = arith.constant 0 : i32
      %dma_start3A_202 = tpu.memref_slice %arg2[%dma_start3A_200, %dma_start3A_201] : memref<40000x128xf32, #tpu.memory_space<hbm>> -> memref<40000x128xf32, #tpu.memory_space<hbm>>
      tpu.enqueue_indirect_dma source(%dma_start3A_202 : memref<40000x128xf32, #tpu.memory_space<hbm>>) target(%dma_start3A_196 : memref<128x128xf32, #tpu.memory_space<vmem>>) offsets(%dma_start3A_199 : memref<128xi32, #tpu.memory_space<vmem>>) semaphore(%arg12 : memref<!tpu.dma_semaphore, #tpu.memory_space<semaphore_mem>>)
      %dma_wait3A_203 = arith.constant 8 : i32
      %dma_wait3A_204 = arith.constant 0 : i32
      %dma_wait3A_205 = arith.constant 0 : i32
      %dma_wait3A_206 = tpu.memref_slice %arg9[%dma_wait3A_204, %dma_wait3A_205] : memref<256x128xf32, #tpu.memory_space<vmem>> -> memref<128x128xf32, #tpu.memory_space<vmem>>
      %dma_wait3A_207 = arith.constant 0 : i32
      %dma_wait3A_208 = tpu.memref_slice %arg7[%dma_wait3A_203, %dma_wait3A_207] : memref<16x128xi32, #tpu.memory_space<vmem>> -> memref<1x128xi32, #tpu.memory_space<vmem>>
      %dma_wait3A_209 = tpu.memref_squeeze %dma_wait3A_208 : memref<1x128xi32, #tpu.memory_space<vmem>> -> memref<128xi32, #tpu.memory_space<vmem>>
      %dma_wait3A_210 = arith.constant 0 : i32
      %dma_wait3A_211 = arith.constant 0 : i32
      %dma_wait3A_212 = tpu.memref_slice %arg2[%dma_wait3A_210, %dma_wait3A_211] : memref<40000x128xf32, #tpu.memory_space<hbm>> -> memref<40000x128xf32, #tpu.memory_space<hbm>>
      tpu.wait_indirect_dma semaphore(%arg11 : memref<!tpu.dma_semaphore, #tpu.memory_space<semaphore_mem>>) src(%dma_wait3A_212 : memref<40000x128xf32, #tpu.memory_space<hbm>>) dst(%dma_wait3A_206 : memref<128x128xf32, #tpu.memory_space<vmem>>)
      %run_scoped3A_213 = arith.constant 8 : i32
      "tpu.region"() ({
        %run_scoped3A_351 = tpu.sem_alloc : memref<!tpu.dma_semaphore, #tpu.memory_space<semaphore_mem>>
        %dma_start3A_352 = arith.constant 0 : i32
        %dma_start3A_353 = arith.constant 0 : i32
        %dma_start3A_354 = tpu.memref_slice %arg9[%dma_start3A_352, %dma_start3A_353] : memref<256x128xf32, #tpu.memory_space<vmem>> -> memref<128x128xf32, #tpu.memory_space<vmem>>
        %dma_start3A_355 = arith.constant 0 : i32
        %dma_start3A_356 = tpu.memref_slice %arg8[%run_scoped3A_213, %dma_start3A_355] : memref<16x128xi32, #tpu.memory_space<vmem>> -> memref<1x128xi32, #tpu.memory_space<vmem>>
        %dma_start3A_357 = tpu.memref_squeeze %dma_start3A_356 : memref<1x128xi32, #tpu.memory_space<vmem>> -> memref<128xi32, #tpu.memory_space<vmem>>
        %dma_start3A_358 = arith.constant 0 : i32
        %dma_start3A_359 = arith.constant 0 : i32
        %dma_start3A_360 = tpu.memref_slice %arg10[%dma_start3A_358, %dma_start3A_359] : memref<10240x128xf32, #tpu.memory_space<vmem_shared>> -> memref<10240x128xf32, #tpu.memory_space<vmem_shared>>
        tpu.enqueue_indirect_dma source(%dma_start3A_354 : memref<128x128xf32, #tpu.memory_space<vmem>>) target(%dma_start3A_360 : memref<10240x128xf32, #tpu.memory_space<vmem_shared>>) offsets(%dma_start3A_357 : memref<128xi32, #tpu.memory_space<vmem>>) semaphore(%run_scoped3A_351 : memref<!tpu.dma_semaphore, #tpu.memory_space<semaphore_mem>>) {add = true}
        %dma_wait3A_361 = arith.constant 0 : i32
        %dma_wait3A_362 = arith.constant 0 : i32
        %dma_wait3A_363 = tpu.memref_slice %arg9[%dma_wait3A_361, %dma_wait3A_362] : memref<256x128xf32, #tpu.memory_space<vmem>> -> memref<128x128xf32, #tpu.memory_space<vmem>>
        %dma_wait3A_364 = arith.constant 0 : i32
        %dma_wait3A_365 = tpu.memref_slice %arg8[%run_scoped3A_213, %dma_wait3A_364] : memref<16x128xi32, #tpu.memory_space<vmem>> -> memref<1x128xi32, #tpu.memory_space<vmem>>
        %dma_wait3A_366 = tpu.memref_squeeze %dma_wait3A_365 : memref<1x128xi32, #tpu.memory_space<vmem>> -> memref<128xi32, #tpu.memory_space<vmem>>
        %dma_wait3A_367 = arith.constant 0 : i32
        %dma_wait3A_368 = arith.constant 0 : i32
        %dma_wait3A_369 = tpu.memref_slice %arg10[%dma_wait3A_367, %dma_wait3A_368] : memref<10240x128xf32, #tpu.memory_space<vmem_shared>> -> memref<10240x128xf32, #tpu.memory_space<vmem_shared>>
        tpu.wait_indirect_dma semaphore(%run_scoped3A_351 : memref<!tpu.dma_semaphore, #tpu.memory_space<semaphore_mem>>) src(%dma_wait3A_363 : memref<128x128xf32, #tpu.memory_space<vmem>>) dst(%dma_wait3A_369 : memref<10240x128xf32, #tpu.memory_space<vmem_shared>>)
        tpu.yield
      }) : () -> ()
      %dma_start3A_214 = arith.constant 10 : i32
      %dma_start3A_215 = arith.constant 0 : i32
      %dma_start3A_216 = arith.constant 0 : i32
      %dma_start3A_217 = tpu.memref_slice %arg9[%dma_start3A_215, %dma_start3A_216] : memref<256x128xf32, #tpu.memory_space<vmem>> -> memref<128x128xf32, #tpu.memory_space<vmem>>
      %dma_start3A_218 = arith.constant 0 : i32
      %dma_start3A_219 = tpu.memref_slice %arg7[%dma_start3A_214, %dma_start3A_218] : memref<16x128xi32, #tpu.memory_space<vmem>> -> memref<1x128xi32, #tpu.memory_space<vmem>>
      %dma_start3A_220 = tpu.memref_squeeze %dma_start3A_219 : memref<1x128xi32, #tpu.memory_space<vmem>> -> memref<128xi32, #tpu.memory_space<vmem>>
      %dma_start3A_221 = arith.constant 0 : i32
      %dma_start3A_222 = arith.constant 0 : i32
      %dma_start3A_223 = tpu.memref_slice %arg2[%dma_start3A_221, %dma_start3A_222] : memref<40000x128xf32, #tpu.memory_space<hbm>> -> memref<40000x128xf32, #tpu.memory_space<hbm>>
      tpu.enqueue_indirect_dma source(%dma_start3A_223 : memref<40000x128xf32, #tpu.memory_space<hbm>>) target(%dma_start3A_217 : memref<128x128xf32, #tpu.memory_space<vmem>>) offsets(%dma_start3A_220 : memref<128xi32, #tpu.memory_space<vmem>>) semaphore(%arg11 : memref<!tpu.dma_semaphore, #tpu.memory_space<semaphore_mem>>)
      %dma_wait3A_224 = arith.constant 9 : i32
      %dma_wait3A_225 = arith.constant 128 : i32
      %dma_wait3A_226 = arith.constant 0 : i32
      %dma_wait3A_227 = tpu.memref_slice %arg9[%dma_wait3A_225, %dma_wait3A_226] : memref<256x128xf32, #tpu.memory_space<vmem>> -> memref<128x128xf32, #tpu.memory_space<vmem>>
      %dma_wait3A_228 = arith.constant 0 : i32
      %dma_wait3A_229 = tpu.memref_slice %arg7[%dma_wait3A_224, %dma_wait3A_228] : memref<16x128xi32, #tpu.memory_space<vmem>> -> memref<1x128xi32, #tpu.memory_space<vmem>>
      %dma_wait3A_230 = tpu.memref_squeeze %dma_wait3A_229 : memref<1x128xi32, #tpu.memory_space<vmem>> -> memref<128xi32, #tpu.memory_space<vmem>>
      %dma_wait3A_231 = arith.constant 0 : i32
      %dma_wait3A_232 = arith.constant 0 : i32
      %dma_wait3A_233 = tpu.memref_slice %arg2[%dma_wait3A_231, %dma_wait3A_232] : memref<40000x128xf32, #tpu.memory_space<hbm>> -> memref<40000x128xf32, #tpu.memory_space<hbm>>
      tpu.wait_indirect_dma semaphore(%arg12 : memref<!tpu.dma_semaphore, #tpu.memory_space<semaphore_mem>>) src(%dma_wait3A_233 : memref<40000x128xf32, #tpu.memory_space<hbm>>) dst(%dma_wait3A_227 : memref<128x128xf32, #tpu.memory_space<vmem>>)
      %run_scoped3A_234 = arith.constant 9 : i32
      "tpu.region"() ({
        %run_scoped3A_351 = tpu.sem_alloc : memref<!tpu.dma_semaphore, #tpu.memory_space<semaphore_mem>>
        %dma_start3A_352 = arith.constant 128 : i32
        %dma_start3A_353 = arith.constant 0 : i32
        %dma_start3A_354 = tpu.memref_slice %arg9[%dma_start3A_352, %dma_start3A_353] : memref<256x128xf32, #tpu.memory_space<vmem>> -> memref<128x128xf32, #tpu.memory_space<vmem>>
        %dma_start3A_355 = arith.constant 0 : i32
        %dma_start3A_356 = tpu.memref_slice %arg8[%run_scoped3A_234, %dma_start3A_355] : memref<16x128xi32, #tpu.memory_space<vmem>> -> memref<1x128xi32, #tpu.memory_space<vmem>>
        %dma_start3A_357 = tpu.memref_squeeze %dma_start3A_356 : memref<1x128xi32, #tpu.memory_space<vmem>> -> memref<128xi32, #tpu.memory_space<vmem>>
        %dma_start3A_358 = arith.constant 0 : i32
        %dma_start3A_359 = arith.constant 0 : i32
        %dma_start3A_360 = tpu.memref_slice %arg10[%dma_start3A_358, %dma_start3A_359] : memref<10240x128xf32, #tpu.memory_space<vmem_shared>> -> memref<10240x128xf32, #tpu.memory_space<vmem_shared>>
        tpu.enqueue_indirect_dma source(%dma_start3A_354 : memref<128x128xf32, #tpu.memory_space<vmem>>) target(%dma_start3A_360 : memref<10240x128xf32, #tpu.memory_space<vmem_shared>>) offsets(%dma_start3A_357 : memref<128xi32, #tpu.memory_space<vmem>>) semaphore(%run_scoped3A_351 : memref<!tpu.dma_semaphore, #tpu.memory_space<semaphore_mem>>) {add = true}
        %dma_wait3A_361 = arith.constant 128 : i32
        %dma_wait3A_362 = arith.constant 0 : i32
        %dma_wait3A_363 = tpu.memref_slice %arg9[%dma_wait3A_361, %dma_wait3A_362] : memref<256x128xf32, #tpu.memory_space<vmem>> -> memref<128x128xf32, #tpu.memory_space<vmem>>
        %dma_wait3A_364 = arith.constant 0 : i32
        %dma_wait3A_365 = tpu.memref_slice %arg8[%run_scoped3A_234, %dma_wait3A_364] : memref<16x128xi32, #tpu.memory_space<vmem>> -> memref<1x128xi32, #tpu.memory_space<vmem>>
        %dma_wait3A_366 = tpu.memref_squeeze %dma_wait3A_365 : memref<1x128xi32, #tpu.memory_space<vmem>> -> memref<128xi32, #tpu.memory_space<vmem>>
        %dma_wait3A_367 = arith.constant 0 : i32
        %dma_wait3A_368 = arith.constant 0 : i32
        %dma_wait3A_369 = tpu.memref_slice %arg10[%dma_wait3A_367, %dma_wait3A_368] : memref<10240x128xf32, #tpu.memory_space<vmem_shared>> -> memref<10240x128xf32, #tpu.memory_space<vmem_shared>>
        tpu.wait_indirect_dma semaphore(%run_scoped3A_351 : memref<!tpu.dma_semaphore, #tpu.memory_space<semaphore_mem>>) src(%dma_wait3A_363 : memref<128x128xf32, #tpu.memory_space<vmem>>) dst(%dma_wait3A_369 : memref<10240x128xf32, #tpu.memory_space<vmem_shared>>)
        tpu.yield
      }) : () -> ()
      %dma_start3A_235 = arith.constant 11 : i32
      %dma_start3A_236 = arith.constant 128 : i32
      %dma_start3A_237 = arith.constant 0 : i32
      %dma_start3A_238 = tpu.memref_slice %arg9[%dma_start3A_236, %dma_start3A_237] : memref<256x128xf32, #tpu.memory_space<vmem>> -> memref<128x128xf32, #tpu.memory_space<vmem>>
      %dma_start3A_239 = arith.constant 0 : i32
      %dma_start3A_240 = tpu.memref_slice %arg7[%dma_start3A_235, %dma_start3A_239] : memref<16x128xi32, #tpu.memory_space<vmem>> -> memref<1x128xi32, #tpu.memory_space<vmem>>
      %dma_start3A_241 = tpu.memref_squeeze %dma_start3A_240 : memref<1x128xi32, #tpu.memory_space<vmem>> -> memref<128xi32, #tpu.memory_space<vmem>>
      %dma_start3A_242 = arith.constant 0 : i32
      %dma_start3A_243 = arith.constant 0 : i32
      %dma_start3A_244 = tpu.memref_slice %arg2[%dma_start3A_242, %dma_start3A_243] : memref<40000x128xf32, #tpu.memory_space<hbm>> -> memref<40000x128xf32, #tpu.memory_space<hbm>>
      tpu.enqueue_indirect_dma source(%dma_start3A_244 : memref<40000x128xf32, #tpu.memory_space<hbm>>) target(%dma_start3A_238 : memref<128x128xf32, #tpu.memory_space<vmem>>) offsets(%dma_start3A_241 : memref<128xi32, #tpu.memory_space<vmem>>) semaphore(%arg12 : memref<!tpu.dma_semaphore, #tpu.memory_space<semaphore_mem>>)
      %dma_wait3A_245 = arith.constant 10 : i32
      %dma_wait3A_246 = arith.constant 0 : i32
      %dma_wait3A_247 = arith.constant 0 : i32
      %dma_wait3A_248 = tpu.memref_slice %arg9[%dma_wait3A_246, %dma_wait3A_247] : memref<256x128xf32, #tpu.memory_space<vmem>> -> memref<128x128xf32, #tpu.memory_space<vmem>>
      %dma_wait3A_249 = arith.constant 0 : i32
      %dma_wait3A_250 = tpu.memref_slice %arg7[%dma_wait3A_245, %dma_wait3A_249] : memref<16x128xi32, #tpu.memory_space<vmem>> -> memref<1x128xi32, #tpu.memory_space<vmem>>
      %dma_wait3A_251 = tpu.memref_squeeze %dma_wait3A_250 : memref<1x128xi32, #tpu.memory_space<vmem>> -> memref<128xi32, #tpu.memory_space<vmem>>
      %dma_wait3A_252 = arith.constant 0 : i32
      %dma_wait3A_253 = arith.constant 0 : i32
      %dma_wait3A_254 = tpu.memref_slice %arg2[%dma_wait3A_252, %dma_wait3A_253] : memref<40000x128xf32, #tpu.memory_space<hbm>> -> memref<40000x128xf32, #tpu.memory_space<hbm>>
      tpu.wait_indirect_dma semaphore(%arg11 : memref<!tpu.dma_semaphore, #tpu.memory_space<semaphore_mem>>) src(%dma_wait3A_254 : memref<40000x128xf32, #tpu.memory_space<hbm>>) dst(%dma_wait3A_248 : memref<128x128xf32, #tpu.memory_space<vmem>>)
      %run_scoped3A_255 = arith.constant 10 : i32
      "tpu.region"() ({
        %run_scoped3A_351 = tpu.sem_alloc : memref<!tpu.dma_semaphore, #tpu.memory_space<semaphore_mem>>
        %dma_start3A_352 = arith.constant 0 : i32
        %dma_start3A_353 = arith.constant 0 : i32
        %dma_start3A_354 = tpu.memref_slice %arg9[%dma_start3A_352, %dma_start3A_353] : memref<256x128xf32, #tpu.memory_space<vmem>> -> memref<128x128xf32, #tpu.memory_space<vmem>>
        %dma_start3A_355 = arith.constant 0 : i32
        %dma_start3A_356 = tpu.memref_slice %arg8[%run_scoped3A_255, %dma_start3A_355] : memref<16x128xi32, #tpu.memory_space<vmem>> -> memref<1x128xi32, #tpu.memory_space<vmem>>
        %dma_start3A_357 = tpu.memref_squeeze %dma_start3A_356 : memref<1x128xi32, #tpu.memory_space<vmem>> -> memref<128xi32, #tpu.memory_space<vmem>>
        %dma_start3A_358 = arith.constant 0 : i32
        %dma_start3A_359 = arith.constant 0 : i32
        %dma_start3A_360 = tpu.memref_slice %arg10[%dma_start3A_358, %dma_start3A_359] : memref<10240x128xf32, #tpu.memory_space<vmem_shared>> -> memref<10240x128xf32, #tpu.memory_space<vmem_shared>>
        tpu.enqueue_indirect_dma source(%dma_start3A_354 : memref<128x128xf32, #tpu.memory_space<vmem>>) target(%dma_start3A_360 : memref<10240x128xf32, #tpu.memory_space<vmem_shared>>) offsets(%dma_start3A_357 : memref<128xi32, #tpu.memory_space<vmem>>) semaphore(%run_scoped3A_351 : memref<!tpu.dma_semaphore, #tpu.memory_space<semaphore_mem>>) {add = true}
        %dma_wait3A_361 = arith.constant 0 : i32
        %dma_wait3A_362 = arith.constant 0 : i32
        %dma_wait3A_363 = tpu.memref_slice %arg9[%dma_wait3A_361, %dma_wait3A_362] : memref<256x128xf32, #tpu.memory_space<vmem>> -> memref<128x128xf32, #tpu.memory_space<vmem>>
        %dma_wait3A_364 = arith.constant 0 : i32
        %dma_wait3A_365 = tpu.memref_slice %arg8[%run_scoped3A_255, %dma_wait3A_364] : memref<16x128xi32, #tpu.memory_space<vmem>> -> memref<1x128xi32, #tpu.memory_space<vmem>>
        %dma_wait3A_366 = tpu.memref_squeeze %dma_wait3A_365 : memref<1x128xi32, #tpu.memory_space<vmem>> -> memref<128xi32, #tpu.memory_space<vmem>>
        %dma_wait3A_367 = arith.constant 0 : i32
        %dma_wait3A_368 = arith.constant 0 : i32
        %dma_wait3A_369 = tpu.memref_slice %arg10[%dma_wait3A_367, %dma_wait3A_368] : memref<10240x128xf32, #tpu.memory_space<vmem_shared>> -> memref<10240x128xf32, #tpu.memory_space<vmem_shared>>
        tpu.wait_indirect_dma semaphore(%run_scoped3A_351 : memref<!tpu.dma_semaphore, #tpu.memory_space<semaphore_mem>>) src(%dma_wait3A_363 : memref<128x128xf32, #tpu.memory_space<vmem>>) dst(%dma_wait3A_369 : memref<10240x128xf32, #tpu.memory_space<vmem_shared>>)
        tpu.yield
      }) : () -> ()
      %dma_start3A_256 = arith.constant 12 : i32
      %dma_start3A_257 = arith.constant 0 : i32
      %dma_start3A_258 = arith.constant 0 : i32
      %dma_start3A_259 = tpu.memref_slice %arg9[%dma_start3A_257, %dma_start3A_258] : memref<256x128xf32, #tpu.memory_space<vmem>> -> memref<128x128xf32, #tpu.memory_space<vmem>>
      %dma_start3A_260 = arith.constant 0 : i32
      %dma_start3A_261 = tpu.memref_slice %arg7[%dma_start3A_256, %dma_start3A_260] : memref<16x128xi32, #tpu.memory_space<vmem>> -> memref<1x128xi32, #tpu.memory_space<vmem>>
      %dma_start3A_262 = tpu.memref_squeeze %dma_start3A_261 : memref<1x128xi32, #tpu.memory_space<vmem>> -> memref<128xi32, #tpu.memory_space<vmem>>
      %dma_start3A_263 = arith.constant 0 : i32
      %dma_start3A_264 = arith.constant 0 : i32
      %dma_start3A_265 = tpu.memref_slice %arg2[%dma_start3A_263, %dma_start3A_264] : memref<40000x128xf32, #tpu.memory_space<hbm>> -> memref<40000x128xf32, #tpu.memory_space<hbm>>
      tpu.enqueue_indirect_dma source(%dma_start3A_265 : memref<40000x128xf32, #tpu.memory_space<hbm>>) target(%dma_start3A_259 : memref<128x128xf32, #tpu.memory_space<vmem>>) offsets(%dma_start3A_262 : memref<128xi32, #tpu.memory_space<vmem>>) semaphore(%arg11 : memref<!tpu.dma_semaphore, #tpu.memory_space<semaphore_mem>>)
      %dma_wait3A_266 = arith.constant 11 : i32
      %dma_wait3A_267 = arith.constant 128 : i32
      %dma_wait3A_268 = arith.constant 0 : i32
      %dma_wait3A_269 = tpu.memref_slice %arg9[%dma_wait3A_267, %dma_wait3A_268] : memref<256x128xf32, #tpu.memory_space<vmem>> -> memref<128x128xf32, #tpu.memory_space<vmem>>
      %dma_wait3A_270 = arith.constant 0 : i32
      %dma_wait3A_271 = tpu.memref_slice %arg7[%dma_wait3A_266, %dma_wait3A_270] : memref<16x128xi32, #tpu.memory_space<vmem>> -> memref<1x128xi32, #tpu.memory_space<vmem>>
      %dma_wait3A_272 = tpu.memref_squeeze %dma_wait3A_271 : memref<1x128xi32, #tpu.memory_space<vmem>> -> memref<128xi32, #tpu.memory_space<vmem>>
      %dma_wait3A_273 = arith.constant 0 : i32
      %dma_wait3A_274 = arith.constant 0 : i32
      %dma_wait3A_275 = tpu.memref_slice %arg2[%dma_wait3A_273, %dma_wait3A_274] : memref<40000x128xf32, #tpu.memory_space<hbm>> -> memref<40000x128xf32, #tpu.memory_space<hbm>>
      tpu.wait_indirect_dma semaphore(%arg12 : memref<!tpu.dma_semaphore, #tpu.memory_space<semaphore_mem>>) src(%dma_wait3A_275 : memref<40000x128xf32, #tpu.memory_space<hbm>>) dst(%dma_wait3A_269 : memref<128x128xf32, #tpu.memory_space<vmem>>)
      %run_scoped3A_276 = arith.constant 11 : i32
      "tpu.region"() ({
        %run_scoped3A_351 = tpu.sem_alloc : memref<!tpu.dma_semaphore, #tpu.memory_space<semaphore_mem>>
        %dma_start3A_352 = arith.constant 128 : i32
        %dma_start3A_353 = arith.constant 0 : i32
        %dma_start3A_354 = tpu.memref_slice %arg9[%dma_start3A_352, %dma_start3A_353] : memref<256x128xf32, #tpu.memory_space<vmem>> -> memref<128x128xf32, #tpu.memory_space<vmem>>
        %dma_start3A_355 = arith.constant 0 : i32
        %dma_start3A_356 = tpu.memref_slice %arg8[%run_scoped3A_276, %dma_start3A_355] : memref<16x128xi32, #tpu.memory_space<vmem>> -> memref<1x128xi32, #tpu.memory_space<vmem>>
        %dma_start3A_357 = tpu.memref_squeeze %dma_start3A_356 : memref<1x128xi32, #tpu.memory_space<vmem>> -> memref<128xi32, #tpu.memory_space<vmem>>
        %dma_start3A_358 = arith.constant 0 : i32
        %dma_start3A_359 = arith.constant 0 : i32
        %dma_start3A_360 = tpu.memref_slice %arg10[%dma_start3A_358, %dma_start3A_359] : memref<10240x128xf32, #tpu.memory_space<vmem_shared>> -> memref<10240x128xf32, #tpu.memory_space<vmem_shared>>
        tpu.enqueue_indirect_dma source(%dma_start3A_354 : memref<128x128xf32, #tpu.memory_space<vmem>>) target(%dma_start3A_360 : memref<10240x128xf32, #tpu.memory_space<vmem_shared>>) offsets(%dma_start3A_357 : memref<128xi32, #tpu.memory_space<vmem>>) semaphore(%run_scoped3A_351 : memref<!tpu.dma_semaphore, #tpu.memory_space<semaphore_mem>>) {add = true}
        %dma_wait3A_361 = arith.constant 128 : i32
        %dma_wait3A_362 = arith.constant 0 : i32
        %dma_wait3A_363 = tpu.memref_slice %arg9[%dma_wait3A_361, %dma_wait3A_362] : memref<256x128xf32, #tpu.memory_space<vmem>> -> memref<128x128xf32, #tpu.memory_space<vmem>>
        %dma_wait3A_364 = arith.constant 0 : i32
        %dma_wait3A_365 = tpu.memref_slice %arg8[%run_scoped3A_276, %dma_wait3A_364] : memref<16x128xi32, #tpu.memory_space<vmem>> -> memref<1x128xi32, #tpu.memory_space<vmem>>
        %dma_wait3A_366 = tpu.memref_squeeze %dma_wait3A_365 : memref<1x128xi32, #tpu.memory_space<vmem>> -> memref<128xi32, #tpu.memory_space<vmem>>
        %dma_wait3A_367 = arith.constant 0 : i32
        %dma_wait3A_368 = arith.constant 0 : i32
        %dma_wait3A_369 = tpu.memref_slice %arg10[%dma_wait3A_367, %dma_wait3A_368] : memref<10240x128xf32, #tpu.memory_space<vmem_shared>> -> memref<10240x128xf32, #tpu.memory_space<vmem_shared>>
        tpu.wait_indirect_dma semaphore(%run_scoped3A_351 : memref<!tpu.dma_semaphore, #tpu.memory_space<semaphore_mem>>) src(%dma_wait3A_363 : memref<128x128xf32, #tpu.memory_space<vmem>>) dst(%dma_wait3A_369 : memref<10240x128xf32, #tpu.memory_space<vmem_shared>>)
        tpu.yield
      }) : () -> ()
      %dma_start3A_277 = arith.constant 13 : i32
      %dma_start3A_278 = arith.constant 128 : i32
      %dma_start3A_279 = arith.constant 0 : i32
      %dma_start3A_280 = tpu.memref_slice %arg9[%dma_start3A_278, %dma_start3A_279] : memref<256x128xf32, #tpu.memory_space<vmem>> -> memref<128x128xf32, #tpu.memory_space<vmem>>
      %dma_start3A_281 = arith.constant 0 : i32
      %dma_start3A_282 = tpu.memref_slice %arg7[%dma_start3A_277, %dma_start3A_281] : memref<16x128xi32, #tpu.memory_space<vmem>> -> memref<1x128xi32, #tpu.memory_space<vmem>>
      %dma_start3A_283 = tpu.memref_squeeze %dma_start3A_282 : memref<1x128xi32, #tpu.memory_space<vmem>> -> memref<128xi32, #tpu.memory_space<vmem>>
      %dma_start3A_284 = arith.constant 0 : i32
      %dma_start3A_285 = arith.constant 0 : i32
      %dma_start3A_286 = tpu.memref_slice %arg2[%dma_start3A_284, %dma_start3A_285] : memref<40000x128xf32, #tpu.memory_space<hbm>> -> memref<40000x128xf32, #tpu.memory_space<hbm>>
      tpu.enqueue_indirect_dma source(%dma_start3A_286 : memref<40000x128xf32, #tpu.memory_space<hbm>>) target(%dma_start3A_280 : memref<128x128xf32, #tpu.memory_space<vmem>>) offsets(%dma_start3A_283 : memref<128xi32, #tpu.memory_space<vmem>>) semaphore(%arg12 : memref<!tpu.dma_semaphore, #tpu.memory_space<semaphore_mem>>)
      %dma_wait3A_287 = arith.constant 12 : i32
      %dma_wait3A_288 = arith.constant 0 : i32
      %dma_wait3A_289 = arith.constant 0 : i32
      %dma_wait3A_290 = tpu.memref_slice %arg9[%dma_wait3A_288, %dma_wait3A_289] : memref<256x128xf32, #tpu.memory_space<vmem>> -> memref<128x128xf32, #tpu.memory_space<vmem>>
      %dma_wait3A_291 = arith.constant 0 : i32
      %dma_wait3A_292 = tpu.memref_slice %arg7[%dma_wait3A_287, %dma_wait3A_291] : memref<16x128xi32, #tpu.memory_space<vmem>> -> memref<1x128xi32, #tpu.memory_space<vmem>>
      %dma_wait3A_293 = tpu.memref_squeeze %dma_wait3A_292 : memref<1x128xi32, #tpu.memory_space<vmem>> -> memref<128xi32, #tpu.memory_space<vmem>>
      %dma_wait3A_294 = arith.constant 0 : i32
      %dma_wait3A_295 = arith.constant 0 : i32
      %dma_wait3A_296 = tpu.memref_slice %arg2[%dma_wait3A_294, %dma_wait3A_295] : memref<40000x128xf32, #tpu.memory_space<hbm>> -> memref<40000x128xf32, #tpu.memory_space<hbm>>
      tpu.wait_indirect_dma semaphore(%arg11 : memref<!tpu.dma_semaphore, #tpu.memory_space<semaphore_mem>>) src(%dma_wait3A_296 : memref<40000x128xf32, #tpu.memory_space<hbm>>) dst(%dma_wait3A_290 : memref<128x128xf32, #tpu.memory_space<vmem>>)
      %run_scoped3A_297 = arith.constant 12 : i32
      "tpu.region"() ({
        %run_scoped3A_351 = tpu.sem_alloc : memref<!tpu.dma_semaphore, #tpu.memory_space<semaphore_mem>>
        %dma_start3A_352 = arith.constant 0 : i32
        %dma_start3A_353 = arith.constant 0 : i32
        %dma_start3A_354 = tpu.memref_slice %arg9[%dma_start3A_352, %dma_start3A_353] : memref<256x128xf32, #tpu.memory_space<vmem>> -> memref<128x128xf32, #tpu.memory_space<vmem>>
        %dma_start3A_355 = arith.constant 0 : i32
        %dma_start3A_356 = tpu.memref_slice %arg8[%run_scoped3A_297, %dma_start3A_355] : memref<16x128xi32, #tpu.memory_space<vmem>> -> memref<1x128xi32, #tpu.memory_space<vmem>>
        %dma_start3A_357 = tpu.memref_squeeze %dma_start3A_356 : memref<1x128xi32, #tpu.memory_space<vmem>> -> memref<128xi32, #tpu.memory_space<vmem>>
        %dma_start3A_358 = arith.constant 0 : i32
        %dma_start3A_359 = arith.constant 0 : i32
        %dma_start3A_360 = tpu.memref_slice %arg10[%dma_start3A_358, %dma_start3A_359] : memref<10240x128xf32, #tpu.memory_space<vmem_shared>> -> memref<10240x128xf32, #tpu.memory_space<vmem_shared>>
        tpu.enqueue_indirect_dma source(%dma_start3A_354 : memref<128x128xf32, #tpu.memory_space<vmem>>) target(%dma_start3A_360 : memref<10240x128xf32, #tpu.memory_space<vmem_shared>>) offsets(%dma_start3A_357 : memref<128xi32, #tpu.memory_space<vmem>>) semaphore(%run_scoped3A_351 : memref<!tpu.dma_semaphore, #tpu.memory_space<semaphore_mem>>) {add = true}
        %dma_wait3A_361 = arith.constant 0 : i32
        %dma_wait3A_362 = arith.constant 0 : i32
        %dma_wait3A_363 = tpu.memref_slice %arg9[%dma_wait3A_361, %dma_wait3A_362] : memref<256x128xf32, #tpu.memory_space<vmem>> -> memref<128x128xf32, #tpu.memory_space<vmem>>
        %dma_wait3A_364 = arith.constant 0 : i32
        %dma_wait3A_365 = tpu.memref_slice %arg8[%run_scoped3A_297, %dma_wait3A_364] : memref<16x128xi32, #tpu.memory_space<vmem>> -> memref<1x128xi32, #tpu.memory_space<vmem>>
        %dma_wait3A_366 = tpu.memref_squeeze %dma_wait3A_365 : memref<1x128xi32, #tpu.memory_space<vmem>> -> memref<128xi32, #tpu.memory_space<vmem>>
        %dma_wait3A_367 = arith.constant 0 : i32
        %dma_wait3A_368 = arith.constant 0 : i32
        %dma_wait3A_369 = tpu.memref_slice %arg10[%dma_wait3A_367, %dma_wait3A_368] : memref<10240x128xf32, #tpu.memory_space<vmem_shared>> -> memref<10240x128xf32, #tpu.memory_space<vmem_shared>>
        tpu.wait_indirect_dma semaphore(%run_scoped3A_351 : memref<!tpu.dma_semaphore, #tpu.memory_space<semaphore_mem>>) src(%dma_wait3A_363 : memref<128x128xf32, #tpu.memory_space<vmem>>) dst(%dma_wait3A_369 : memref<10240x128xf32, #tpu.memory_space<vmem_shared>>)
        tpu.yield
      }) : () -> ()
      %dma_start3A_298 = arith.constant 14 : i32
      %dma_start3A_299 = arith.constant 0 : i32
      %dma_start3A_300 = arith.constant 0 : i32
      %dma_start3A_301 = tpu.memref_slice %arg9[%dma_start3A_299, %dma_start3A_300] : memref<256x128xf32, #tpu.memory_space<vmem>> -> memref<128x128xf32, #tpu.memory_space<vmem>>
      %dma_start3A_302 = arith.constant 0 : i32
      %dma_start3A_303 = tpu.memref_slice %arg7[%dma_start3A_298, %dma_start3A_302] : memref<16x128xi32, #tpu.memory_space<vmem>> -> memref<1x128xi32, #tpu.memory_space<vmem>>
      %dma_start3A_304 = tpu.memref_squeeze %dma_start3A_303 : memref<1x128xi32, #tpu.memory_space<vmem>> -> memref<128xi32, #tpu.memory_space<vmem>>
      %dma_start3A_305 = arith.constant 0 : i32
      %dma_start3A_306 = arith.constant 0 : i32
      %dma_start3A_307 = tpu.memref_slice %arg2[%dma_start3A_305, %dma_start3A_306] : memref<40000x128xf32, #tpu.memory_space<hbm>> -> memref<40000x128xf32, #tpu.memory_space<hbm>>
      tpu.enqueue_indirect_dma source(%dma_start3A_307 : memref<40000x128xf32, #tpu.memory_space<hbm>>) target(%dma_start3A_301 : memref<128x128xf32, #tpu.memory_space<vmem>>) offsets(%dma_start3A_304 : memref<128xi32, #tpu.memory_space<vmem>>) semaphore(%arg11 : memref<!tpu.dma_semaphore, #tpu.memory_space<semaphore_mem>>)
      %dma_wait3A_308 = arith.constant 13 : i32
      %dma_wait3A_309 = arith.constant 128 : i32
      %dma_wait3A_310 = arith.constant 0 : i32
      %dma_wait3A_311 = tpu.memref_slice %arg9[%dma_wait3A_309, %dma_wait3A_310] : memref<256x128xf32, #tpu.memory_space<vmem>> -> memref<128x128xf32, #tpu.memory_space<vmem>>
      %dma_wait3A_312 = arith.constant 0 : i32
      %dma_wait3A_313 = tpu.memref_slice %arg7[%dma_wait3A_308, %dma_wait3A_312] : memref<16x128xi32, #tpu.memory_space<vmem>> -> memref<1x128xi32, #tpu.memory_space<vmem>>
      %dma_wait3A_314 = tpu.memref_squeeze %dma_wait3A_313 : memref<1x128xi32, #tpu.memory_space<vmem>> -> memref<128xi32, #tpu.memory_space<vmem>>
      %dma_wait3A_315 = arith.constant 0 : i32
      %dma_wait3A_316 = arith.constant 0 : i32
      %dma_wait3A_317 = tpu.memref_slice %arg2[%dma_wait3A_315, %dma_wait3A_316] : memref<40000x128xf32, #tpu.memory_space<hbm>> -> memref<40000x128xf32, #tpu.memory_space<hbm>>
      tpu.wait_indirect_dma semaphore(%arg12 : memref<!tpu.dma_semaphore, #tpu.memory_space<semaphore_mem>>) src(%dma_wait3A_317 : memref<40000x128xf32, #tpu.memory_space<hbm>>) dst(%dma_wait3A_311 : memref<128x128xf32, #tpu.memory_space<vmem>>)
      %run_scoped3A_318 = arith.constant 13 : i32
      "tpu.region"() ({
        %run_scoped3A_351 = tpu.sem_alloc : memref<!tpu.dma_semaphore, #tpu.memory_space<semaphore_mem>>
        %dma_start3A_352 = arith.constant 128 : i32
        %dma_start3A_353 = arith.constant 0 : i32
        %dma_start3A_354 = tpu.memref_slice %arg9[%dma_start3A_352, %dma_start3A_353] : memref<256x128xf32, #tpu.memory_space<vmem>> -> memref<128x128xf32, #tpu.memory_space<vmem>>
        %dma_start3A_355 = arith.constant 0 : i32
        %dma_start3A_356 = tpu.memref_slice %arg8[%run_scoped3A_318, %dma_start3A_355] : memref<16x128xi32, #tpu.memory_space<vmem>> -> memref<1x128xi32, #tpu.memory_space<vmem>>
        %dma_start3A_357 = tpu.memref_squeeze %dma_start3A_356 : memref<1x128xi32, #tpu.memory_space<vmem>> -> memref<128xi32, #tpu.memory_space<vmem>>
        %dma_start3A_358 = arith.constant 0 : i32
        %dma_start3A_359 = arith.constant 0 : i32
        %dma_start3A_360 = tpu.memref_slice %arg10[%dma_start3A_358, %dma_start3A_359] : memref<10240x128xf32, #tpu.memory_space<vmem_shared>> -> memref<10240x128xf32, #tpu.memory_space<vmem_shared>>
        tpu.enqueue_indirect_dma source(%dma_start3A_354 : memref<128x128xf32, #tpu.memory_space<vmem>>) target(%dma_start3A_360 : memref<10240x128xf32, #tpu.memory_space<vmem_shared>>) offsets(%dma_start3A_357 : memref<128xi32, #tpu.memory_space<vmem>>) semaphore(%run_scoped3A_351 : memref<!tpu.dma_semaphore, #tpu.memory_space<semaphore_mem>>) {add = true}
        %dma_wait3A_361 = arith.constant 128 : i32
        %dma_wait3A_362 = arith.constant 0 : i32
        %dma_wait3A_363 = tpu.memref_slice %arg9[%dma_wait3A_361, %dma_wait3A_362] : memref<256x128xf32, #tpu.memory_space<vmem>> -> memref<128x128xf32, #tpu.memory_space<vmem>>
        %dma_wait3A_364 = arith.constant 0 : i32
        %dma_wait3A_365 = tpu.memref_slice %arg8[%run_scoped3A_318, %dma_wait3A_364] : memref<16x128xi32, #tpu.memory_space<vmem>> -> memref<1x128xi32, #tpu.memory_space<vmem>>
        %dma_wait3A_366 = tpu.memref_squeeze %dma_wait3A_365 : memref<1x128xi32, #tpu.memory_space<vmem>> -> memref<128xi32, #tpu.memory_space<vmem>>
        %dma_wait3A_367 = arith.constant 0 : i32
        %dma_wait3A_368 = arith.constant 0 : i32
        %dma_wait3A_369 = tpu.memref_slice %arg10[%dma_wait3A_367, %dma_wait3A_368] : memref<10240x128xf32, #tpu.memory_space<vmem_shared>> -> memref<10240x128xf32, #tpu.memory_space<vmem_shared>>
        tpu.wait_indirect_dma semaphore(%run_scoped3A_351 : memref<!tpu.dma_semaphore, #tpu.memory_space<semaphore_mem>>) src(%dma_wait3A_363 : memref<128x128xf32, #tpu.memory_space<vmem>>) dst(%dma_wait3A_369 : memref<10240x128xf32, #tpu.memory_space<vmem_shared>>)
        tpu.yield
      }) : () -> ()
      %dma_start3A_319 = arith.constant 15 : i32
      %dma_start3A_320 = arith.constant 128 : i32
      %dma_start3A_321 = arith.constant 0 : i32
      %dma_start3A_322 = tpu.memref_slice %arg9[%dma_start3A_320, %dma_start3A_321] : memref<256x128xf32, #tpu.memory_space<vmem>> -> memref<128x128xf32, #tpu.memory_space<vmem>>
      %dma_start3A_323 = arith.constant 0 : i32
      %dma_start3A_324 = tpu.memref_slice %arg7[%dma_start3A_319, %dma_start3A_323] : memref<16x128xi32, #tpu.memory_space<vmem>> -> memref<1x128xi32, #tpu.memory_space<vmem>>
      %dma_start3A_325 = tpu.memref_squeeze %dma_start3A_324 : memref<1x128xi32, #tpu.memory_space<vmem>> -> memref<128xi32, #tpu.memory_space<vmem>>
      %dma_start3A_326 = arith.constant 0 : i32
      %dma_start3A_327 = arith.constant 0 : i32
      %dma_start3A_328 = tpu.memref_slice %arg2[%dma_start3A_326, %dma_start3A_327] : memref<40000x128xf32, #tpu.memory_space<hbm>> -> memref<40000x128xf32, #tpu.memory_space<hbm>>
      tpu.enqueue_indirect_dma source(%dma_start3A_328 : memref<40000x128xf32, #tpu.memory_space<hbm>>) target(%dma_start3A_322 : memref<128x128xf32, #tpu.memory_space<vmem>>) offsets(%dma_start3A_325 : memref<128xi32, #tpu.memory_space<vmem>>) semaphore(%arg12 : memref<!tpu.dma_semaphore, #tpu.memory_space<semaphore_mem>>)
      %dma_wait3A_329 = arith.constant 14 : i32
      %dma_wait3A_330 = arith.constant 0 : i32
      %dma_wait3A_331 = arith.constant 0 : i32
      %dma_wait3A_332 = tpu.memref_slice %arg9[%dma_wait3A_330, %dma_wait3A_331] : memref<256x128xf32, #tpu.memory_space<vmem>> -> memref<128x128xf32, #tpu.memory_space<vmem>>
      %dma_wait3A_333 = arith.constant 0 : i32
      %dma_wait3A_334 = tpu.memref_slice %arg7[%dma_wait3A_329, %dma_wait3A_333] : memref<16x128xi32, #tpu.memory_space<vmem>> -> memref<1x128xi32, #tpu.memory_space<vmem>>
      %dma_wait3A_335 = tpu.memref_squeeze %dma_wait3A_334 : memref<1x128xi32, #tpu.memory_space<vmem>> -> memref<128xi32, #tpu.memory_space<vmem>>
      %dma_wait3A_336 = arith.constant 0 : i32
      %dma_wait3A_337 = arith.constant 0 : i32
      %dma_wait3A_338 = tpu.memref_slice %arg2[%dma_wait3A_336, %dma_wait3A_337] : memref<40000x128xf32, #tpu.memory_space<hbm>> -> memref<40000x128xf32, #tpu.memory_space<hbm>>
      tpu.wait_indirect_dma semaphore(%arg11 : memref<!tpu.dma_semaphore, #tpu.memory_space<semaphore_mem>>) src(%dma_wait3A_338 : memref<40000x128xf32, #tpu.memory_space<hbm>>) dst(%dma_wait3A_332 : memref<128x128xf32, #tpu.memory_space<vmem>>)
      %run_scoped3A_339 = arith.constant 14 : i32
      "tpu.region"() ({
        %run_scoped3A_351 = tpu.sem_alloc : memref<!tpu.dma_semaphore, #tpu.memory_space<semaphore_mem>>
        %dma_start3A_352 = arith.constant 0 : i32
        %dma_start3A_353 = arith.constant 0 : i32
        %dma_start3A_354 = tpu.memref_slice %arg9[%dma_start3A_352, %dma_start3A_353] : memref<256x128xf32, #tpu.memory_space<vmem>> -> memref<128x128xf32, #tpu.memory_space<vmem>>
        %dma_start3A_355 = arith.constant 0 : i32
        %dma_start3A_356 = tpu.memref_slice %arg8[%run_scoped3A_339, %dma_start3A_355] : memref<16x128xi32, #tpu.memory_space<vmem>> -> memref<1x128xi32, #tpu.memory_space<vmem>>
        %dma_start3A_357 = tpu.memref_squeeze %dma_start3A_356 : memref<1x128xi32, #tpu.memory_space<vmem>> -> memref<128xi32, #tpu.memory_space<vmem>>
        %dma_start3A_358 = arith.constant 0 : i32
        %dma_start3A_359 = arith.constant 0 : i32
        %dma_start3A_360 = tpu.memref_slice %arg10[%dma_start3A_358, %dma_start3A_359] : memref<10240x128xf32, #tpu.memory_space<vmem_shared>> -> memref<10240x128xf32, #tpu.memory_space<vmem_shared>>
        tpu.enqueue_indirect_dma source(%dma_start3A_354 : memref<128x128xf32, #tpu.memory_space<vmem>>) target(%dma_start3A_360 : memref<10240x128xf32, #tpu.memory_space<vmem_shared>>) offsets(%dma_start3A_357 : memref<128xi32, #tpu.memory_space<vmem>>) semaphore(%run_scoped3A_351 : memref<!tpu.dma_semaphore, #tpu.memory_space<semaphore_mem>>) {add = true}
        %dma_wait3A_361 = arith.constant 0 : i32
        %dma_wait3A_362 = arith.constant 0 : i32
        %dma_wait3A_363 = tpu.memref_slice %arg9[%dma_wait3A_361, %dma_wait3A_362] : memref<256x128xf32, #tpu.memory_space<vmem>> -> memref<128x128xf32, #tpu.memory_space<vmem>>
        %dma_wait3A_364 = arith.constant 0 : i32
        %dma_wait3A_365 = tpu.memref_slice %arg8[%run_scoped3A_339, %dma_wait3A_364] : memref<16x128xi32, #tpu.memory_space<vmem>> -> memref<1x128xi32, #tpu.memory_space<vmem>>
        %dma_wait3A_366 = tpu.memref_squeeze %dma_wait3A_365 : memref<1x128xi32, #tpu.memory_space<vmem>> -> memref<128xi32, #tpu.memory_space<vmem>>
        %dma_wait3A_367 = arith.constant 0 : i32
        %dma_wait3A_368 = arith.constant 0 : i32
        %dma_wait3A_369 = tpu.memref_slice %arg10[%dma_wait3A_367, %dma_wait3A_368] : memref<10240x128xf32, #tpu.memory_space<vmem_shared>> -> memref<10240x128xf32, #tpu.memory_space<vmem_shared>>
        tpu.wait_indirect_dma semaphore(%run_scoped3A_351 : memref<!tpu.dma_semaphore, #tpu.memory_space<semaphore_mem>>) src(%dma_wait3A_363 : memref<128x128xf32, #tpu.memory_space<vmem>>) dst(%dma_wait3A_369 : memref<10240x128xf32, #tpu.memory_space<vmem_shared>>)
        tpu.yield
      }) : () -> ()
      %dma_wait3A_340 = arith.constant 15 : i32
      %dma_wait3A_341 = arith.constant 128 : i32
      %dma_wait3A_342 = arith.constant 0 : i32
      %dma_wait3A_343 = tpu.memref_slice %arg9[%dma_wait3A_341, %dma_wait3A_342] : memref<256x128xf32, #tpu.memory_space<vmem>> -> memref<128x128xf32, #tpu.memory_space<vmem>>
      %dma_wait3A_344 = arith.constant 0 : i32
      %dma_wait3A_345 = tpu.memref_slice %arg7[%dma_wait3A_340, %dma_wait3A_344] : memref<16x128xi32, #tpu.memory_space<vmem>> -> memref<1x128xi32, #tpu.memory_space<vmem>>
      %dma_wait3A_346 = tpu.memref_squeeze %dma_wait3A_345 : memref<1x128xi32, #tpu.memory_space<vmem>> -> memref<128xi32, #tpu.memory_space<vmem>>
      %dma_wait3A_347 = arith.constant 0 : i32
      %dma_wait3A_348 = arith.constant 0 : i32
      %dma_wait3A_349 = tpu.memref_slice %arg2[%dma_wait3A_347, %dma_wait3A_348] : memref<40000x128xf32, #tpu.memory_space<hbm>> -> memref<40000x128xf32, #tpu.memory_space<hbm>>
      tpu.wait_indirect_dma semaphore(%arg12 : memref<!tpu.dma_semaphore, #tpu.memory_space<semaphore_mem>>) src(%dma_wait3A_349 : memref<40000x128xf32, #tpu.memory_space<hbm>>) dst(%dma_wait3A_343 : memref<128x128xf32, #tpu.memory_space<vmem>>)
      %run_scoped3A_350 = arith.constant 15 : i32
      "tpu.region"() ({
        %run_scoped3A_351 = tpu.sem_alloc : memref<!tpu.dma_semaphore, #tpu.memory_space<semaphore_mem>>
        %dma_start3A_352 = arith.constant 128 : i32
        %dma_start3A_353 = arith.constant 0 : i32
        %dma_start3A_354 = tpu.memref_slice %arg9[%dma_start3A_352, %dma_start3A_353] : memref<256x128xf32, #tpu.memory_space<vmem>> -> memref<128x128xf32, #tpu.memory_space<vmem>>
        %dma_start3A_355 = arith.constant 0 : i32
        %dma_start3A_356 = tpu.memref_slice %arg8[%run_scoped3A_350, %dma_start3A_355] : memref<16x128xi32, #tpu.memory_space<vmem>> -> memref<1x128xi32, #tpu.memory_space<vmem>>
        %dma_start3A_357 = tpu.memref_squeeze %dma_start3A_356 : memref<1x128xi32, #tpu.memory_space<vmem>> -> memref<128xi32, #tpu.memory_space<vmem>>
        %dma_start3A_358 = arith.constant 0 : i32
        %dma_start3A_359 = arith.constant 0 : i32
        %dma_start3A_360 = tpu.memref_slice %arg10[%dma_start3A_358, %dma_start3A_359] : memref<10240x128xf32, #tpu.memory_space<vmem_shared>> -> memref<10240x128xf32, #tpu.memory_space<vmem_shared>>
        tpu.enqueue_indirect_dma source(%dma_start3A_354 : memref<128x128xf32, #tpu.memory_space<vmem>>) target(%dma_start3A_360 : memref<10240x128xf32, #tpu.memory_space<vmem_shared>>) offsets(%dma_start3A_357 : memref<128xi32, #tpu.memory_space<vmem>>) semaphore(%run_scoped3A_351 : memref<!tpu.dma_semaphore, #tpu.memory_space<semaphore_mem>>) {add = true}
        %dma_wait3A_361 = arith.constant 128 : i32
        %dma_wait3A_362 = arith.constant 0 : i32
        %dma_wait3A_363 = tpu.memref_slice %arg9[%dma_wait3A_361, %dma_wait3A_362] : memref<256x128xf32, #tpu.memory_space<vmem>> -> memref<128x128xf32, #tpu.memory_space<vmem>>
        %dma_wait3A_364 = arith.constant 0 : i32
        %dma_wait3A_365 = tpu.memref_slice %arg8[%run_scoped3A_350, %dma_wait3A_364] : memref<16x128xi32, #tpu.memory_space<vmem>> -> memref<1x128xi32, #tpu.memory_space<vmem>>
        %dma_wait3A_366 = tpu.memref_squeeze %dma_wait3A_365 : memref<1x128xi32, #tpu.memory_space<vmem>> -> memref<128xi32, #tpu.memory_space<vmem>>
        %dma_wait3A_367 = arith.constant 0 : i32
        %dma_wait3A_368 = arith.constant 0 : i32
        %dma_wait3A_369 = tpu.memref_slice %arg10[%dma_wait3A_367, %dma_wait3A_368] : memref<10240x128xf32, #tpu.memory_space<vmem_shared>> -> memref<10240x128xf32, #tpu.memory_space<vmem_shared>>
        tpu.wait_indirect_dma semaphore(%run_scoped3A_351 : memref<!tpu.dma_semaphore, #tpu.memory_space<semaphore_mem>>) src(%dma_wait3A_363 : memref<128x128xf32, #tpu.memory_space<vmem>>) dst(%dma_wait3A_369 : memref<10240x128xf32, #tpu.memory_space<vmem_shared>>)
        tpu.yield
      }) : () -> ()
    }
    %scan3A_9 = arith.constant 5 : i32
    %barrier3A_10 = arith.constant 0 : index
    tpu.barrier barrier_id(%barrier3A_10)
    "tpu.region"() ({
      %run_scoped3A = tpu.sem_alloc : memref<!tpu.dma_semaphore, #tpu.memory_space<semaphore_mem>>
      %dma_start3A = arith.constant 0 : i32
      %dma_start3A_11 = tpu.memref_slice %arg6[%arg0, %mul3A_4, %dma_start3A] : memref<2x10240x128xf32, #tpu.memory_space<hbm>> -> memref<1x640x128xf32, #tpu.memory_space<hbm>>
      %dma_start3A_12 = tpu.memref_squeeze %dma_start3A_11 : memref<1x640x128xf32, #tpu.memory_space<hbm>> -> memref<640x128xf32, #tpu.memory_space<hbm>>
      %dma_start3A_13 = arith.constant 0 : i32
      %dma_start3A_14 = tpu.memref_slice %arg10[%mul3A_4, %dma_start3A_13] : memref<10240x128xf32, #tpu.memory_space<vmem_shared>> -> memref<640x128xf32, #tpu.memory_space<vmem_shared>>
      tpu.enqueue_dma source(%dma_start3A_14 : memref<640x128xf32, #tpu.memory_space<vmem_shared>>) target(%dma_start3A_12 : memref<640x128xf32, #tpu.memory_space<hbm>>) target_semaphore(%run_scoped3A : memref<!tpu.dma_semaphore, #tpu.memory_space<semaphore_mem>>)
      %dma_wait3A = arith.constant 0 : i32
      %dma_wait3A_15 = tpu.memref_slice %arg6[%arg0, %mul3A_4, %dma_wait3A] : memref<2x10240x128xf32, #tpu.memory_space<hbm>> -> memref<1x640x128xf32, #tpu.memory_space<hbm>>
      %dma_wait3A_16 = tpu.memref_squeeze %dma_wait3A_15 : memref<1x640x128xf32, #tpu.memory_space<hbm>> -> memref<640x128xf32, #tpu.memory_space<hbm>>
      %dma_wait3A_17 = arith.constant 0 : i32
      %dma_wait3A_18 = tpu.memref_slice %arg10[%mul3A_4, %dma_wait3A_17] : memref<10240x128xf32, #tpu.memory_space<vmem_shared>> -> memref<640x128xf32, #tpu.memory_space<vmem_shared>>
      tpu.wait_dma2 semaphore(%run_scoped3A : memref<!tpu.dma_semaphore, #tpu.memory_space<semaphore_mem>>) src(%dma_wait3A_18 : memref<640x128xf32, #tpu.memory_space<vmem_shared>>) dst(%dma_wait3A_16 : memref<640x128xf32, #tpu.memory_space<hbm>>)
      tpu.yield
    }) : () -> ()
    return
  }
}

#map = affine_map<(d0, d1) -> (0, 0)>
#map1 = affine_map<(d0, d1) -> (0, 0, 0)>
module attributes {stable_mosaic.version = 14 : i64} {
  func.func @_edge_body(%arg0: i32, %arg1: i32, %arg2: memref<40000x128xf32, #tpu.memory_space<hbm>>, %arg3: memref<2560x128xi32, #tpu.memory_space<hbm>>, %arg4: memref<2560x128xi32, #tpu.memory_space<hbm>>, %arg5: memref<640x128xf32, #tpu.memory_space<hbm>>, %arg6: memref<2x10240x128xf32, #tpu.memory_space<hbm>>, %arg7: memref<16x128xi32, #tpu.memory_space<vmem>>, %arg8: memref<16x128xi32, #tpu.memory_space<vmem>>, %arg9: memref<256x128xf32, #tpu.memory_space<vmem>>, %arg10: memref<10240x128xf32, #tpu.memory_space<vmem_shared>>, %arg11: memref<!tpu.dma_semaphore, #tpu.memory_space<semaphore_mem>>, %arg12: memref<!tpu.dma_semaphore, #tpu.memory_space<semaphore_mem>>) attributes {dimension_semantics = [#tpu.dimension_semantics<core_parallel>, #tpu.dimension_semantics<subcore_parallel>], iteration_bounds = array<i64: 2, 16>, scalar_prefetch = 0 : i64, scratch_operands = 6 : i64, tpu.core_type = #tpu.core_type<sc_vector_subcore>, window_params = [{transform_indices = #map}, {transform_indices = #map}, {transform_indices = #map}, {transform_indices = #map}, {transform_indices = #map1}]} {
    %mul3A = arith.constant 16 : i32
    %mul3A_0 = arith.muli %arg0, %mul3A : i32
    %add3A = arith.addi %mul3A_0, %arg1 : i32
    %mul3A_1 = arith.constant 80 : i32
    %mul3A_2 = arith.muli %add3A, %mul3A_1 : i32
    %mul3A_3 = arith.constant 640 : i32
    %mul3A_4 = arith.muli %arg1, %mul3A_3 : i32
    "tpu.region"() ({
      %run_scoped3A = tpu.sem_alloc : memref<!tpu.dma_semaphore, #tpu.memory_space<semaphore_mem>>
      %dma_start3A = arith.constant 0 : i32
      %dma_start3A_11 = tpu.memref_slice %arg10[%mul3A_4, %dma_start3A] : memref<10240x128xf32, #tpu.memory_space<vmem_shared>> -> memref<640x128xf32, #tpu.memory_space<vmem_shared>>
      tpu.enqueue_dma source(%arg5 : memref<640x128xf32, #tpu.memory_space<hbm>>) target(%dma_start3A_11 : memref<640x128xf32, #tpu.memory_space<vmem_shared>>) target_semaphore(%run_scoped3A : memref<!tpu.dma_semaphore, #tpu.memory_space<semaphore_mem>>)
      %dma_wait3A = arith.constant 0 : i32
      %dma_wait3A_12 = tpu.memref_slice %arg10[%mul3A_4, %dma_wait3A] : memref<10240x128xf32, #tpu.memory_space<vmem_shared>> -> memref<640x128xf32, #tpu.memory_space<vmem_shared>>
      tpu.wait_dma2 semaphore(%run_scoped3A : memref<!tpu.dma_semaphore, #tpu.memory_space<semaphore_mem>>) src(%arg5 : memref<640x128xf32, #tpu.memory_space<hbm>>) dst(%dma_wait3A_12 : memref<640x128xf32, #tpu.memory_space<vmem_shared>>)
      tpu.yield
    }) : () -> ()
    %barrier3A = arith.constant 0 : index
    tpu.barrier barrier_id(%barrier3A)
    %scan3A = arith.constant 0 : i32
    %scan3A_5 = arith.constant 0 : i32
    %scan3A_6 = arith.constant 5 : i32
    %scan3A_7 = arith.addi %scan3A_5, %scan3A_6 : i32
    %scan3A_8 = arith.constant 1 : i32
    scf.for %scan3A_11 = %scan3A_5 to %scan3A_7 step %scan3A_8  : i32 {
      %mul3A_12 = arith.constant 16 : i32
      %mul3A_13 = arith.muli %scan3A_11, %mul3A_12 : i32
      %add3A_14 = arith.addi %mul3A_2, %mul3A_13 : i32
      "tpu.region"() ({
        %run_scoped3A_351 = tpu.sem_alloc : memref<!tpu.dma_semaphore, #tpu.memory_space<semaphore_mem>>
        %dma_start3A_352 = arith.constant 0 : i32
        %dma_start3A_353 = tpu.memref_slice %arg3[%add3A_14, %dma_start3A_352] : memref<2560x128xi32, #tpu.memory_space<hbm>> -> memref<16x128xi32, #tpu.memory_space<hbm>>
        %dma_start3A_354 = arith.constant 0 : i32
        %dma_start3A_355 = tpu.memref_slice %arg3[%add3A_14, %dma_start3A_354] : memref<2560x128xi32, #tpu.memory_space<hbm>> -> memref<16x128xi32, #tpu.memory_space<hbm>>
        tpu.enqueue_dma source(%dma_start3A_355 : memref<16x128xi32, #tpu.memory_space<hbm>>) target(%arg7 : memref<16x128xi32, #tpu.memory_space<vmem>>) target_semaphore(%run_scoped3A_351 : memref<!tpu.dma_semaphore, #tpu.memory_space<semaphore_mem>>)
        %dma_wait3A_356 = arith.constant 0 : i32
        %dma_wait3A_357 = tpu.memref_slice %arg3[%add3A_14, %dma_wait3A_356] : memref<2560x128xi32, #tpu.memory_space<hbm>> -> memref<16x128xi32, #tpu.memory_space<hbm>>
        %dma_wait3A_358 = arith.constant 0 : i32
        %dma_wait3A_359 = tpu.memref_slice %arg3[%add3A_14, %dma_wait3A_358] : memref<2560x128xi32, #tpu.memory_space<hbm>> -> memref<16x128xi32, #tpu.memory_space<hbm>>
        tpu.wait_dma2 semaphore(%run_scoped3A_351 : memref<!tpu.dma_semaphore, #tpu.memory_space<semaphore_mem>>) src(%dma_wait3A_359 : memref<16x128xi32, #tpu.memory_space<hbm>>) dst(%arg7 : memref<16x128xi32, #tpu.memory_space<vmem>>)
        tpu.yield
      }) : () -> ()
      %mul3A_15 = arith.constant 16 : i32
      %mul3A_16 = arith.muli %scan3A_11, %mul3A_15 : i32
      %add3A_17 = arith.addi %mul3A_2, %mul3A_16 : i32
      "tpu.region"() ({
        %run_scoped3A_351 = tpu.sem_alloc : memref<!tpu.dma_semaphore, #tpu.memory_space<semaphore_mem>>
        %dma_start3A_352 = arith.constant 0 : i32
        %dma_start3A_353 = tpu.memref_slice %arg4[%add3A_17, %dma_start3A_352] : memref<2560x128xi32, #tpu.memory_space<hbm>> -> memref<16x128xi32, #tpu.memory_space<hbm>>
        %dma_start3A_354 = arith.constant 0 : i32
        %dma_start3A_355 = tpu.memref_slice %arg4[%add3A_17, %dma_start3A_354] : memref<2560x128xi32, #tpu.memory_space<hbm>> -> memref<16x128xi32, #tpu.memory_space<hbm>>
        tpu.enqueue_dma source(%dma_start3A_355 : memref<16x128xi32, #tpu.memory_space<hbm>>) target(%arg8 : memref<16x128xi32, #tpu.memory_space<vmem>>) target_semaphore(%run_scoped3A_351 : memref<!tpu.dma_semaphore, #tpu.memory_space<semaphore_mem>>)
        %dma_wait3A_356 = arith.constant 0 : i32
        %dma_wait3A_357 = tpu.memref_slice %arg4[%add3A_17, %dma_wait3A_356] : memref<2560x128xi32, #tpu.memory_space<hbm>> -> memref<16x128xi32, #tpu.memory_space<hbm>>
        %dma_wait3A_358 = arith.constant 0 : i32
        %dma_wait3A_359 = tpu.memref_slice %arg4[%add3A_17, %dma_wait3A_358] : memref<2560x128xi32, #tpu.memory_space<hbm>> -> memref<16x128xi32, #tpu.memory_space<hbm>>
        tpu.wait_dma2 semaphore(%run_scoped3A_351 : memref<!tpu.dma_semaphore, #tpu.memory_space<semaphore_mem>>) src(%dma_wait3A_359 : memref<16x128xi32, #tpu.memory_space<hbm>>) dst(%arg8 : memref<16x128xi32, #tpu.memory_space<vmem>>)
        tpu.yield
      }) : () -> ()
      %dma_start3A = arith.constant 0 : i32
      %dma_start3A_18 = arith.constant 0 : i32
      %dma_start3A_19 = arith.constant 0 : i32
      %dma_start3A_20 = tpu.memref_slice %arg9[%dma_start3A_18, %dma_start3A_19] : memref<256x128xf32, #tpu.memory_space<vmem>> -> memref<128x128xf32, #tpu.memory_space<vmem>>
      %dma_start3A_21 = arith.constant 0 : i32
      %dma_start3A_22 = tpu.memref_slice %arg7[%dma_start3A, %dma_start3A_21] : memref<16x128xi32, #tpu.memory_space<vmem>> -> memref<1x128xi32, #tpu.memory_space<vmem>>
      %dma_start3A_23 = tpu.memref_squeeze %dma_start3A_22 : memref<1x128xi32, #tpu.memory_space<vmem>> -> memref<128xi32, #tpu.memory_space<vmem>>
      %dma_start3A_24 = arith.constant 0 : i32
      %dma_start3A_25 = arith.constant 0 : i32
      %dma_start3A_26 = tpu.memref_slice %arg2[%dma_start3A_24, %dma_start3A_25] : memref<40000x128xf32, #tpu.memory_space<hbm>> -> memref<40000x128xf32, #tpu.memory_space<hbm>>
      tpu.enqueue_indirect_dma source(%dma_start3A_26 : memref<40000x128xf32, #tpu.memory_space<hbm>>) target(%dma_start3A_20 : memref<128x128xf32, #tpu.memory_space<vmem>>) offsets(%dma_start3A_23 : memref<128xi32, #tpu.memory_space<vmem>>) semaphore(%arg11 : memref<!tpu.dma_semaphore, #tpu.memory_space<semaphore_mem>>)
      %dma_start3A_27 = arith.constant 1 : i32
      %dma_start3A_28 = arith.constant 128 : i32
      %dma_start3A_29 = arith.constant 0 : i32
      %dma_start3A_30 = tpu.memref_slice %arg9[%dma_start3A_28, %dma_start3A_29] : memref<256x128xf32, #tpu.memory_space<vmem>> -> memref<128x128xf32, #tpu.memory_space<vmem>>
      %dma_start3A_31 = arith.constant 0 : i32
      %dma_start3A_32 = tpu.memref_slice %arg7[%dma_start3A_27, %dma_start3A_31] : memref<16x128xi32, #tpu.memory_space<vmem>> -> memref<1x128xi32, #tpu.memory_space<vmem>>
      %dma_start3A_33 = tpu.memref_squeeze %dma_start3A_32 : memref<1x128xi32, #tpu.memory_space<vmem>> -> memref<128xi32, #tpu.memory_space<vmem>>
      %dma_start3A_34 = arith.constant 0 : i32
      %dma_start3A_35 = arith.constant 0 : i32
      %dma_start3A_36 = tpu.memref_slice %arg2[%dma_start3A_34, %dma_start3A_35] : memref<40000x128xf32, #tpu.memory_space<hbm>> -> memref<40000x128xf32, #tpu.memory_space<hbm>>
      tpu.enqueue_indirect_dma source(%dma_start3A_36 : memref<40000x128xf32, #tpu.memory_space<hbm>>) target(%dma_start3A_30 : memref<128x128xf32, #tpu.memory_space<vmem>>) offsets(%dma_start3A_33 : memref<128xi32, #tpu.memory_space<vmem>>) semaphore(%arg12 : memref<!tpu.dma_semaphore, #tpu.memory_space<semaphore_mem>>)
      %dma_wait3A = arith.constant 0 : i32
      %dma_wait3A_37 = arith.constant 0 : i32
      %dma_wait3A_38 = arith.constant 0 : i32
      %dma_wait3A_39 = tpu.memref_slice %arg9[%dma_wait3A_37, %dma_wait3A_38] : memref<256x128xf32, #tpu.memory_space<vmem>> -> memref<128x128xf32, #tpu.memory_space<vmem>>
      %dma_wait3A_40 = arith.constant 0 : i32
      %dma_wait3A_41 = tpu.memref_slice %arg7[%dma_wait3A, %dma_wait3A_40] : memref<16x128xi32, #tpu.memory_space<vmem>> -> memref<1x128xi32, #tpu.memory_space<vmem>>
      %dma_wait3A_42 = tpu.memref_squeeze %dma_wait3A_41 : memref<1x128xi32, #tpu.memory_space<vmem>> -> memref<128xi32, #tpu.memory_space<vmem>>
      %dma_wait3A_43 = arith.constant 0 : i32
      %dma_wait3A_44 = arith.constant 0 : i32
      %dma_wait3A_45 = tpu.memref_slice %arg2[%dma_wait3A_43, %dma_wait3A_44] : memref<40000x128xf32, #tpu.memory_space<hbm>> -> memref<40000x128xf32, #tpu.memory_space<hbm>>
      tpu.wait_indirect_dma semaphore(%arg11 : memref<!tpu.dma_semaphore, #tpu.memory_space<semaphore_mem>>) src(%dma_wait3A_45 : memref<40000x128xf32, #tpu.memory_space<hbm>>) dst(%dma_wait3A_39 : memref<128x128xf32, #tpu.memory_space<vmem>>)
      %run_scoped3A = arith.constant 0 : i32
      "tpu.region"() ({
        %run_scoped3A_351 = tpu.sem_alloc : memref<!tpu.dma_semaphore, #tpu.memory_space<semaphore_mem>>
        %dma_start3A_352 = arith.constant 0 : i32
        %dma_start3A_353 = arith.constant 0 : i32
        %dma_start3A_354 = tpu.memref_slice %arg9[%dma_start3A_352, %dma_start3A_353] : memref<256x128xf32, #tpu.memory_space<vmem>> -> memref<128x128xf32, #tpu.memory_space<vmem>>
        %dma_start3A_355 = arith.constant 0 : i32
        %dma_start3A_356 = tpu.memref_slice %arg8[%run_scoped3A, %dma_start3A_355] : memref<16x128xi32, #tpu.memory_space<vmem>> -> memref<1x128xi32, #tpu.memory_space<vmem>>
        %dma_start3A_357 = tpu.memref_squeeze %dma_start3A_356 : memref<1x128xi32, #tpu.memory_space<vmem>> -> memref<128xi32, #tpu.memory_space<vmem>>
        %dma_start3A_358 = arith.constant 0 : i32
        %dma_start3A_359 = arith.constant 0 : i32
        %dma_start3A_360 = tpu.memref_slice %arg10[%dma_start3A_358, %dma_start3A_359] : memref<10240x128xf32, #tpu.memory_space<vmem_shared>> -> memref<10240x128xf32, #tpu.memory_space<vmem_shared>>
        tpu.enqueue_indirect_dma source(%dma_start3A_354 : memref<128x128xf32, #tpu.memory_space<vmem>>) target(%dma_start3A_360 : memref<10240x128xf32, #tpu.memory_space<vmem_shared>>) offsets(%dma_start3A_357 : memref<128xi32, #tpu.memory_space<vmem>>) semaphore(%run_scoped3A_351 : memref<!tpu.dma_semaphore, #tpu.memory_space<semaphore_mem>>) {add = true}
        %dma_wait3A_361 = arith.constant 0 : i32
        %dma_wait3A_362 = arith.constant 0 : i32
        %dma_wait3A_363 = tpu.memref_slice %arg9[%dma_wait3A_361, %dma_wait3A_362] : memref<256x128xf32, #tpu.memory_space<vmem>> -> memref<128x128xf32, #tpu.memory_space<vmem>>
        %dma_wait3A_364 = arith.constant 0 : i32
        %dma_wait3A_365 = tpu.memref_slice %arg8[%run_scoped3A, %dma_wait3A_364] : memref<16x128xi32, #tpu.memory_space<vmem>> -> memref<1x128xi32, #tpu.memory_space<vmem>>
        %dma_wait3A_366 = tpu.memref_squeeze %dma_wait3A_365 : memref<1x128xi32, #tpu.memory_space<vmem>> -> memref<128xi32, #tpu.memory_space<vmem>>
        %dma_wait3A_367 = arith.constant 0 : i32
        %dma_wait3A_368 = arith.constant 0 : i32
        %dma_wait3A_369 = tpu.memref_slice %arg10[%dma_wait3A_367, %dma_wait3A_368] : memref<10240x128xf32, #tpu.memory_space<vmem_shared>> -> memref<10240x128xf32, #tpu.memory_space<vmem_shared>>
        tpu.wait_indirect_dma semaphore(%run_scoped3A_351 : memref<!tpu.dma_semaphore, #tpu.memory_space<semaphore_mem>>) src(%dma_wait3A_363 : memref<128x128xf32, #tpu.memory_space<vmem>>) dst(%dma_wait3A_369 : memref<10240x128xf32, #tpu.memory_space<vmem_shared>>)
        tpu.yield
      }) : () -> ()
      %dma_start3A_46 = arith.constant 2 : i32
      %dma_start3A_47 = arith.constant 0 : i32
      %dma_start3A_48 = arith.constant 0 : i32
      %dma_start3A_49 = tpu.memref_slice %arg9[%dma_start3A_47, %dma_start3A_48] : memref<256x128xf32, #tpu.memory_space<vmem>> -> memref<128x128xf32, #tpu.memory_space<vmem>>
      %dma_start3A_50 = arith.constant 0 : i32
      %dma_start3A_51 = tpu.memref_slice %arg7[%dma_start3A_46, %dma_start3A_50] : memref<16x128xi32, #tpu.memory_space<vmem>> -> memref<1x128xi32, #tpu.memory_space<vmem>>
      %dma_start3A_52 = tpu.memref_squeeze %dma_start3A_51 : memref<1x128xi32, #tpu.memory_space<vmem>> -> memref<128xi32, #tpu.memory_space<vmem>>
      %dma_start3A_53 = arith.constant 0 : i32
      %dma_start3A_54 = arith.constant 0 : i32
      %dma_start3A_55 = tpu.memref_slice %arg2[%dma_start3A_53, %dma_start3A_54] : memref<40000x128xf32, #tpu.memory_space<hbm>> -> memref<40000x128xf32, #tpu.memory_space<hbm>>
      tpu.enqueue_indirect_dma source(%dma_start3A_55 : memref<40000x128xf32, #tpu.memory_space<hbm>>) target(%dma_start3A_49 : memref<128x128xf32, #tpu.memory_space<vmem>>) offsets(%dma_start3A_52 : memref<128xi32, #tpu.memory_space<vmem>>) semaphore(%arg11 : memref<!tpu.dma_semaphore, #tpu.memory_space<semaphore_mem>>)
      %dma_wait3A_56 = arith.constant 1 : i32
      %dma_wait3A_57 = arith.constant 128 : i32
      %dma_wait3A_58 = arith.constant 0 : i32
      %dma_wait3A_59 = tpu.memref_slice %arg9[%dma_wait3A_57, %dma_wait3A_58] : memref<256x128xf32, #tpu.memory_space<vmem>> -> memref<128x128xf32, #tpu.memory_space<vmem>>
      %dma_wait3A_60 = arith.constant 0 : i32
      %dma_wait3A_61 = tpu.memref_slice %arg7[%dma_wait3A_56, %dma_wait3A_60] : memref<16x128xi32, #tpu.memory_space<vmem>> -> memref<1x128xi32, #tpu.memory_space<vmem>>
      %dma_wait3A_62 = tpu.memref_squeeze %dma_wait3A_61 : memref<1x128xi32, #tpu.memory_space<vmem>> -> memref<128xi32, #tpu.memory_space<vmem>>
      %dma_wait3A_63 = arith.constant 0 : i32
      %dma_wait3A_64 = arith.constant 0 : i32
      %dma_wait3A_65 = tpu.memref_slice %arg2[%dma_wait3A_63, %dma_wait3A_64] : memref<40000x128xf32, #tpu.memory_space<hbm>> -> memref<40000x128xf32, #tpu.memory_space<hbm>>
      tpu.wait_indirect_dma semaphore(%arg12 : memref<!tpu.dma_semaphore, #tpu.memory_space<semaphore_mem>>) src(%dma_wait3A_65 : memref<40000x128xf32, #tpu.memory_space<hbm>>) dst(%dma_wait3A_59 : memref<128x128xf32, #tpu.memory_space<vmem>>)
      %run_scoped3A_66 = arith.constant 1 : i32
      "tpu.region"() ({
        %run_scoped3A_351 = tpu.sem_alloc : memref<!tpu.dma_semaphore, #tpu.memory_space<semaphore_mem>>
        %dma_start3A_352 = arith.constant 128 : i32
        %dma_start3A_353 = arith.constant 0 : i32
        %dma_start3A_354 = tpu.memref_slice %arg9[%dma_start3A_352, %dma_start3A_353] : memref<256x128xf32, #tpu.memory_space<vmem>> -> memref<128x128xf32, #tpu.memory_space<vmem>>
        %dma_start3A_355 = arith.constant 0 : i32
        %dma_start3A_356 = tpu.memref_slice %arg8[%run_scoped3A_66, %dma_start3A_355] : memref<16x128xi32, #tpu.memory_space<vmem>> -> memref<1x128xi32, #tpu.memory_space<vmem>>
        %dma_start3A_357 = tpu.memref_squeeze %dma_start3A_356 : memref<1x128xi32, #tpu.memory_space<vmem>> -> memref<128xi32, #tpu.memory_space<vmem>>
        %dma_start3A_358 = arith.constant 0 : i32
        %dma_start3A_359 = arith.constant 0 : i32
        %dma_start3A_360 = tpu.memref_slice %arg10[%dma_start3A_358, %dma_start3A_359] : memref<10240x128xf32, #tpu.memory_space<vmem_shared>> -> memref<10240x128xf32, #tpu.memory_space<vmem_shared>>
        tpu.enqueue_indirect_dma source(%dma_start3A_354 : memref<128x128xf32, #tpu.memory_space<vmem>>) target(%dma_start3A_360 : memref<10240x128xf32, #tpu.memory_space<vmem_shared>>) offsets(%dma_start3A_357 : memref<128xi32, #tpu.memory_space<vmem>>) semaphore(%run_scoped3A_351 : memref<!tpu.dma_semaphore, #tpu.memory_space<semaphore_mem>>) {add = true}
        %dma_wait3A_361 = arith.constant 128 : i32
        %dma_wait3A_362 = arith.constant 0 : i32
        %dma_wait3A_363 = tpu.memref_slice %arg9[%dma_wait3A_361, %dma_wait3A_362] : memref<256x128xf32, #tpu.memory_space<vmem>> -> memref<128x128xf32, #tpu.memory_space<vmem>>
        %dma_wait3A_364 = arith.constant 0 : i32
        %dma_wait3A_365 = tpu.memref_slice %arg8[%run_scoped3A_66, %dma_wait3A_364] : memref<16x128xi32, #tpu.memory_space<vmem>> -> memref<1x128xi32, #tpu.memory_space<vmem>>
        %dma_wait3A_366 = tpu.memref_squeeze %dma_wait3A_365 : memref<1x128xi32, #tpu.memory_space<vmem>> -> memref<128xi32, #tpu.memory_space<vmem>>
        %dma_wait3A_367 = arith.constant 0 : i32
        %dma_wait3A_368 = arith.constant 0 : i32
        %dma_wait3A_369 = tpu.memref_slice %arg10[%dma_wait3A_367, %dma_wait3A_368] : memref<10240x128xf32, #tpu.memory_space<vmem_shared>> -> memref<10240x128xf32, #tpu.memory_space<vmem_shared>>
        tpu.wait_indirect_dma semaphore(%run_scoped3A_351 : memref<!tpu.dma_semaphore, #tpu.memory_space<semaphore_mem>>) src(%dma_wait3A_363 : memref<128x128xf32, #tpu.memory_space<vmem>>) dst(%dma_wait3A_369 : memref<10240x128xf32, #tpu.memory_space<vmem_shared>>)
        tpu.yield
      }) : () -> ()
      %dma_start3A_67 = arith.constant 3 : i32
      %dma_start3A_68 = arith.constant 128 : i32
      %dma_start3A_69 = arith.constant 0 : i32
      %dma_start3A_70 = tpu.memref_slice %arg9[%dma_start3A_68, %dma_start3A_69] : memref<256x128xf32, #tpu.memory_space<vmem>> -> memref<128x128xf32, #tpu.memory_space<vmem>>
      %dma_start3A_71 = arith.constant 0 : i32
      %dma_start3A_72 = tpu.memref_slice %arg7[%dma_start3A_67, %dma_start3A_71] : memref<16x128xi32, #tpu.memory_space<vmem>> -> memref<1x128xi32, #tpu.memory_space<vmem>>
      %dma_start3A_73 = tpu.memref_squeeze %dma_start3A_72 : memref<1x128xi32, #tpu.memory_space<vmem>> -> memref<128xi32, #tpu.memory_space<vmem>>
      %dma_start3A_74 = arith.constant 0 : i32
      %dma_start3A_75 = arith.constant 0 : i32
      %dma_start3A_76 = tpu.memref_slice %arg2[%dma_start3A_74, %dma_start3A_75] : memref<40000x128xf32, #tpu.memory_space<hbm>> -> memref<40000x128xf32, #tpu.memory_space<hbm>>
      tpu.enqueue_indirect_dma source(%dma_start3A_76 : memref<40000x128xf32, #tpu.memory_space<hbm>>) target(%dma_start3A_70 : memref<128x128xf32, #tpu.memory_space<vmem>>) offsets(%dma_start3A_73 : memref<128xi32, #tpu.memory_space<vmem>>) semaphore(%arg12 : memref<!tpu.dma_semaphore, #tpu.memory_space<semaphore_mem>>)
      %dma_wait3A_77 = arith.constant 2 : i32
      %dma_wait3A_78 = arith.constant 0 : i32
      %dma_wait3A_79 = arith.constant 0 : i32
      %dma_wait3A_80 = tpu.memref_slice %arg9[%dma_wait3A_78, %dma_wait3A_79] : memref<256x128xf32, #tpu.memory_space<vmem>> -> memref<128x128xf32, #tpu.memory_space<vmem>>
      %dma_wait3A_81 = arith.constant 0 : i32
      %dma_wait3A_82 = tpu.memref_slice %arg7[%dma_wait3A_77, %dma_wait3A_81] : memref<16x128xi32, #tpu.memory_space<vmem>> -> memref<1x128xi32, #tpu.memory_space<vmem>>
      %dma_wait3A_83 = tpu.memref_squeeze %dma_wait3A_82 : memref<1x128xi32, #tpu.memory_space<vmem>> -> memref<128xi32, #tpu.memory_space<vmem>>
      %dma_wait3A_84 = arith.constant 0 : i32
      %dma_wait3A_85 = arith.constant 0 : i32
      %dma_wait3A_86 = tpu.memref_slice %arg2[%dma_wait3A_84, %dma_wait3A_85] : memref<40000x128xf32, #tpu.memory_space<hbm>> -> memref<40000x128xf32, #tpu.memory_space<hbm>>
      tpu.wait_indirect_dma semaphore(%arg11 : memref<!tpu.dma_semaphore, #tpu.memory_space<semaphore_mem>>) src(%dma_wait3A_86 : memref<40000x128xf32, #tpu.memory_space<hbm>>) dst(%dma_wait3A_80 : memref<128x128xf32, #tpu.memory_space<vmem>>)
      %run_scoped3A_87 = arith.constant 2 : i32
      "tpu.region"() ({
        %run_scoped3A_351 = tpu.sem_alloc : memref<!tpu.dma_semaphore, #tpu.memory_space<semaphore_mem>>
        %dma_start3A_352 = arith.constant 0 : i32
        %dma_start3A_353 = arith.constant 0 : i32
        %dma_start3A_354 = tpu.memref_slice %arg9[%dma_start3A_352, %dma_start3A_353] : memref<256x128xf32, #tpu.memory_space<vmem>> -> memref<128x128xf32, #tpu.memory_space<vmem>>
        %dma_start3A_355 = arith.constant 0 : i32
        %dma_start3A_356 = tpu.memref_slice %arg8[%run_scoped3A_87, %dma_start3A_355] : memref<16x128xi32, #tpu.memory_space<vmem>> -> memref<1x128xi32, #tpu.memory_space<vmem>>
        %dma_start3A_357 = tpu.memref_squeeze %dma_start3A_356 : memref<1x128xi32, #tpu.memory_space<vmem>> -> memref<128xi32, #tpu.memory_space<vmem>>
        %dma_start3A_358 = arith.constant 0 : i32
        %dma_start3A_359 = arith.constant 0 : i32
        %dma_start3A_360 = tpu.memref_slice %arg10[%dma_start3A_358, %dma_start3A_359] : memref<10240x128xf32, #tpu.memory_space<vmem_shared>> -> memref<10240x128xf32, #tpu.memory_space<vmem_shared>>
        tpu.enqueue_indirect_dma source(%dma_start3A_354 : memref<128x128xf32, #tpu.memory_space<vmem>>) target(%dma_start3A_360 : memref<10240x128xf32, #tpu.memory_space<vmem_shared>>) offsets(%dma_start3A_357 : memref<128xi32, #tpu.memory_space<vmem>>) semaphore(%run_scoped3A_351 : memref<!tpu.dma_semaphore, #tpu.memory_space<semaphore_mem>>) {add = true}
        %dma_wait3A_361 = arith.constant 0 : i32
        %dma_wait3A_362 = arith.constant 0 : i32
        %dma_wait3A_363 = tpu.memref_slice %arg9[%dma_wait3A_361, %dma_wait3A_362] : memref<256x128xf32, #tpu.memory_space<vmem>> -> memref<128x128xf32, #tpu.memory_space<vmem>>
        %dma_wait3A_364 = arith.constant 0 : i32
        %dma_wait3A_365 = tpu.memref_slice %arg8[%run_scoped3A_87, %dma_wait3A_364] : memref<16x128xi32, #tpu.memory_space<vmem>> -> memref<1x128xi32, #tpu.memory_space<vmem>>
        %dma_wait3A_366 = tpu.memref_squeeze %dma_wait3A_365 : memref<1x128xi32, #tpu.memory_space<vmem>> -> memref<128xi32, #tpu.memory_space<vmem>>
        %dma_wait3A_367 = arith.constant 0 : i32
        %dma_wait3A_368 = arith.constant 0 : i32
        %dma_wait3A_369 = tpu.memref_slice %arg10[%dma_wait3A_367, %dma_wait3A_368] : memref<10240x128xf32, #tpu.memory_space<vmem_shared>> -> memref<10240x128xf32, #tpu.memory_space<vmem_shared>>
        tpu.wait_indirect_dma semaphore(%run_scoped3A_351 : memref<!tpu.dma_semaphore, #tpu.memory_space<semaphore_mem>>) src(%dma_wait3A_363 : memref<128x128xf32, #tpu.memory_space<vmem>>) dst(%dma_wait3A_369 : memref<10240x128xf32, #tpu.memory_space<vmem_shared>>)
        tpu.yield
      }) : () -> ()
      %dma_start3A_88 = arith.constant 4 : i32
      %dma_start3A_89 = arith.constant 0 : i32
      %dma_start3A_90 = arith.constant 0 : i32
      %dma_start3A_91 = tpu.memref_slice %arg9[%dma_start3A_89, %dma_start3A_90] : memref<256x128xf32, #tpu.memory_space<vmem>> -> memref<128x128xf32, #tpu.memory_space<vmem>>
      %dma_start3A_92 = arith.constant 0 : i32
      %dma_start3A_93 = tpu.memref_slice %arg7[%dma_start3A_88, %dma_start3A_92] : memref<16x128xi32, #tpu.memory_space<vmem>> -> memref<1x128xi32, #tpu.memory_space<vmem>>
      %dma_start3A_94 = tpu.memref_squeeze %dma_start3A_93 : memref<1x128xi32, #tpu.memory_space<vmem>> -> memref<128xi32, #tpu.memory_space<vmem>>
      %dma_start3A_95 = arith.constant 0 : i32
      %dma_start3A_96 = arith.constant 0 : i32
      %dma_start3A_97 = tpu.memref_slice %arg2[%dma_start3A_95, %dma_start3A_96] : memref<40000x128xf32, #tpu.memory_space<hbm>> -> memref<40000x128xf32, #tpu.memory_space<hbm>>
      tpu.enqueue_indirect_dma source(%dma_start3A_97 : memref<40000x128xf32, #tpu.memory_space<hbm>>) target(%dma_start3A_91 : memref<128x128xf32, #tpu.memory_space<vmem>>) offsets(%dma_start3A_94 : memref<128xi32, #tpu.memory_space<vmem>>) semaphore(%arg11 : memref<!tpu.dma_semaphore, #tpu.memory_space<semaphore_mem>>)
      %dma_wait3A_98 = arith.constant 3 : i32
      %dma_wait3A_99 = arith.constant 128 : i32
      %dma_wait3A_100 = arith.constant 0 : i32
      %dma_wait3A_101 = tpu.memref_slice %arg9[%dma_wait3A_99, %dma_wait3A_100] : memref<256x128xf32, #tpu.memory_space<vmem>> -> memref<128x128xf32, #tpu.memory_space<vmem>>
      %dma_wait3A_102 = arith.constant 0 : i32
      %dma_wait3A_103 = tpu.memref_slice %arg7[%dma_wait3A_98, %dma_wait3A_102] : memref<16x128xi32, #tpu.memory_space<vmem>> -> memref<1x128xi32, #tpu.memory_space<vmem>>
      %dma_wait3A_104 = tpu.memref_squeeze %dma_wait3A_103 : memref<1x128xi32, #tpu.memory_space<vmem>> -> memref<128xi32, #tpu.memory_space<vmem>>
      %dma_wait3A_105 = arith.constant 0 : i32
      %dma_wait3A_106 = arith.constant 0 : i32
      %dma_wait3A_107 = tpu.memref_slice %arg2[%dma_wait3A_105, %dma_wait3A_106] : memref<40000x128xf32, #tpu.memory_space<hbm>> -> memref<40000x128xf32, #tpu.memory_space<hbm>>
      tpu.wait_indirect_dma semaphore(%arg12 : memref<!tpu.dma_semaphore, #tpu.memory_space<semaphore_mem>>) src(%dma_wait3A_107 : memref<40000x128xf32, #tpu.memory_space<hbm>>) dst(%dma_wait3A_101 : memref<128x128xf32, #tpu.memory_space<vmem>>)
      %run_scoped3A_108 = arith.constant 3 : i32
      "tpu.region"() ({
        %run_scoped3A_351 = tpu.sem_alloc : memref<!tpu.dma_semaphore, #tpu.memory_space<semaphore_mem>>
        %dma_start3A_352 = arith.constant 128 : i32
        %dma_start3A_353 = arith.constant 0 : i32
        %dma_start3A_354 = tpu.memref_slice %arg9[%dma_start3A_352, %dma_start3A_353] : memref<256x128xf32, #tpu.memory_space<vmem>> -> memref<128x128xf32, #tpu.memory_space<vmem>>
        %dma_start3A_355 = arith.constant 0 : i32
        %dma_start3A_356 = tpu.memref_slice %arg8[%run_scoped3A_108, %dma_start3A_355] : memref<16x128xi32, #tpu.memory_space<vmem>> -> memref<1x128xi32, #tpu.memory_space<vmem>>
        %dma_start3A_357 = tpu.memref_squeeze %dma_start3A_356 : memref<1x128xi32, #tpu.memory_space<vmem>> -> memref<128xi32, #tpu.memory_space<vmem>>
        %dma_start3A_358 = arith.constant 0 : i32
        %dma_start3A_359 = arith.constant 0 : i32
        %dma_start3A_360 = tpu.memref_slice %arg10[%dma_start3A_358, %dma_start3A_359] : memref<10240x128xf32, #tpu.memory_space<vmem_shared>> -> memref<10240x128xf32, #tpu.memory_space<vmem_shared>>
        tpu.enqueue_indirect_dma source(%dma_start3A_354 : memref<128x128xf32, #tpu.memory_space<vmem>>) target(%dma_start3A_360 : memref<10240x128xf32, #tpu.memory_space<vmem_shared>>) offsets(%dma_start3A_357 : memref<128xi32, #tpu.memory_space<vmem>>) semaphore(%run_scoped3A_351 : memref<!tpu.dma_semaphore, #tpu.memory_space<semaphore_mem>>) {add = true}
        %dma_wait3A_361 = arith.constant 128 : i32
        %dma_wait3A_362 = arith.constant 0 : i32
        %dma_wait3A_363 = tpu.memref_slice %arg9[%dma_wait3A_361, %dma_wait3A_362] : memref<256x128xf32, #tpu.memory_space<vmem>> -> memref<128x128xf32, #tpu.memory_space<vmem>>
        %dma_wait3A_364 = arith.constant 0 : i32
        %dma_wait3A_365 = tpu.memref_slice %arg8[%run_scoped3A_108, %dma_wait3A_364] : memref<16x128xi32, #tpu.memory_space<vmem>> -> memref<1x128xi32, #tpu.memory_space<vmem>>
        %dma_wait3A_366 = tpu.memref_squeeze %dma_wait3A_365 : memref<1x128xi32, #tpu.memory_space<vmem>> -> memref<128xi32, #tpu.memory_space<vmem>>
        %dma_wait3A_367 = arith.constant 0 : i32
        %dma_wait3A_368 = arith.constant 0 : i32
        %dma_wait3A_369 = tpu.memref_slice %arg10[%dma_wait3A_367, %dma_wait3A_368] : memref<10240x128xf32, #tpu.memory_space<vmem_shared>> -> memref<10240x128xf32, #tpu.memory_space<vmem_shared>>
        tpu.wait_indirect_dma semaphore(%run_scoped3A_351 : memref<!tpu.dma_semaphore, #tpu.memory_space<semaphore_mem>>) src(%dma_wait3A_363 : memref<128x128xf32, #tpu.memory_space<vmem>>) dst(%dma_wait3A_369 : memref<10240x128xf32, #tpu.memory_space<vmem_shared>>)
        tpu.yield
      }) : () -> ()
      %dma_start3A_109 = arith.constant 5 : i32
      %dma_start3A_110 = arith.constant 128 : i32
      %dma_start3A_111 = arith.constant 0 : i32
      %dma_start3A_112 = tpu.memref_slice %arg9[%dma_start3A_110, %dma_start3A_111] : memref<256x128xf32, #tpu.memory_space<vmem>> -> memref<128x128xf32, #tpu.memory_space<vmem>>
      %dma_start3A_113 = arith.constant 0 : i32
      %dma_start3A_114 = tpu.memref_slice %arg7[%dma_start3A_109, %dma_start3A_113] : memref<16x128xi32, #tpu.memory_space<vmem>> -> memref<1x128xi32, #tpu.memory_space<vmem>>
      %dma_start3A_115 = tpu.memref_squeeze %dma_start3A_114 : memref<1x128xi32, #tpu.memory_space<vmem>> -> memref<128xi32, #tpu.memory_space<vmem>>
      %dma_start3A_116 = arith.constant 0 : i32
      %dma_start3A_117 = arith.constant 0 : i32
      %dma_start3A_118 = tpu.memref_slice %arg2[%dma_start3A_116, %dma_start3A_117] : memref<40000x128xf32, #tpu.memory_space<hbm>> -> memref<40000x128xf32, #tpu.memory_space<hbm>>
      tpu.enqueue_indirect_dma source(%dma_start3A_118 : memref<40000x128xf32, #tpu.memory_space<hbm>>) target(%dma_start3A_112 : memref<128x128xf32, #tpu.memory_space<vmem>>) offsets(%dma_start3A_115 : memref<128xi32, #tpu.memory_space<vmem>>) semaphore(%arg12 : memref<!tpu.dma_semaphore, #tpu.memory_space<semaphore_mem>>)
      %dma_wait3A_119 = arith.constant 4 : i32
      %dma_wait3A_120 = arith.constant 0 : i32
      %dma_wait3A_121 = arith.constant 0 : i32
      %dma_wait3A_122 = tpu.memref_slice %arg9[%dma_wait3A_120, %dma_wait3A_121] : memref<256x128xf32, #tpu.memory_space<vmem>> -> memref<128x128xf32, #tpu.memory_space<vmem>>
      %dma_wait3A_123 = arith.constant 0 : i32
      %dma_wait3A_124 = tpu.memref_slice %arg7[%dma_wait3A_119, %dma_wait3A_123] : memref<16x128xi32, #tpu.memory_space<vmem>> -> memref<1x128xi32, #tpu.memory_space<vmem>>
      %dma_wait3A_125 = tpu.memref_squeeze %dma_wait3A_124 : memref<1x128xi32, #tpu.memory_space<vmem>> -> memref<128xi32, #tpu.memory_space<vmem>>
      %dma_wait3A_126 = arith.constant 0 : i32
      %dma_wait3A_127 = arith.constant 0 : i32
      %dma_wait3A_128 = tpu.memref_slice %arg2[%dma_wait3A_126, %dma_wait3A_127] : memref<40000x128xf32, #tpu.memory_space<hbm>> -> memref<40000x128xf32, #tpu.memory_space<hbm>>
      tpu.wait_indirect_dma semaphore(%arg11 : memref<!tpu.dma_semaphore, #tpu.memory_space<semaphore_mem>>) src(%dma_wait3A_128 : memref<40000x128xf32, #tpu.memory_space<hbm>>) dst(%dma_wait3A_122 : memref<128x128xf32, #tpu.memory_space<vmem>>)
      %run_scoped3A_129 = arith.constant 4 : i32
      "tpu.region"() ({
        %run_scoped3A_351 = tpu.sem_alloc : memref<!tpu.dma_semaphore, #tpu.memory_space<semaphore_mem>>
        %dma_start3A_352 = arith.constant 0 : i32
        %dma_start3A_353 = arith.constant 0 : i32
        %dma_start3A_354 = tpu.memref_slice %arg9[%dma_start3A_352, %dma_start3A_353] : memref<256x128xf32, #tpu.memory_space<vmem>> -> memref<128x128xf32, #tpu.memory_space<vmem>>
        %dma_start3A_355 = arith.constant 0 : i32
        %dma_start3A_356 = tpu.memref_slice %arg8[%run_scoped3A_129, %dma_start3A_355] : memref<16x128xi32, #tpu.memory_space<vmem>> -> memref<1x128xi32, #tpu.memory_space<vmem>>
        %dma_start3A_357 = tpu.memref_squeeze %dma_start3A_356 : memref<1x128xi32, #tpu.memory_space<vmem>> -> memref<128xi32, #tpu.memory_space<vmem>>
        %dma_start3A_358 = arith.constant 0 : i32
        %dma_start3A_359 = arith.constant 0 : i32
        %dma_start3A_360 = tpu.memref_slice %arg10[%dma_start3A_358, %dma_start3A_359] : memref<10240x128xf32, #tpu.memory_space<vmem_shared>> -> memref<10240x128xf32, #tpu.memory_space<vmem_shared>>
        tpu.enqueue_indirect_dma source(%dma_start3A_354 : memref<128x128xf32, #tpu.memory_space<vmem>>) target(%dma_start3A_360 : memref<10240x128xf32, #tpu.memory_space<vmem_shared>>) offsets(%dma_start3A_357 : memref<128xi32, #tpu.memory_space<vmem>>) semaphore(%run_scoped3A_351 : memref<!tpu.dma_semaphore, #tpu.memory_space<semaphore_mem>>) {add = true}
        %dma_wait3A_361 = arith.constant 0 : i32
        %dma_wait3A_362 = arith.constant 0 : i32
        %dma_wait3A_363 = tpu.memref_slice %arg9[%dma_wait3A_361, %dma_wait3A_362] : memref<256x128xf32, #tpu.memory_space<vmem>> -> memref<128x128xf32, #tpu.memory_space<vmem>>
        %dma_wait3A_364 = arith.constant 0 : i32
        %dma_wait3A_365 = tpu.memref_slice %arg8[%run_scoped3A_129, %dma_wait3A_364] : memref<16x128xi32, #tpu.memory_space<vmem>> -> memref<1x128xi32, #tpu.memory_space<vmem>>
        %dma_wait3A_366 = tpu.memref_squeeze %dma_wait3A_365 : memref<1x128xi32, #tpu.memory_space<vmem>> -> memref<128xi32, #tpu.memory_space<vmem>>
        %dma_wait3A_367 = arith.constant 0 : i32
        %dma_wait3A_368 = arith.constant 0 : i32
        %dma_wait3A_369 = tpu.memref_slice %arg10[%dma_wait3A_367, %dma_wait3A_368] : memref<10240x128xf32, #tpu.memory_space<vmem_shared>> -> memref<10240x128xf32, #tpu.memory_space<vmem_shared>>
        tpu.wait_indirect_dma semaphore(%run_scoped3A_351 : memref<!tpu.dma_semaphore, #tpu.memory_space<semaphore_mem>>) src(%dma_wait3A_363 : memref<128x128xf32, #tpu.memory_space<vmem>>) dst(%dma_wait3A_369 : memref<10240x128xf32, #tpu.memory_space<vmem_shared>>)
        tpu.yield
      }) : () -> ()
      %dma_start3A_130 = arith.constant 6 : i32
      %dma_start3A_131 = arith.constant 0 : i32
      %dma_start3A_132 = arith.constant 0 : i32
      %dma_start3A_133 = tpu.memref_slice %arg9[%dma_start3A_131, %dma_start3A_132] : memref<256x128xf32, #tpu.memory_space<vmem>> -> memref<128x128xf32, #tpu.memory_space<vmem>>
      %dma_start3A_134 = arith.constant 0 : i32
      %dma_start3A_135 = tpu.memref_slice %arg7[%dma_start3A_130, %dma_start3A_134] : memref<16x128xi32, #tpu.memory_space<vmem>> -> memref<1x128xi32, #tpu.memory_space<vmem>>
      %dma_start3A_136 = tpu.memref_squeeze %dma_start3A_135 : memref<1x128xi32, #tpu.memory_space<vmem>> -> memref<128xi32, #tpu.memory_space<vmem>>
      %dma_start3A_137 = arith.constant 0 : i32
      %dma_start3A_138 = arith.constant 0 : i32
      %dma_start3A_139 = tpu.memref_slice %arg2[%dma_start3A_137, %dma_start3A_138] : memref<40000x128xf32, #tpu.memory_space<hbm>> -> memref<40000x128xf32, #tpu.memory_space<hbm>>
      tpu.enqueue_indirect_dma source(%dma_start3A_139 : memref<40000x128xf32, #tpu.memory_space<hbm>>) target(%dma_start3A_133 : memref<128x128xf32, #tpu.memory_space<vmem>>) offsets(%dma_start3A_136 : memref<128xi32, #tpu.memory_space<vmem>>) semaphore(%arg11 : memref<!tpu.dma_semaphore, #tpu.memory_space<semaphore_mem>>)
      %dma_wait3A_140 = arith.constant 5 : i32
      %dma_wait3A_141 = arith.constant 128 : i32
      %dma_wait3A_142 = arith.constant 0 : i32
      %dma_wait3A_143 = tpu.memref_slice %arg9[%dma_wait3A_141, %dma_wait3A_142] : memref<256x128xf32, #tpu.memory_space<vmem>> -> memref<128x128xf32, #tpu.memory_space<vmem>>
      %dma_wait3A_144 = arith.constant 0 : i32
      %dma_wait3A_145 = tpu.memref_slice %arg7[%dma_wait3A_140, %dma_wait3A_144] : memref<16x128xi32, #tpu.memory_space<vmem>> -> memref<1x128xi32, #tpu.memory_space<vmem>>
      %dma_wait3A_146 = tpu.memref_squeeze %dma_wait3A_145 : memref<1x128xi32, #tpu.memory_space<vmem>> -> memref<128xi32, #tpu.memory_space<vmem>>
      %dma_wait3A_147 = arith.constant 0 : i32
      %dma_wait3A_148 = arith.constant 0 : i32
      %dma_wait3A_149 = tpu.memref_slice %arg2[%dma_wait3A_147, %dma_wait3A_148] : memref<40000x128xf32, #tpu.memory_space<hbm>> -> memref<40000x128xf32, #tpu.memory_space<hbm>>
      tpu.wait_indirect_dma semaphore(%arg12 : memref<!tpu.dma_semaphore, #tpu.memory_space<semaphore_mem>>) src(%dma_wait3A_149 : memref<40000x128xf32, #tpu.memory_space<hbm>>) dst(%dma_wait3A_143 : memref<128x128xf32, #tpu.memory_space<vmem>>)
      %run_scoped3A_150 = arith.constant 5 : i32
      "tpu.region"() ({
        %run_scoped3A_351 = tpu.sem_alloc : memref<!tpu.dma_semaphore, #tpu.memory_space<semaphore_mem>>
        %dma_start3A_352 = arith.constant 128 : i32
        %dma_start3A_353 = arith.constant 0 : i32
        %dma_start3A_354 = tpu.memref_slice %arg9[%dma_start3A_352, %dma_start3A_353] : memref<256x128xf32, #tpu.memory_space<vmem>> -> memref<128x128xf32, #tpu.memory_space<vmem>>
        %dma_start3A_355 = arith.constant 0 : i32
        %dma_start3A_356 = tpu.memref_slice %arg8[%run_scoped3A_150, %dma_start3A_355] : memref<16x128xi32, #tpu.memory_space<vmem>> -> memref<1x128xi32, #tpu.memory_space<vmem>>
        %dma_start3A_357 = tpu.memref_squeeze %dma_start3A_356 : memref<1x128xi32, #tpu.memory_space<vmem>> -> memref<128xi32, #tpu.memory_space<vmem>>
        %dma_start3A_358 = arith.constant 0 : i32
        %dma_start3A_359 = arith.constant 0 : i32
        %dma_start3A_360 = tpu.memref_slice %arg10[%dma_start3A_358, %dma_start3A_359] : memref<10240x128xf32, #tpu.memory_space<vmem_shared>> -> memref<10240x128xf32, #tpu.memory_space<vmem_shared>>
        tpu.enqueue_indirect_dma source(%dma_start3A_354 : memref<128x128xf32, #tpu.memory_space<vmem>>) target(%dma_start3A_360 : memref<10240x128xf32, #tpu.memory_space<vmem_shared>>) offsets(%dma_start3A_357 : memref<128xi32, #tpu.memory_space<vmem>>) semaphore(%run_scoped3A_351 : memref<!tpu.dma_semaphore, #tpu.memory_space<semaphore_mem>>) {add = true}
        %dma_wait3A_361 = arith.constant 128 : i32
        %dma_wait3A_362 = arith.constant 0 : i32
        %dma_wait3A_363 = tpu.memref_slice %arg9[%dma_wait3A_361, %dma_wait3A_362] : memref<256x128xf32, #tpu.memory_space<vmem>> -> memref<128x128xf32, #tpu.memory_space<vmem>>
        %dma_wait3A_364 = arith.constant 0 : i32
        %dma_wait3A_365 = tpu.memref_slice %arg8[%run_scoped3A_150, %dma_wait3A_364] : memref<16x128xi32, #tpu.memory_space<vmem>> -> memref<1x128xi32, #tpu.memory_space<vmem>>
        %dma_wait3A_366 = tpu.memref_squeeze %dma_wait3A_365 : memref<1x128xi32, #tpu.memory_space<vmem>> -> memref<128xi32, #tpu.memory_space<vmem>>
        %dma_wait3A_367 = arith.constant 0 : i32
        %dma_wait3A_368 = arith.constant 0 : i32
        %dma_wait3A_369 = tpu.memref_slice %arg10[%dma_wait3A_367, %dma_wait3A_368] : memref<10240x128xf32, #tpu.memory_space<vmem_shared>> -> memref<10240x128xf32, #tpu.memory_space<vmem_shared>>
        tpu.wait_indirect_dma semaphore(%run_scoped3A_351 : memref<!tpu.dma_semaphore, #tpu.memory_space<semaphore_mem>>) src(%dma_wait3A_363 : memref<128x128xf32, #tpu.memory_space<vmem>>) dst(%dma_wait3A_369 : memref<10240x128xf32, #tpu.memory_space<vmem_shared>>)
        tpu.yield
      }) : () -> ()
      %dma_start3A_151 = arith.constant 7 : i32
      %dma_start3A_152 = arith.constant 128 : i32
      %dma_start3A_153 = arith.constant 0 : i32
      %dma_start3A_154 = tpu.memref_slice %arg9[%dma_start3A_152, %dma_start3A_153] : memref<256x128xf32, #tpu.memory_space<vmem>> -> memref<128x128xf32, #tpu.memory_space<vmem>>
      %dma_start3A_155 = arith.constant 0 : i32
      %dma_start3A_156 = tpu.memref_slice %arg7[%dma_start3A_151, %dma_start3A_155] : memref<16x128xi32, #tpu.memory_space<vmem>> -> memref<1x128xi32, #tpu.memory_space<vmem>>
      %dma_start3A_157 = tpu.memref_squeeze %dma_start3A_156 : memref<1x128xi32, #tpu.memory_space<vmem>> -> memref<128xi32, #tpu.memory_space<vmem>>
      %dma_start3A_158 = arith.constant 0 : i32
      %dma_start3A_159 = arith.constant 0 : i32
      %dma_start3A_160 = tpu.memref_slice %arg2[%dma_start3A_158, %dma_start3A_159] : memref<40000x128xf32, #tpu.memory_space<hbm>> -> memref<40000x128xf32, #tpu.memory_space<hbm>>
      tpu.enqueue_indirect_dma source(%dma_start3A_160 : memref<40000x128xf32, #tpu.memory_space<hbm>>) target(%dma_start3A_154 : memref<128x128xf32, #tpu.memory_space<vmem>>) offsets(%dma_start3A_157 : memref<128xi32, #tpu.memory_space<vmem>>) semaphore(%arg12 : memref<!tpu.dma_semaphore, #tpu.memory_space<semaphore_mem>>)
      %dma_wait3A_161 = arith.constant 6 : i32
      %dma_wait3A_162 = arith.constant 0 : i32
      %dma_wait3A_163 = arith.constant 0 : i32
      %dma_wait3A_164 = tpu.memref_slice %arg9[%dma_wait3A_162, %dma_wait3A_163] : memref<256x128xf32, #tpu.memory_space<vmem>> -> memref<128x128xf32, #tpu.memory_space<vmem>>
      %dma_wait3A_165 = arith.constant 0 : i32
      %dma_wait3A_166 = tpu.memref_slice %arg7[%dma_wait3A_161, %dma_wait3A_165] : memref<16x128xi32, #tpu.memory_space<vmem>> -> memref<1x128xi32, #tpu.memory_space<vmem>>
      %dma_wait3A_167 = tpu.memref_squeeze %dma_wait3A_166 : memref<1x128xi32, #tpu.memory_space<vmem>> -> memref<128xi32, #tpu.memory_space<vmem>>
      %dma_wait3A_168 = arith.constant 0 : i32
      %dma_wait3A_169 = arith.constant 0 : i32
      %dma_wait3A_170 = tpu.memref_slice %arg2[%dma_wait3A_168, %dma_wait3A_169] : memref<40000x128xf32, #tpu.memory_space<hbm>> -> memref<40000x128xf32, #tpu.memory_space<hbm>>
      tpu.wait_indirect_dma semaphore(%arg11 : memref<!tpu.dma_semaphore, #tpu.memory_space<semaphore_mem>>) src(%dma_wait3A_170 : memref<40000x128xf32, #tpu.memory_space<hbm>>) dst(%dma_wait3A_164 : memref<128x128xf32, #tpu.memory_space<vmem>>)
      %run_scoped3A_171 = arith.constant 6 : i32
      "tpu.region"() ({
        %run_scoped3A_351 = tpu.sem_alloc : memref<!tpu.dma_semaphore, #tpu.memory_space<semaphore_mem>>
        %dma_start3A_352 = arith.constant 0 : i32
        %dma_start3A_353 = arith.constant 0 : i32
        %dma_start3A_354 = tpu.memref_slice %arg9[%dma_start3A_352, %dma_start3A_353] : memref<256x128xf32, #tpu.memory_space<vmem>> -> memref<128x128xf32, #tpu.memory_space<vmem>>
        %dma_start3A_355 = arith.constant 0 : i32
        %dma_start3A_356 = tpu.memref_slice %arg8[%run_scoped3A_171, %dma_start3A_355] : memref<16x128xi32, #tpu.memory_space<vmem>> -> memref<1x128xi32, #tpu.memory_space<vmem>>
        %dma_start3A_357 = tpu.memref_squeeze %dma_start3A_356 : memref<1x128xi32, #tpu.memory_space<vmem>> -> memref<128xi32, #tpu.memory_space<vmem>>
        %dma_start3A_358 = arith.constant 0 : i32
        %dma_start3A_359 = arith.constant 0 : i32
        %dma_start3A_360 = tpu.memref_slice %arg10[%dma_start3A_358, %dma_start3A_359] : memref<10240x128xf32, #tpu.memory_space<vmem_shared>> -> memref<10240x128xf32, #tpu.memory_space<vmem_shared>>
        tpu.enqueue_indirect_dma source(%dma_start3A_354 : memref<128x128xf32, #tpu.memory_space<vmem>>) target(%dma_start3A_360 : memref<10240x128xf32, #tpu.memory_space<vmem_shared>>) offsets(%dma_start3A_357 : memref<128xi32, #tpu.memory_space<vmem>>) semaphore(%run_scoped3A_351 : memref<!tpu.dma_semaphore, #tpu.memory_space<semaphore_mem>>) {add = true}
        %dma_wait3A_361 = arith.constant 0 : i32
        %dma_wait3A_362 = arith.constant 0 : i32
        %dma_wait3A_363 = tpu.memref_slice %arg9[%dma_wait3A_361, %dma_wait3A_362] : memref<256x128xf32, #tpu.memory_space<vmem>> -> memref<128x128xf32, #tpu.memory_space<vmem>>
        %dma_wait3A_364 = arith.constant 0 : i32
        %dma_wait3A_365 = tpu.memref_slice %arg8[%run_scoped3A_171, %dma_wait3A_364] : memref<16x128xi32, #tpu.memory_space<vmem>> -> memref<1x128xi32, #tpu.memory_space<vmem>>
        %dma_wait3A_366 = tpu.memref_squeeze %dma_wait3A_365 : memref<1x128xi32, #tpu.memory_space<vmem>> -> memref<128xi32, #tpu.memory_space<vmem>>
        %dma_wait3A_367 = arith.constant 0 : i32
        %dma_wait3A_368 = arith.constant 0 : i32
        %dma_wait3A_369 = tpu.memref_slice %arg10[%dma_wait3A_367, %dma_wait3A_368] : memref<10240x128xf32, #tpu.memory_space<vmem_shared>> -> memref<10240x128xf32, #tpu.memory_space<vmem_shared>>
        tpu.wait_indirect_dma semaphore(%run_scoped3A_351 : memref<!tpu.dma_semaphore, #tpu.memory_space<semaphore_mem>>) src(%dma_wait3A_363 : memref<128x128xf32, #tpu.memory_space<vmem>>) dst(%dma_wait3A_369 : memref<10240x128xf32, #tpu.memory_space<vmem_shared>>)
        tpu.yield
      }) : () -> ()
      %dma_start3A_172 = arith.constant 8 : i32
      %dma_start3A_173 = arith.constant 0 : i32
      %dma_start3A_174 = arith.constant 0 : i32
      %dma_start3A_175 = tpu.memref_slice %arg9[%dma_start3A_173, %dma_start3A_174] : memref<256x128xf32, #tpu.memory_space<vmem>> -> memref<128x128xf32, #tpu.memory_space<vmem>>
      %dma_start3A_176 = arith.constant 0 : i32
      %dma_start3A_177 = tpu.memref_slice %arg7[%dma_start3A_172, %dma_start3A_176] : memref<16x128xi32, #tpu.memory_space<vmem>> -> memref<1x128xi32, #tpu.memory_space<vmem>>
      %dma_start3A_178 = tpu.memref_squeeze %dma_start3A_177 : memref<1x128xi32, #tpu.memory_space<vmem>> -> memref<128xi32, #tpu.memory_space<vmem>>
      %dma_start3A_179 = arith.constant 0 : i32
      %dma_start3A_180 = arith.constant 0 : i32
      %dma_start3A_181 = tpu.memref_slice %arg2[%dma_start3A_179, %dma_start3A_180] : memref<40000x128xf32, #tpu.memory_space<hbm>> -> memref<40000x128xf32, #tpu.memory_space<hbm>>
      tpu.enqueue_indirect_dma source(%dma_start3A_181 : memref<40000x128xf32, #tpu.memory_space<hbm>>) target(%dma_start3A_175 : memref<128x128xf32, #tpu.memory_space<vmem>>) offsets(%dma_start3A_178 : memref<128xi32, #tpu.memory_space<vmem>>) semaphore(%arg11 : memref<!tpu.dma_semaphore, #tpu.memory_space<semaphore_mem>>)
      %dma_wait3A_182 = arith.constant 7 : i32
      %dma_wait3A_183 = arith.constant 128 : i32
      %dma_wait3A_184 = arith.constant 0 : i32
      %dma_wait3A_185 = tpu.memref_slice %arg9[%dma_wait3A_183, %dma_wait3A_184] : memref<256x128xf32, #tpu.memory_space<vmem>> -> memref<128x128xf32, #tpu.memory_space<vmem>>
      %dma_wait3A_186 = arith.constant 0 : i32
      %dma_wait3A_187 = tpu.memref_slice %arg7[%dma_wait3A_182, %dma_wait3A_186] : memref<16x128xi32, #tpu.memory_space<vmem>> -> memref<1x128xi32, #tpu.memory_space<vmem>>
      %dma_wait3A_188 = tpu.memref_squeeze %dma_wait3A_187 : memref<1x128xi32, #tpu.memory_space<vmem>> -> memref<128xi32, #tpu.memory_space<vmem>>
      %dma_wait3A_189 = arith.constant 0 : i32
      %dma_wait3A_190 = arith.constant 0 : i32
      %dma_wait3A_191 = tpu.memref_slice %arg2[%dma_wait3A_189, %dma_wait3A_190] : memref<40000x128xf32, #tpu.memory_space<hbm>> -> memref<40000x128xf32, #tpu.memory_space<hbm>>
      tpu.wait_indirect_dma semaphore(%arg12 : memref<!tpu.dma_semaphore, #tpu.memory_space<semaphore_mem>>) src(%dma_wait3A_191 : memref<40000x128xf32, #tpu.memory_space<hbm>>) dst(%dma_wait3A_185 : memref<128x128xf32, #tpu.memory_space<vmem>>)
      %run_scoped3A_192 = arith.constant 7 : i32
      "tpu.region"() ({
        %run_scoped3A_351 = tpu.sem_alloc : memref<!tpu.dma_semaphore, #tpu.memory_space<semaphore_mem>>
        %dma_start3A_352 = arith.constant 128 : i32
        %dma_start3A_353 = arith.constant 0 : i32
        %dma_start3A_354 = tpu.memref_slice %arg9[%dma_start3A_352, %dma_start3A_353] : memref<256x128xf32, #tpu.memory_space<vmem>> -> memref<128x128xf32, #tpu.memory_space<vmem>>
        %dma_start3A_355 = arith.constant 0 : i32
        %dma_start3A_356 = tpu.memref_slice %arg8[%run_scoped3A_192, %dma_start3A_355] : memref<16x128xi32, #tpu.memory_space<vmem>> -> memref<1x128xi32, #tpu.memory_space<vmem>>
        %dma_start3A_357 = tpu.memref_squeeze %dma_start3A_356 : memref<1x128xi32, #tpu.memory_space<vmem>> -> memref<128xi32, #tpu.memory_space<vmem>>
        %dma_start3A_358 = arith.constant 0 : i32
        %dma_start3A_359 = arith.constant 0 : i32
        %dma_start3A_360 = tpu.memref_slice %arg10[%dma_start3A_358, %dma_start3A_359] : memref<10240x128xf32, #tpu.memory_space<vmem_shared>> -> memref<10240x128xf32, #tpu.memory_space<vmem_shared>>
        tpu.enqueue_indirect_dma source(%dma_start3A_354 : memref<128x128xf32, #tpu.memory_space<vmem>>) target(%dma_start3A_360 : memref<10240x128xf32, #tpu.memory_space<vmem_shared>>) offsets(%dma_start3A_357 : memref<128xi32, #tpu.memory_space<vmem>>) semaphore(%run_scoped3A_351 : memref<!tpu.dma_semaphore, #tpu.memory_space<semaphore_mem>>) {add = true}
        %dma_wait3A_361 = arith.constant 128 : i32
        %dma_wait3A_362 = arith.constant 0 : i32
        %dma_wait3A_363 = tpu.memref_slice %arg9[%dma_wait3A_361, %dma_wait3A_362] : memref<256x128xf32, #tpu.memory_space<vmem>> -> memref<128x128xf32, #tpu.memory_space<vmem>>
        %dma_wait3A_364 = arith.constant 0 : i32
        %dma_wait3A_365 = tpu.memref_slice %arg8[%run_scoped3A_192, %dma_wait3A_364] : memref<16x128xi32, #tpu.memory_space<vmem>> -> memref<1x128xi32, #tpu.memory_space<vmem>>
        %dma_wait3A_366 = tpu.memref_squeeze %dma_wait3A_365 : memref<1x128xi32, #tpu.memory_space<vmem>> -> memref<128xi32, #tpu.memory_space<vmem>>
        %dma_wait3A_367 = arith.constant 0 : i32
        %dma_wait3A_368 = arith.constant 0 : i32
        %dma_wait3A_369 = tpu.memref_slice %arg10[%dma_wait3A_367, %dma_wait3A_368] : memref<10240x128xf32, #tpu.memory_space<vmem_shared>> -> memref<10240x128xf32, #tpu.memory_space<vmem_shared>>
        tpu.wait_indirect_dma semaphore(%run_scoped3A_351 : memref<!tpu.dma_semaphore, #tpu.memory_space<semaphore_mem>>) src(%dma_wait3A_363 : memref<128x128xf32, #tpu.memory_space<vmem>>) dst(%dma_wait3A_369 : memref<10240x128xf32, #tpu.memory_space<vmem_shared>>)
        tpu.yield
      }) : () -> ()
      %dma_start3A_193 = arith.constant 9 : i32
      %dma_start3A_194 = arith.constant 128 : i32
      %dma_start3A_195 = arith.constant 0 : i32
      %dma_start3A_196 = tpu.memref_slice %arg9[%dma_start3A_194, %dma_start3A_195] : memref<256x128xf32, #tpu.memory_space<vmem>> -> memref<128x128xf32, #tpu.memory_space<vmem>>
      %dma_start3A_197 = arith.constant 0 : i32
      %dma_start3A_198 = tpu.memref_slice %arg7[%dma_start3A_193, %dma_start3A_197] : memref<16x128xi32, #tpu.memory_space<vmem>> -> memref<1x128xi32, #tpu.memory_space<vmem>>
      %dma_start3A_199 = tpu.memref_squeeze %dma_start3A_198 : memref<1x128xi32, #tpu.memory_space<vmem>> -> memref<128xi32, #tpu.memory_space<vmem>>
      %dma_start3A_200 = arith.constant 0 : i32
      %dma_start3A_201 = arith.constant 0 : i32
      %dma_start3A_202 = tpu.memref_slice %arg2[%dma_start3A_200, %dma_start3A_201] : memref<40000x128xf32, #tpu.memory_space<hbm>> -> memref<40000x128xf32, #tpu.memory_space<hbm>>
      tpu.enqueue_indirect_dma source(%dma_start3A_202 : memref<40000x128xf32, #tpu.memory_space<hbm>>) target(%dma_start3A_196 : memref<128x128xf32, #tpu.memory_space<vmem>>) offsets(%dma_start3A_199 : memref<128xi32, #tpu.memory_space<vmem>>) semaphore(%arg12 : memref<!tpu.dma_semaphore, #tpu.memory_space<semaphore_mem>>)
      %dma_wait3A_203 = arith.constant 8 : i32
      %dma_wait3A_204 = arith.constant 0 : i32
      %dma_wait3A_205 = arith.constant 0 : i32
      %dma_wait3A_206 = tpu.memref_slice %arg9[%dma_wait3A_204, %dma_wait3A_205] : memref<256x128xf32, #tpu.memory_space<vmem>> -> memref<128x128xf32, #tpu.memory_space<vmem>>
      %dma_wait3A_207 = arith.constant 0 : i32
      %dma_wait3A_208 = tpu.memref_slice %arg7[%dma_wait3A_203, %dma_wait3A_207] : memref<16x128xi32, #tpu.memory_space<vmem>> -> memref<1x128xi32, #tpu.memory_space<vmem>>
      %dma_wait3A_209 = tpu.memref_squeeze %dma_wait3A_208 : memref<1x128xi32, #tpu.memory_space<vmem>> -> memref<128xi32, #tpu.memory_space<vmem>>
      %dma_wait3A_210 = arith.constant 0 : i32
      %dma_wait3A_211 = arith.constant 0 : i32
      %dma_wait3A_212 = tpu.memref_slice %arg2[%dma_wait3A_210, %dma_wait3A_211] : memref<40000x128xf32, #tpu.memory_space<hbm>> -> memref<40000x128xf32, #tpu.memory_space<hbm>>
      tpu.wait_indirect_dma semaphore(%arg11 : memref<!tpu.dma_semaphore, #tpu.memory_space<semaphore_mem>>) src(%dma_wait3A_212 : memref<40000x128xf32, #tpu.memory_space<hbm>>) dst(%dma_wait3A_206 : memref<128x128xf32, #tpu.memory_space<vmem>>)
      %run_scoped3A_213 = arith.constant 8 : i32
      "tpu.region"() ({
        %run_scoped3A_351 = tpu.sem_alloc : memref<!tpu.dma_semaphore, #tpu.memory_space<semaphore_mem>>
        %dma_start3A_352 = arith.constant 0 : i32
        %dma_start3A_353 = arith.constant 0 : i32
        %dma_start3A_354 = tpu.memref_slice %arg9[%dma_start3A_352, %dma_start3A_353] : memref<256x128xf32, #tpu.memory_space<vmem>> -> memref<128x128xf32, #tpu.memory_space<vmem>>
        %dma_start3A_355 = arith.constant 0 : i32
        %dma_start3A_356 = tpu.memref_slice %arg8[%run_scoped3A_213, %dma_start3A_355] : memref<16x128xi32, #tpu.memory_space<vmem>> -> memref<1x128xi32, #tpu.memory_space<vmem>>
        %dma_start3A_357 = tpu.memref_squeeze %dma_start3A_356 : memref<1x128xi32, #tpu.memory_space<vmem>> -> memref<128xi32, #tpu.memory_space<vmem>>
        %dma_start3A_358 = arith.constant 0 : i32
        %dma_start3A_359 = arith.constant 0 : i32
        %dma_start3A_360 = tpu.memref_slice %arg10[%dma_start3A_358, %dma_start3A_359] : memref<10240x128xf32, #tpu.memory_space<vmem_shared>> -> memref<10240x128xf32, #tpu.memory_space<vmem_shared>>
        tpu.enqueue_indirect_dma source(%dma_start3A_354 : memref<128x128xf32, #tpu.memory_space<vmem>>) target(%dma_start3A_360 : memref<10240x128xf32, #tpu.memory_space<vmem_shared>>) offsets(%dma_start3A_357 : memref<128xi32, #tpu.memory_space<vmem>>) semaphore(%run_scoped3A_351 : memref<!tpu.dma_semaphore, #tpu.memory_space<semaphore_mem>>) {add = true}
        %dma_wait3A_361 = arith.constant 0 : i32
        %dma_wait3A_362 = arith.constant 0 : i32
        %dma_wait3A_363 = tpu.memref_slice %arg9[%dma_wait3A_361, %dma_wait3A_362] : memref<256x128xf32, #tpu.memory_space<vmem>> -> memref<128x128xf32, #tpu.memory_space<vmem>>
        %dma_wait3A_364 = arith.constant 0 : i32
        %dma_wait3A_365 = tpu.memref_slice %arg8[%run_scoped3A_213, %dma_wait3A_364] : memref<16x128xi32, #tpu.memory_space<vmem>> -> memref<1x128xi32, #tpu.memory_space<vmem>>
        %dma_wait3A_366 = tpu.memref_squeeze %dma_wait3A_365 : memref<1x128xi32, #tpu.memory_space<vmem>> -> memref<128xi32, #tpu.memory_space<vmem>>
        %dma_wait3A_367 = arith.constant 0 : i32
        %dma_wait3A_368 = arith.constant 0 : i32
        %dma_wait3A_369 = tpu.memref_slice %arg10[%dma_wait3A_367, %dma_wait3A_368] : memref<10240x128xf32, #tpu.memory_space<vmem_shared>> -> memref<10240x128xf32, #tpu.memory_space<vmem_shared>>
        tpu.wait_indirect_dma semaphore(%run_scoped3A_351 : memref<!tpu.dma_semaphore, #tpu.memory_space<semaphore_mem>>) src(%dma_wait3A_363 : memref<128x128xf32, #tpu.memory_space<vmem>>) dst(%dma_wait3A_369 : memref<10240x128xf32, #tpu.memory_space<vmem_shared>>)
        tpu.yield
      }) : () -> ()
      %dma_start3A_214 = arith.constant 10 : i32
      %dma_start3A_215 = arith.constant 0 : i32
      %dma_start3A_216 = arith.constant 0 : i32
      %dma_start3A_217 = tpu.memref_slice %arg9[%dma_start3A_215, %dma_start3A_216] : memref<256x128xf32, #tpu.memory_space<vmem>> -> memref<128x128xf32, #tpu.memory_space<vmem>>
      %dma_start3A_218 = arith.constant 0 : i32
      %dma_start3A_219 = tpu.memref_slice %arg7[%dma_start3A_214, %dma_start3A_218] : memref<16x128xi32, #tpu.memory_space<vmem>> -> memref<1x128xi32, #tpu.memory_space<vmem>>
      %dma_start3A_220 = tpu.memref_squeeze %dma_start3A_219 : memref<1x128xi32, #tpu.memory_space<vmem>> -> memref<128xi32, #tpu.memory_space<vmem>>
      %dma_start3A_221 = arith.constant 0 : i32
      %dma_start3A_222 = arith.constant 0 : i32
      %dma_start3A_223 = tpu.memref_slice %arg2[%dma_start3A_221, %dma_start3A_222] : memref<40000x128xf32, #tpu.memory_space<hbm>> -> memref<40000x128xf32, #tpu.memory_space<hbm>>
      tpu.enqueue_indirect_dma source(%dma_start3A_223 : memref<40000x128xf32, #tpu.memory_space<hbm>>) target(%dma_start3A_217 : memref<128x128xf32, #tpu.memory_space<vmem>>) offsets(%dma_start3A_220 : memref<128xi32, #tpu.memory_space<vmem>>) semaphore(%arg11 : memref<!tpu.dma_semaphore, #tpu.memory_space<semaphore_mem>>)
      %dma_wait3A_224 = arith.constant 9 : i32
      %dma_wait3A_225 = arith.constant 128 : i32
      %dma_wait3A_226 = arith.constant 0 : i32
      %dma_wait3A_227 = tpu.memref_slice %arg9[%dma_wait3A_225, %dma_wait3A_226] : memref<256x128xf32, #tpu.memory_space<vmem>> -> memref<128x128xf32, #tpu.memory_space<vmem>>
      %dma_wait3A_228 = arith.constant 0 : i32
      %dma_wait3A_229 = tpu.memref_slice %arg7[%dma_wait3A_224, %dma_wait3A_228] : memref<16x128xi32, #tpu.memory_space<vmem>> -> memref<1x128xi32, #tpu.memory_space<vmem>>
      %dma_wait3A_230 = tpu.memref_squeeze %dma_wait3A_229 : memref<1x128xi32, #tpu.memory_space<vmem>> -> memref<128xi32, #tpu.memory_space<vmem>>
      %dma_wait3A_231 = arith.constant 0 : i32
      %dma_wait3A_232 = arith.constant 0 : i32
      %dma_wait3A_233 = tpu.memref_slice %arg2[%dma_wait3A_231, %dma_wait3A_232] : memref<40000x128xf32, #tpu.memory_space<hbm>> -> memref<40000x128xf32, #tpu.memory_space<hbm>>
      tpu.wait_indirect_dma semaphore(%arg12 : memref<!tpu.dma_semaphore, #tpu.memory_space<semaphore_mem>>) src(%dma_wait3A_233 : memref<40000x128xf32, #tpu.memory_space<hbm>>) dst(%dma_wait3A_227 : memref<128x128xf32, #tpu.memory_space<vmem>>)
      %run_scoped3A_234 = arith.constant 9 : i32
      "tpu.region"() ({
        %run_scoped3A_351 = tpu.sem_alloc : memref<!tpu.dma_semaphore, #tpu.memory_space<semaphore_mem>>
        %dma_start3A_352 = arith.constant 128 : i32
        %dma_start3A_353 = arith.constant 0 : i32
        %dma_start3A_354 = tpu.memref_slice %arg9[%dma_start3A_352, %dma_start3A_353] : memref<256x128xf32, #tpu.memory_space<vmem>> -> memref<128x128xf32, #tpu.memory_space<vmem>>
        %dma_start3A_355 = arith.constant 0 : i32
        %dma_start3A_356 = tpu.memref_slice %arg8[%run_scoped3A_234, %dma_start3A_355] : memref<16x128xi32, #tpu.memory_space<vmem>> -> memref<1x128xi32, #tpu.memory_space<vmem>>
        %dma_start3A_357 = tpu.memref_squeeze %dma_start3A_356 : memref<1x128xi32, #tpu.memory_space<vmem>> -> memref<128xi32, #tpu.memory_space<vmem>>
        %dma_start3A_358 = arith.constant 0 : i32
        %dma_start3A_359 = arith.constant 0 : i32
        %dma_start3A_360 = tpu.memref_slice %arg10[%dma_start3A_358, %dma_start3A_359] : memref<10240x128xf32, #tpu.memory_space<vmem_shared>> -> memref<10240x128xf32, #tpu.memory_space<vmem_shared>>
        tpu.enqueue_indirect_dma source(%dma_start3A_354 : memref<128x128xf32, #tpu.memory_space<vmem>>) target(%dma_start3A_360 : memref<10240x128xf32, #tpu.memory_space<vmem_shared>>) offsets(%dma_start3A_357 : memref<128xi32, #tpu.memory_space<vmem>>) semaphore(%run_scoped3A_351 : memref<!tpu.dma_semaphore, #tpu.memory_space<semaphore_mem>>) {add = true}
        %dma_wait3A_361 = arith.constant 128 : i32
        %dma_wait3A_362 = arith.constant 0 : i32
        %dma_wait3A_363 = tpu.memref_slice %arg9[%dma_wait3A_361, %dma_wait3A_362] : memref<256x128xf32, #tpu.memory_space<vmem>> -> memref<128x128xf32, #tpu.memory_space<vmem>>
        %dma_wait3A_364 = arith.constant 0 : i32
        %dma_wait3A_365 = tpu.memref_slice %arg8[%run_scoped3A_234, %dma_wait3A_364] : memref<16x128xi32, #tpu.memory_space<vmem>> -> memref<1x128xi32, #tpu.memory_space<vmem>>
        %dma_wait3A_366 = tpu.memref_squeeze %dma_wait3A_365 : memref<1x128xi32, #tpu.memory_space<vmem>> -> memref<128xi32, #tpu.memory_space<vmem>>
        %dma_wait3A_367 = arith.constant 0 : i32
        %dma_wait3A_368 = arith.constant 0 : i32
        %dma_wait3A_369 = tpu.memref_slice %arg10[%dma_wait3A_367, %dma_wait3A_368] : memref<10240x128xf32, #tpu.memory_space<vmem_shared>> -> memref<10240x128xf32, #tpu.memory_space<vmem_shared>>
        tpu.wait_indirect_dma semaphore(%run_scoped3A_351 : memref<!tpu.dma_semaphore, #tpu.memory_space<semaphore_mem>>) src(%dma_wait3A_363 : memref<128x128xf32, #tpu.memory_space<vmem>>) dst(%dma_wait3A_369 : memref<10240x128xf32, #tpu.memory_space<vmem_shared>>)
        tpu.yield
      }) : () -> ()
      %dma_start3A_235 = arith.constant 11 : i32
      %dma_start3A_236 = arith.constant 128 : i32
      %dma_start3A_237 = arith.constant 0 : i32
      %dma_start3A_238 = tpu.memref_slice %arg9[%dma_start3A_236, %dma_start3A_237] : memref<256x128xf32, #tpu.memory_space<vmem>> -> memref<128x128xf32, #tpu.memory_space<vmem>>
      %dma_start3A_239 = arith.constant 0 : i32
      %dma_start3A_240 = tpu.memref_slice %arg7[%dma_start3A_235, %dma_start3A_239] : memref<16x128xi32, #tpu.memory_space<vmem>> -> memref<1x128xi32, #tpu.memory_space<vmem>>
      %dma_start3A_241 = tpu.memref_squeeze %dma_start3A_240 : memref<1x128xi32, #tpu.memory_space<vmem>> -> memref<128xi32, #tpu.memory_space<vmem>>
      %dma_start3A_242 = arith.constant 0 : i32
      %dma_start3A_243 = arith.constant 0 : i32
      %dma_start3A_244 = tpu.memref_slice %arg2[%dma_start3A_242, %dma_start3A_243] : memref<40000x128xf32, #tpu.memory_space<hbm>> -> memref<40000x128xf32, #tpu.memory_space<hbm>>
      tpu.enqueue_indirect_dma source(%dma_start3A_244 : memref<40000x128xf32, #tpu.memory_space<hbm>>) target(%dma_start3A_238 : memref<128x128xf32, #tpu.memory_space<vmem>>) offsets(%dma_start3A_241 : memref<128xi32, #tpu.memory_space<vmem>>) semaphore(%arg12 : memref<!tpu.dma_semaphore, #tpu.memory_space<semaphore_mem>>)
      %dma_wait3A_245 = arith.constant 10 : i32
      %dma_wait3A_246 = arith.constant 0 : i32
      %dma_wait3A_247 = arith.constant 0 : i32
      %dma_wait3A_248 = tpu.memref_slice %arg9[%dma_wait3A_246, %dma_wait3A_247] : memref<256x128xf32, #tpu.memory_space<vmem>> -> memref<128x128xf32, #tpu.memory_space<vmem>>
      %dma_wait3A_249 = arith.constant 0 : i32
      %dma_wait3A_250 = tpu.memref_slice %arg7[%dma_wait3A_245, %dma_wait3A_249] : memref<16x128xi32, #tpu.memory_space<vmem>> -> memref<1x128xi32, #tpu.memory_space<vmem>>
      %dma_wait3A_251 = tpu.memref_squeeze %dma_wait3A_250 : memref<1x128xi32, #tpu.memory_space<vmem>> -> memref<128xi32, #tpu.memory_space<vmem>>
      %dma_wait3A_252 = arith.constant 0 : i32
      %dma_wait3A_253 = arith.constant 0 : i32
      %dma_wait3A_254 = tpu.memref_slice %arg2[%dma_wait3A_252, %dma_wait3A_253] : memref<40000x128xf32, #tpu.memory_space<hbm>> -> memref<40000x128xf32, #tpu.memory_space<hbm>>
      tpu.wait_indirect_dma semaphore(%arg11 : memref<!tpu.dma_semaphore, #tpu.memory_space<semaphore_mem>>) src(%dma_wait3A_254 : memref<40000x128xf32, #tpu.memory_space<hbm>>) dst(%dma_wait3A_248 : memref<128x128xf32, #tpu.memory_space<vmem>>)
      %run_scoped3A_255 = arith.constant 10 : i32
      "tpu.region"() ({
        %run_scoped3A_351 = tpu.sem_alloc : memref<!tpu.dma_semaphore, #tpu.memory_space<semaphore_mem>>
        %dma_start3A_352 = arith.constant 0 : i32
        %dma_start3A_353 = arith.constant 0 : i32
        %dma_start3A_354 = tpu.memref_slice %arg9[%dma_start3A_352, %dma_start3A_353] : memref<256x128xf32, #tpu.memory_space<vmem>> -> memref<128x128xf32, #tpu.memory_space<vmem>>
        %dma_start3A_355 = arith.constant 0 : i32
        %dma_start3A_356 = tpu.memref_slice %arg8[%run_scoped3A_255, %dma_start3A_355] : memref<16x128xi32, #tpu.memory_space<vmem>> -> memref<1x128xi32, #tpu.memory_space<vmem>>
        %dma_start3A_357 = tpu.memref_squeeze %dma_start3A_356 : memref<1x128xi32, #tpu.memory_space<vmem>> -> memref<128xi32, #tpu.memory_space<vmem>>
        %dma_start3A_358 = arith.constant 0 : i32
        %dma_start3A_359 = arith.constant 0 : i32
        %dma_start3A_360 = tpu.memref_slice %arg10[%dma_start3A_358, %dma_start3A_359] : memref<10240x128xf32, #tpu.memory_space<vmem_shared>> -> memref<10240x128xf32, #tpu.memory_space<vmem_shared>>
        tpu.enqueue_indirect_dma source(%dma_start3A_354 : memref<128x128xf32, #tpu.memory_space<vmem>>) target(%dma_start3A_360 : memref<10240x128xf32, #tpu.memory_space<vmem_shared>>) offsets(%dma_start3A_357 : memref<128xi32, #tpu.memory_space<vmem>>) semaphore(%run_scoped3A_351 : memref<!tpu.dma_semaphore, #tpu.memory_space<semaphore_mem>>) {add = true}
        %dma_wait3A_361 = arith.constant 0 : i32
        %dma_wait3A_362 = arith.constant 0 : i32
        %dma_wait3A_363 = tpu.memref_slice %arg9[%dma_wait3A_361, %dma_wait3A_362] : memref<256x128xf32, #tpu.memory_space<vmem>> -> memref<128x128xf32, #tpu.memory_space<vmem>>
        %dma_wait3A_364 = arith.constant 0 : i32
        %dma_wait3A_365 = tpu.memref_slice %arg8[%run_scoped3A_255, %dma_wait3A_364] : memref<16x128xi32, #tpu.memory_space<vmem>> -> memref<1x128xi32, #tpu.memory_space<vmem>>
        %dma_wait3A_366 = tpu.memref_squeeze %dma_wait3A_365 : memref<1x128xi32, #tpu.memory_space<vmem>> -> memref<128xi32, #tpu.memory_space<vmem>>
        %dma_wait3A_367 = arith.constant 0 : i32
        %dma_wait3A_368 = arith.constant 0 : i32
        %dma_wait3A_369 = tpu.memref_slice %arg10[%dma_wait3A_367, %dma_wait3A_368] : memref<10240x128xf32, #tpu.memory_space<vmem_shared>> -> memref<10240x128xf32, #tpu.memory_space<vmem_shared>>
        tpu.wait_indirect_dma semaphore(%run_scoped3A_351 : memref<!tpu.dma_semaphore, #tpu.memory_space<semaphore_mem>>) src(%dma_wait3A_363 : memref<128x128xf32, #tpu.memory_space<vmem>>) dst(%dma_wait3A_369 : memref<10240x128xf32, #tpu.memory_space<vmem_shared>>)
        tpu.yield
      }) : () -> ()
      %dma_start3A_256 = arith.constant 12 : i32
      %dma_start3A_257 = arith.constant 0 : i32
      %dma_start3A_258 = arith.constant 0 : i32
      %dma_start3A_259 = tpu.memref_slice %arg9[%dma_start3A_257, %dma_start3A_258] : memref<256x128xf32, #tpu.memory_space<vmem>> -> memref<128x128xf32, #tpu.memory_space<vmem>>
      %dma_start3A_260 = arith.constant 0 : i32
      %dma_start3A_261 = tpu.memref_slice %arg7[%dma_start3A_256, %dma_start3A_260] : memref<16x128xi32, #tpu.memory_space<vmem>> -> memref<1x128xi32, #tpu.memory_space<vmem>>
      %dma_start3A_262 = tpu.memref_squeeze %dma_start3A_261 : memref<1x128xi32, #tpu.memory_space<vmem>> -> memref<128xi32, #tpu.memory_space<vmem>>
      %dma_start3A_263 = arith.constant 0 : i32
      %dma_start3A_264 = arith.constant 0 : i32
      %dma_start3A_265 = tpu.memref_slice %arg2[%dma_start3A_263, %dma_start3A_264] : memref<40000x128xf32, #tpu.memory_space<hbm>> -> memref<40000x128xf32, #tpu.memory_space<hbm>>
      tpu.enqueue_indirect_dma source(%dma_start3A_265 : memref<40000x128xf32, #tpu.memory_space<hbm>>) target(%dma_start3A_259 : memref<128x128xf32, #tpu.memory_space<vmem>>) offsets(%dma_start3A_262 : memref<128xi32, #tpu.memory_space<vmem>>) semaphore(%arg11 : memref<!tpu.dma_semaphore, #tpu.memory_space<semaphore_mem>>)
      %dma_wait3A_266 = arith.constant 11 : i32
      %dma_wait3A_267 = arith.constant 128 : i32
      %dma_wait3A_268 = arith.constant 0 : i32
      %dma_wait3A_269 = tpu.memref_slice %arg9[%dma_wait3A_267, %dma_wait3A_268] : memref<256x128xf32, #tpu.memory_space<vmem>> -> memref<128x128xf32, #tpu.memory_space<vmem>>
      %dma_wait3A_270 = arith.constant 0 : i32
      %dma_wait3A_271 = tpu.memref_slice %arg7[%dma_wait3A_266, %dma_wait3A_270] : memref<16x128xi32, #tpu.memory_space<vmem>> -> memref<1x128xi32, #tpu.memory_space<vmem>>
      %dma_wait3A_272 = tpu.memref_squeeze %dma_wait3A_271 : memref<1x128xi32, #tpu.memory_space<vmem>> -> memref<128xi32, #tpu.memory_space<vmem>>
      %dma_wait3A_273 = arith.constant 0 : i32
      %dma_wait3A_274 = arith.constant 0 : i32
      %dma_wait3A_275 = tpu.memref_slice %arg2[%dma_wait3A_273, %dma_wait3A_274] : memref<40000x128xf32, #tpu.memory_space<hbm>> -> memref<40000x128xf32, #tpu.memory_space<hbm>>
      tpu.wait_indirect_dma semaphore(%arg12 : memref<!tpu.dma_semaphore, #tpu.memory_space<semaphore_mem>>) src(%dma_wait3A_275 : memref<40000x128xf32, #tpu.memory_space<hbm>>) dst(%dma_wait3A_269 : memref<128x128xf32, #tpu.memory_space<vmem>>)
      %run_scoped3A_276 = arith.constant 11 : i32
      "tpu.region"() ({
        %run_scoped3A_351 = tpu.sem_alloc : memref<!tpu.dma_semaphore, #tpu.memory_space<semaphore_mem>>
        %dma_start3A_352 = arith.constant 128 : i32
        %dma_start3A_353 = arith.constant 0 : i32
        %dma_start3A_354 = tpu.memref_slice %arg9[%dma_start3A_352, %dma_start3A_353] : memref<256x128xf32, #tpu.memory_space<vmem>> -> memref<128x128xf32, #tpu.memory_space<vmem>>
        %dma_start3A_355 = arith.constant 0 : i32
        %dma_start3A_356 = tpu.memref_slice %arg8[%run_scoped3A_276, %dma_start3A_355] : memref<16x128xi32, #tpu.memory_space<vmem>> -> memref<1x128xi32, #tpu.memory_space<vmem>>
        %dma_start3A_357 = tpu.memref_squeeze %dma_start3A_356 : memref<1x128xi32, #tpu.memory_space<vmem>> -> memref<128xi32, #tpu.memory_space<vmem>>
        %dma_start3A_358 = arith.constant 0 : i32
        %dma_start3A_359 = arith.constant 0 : i32
        %dma_start3A_360 = tpu.memref_slice %arg10[%dma_start3A_358, %dma_start3A_359] : memref<10240x128xf32, #tpu.memory_space<vmem_shared>> -> memref<10240x128xf32, #tpu.memory_space<vmem_shared>>
        tpu.enqueue_indirect_dma source(%dma_start3A_354 : memref<128x128xf32, #tpu.memory_space<vmem>>) target(%dma_start3A_360 : memref<10240x128xf32, #tpu.memory_space<vmem_shared>>) offsets(%dma_start3A_357 : memref<128xi32, #tpu.memory_space<vmem>>) semaphore(%run_scoped3A_351 : memref<!tpu.dma_semaphore, #tpu.memory_space<semaphore_mem>>) {add = true}
        %dma_wait3A_361 = arith.constant 128 : i32
        %dma_wait3A_362 = arith.constant 0 : i32
        %dma_wait3A_363 = tpu.memref_slice %arg9[%dma_wait3A_361, %dma_wait3A_362] : memref<256x128xf32, #tpu.memory_space<vmem>> -> memref<128x128xf32, #tpu.memory_space<vmem>>
        %dma_wait3A_364 = arith.constant 0 : i32
        %dma_wait3A_365 = tpu.memref_slice %arg8[%run_scoped3A_276, %dma_wait3A_364] : memref<16x128xi32, #tpu.memory_space<vmem>> -> memref<1x128xi32, #tpu.memory_space<vmem>>
        %dma_wait3A_366 = tpu.memref_squeeze %dma_wait3A_365 : memref<1x128xi32, #tpu.memory_space<vmem>> -> memref<128xi32, #tpu.memory_space<vmem>>
        %dma_wait3A_367 = arith.constant 0 : i32
        %dma_wait3A_368 = arith.constant 0 : i32
        %dma_wait3A_369 = tpu.memref_slice %arg10[%dma_wait3A_367, %dma_wait3A_368] : memref<10240x128xf32, #tpu.memory_space<vmem_shared>> -> memref<10240x128xf32, #tpu.memory_space<vmem_shared>>
        tpu.wait_indirect_dma semaphore(%run_scoped3A_351 : memref<!tpu.dma_semaphore, #tpu.memory_space<semaphore_mem>>) src(%dma_wait3A_363 : memref<128x128xf32, #tpu.memory_space<vmem>>) dst(%dma_wait3A_369 : memref<10240x128xf32, #tpu.memory_space<vmem_shared>>)
        tpu.yield
      }) : () -> ()
      %dma_start3A_277 = arith.constant 13 : i32
      %dma_start3A_278 = arith.constant 128 : i32
      %dma_start3A_279 = arith.constant 0 : i32
      %dma_start3A_280 = tpu.memref_slice %arg9[%dma_start3A_278, %dma_start3A_279] : memref<256x128xf32, #tpu.memory_space<vmem>> -> memref<128x128xf32, #tpu.memory_space<vmem>>
      %dma_start3A_281 = arith.constant 0 : i32
      %dma_start3A_282 = tpu.memref_slice %arg7[%dma_start3A_277, %dma_start3A_281] : memref<16x128xi32, #tpu.memory_space<vmem>> -> memref<1x128xi32, #tpu.memory_space<vmem>>
      %dma_start3A_283 = tpu.memref_squeeze %dma_start3A_282 : memref<1x128xi32, #tpu.memory_space<vmem>> -> memref<128xi32, #tpu.memory_space<vmem>>
      %dma_start3A_284 = arith.constant 0 : i32
      %dma_start3A_285 = arith.constant 0 : i32
      %dma_start3A_286 = tpu.memref_slice %arg2[%dma_start3A_284, %dma_start3A_285] : memref<40000x128xf32, #tpu.memory_space<hbm>> -> memref<40000x128xf32, #tpu.memory_space<hbm>>
      tpu.enqueue_indirect_dma source(%dma_start3A_286 : memref<40000x128xf32, #tpu.memory_space<hbm>>) target(%dma_start3A_280 : memref<128x128xf32, #tpu.memory_space<vmem>>) offsets(%dma_start3A_283 : memref<128xi32, #tpu.memory_space<vmem>>) semaphore(%arg12 : memref<!tpu.dma_semaphore, #tpu.memory_space<semaphore_mem>>)
      %dma_wait3A_287 = arith.constant 12 : i32
      %dma_wait3A_288 = arith.constant 0 : i32
      %dma_wait3A_289 = arith.constant 0 : i32
      %dma_wait3A_290 = tpu.memref_slice %arg9[%dma_wait3A_288, %dma_wait3A_289] : memref<256x128xf32, #tpu.memory_space<vmem>> -> memref<128x128xf32, #tpu.memory_space<vmem>>
      %dma_wait3A_291 = arith.constant 0 : i32
      %dma_wait3A_292 = tpu.memref_slice %arg7[%dma_wait3A_287, %dma_wait3A_291] : memref<16x128xi32, #tpu.memory_space<vmem>> -> memref<1x128xi32, #tpu.memory_space<vmem>>
      %dma_wait3A_293 = tpu.memref_squeeze %dma_wait3A_292 : memref<1x128xi32, #tpu.memory_space<vmem>> -> memref<128xi32, #tpu.memory_space<vmem>>
      %dma_wait3A_294 = arith.constant 0 : i32
      %dma_wait3A_295 = arith.constant 0 : i32
      %dma_wait3A_296 = tpu.memref_slice %arg2[%dma_wait3A_294, %dma_wait3A_295] : memref<40000x128xf32, #tpu.memory_space<hbm>> -> memref<40000x128xf32, #tpu.memory_space<hbm>>
      tpu.wait_indirect_dma semaphore(%arg11 : memref<!tpu.dma_semaphore, #tpu.memory_space<semaphore_mem>>) src(%dma_wait3A_296 : memref<40000x128xf32, #tpu.memory_space<hbm>>) dst(%dma_wait3A_290 : memref<128x128xf32, #tpu.memory_space<vmem>>)
      %run_scoped3A_297 = arith.constant 12 : i32
      "tpu.region"() ({
        %run_scoped3A_351 = tpu.sem_alloc : memref<!tpu.dma_semaphore, #tpu.memory_space<semaphore_mem>>
        %dma_start3A_352 = arith.constant 0 : i32
        %dma_start3A_353 = arith.constant 0 : i32
        %dma_start3A_354 = tpu.memref_slice %arg9[%dma_start3A_352, %dma_start3A_353] : memref<256x128xf32, #tpu.memory_space<vmem>> -> memref<128x128xf32, #tpu.memory_space<vmem>>
        %dma_start3A_355 = arith.constant 0 : i32
        %dma_start3A_356 = tpu.memref_slice %arg8[%run_scoped3A_297, %dma_start3A_355] : memref<16x128xi32, #tpu.memory_space<vmem>> -> memref<1x128xi32, #tpu.memory_space<vmem>>
        %dma_start3A_357 = tpu.memref_squeeze %dma_start3A_356 : memref<1x128xi32, #tpu.memory_space<vmem>> -> memref<128xi32, #tpu.memory_space<vmem>>
        %dma_start3A_358 = arith.constant 0 : i32
        %dma_start3A_359 = arith.constant 0 : i32
        %dma_start3A_360 = tpu.memref_slice %arg10[%dma_start3A_358, %dma_start3A_359] : memref<10240x128xf32, #tpu.memory_space<vmem_shared>> -> memref<10240x128xf32, #tpu.memory_space<vmem_shared>>
        tpu.enqueue_indirect_dma source(%dma_start3A_354 : memref<128x128xf32, #tpu.memory_space<vmem>>) target(%dma_start3A_360 : memref<10240x128xf32, #tpu.memory_space<vmem_shared>>) offsets(%dma_start3A_357 : memref<128xi32, #tpu.memory_space<vmem>>) semaphore(%run_scoped3A_351 : memref<!tpu.dma_semaphore, #tpu.memory_space<semaphore_mem>>) {add = true}
        %dma_wait3A_361 = arith.constant 0 : i32
        %dma_wait3A_362 = arith.constant 0 : i32
        %dma_wait3A_363 = tpu.memref_slice %arg9[%dma_wait3A_361, %dma_wait3A_362] : memref<256x128xf32, #tpu.memory_space<vmem>> -> memref<128x128xf32, #tpu.memory_space<vmem>>
        %dma_wait3A_364 = arith.constant 0 : i32
        %dma_wait3A_365 = tpu.memref_slice %arg8[%run_scoped3A_297, %dma_wait3A_364] : memref<16x128xi32, #tpu.memory_space<vmem>> -> memref<1x128xi32, #tpu.memory_space<vmem>>
        %dma_wait3A_366 = tpu.memref_squeeze %dma_wait3A_365 : memref<1x128xi32, #tpu.memory_space<vmem>> -> memref<128xi32, #tpu.memory_space<vmem>>
        %dma_wait3A_367 = arith.constant 0 : i32
        %dma_wait3A_368 = arith.constant 0 : i32
        %dma_wait3A_369 = tpu.memref_slice %arg10[%dma_wait3A_367, %dma_wait3A_368] : memref<10240x128xf32, #tpu.memory_space<vmem_shared>> -> memref<10240x128xf32, #tpu.memory_space<vmem_shared>>
        tpu.wait_indirect_dma semaphore(%run_scoped3A_351 : memref<!tpu.dma_semaphore, #tpu.memory_space<semaphore_mem>>) src(%dma_wait3A_363 : memref<128x128xf32, #tpu.memory_space<vmem>>) dst(%dma_wait3A_369 : memref<10240x128xf32, #tpu.memory_space<vmem_shared>>)
        tpu.yield
      }) : () -> ()
      %dma_start3A_298 = arith.constant 14 : i32
      %dma_start3A_299 = arith.constant 0 : i32
      %dma_start3A_300 = arith.constant 0 : i32
      %dma_start3A_301 = tpu.memref_slice %arg9[%dma_start3A_299, %dma_start3A_300] : memref<256x128xf32, #tpu.memory_space<vmem>> -> memref<128x128xf32, #tpu.memory_space<vmem>>
      %dma_start3A_302 = arith.constant 0 : i32
      %dma_start3A_303 = tpu.memref_slice %arg7[%dma_start3A_298, %dma_start3A_302] : memref<16x128xi32, #tpu.memory_space<vmem>> -> memref<1x128xi32, #tpu.memory_space<vmem>>
      %dma_start3A_304 = tpu.memref_squeeze %dma_start3A_303 : memref<1x128xi32, #tpu.memory_space<vmem>> -> memref<128xi32, #tpu.memory_space<vmem>>
      %dma_start3A_305 = arith.constant 0 : i32
      %dma_start3A_306 = arith.constant 0 : i32
      %dma_start3A_307 = tpu.memref_slice %arg2[%dma_start3A_305, %dma_start3A_306] : memref<40000x128xf32, #tpu.memory_space<hbm>> -> memref<40000x128xf32, #tpu.memory_space<hbm>>
      tpu.enqueue_indirect_dma source(%dma_start3A_307 : memref<40000x128xf32, #tpu.memory_space<hbm>>) target(%dma_start3A_301 : memref<128x128xf32, #tpu.memory_space<vmem>>) offsets(%dma_start3A_304 : memref<128xi32, #tpu.memory_space<vmem>>) semaphore(%arg11 : memref<!tpu.dma_semaphore, #tpu.memory_space<semaphore_mem>>)
      %dma_wait3A_308 = arith.constant 13 : i32
      %dma_wait3A_309 = arith.constant 128 : i32
      %dma_wait3A_310 = arith.constant 0 : i32
      %dma_wait3A_311 = tpu.memref_slice %arg9[%dma_wait3A_309, %dma_wait3A_310] : memref<256x128xf32, #tpu.memory_space<vmem>> -> memref<128x128xf32, #tpu.memory_space<vmem>>
      %dma_wait3A_312 = arith.constant 0 : i32
      %dma_wait3A_313 = tpu.memref_slice %arg7[%dma_wait3A_308, %dma_wait3A_312] : memref<16x128xi32, #tpu.memory_space<vmem>> -> memref<1x128xi32, #tpu.memory_space<vmem>>
      %dma_wait3A_314 = tpu.memref_squeeze %dma_wait3A_313 : memref<1x128xi32, #tpu.memory_space<vmem>> -> memref<128xi32, #tpu.memory_space<vmem>>
      %dma_wait3A_315 = arith.constant 0 : i32
      %dma_wait3A_316 = arith.constant 0 : i32
      %dma_wait3A_317 = tpu.memref_slice %arg2[%dma_wait3A_315, %dma_wait3A_316] : memref<40000x128xf32, #tpu.memory_space<hbm>> -> memref<40000x128xf32, #tpu.memory_space<hbm>>
      tpu.wait_indirect_dma semaphore(%arg12 : memref<!tpu.dma_semaphore, #tpu.memory_space<semaphore_mem>>) src(%dma_wait3A_317 : memref<40000x128xf32, #tpu.memory_space<hbm>>) dst(%dma_wait3A_311 : memref<128x128xf32, #tpu.memory_space<vmem>>)
      %run_scoped3A_318 = arith.constant 13 : i32
      "tpu.region"() ({
        %run_scoped3A_351 = tpu.sem_alloc : memref<!tpu.dma_semaphore, #tpu.memory_space<semaphore_mem>>
        %dma_start3A_352 = arith.constant 128 : i32
        %dma_start3A_353 = arith.constant 0 : i32
        %dma_start3A_354 = tpu.memref_slice %arg9[%dma_start3A_352, %dma_start3A_353] : memref<256x128xf32, #tpu.memory_space<vmem>> -> memref<128x128xf32, #tpu.memory_space<vmem>>
        %dma_start3A_355 = arith.constant 0 : i32
        %dma_start3A_356 = tpu.memref_slice %arg8[%run_scoped3A_318, %dma_start3A_355] : memref<16x128xi32, #tpu.memory_space<vmem>> -> memref<1x128xi32, #tpu.memory_space<vmem>>
        %dma_start3A_357 = tpu.memref_squeeze %dma_start3A_356 : memref<1x128xi32, #tpu.memory_space<vmem>> -> memref<128xi32, #tpu.memory_space<vmem>>
        %dma_start3A_358 = arith.constant 0 : i32
        %dma_start3A_359 = arith.constant 0 : i32
        %dma_start3A_360 = tpu.memref_slice %arg10[%dma_start3A_358, %dma_start3A_359] : memref<10240x128xf32, #tpu.memory_space<vmem_shared>> -> memref<10240x128xf32, #tpu.memory_space<vmem_shared>>
        tpu.enqueue_indirect_dma source(%dma_start3A_354 : memref<128x128xf32, #tpu.memory_space<vmem>>) target(%dma_start3A_360 : memref<10240x128xf32, #tpu.memory_space<vmem_shared>>) offsets(%dma_start3A_357 : memref<128xi32, #tpu.memory_space<vmem>>) semaphore(%run_scoped3A_351 : memref<!tpu.dma_semaphore, #tpu.memory_space<semaphore_mem>>) {add = true}
        %dma_wait3A_361 = arith.constant 128 : i32
        %dma_wait3A_362 = arith.constant 0 : i32
        %dma_wait3A_363 = tpu.memref_slice %arg9[%dma_wait3A_361, %dma_wait3A_362] : memref<256x128xf32, #tpu.memory_space<vmem>> -> memref<128x128xf32, #tpu.memory_space<vmem>>
        %dma_wait3A_364 = arith.constant 0 : i32
        %dma_wait3A_365 = tpu.memref_slice %arg8[%run_scoped3A_318, %dma_wait3A_364] : memref<16x128xi32, #tpu.memory_space<vmem>> -> memref<1x128xi32, #tpu.memory_space<vmem>>
        %dma_wait3A_366 = tpu.memref_squeeze %dma_wait3A_365 : memref<1x128xi32, #tpu.memory_space<vmem>> -> memref<128xi32, #tpu.memory_space<vmem>>
        %dma_wait3A_367 = arith.constant 0 : i32
        %dma_wait3A_368 = arith.constant 0 : i32
        %dma_wait3A_369 = tpu.memref_slice %arg10[%dma_wait3A_367, %dma_wait3A_368] : memref<10240x128xf32, #tpu.memory_space<vmem_shared>> -> memref<10240x128xf32, #tpu.memory_space<vmem_shared>>
        tpu.wait_indirect_dma semaphore(%run_scoped3A_351 : memref<!tpu.dma_semaphore, #tpu.memory_space<semaphore_mem>>) src(%dma_wait3A_363 : memref<128x128xf32, #tpu.memory_space<vmem>>) dst(%dma_wait3A_369 : memref<10240x128xf32, #tpu.memory_space<vmem_shared>>)
        tpu.yield
      }) : () -> ()
      %dma_start3A_319 = arith.constant 15 : i32
      %dma_start3A_320 = arith.constant 128 : i32
      %dma_start3A_321 = arith.constant 0 : i32
      %dma_start3A_322 = tpu.memref_slice %arg9[%dma_start3A_320, %dma_start3A_321] : memref<256x128xf32, #tpu.memory_space<vmem>> -> memref<128x128xf32, #tpu.memory_space<vmem>>
      %dma_start3A_323 = arith.constant 0 : i32
      %dma_start3A_324 = tpu.memref_slice %arg7[%dma_start3A_319, %dma_start3A_323] : memref<16x128xi32, #tpu.memory_space<vmem>> -> memref<1x128xi32, #tpu.memory_space<vmem>>
      %dma_start3A_325 = tpu.memref_squeeze %dma_start3A_324 : memref<1x128xi32, #tpu.memory_space<vmem>> -> memref<128xi32, #tpu.memory_space<vmem>>
      %dma_start3A_326 = arith.constant 0 : i32
      %dma_start3A_327 = arith.constant 0 : i32
      %dma_start3A_328 = tpu.memref_slice %arg2[%dma_start3A_326, %dma_start3A_327] : memref<40000x128xf32, #tpu.memory_space<hbm>> -> memref<40000x128xf32, #tpu.memory_space<hbm>>
      tpu.enqueue_indirect_dma source(%dma_start3A_328 : memref<40000x128xf32, #tpu.memory_space<hbm>>) target(%dma_start3A_322 : memref<128x128xf32, #tpu.memory_space<vmem>>) offsets(%dma_start3A_325 : memref<128xi32, #tpu.memory_space<vmem>>) semaphore(%arg12 : memref<!tpu.dma_semaphore, #tpu.memory_space<semaphore_mem>>)
      %dma_wait3A_329 = arith.constant 14 : i32
      %dma_wait3A_330 = arith.constant 0 : i32
      %dma_wait3A_331 = arith.constant 0 : i32
      %dma_wait3A_332 = tpu.memref_slice %arg9[%dma_wait3A_330, %dma_wait3A_331] : memref<256x128xf32, #tpu.memory_space<vmem>> -> memref<128x128xf32, #tpu.memory_space<vmem>>
      %dma_wait3A_333 = arith.constant 0 : i32
      %dma_wait3A_334 = tpu.memref_slice %arg7[%dma_wait3A_329, %dma_wait3A_333] : memref<16x128xi32, #tpu.memory_space<vmem>> -> memref<1x128xi32, #tpu.memory_space<vmem>>
      %dma_wait3A_335 = tpu.memref_squeeze %dma_wait3A_334 : memref<1x128xi32, #tpu.memory_space<vmem>> -> memref<128xi32, #tpu.memory_space<vmem>>
      %dma_wait3A_336 = arith.constant 0 : i32
      %dma_wait3A_337 = arith.constant 0 : i32
      %dma_wait3A_338 = tpu.memref_slice %arg2[%dma_wait3A_336, %dma_wait3A_337] : memref<40000x128xf32, #tpu.memory_space<hbm>> -> memref<40000x128xf32, #tpu.memory_space<hbm>>
      tpu.wait_indirect_dma semaphore(%arg11 : memref<!tpu.dma_semaphore, #tpu.memory_space<semaphore_mem>>) src(%dma_wait3A_338 : memref<40000x128xf32, #tpu.memory_space<hbm>>) dst(%dma_wait3A_332 : memref<128x128xf32, #tpu.memory_space<vmem>>)
      %run_scoped3A_339 = arith.constant 14 : i32
      "tpu.region"() ({
        %run_scoped3A_351 = tpu.sem_alloc : memref<!tpu.dma_semaphore, #tpu.memory_space<semaphore_mem>>
        %dma_start3A_352 = arith.constant 0 : i32
        %dma_start3A_353 = arith.constant 0 : i32
        %dma_start3A_354 = tpu.memref_slice %arg9[%dma_start3A_352, %dma_start3A_353] : memref<256x128xf32, #tpu.memory_space<vmem>> -> memref<128x128xf32, #tpu.memory_space<vmem>>
        %dma_start3A_355 = arith.constant 0 : i32
        %dma_start3A_356 = tpu.memref_slice %arg8[%run_scoped3A_339, %dma_start3A_355] : memref<16x128xi32, #tpu.memory_space<vmem>> -> memref<1x128xi32, #tpu.memory_space<vmem>>
        %dma_start3A_357 = tpu.memref_squeeze %dma_start3A_356 : memref<1x128xi32, #tpu.memory_space<vmem>> -> memref<128xi32, #tpu.memory_space<vmem>>
        %dma_start3A_358 = arith.constant 0 : i32
        %dma_start3A_359 = arith.constant 0 : i32
        %dma_start3A_360 = tpu.memref_slice %arg10[%dma_start3A_358, %dma_start3A_359] : memref<10240x128xf32, #tpu.memory_space<vmem_shared>> -> memref<10240x128xf32, #tpu.memory_space<vmem_shared>>
        tpu.enqueue_indirect_dma source(%dma_start3A_354 : memref<128x128xf32, #tpu.memory_space<vmem>>) target(%dma_start3A_360 : memref<10240x128xf32, #tpu.memory_space<vmem_shared>>) offsets(%dma_start3A_357 : memref<128xi32, #tpu.memory_space<vmem>>) semaphore(%run_scoped3A_351 : memref<!tpu.dma_semaphore, #tpu.memory_space<semaphore_mem>>) {add = true}
        %dma_wait3A_361 = arith.constant 0 : i32
        %dma_wait3A_362 = arith.constant 0 : i32
        %dma_wait3A_363 = tpu.memref_slice %arg9[%dma_wait3A_361, %dma_wait3A_362] : memref<256x128xf32, #tpu.memory_space<vmem>> -> memref<128x128xf32, #tpu.memory_space<vmem>>
        %dma_wait3A_364 = arith.constant 0 : i32
        %dma_wait3A_365 = tpu.memref_slice %arg8[%run_scoped3A_339, %dma_wait3A_364] : memref<16x128xi32, #tpu.memory_space<vmem>> -> memref<1x128xi32, #tpu.memory_space<vmem>>
        %dma_wait3A_366 = tpu.memref_squeeze %dma_wait3A_365 : memref<1x128xi32, #tpu.memory_space<vmem>> -> memref<128xi32, #tpu.memory_space<vmem>>
        %dma_wait3A_367 = arith.constant 0 : i32
        %dma_wait3A_368 = arith.constant 0 : i32
        %dma_wait3A_369 = tpu.memref_slice %arg10[%dma_wait3A_367, %dma_wait3A_368] : memref<10240x128xf32, #tpu.memory_space<vmem_shared>> -> memref<10240x128xf32, #tpu.memory_space<vmem_shared>>
        tpu.wait_indirect_dma semaphore(%run_scoped3A_351 : memref<!tpu.dma_semaphore, #tpu.memory_space<semaphore_mem>>) src(%dma_wait3A_363 : memref<128x128xf32, #tpu.memory_space<vmem>>) dst(%dma_wait3A_369 : memref<10240x128xf32, #tpu.memory_space<vmem_shared>>)
        tpu.yield
      }) : () -> ()
      %dma_wait3A_340 = arith.constant 15 : i32
      %dma_wait3A_341 = arith.constant 128 : i32
      %dma_wait3A_342 = arith.constant 0 : i32
      %dma_wait3A_343 = tpu.memref_slice %arg9[%dma_wait3A_341, %dma_wait3A_342] : memref<256x128xf32, #tpu.memory_space<vmem>> -> memref<128x128xf32, #tpu.memory_space<vmem>>
      %dma_wait3A_344 = arith.constant 0 : i32
      %dma_wait3A_345 = tpu.memref_slice %arg7[%dma_wait3A_340, %dma_wait3A_344] : memref<16x128xi32, #tpu.memory_space<vmem>> -> memref<1x128xi32, #tpu.memory_space<vmem>>
      %dma_wait3A_346 = tpu.memref_squeeze %dma_wait3A_345 : memref<1x128xi32, #tpu.memory_space<vmem>> -> memref<128xi32, #tpu.memory_space<vmem>>
      %dma_wait3A_347 = arith.constant 0 : i32
      %dma_wait3A_348 = arith.constant 0 : i32
      %dma_wait3A_349 = tpu.memref_slice %arg2[%dma_wait3A_347, %dma_wait3A_348] : memref<40000x128xf32, #tpu.memory_space<hbm>> -> memref<40000x128xf32, #tpu.memory_space<hbm>>
      tpu.wait_indirect_dma semaphore(%arg12 : memref<!tpu.dma_semaphore, #tpu.memory_space<semaphore_mem>>) src(%dma_wait3A_349 : memref<40000x128xf32, #tpu.memory_space<hbm>>) dst(%dma_wait3A_343 : memref<128x128xf32, #tpu.memory_space<vmem>>)
      %run_scoped3A_350 = arith.constant 15 : i32
      "tpu.region"() ({
        %run_scoped3A_351 = tpu.sem_alloc : memref<!tpu.dma_semaphore, #tpu.memory_space<semaphore_mem>>
        %dma_start3A_352 = arith.constant 128 : i32
        %dma_start3A_353 = arith.constant 0 : i32
        %dma_start3A_354 = tpu.memref_slice %arg9[%dma_start3A_352, %dma_start3A_353] : memref<256x128xf32, #tpu.memory_space<vmem>> -> memref<128x128xf32, #tpu.memory_space<vmem>>
        %dma_start3A_355 = arith.constant 0 : i32
        %dma_start3A_356 = tpu.memref_slice %arg8[%run_scoped3A_350, %dma_start3A_355] : memref<16x128xi32, #tpu.memory_space<vmem>> -> memref<1x128xi32, #tpu.memory_space<vmem>>
        %dma_start3A_357 = tpu.memref_squeeze %dma_start3A_356 : memref<1x128xi32, #tpu.memory_space<vmem>> -> memref<128xi32, #tpu.memory_space<vmem>>
        %dma_start3A_358 = arith.constant 0 : i32
        %dma_start3A_359 = arith.constant 0 : i32
        %dma_start3A_360 = tpu.memref_slice %arg10[%dma_start3A_358, %dma_start3A_359] : memref<10240x128xf32, #tpu.memory_space<vmem_shared>> -> memref<10240x128xf32, #tpu.memory_space<vmem_shared>>
        tpu.enqueue_indirect_dma source(%dma_start3A_354 : memref<128x128xf32, #tpu.memory_space<vmem>>) target(%dma_start3A_360 : memref<10240x128xf32, #tpu.memory_space<vmem_shared>>) offsets(%dma_start3A_357 : memref<128xi32, #tpu.memory_space<vmem>>) semaphore(%run_scoped3A_351 : memref<!tpu.dma_semaphore, #tpu.memory_space<semaphore_mem>>) {add = true}
        %dma_wait3A_361 = arith.constant 128 : i32
        %dma_wait3A_362 = arith.constant 0 : i32
        %dma_wait3A_363 = tpu.memref_slice %arg9[%dma_wait3A_361, %dma_wait3A_362] : memref<256x128xf32, #tpu.memory_space<vmem>> -> memref<128x128xf32, #tpu.memory_space<vmem>>
        %dma_wait3A_364 = arith.constant 0 : i32
        %dma_wait3A_365 = tpu.memref_slice %arg8[%run_scoped3A_350, %dma_wait3A_364] : memref<16x128xi32, #tpu.memory_space<vmem>> -> memref<1x128xi32, #tpu.memory_space<vmem>>
        %dma_wait3A_366 = tpu.memref_squeeze %dma_wait3A_365 : memref<1x128xi32, #tpu.memory_space<vmem>> -> memref<128xi32, #tpu.memory_space<vmem>>
        %dma_wait3A_367 = arith.constant 0 : i32
        %dma_wait3A_368 = arith.constant 0 : i32
        %dma_wait3A_369 = tpu.memref_slice %arg10[%dma_wait3A_367, %dma_wait3A_368] : memref<10240x128xf32, #tpu.memory_space<vmem_shared>> -> memref<10240x128xf32, #tpu.memory_space<vmem_shared>>
        tpu.wait_indirect_dma semaphore(%run_scoped3A_351 : memref<!tpu.dma_semaphore, #tpu.memory_space<semaphore_mem>>) src(%dma_wait3A_363 : memref<128x128xf32, #tpu.memory_space<vmem>>) dst(%dma_wait3A_369 : memref<10240x128xf32, #tpu.memory_space<vmem_shared>>)
        tpu.yield
      }) : () -> ()
    }
    %scan3A_9 = arith.constant 5 : i32
    %barrier3A_10 = arith.constant 0 : index
    tpu.barrier barrier_id(%barrier3A_10)
    "tpu.region"() ({
      %run_scoped3A = tpu.sem_alloc : memref<!tpu.dma_semaphore, #tpu.memory_space<semaphore_mem>>
      %dma_start3A = arith.constant 0 : i32
      %dma_start3A_11 = tpu.memref_slice %arg6[%arg0, %mul3A_4, %dma_start3A] : memref<2x10240x128xf32, #tpu.memory_space<hbm>> -> memref<1x640x128xf32, #tpu.memory_space<hbm>>
      %dma_start3A_12 = tpu.memref_squeeze %dma_start3A_11 : memref<1x640x128xf32, #tpu.memory_space<hbm>> -> memref<640x128xf32, #tpu.memory_space<hbm>>
      %dma_start3A_13 = arith.constant 0 : i32
      %dma_start3A_14 = tpu.memref_slice %arg10[%mul3A_4, %dma_start3A_13] : memref<10240x128xf32, #tpu.memory_space<vmem_shared>> -> memref<640x128xf32, #tpu.memory_space<vmem_shared>>
      tpu.enqueue_dma source(%dma_start3A_14 : memref<640x128xf32, #tpu.memory_space<vmem_shared>>) target(%dma_start3A_12 : memref<640x128xf32, #tpu.memory_space<hbm>>) target_semaphore(%run_scoped3A : memref<!tpu.dma_semaphore, #tpu.memory_space<semaphore_mem>>)
      %dma_wait3A = arith.constant 0 : i32
      %dma_wait3A_15 = tpu.memref_slice %arg6[%arg0, %mul3A_4, %dma_wait3A] : memref<2x10240x128xf32, #tpu.memory_space<hbm>> -> memref<1x640x128xf32, #tpu.memory_space<hbm>>
      %dma_wait3A_16 = tpu.memref_squeeze %dma_wait3A_15 : memref<1x640x128xf32, #tpu.memory_space<hbm>> -> memref<640x128xf32, #tpu.memory_space<hbm>>
      %dma_wait3A_17 = arith.constant 0 : i32
      %dma_wait3A_18 = tpu.memref_slice %arg10[%mul3A_4, %dma_wait3A_17] : memref<10240x128xf32, #tpu.memory_space<vmem_shared>> -> memref<640x128xf32, #tpu.memory_space<vmem_shared>>
      tpu.wait_dma2 semaphore(%run_scoped3A : memref<!tpu.dma_semaphore, #tpu.memory_space<semaphore_mem>>) src(%dma_wait3A_18 : memref<640x128xf32, #tpu.memory_space<vmem_shared>>) dst(%dma_wait3A_16 : memref<640x128xf32, #tpu.memory_space<hbm>>)
      tpu.yield
    }) : () -> ()
    return
  }
}

#map = affine_map<(d0, d1) -> (0, 0)>
#map1 = affine_map<(d0, d1) -> (0, 0, 0)>
module attributes {stable_mosaic.version = 14 : i64} {
  func.func @_deg_body(%arg0: i32, %arg1: i32, %arg2: memref<2560x128xi32, #tpu.memory_space<hbm>>, %arg3: memref<640x128xf32, #tpu.memory_space<hbm>>, %arg4: memref<128x128xf32, #tpu.memory_space<hbm>>, %arg5: memref<2x10240x128xf32, #tpu.memory_space<hbm>>, %arg6: memref<80x128xi32, #tpu.memory_space<vmem>>, %arg7: memref<128x128xf32, #tpu.memory_space<vmem>>, %arg8: memref<10240x128xf32, #tpu.memory_space<vmem_shared>>) attributes {dimension_semantics = [#tpu.dimension_semantics<core_parallel>, #tpu.dimension_semantics<subcore_parallel>], iteration_bounds = array<i64: 2, 16>, scalar_prefetch = 0 : i64, scratch_operands = 3 : i64, tpu.core_type = #tpu.core_type<sc_vector_subcore>, window_params = [{transform_indices = #map}, {transform_indices = #map}, {transform_indices = #map}, {transform_indices = #map1}]} {
    %mul3A = arith.constant 16 : i32
    %mul3A_0 = arith.muli %arg0, %mul3A : i32
    %add3A = arith.addi %mul3A_0, %arg1 : i32
    %mul3A_1 = arith.constant 80 : i32
    %mul3A_2 = arith.muli %add3A, %mul3A_1 : i32
    %mul3A_3 = arith.constant 640 : i32
    %mul3A_4 = arith.muli %arg1, %mul3A_3 : i32
    "tpu.region"() ({
      %run_scoped3A = tpu.sem_alloc : memref<!tpu.dma_semaphore, #tpu.memory_space<semaphore_mem>>
      %dma_start3A = arith.constant 0 : i32
      %dma_start3A_11 = tpu.memref_slice %arg8[%mul3A_4, %dma_start3A] : memref<10240x128xf32, #tpu.memory_space<vmem_shared>> -> memref<640x128xf32, #tpu.memory_space<vmem_shared>>
      tpu.enqueue_dma source(%arg3 : memref<640x128xf32, #tpu.memory_space<hbm>>) target(%dma_start3A_11 : memref<640x128xf32, #tpu.memory_space<vmem_shared>>) target_semaphore(%run_scoped3A : memref<!tpu.dma_semaphore, #tpu.memory_space<semaphore_mem>>)
      %dma_wait3A = arith.constant 0 : i32
      %dma_wait3A_12 = tpu.memref_slice %arg8[%mul3A_4, %dma_wait3A] : memref<10240x128xf32, #tpu.memory_space<vmem_shared>> -> memref<640x128xf32, #tpu.memory_space<vmem_shared>>
      tpu.wait_dma2 semaphore(%run_scoped3A : memref<!tpu.dma_semaphore, #tpu.memory_space<semaphore_mem>>) src(%arg3 : memref<640x128xf32, #tpu.memory_space<hbm>>) dst(%dma_wait3A_12 : memref<640x128xf32, #tpu.memory_space<vmem_shared>>)
      tpu.yield
    }) : () -> ()
    "tpu.region"() ({
      %run_scoped3A = tpu.sem_alloc : memref<!tpu.dma_semaphore, #tpu.memory_space<semaphore_mem>>
      tpu.enqueue_dma source(%arg4 : memref<128x128xf32, #tpu.memory_space<hbm>>) target(%arg7 : memref<128x128xf32, #tpu.memory_space<vmem>>) target_semaphore(%run_scoped3A : memref<!tpu.dma_semaphore, #tpu.memory_space<semaphore_mem>>)
      tpu.wait_dma2 semaphore(%run_scoped3A : memref<!tpu.dma_semaphore, #tpu.memory_space<semaphore_mem>>) src(%arg4 : memref<128x128xf32, #tpu.memory_space<hbm>>) dst(%arg7 : memref<128x128xf32, #tpu.memory_space<vmem>>)
      tpu.yield
    }) : () -> ()
    "tpu.region"() ({
      %run_scoped3A = tpu.sem_alloc : memref<!tpu.dma_semaphore, #tpu.memory_space<semaphore_mem>>
      %dma_start3A = arith.constant 0 : i32
      %dma_start3A_11 = tpu.memref_slice %arg2[%mul3A_2, %dma_start3A] : memref<2560x128xi32, #tpu.memory_space<hbm>> -> memref<80x128xi32, #tpu.memory_space<hbm>>
      %dma_start3A_12 = arith.constant 0 : i32
      %dma_start3A_13 = tpu.memref_slice %arg2[%mul3A_2, %dma_start3A_12] : memref<2560x128xi32, #tpu.memory_space<hbm>> -> memref<80x128xi32, #tpu.memory_space<hbm>>
      tpu.enqueue_dma source(%dma_start3A_13 : memref<80x128xi32, #tpu.memory_space<hbm>>) target(%arg6 : memref<80x128xi32, #tpu.memory_space<vmem>>) target_semaphore(%run_scoped3A : memref<!tpu.dma_semaphore, #tpu.memory_space<semaphore_mem>>)
      %dma_wait3A = arith.constant 0 : i32
      %dma_wait3A_14 = tpu.memref_slice %arg2[%mul3A_2, %dma_wait3A] : memref<2560x128xi32, #tpu.memory_space<hbm>> -> memref<80x128xi32, #tpu.memory_space<hbm>>
      %dma_wait3A_15 = arith.constant 0 : i32
      %dma_wait3A_16 = tpu.memref_slice %arg2[%mul3A_2, %dma_wait3A_15] : memref<2560x128xi32, #tpu.memory_space<hbm>> -> memref<80x128xi32, #tpu.memory_space<hbm>>
      tpu.wait_dma2 semaphore(%run_scoped3A : memref<!tpu.dma_semaphore, #tpu.memory_space<semaphore_mem>>) src(%dma_wait3A_16 : memref<80x128xi32, #tpu.memory_space<hbm>>) dst(%arg6 : memref<80x128xi32, #tpu.memory_space<vmem>>)
      tpu.yield
    }) : () -> ()
    %barrier3A = arith.constant 0 : index
    tpu.barrier barrier_id(%barrier3A)
    %scan3A = arith.constant 0 : i32
    %scan3A_5 = arith.constant 0 : i32
    %scan3A_6 = arith.constant 80 : i32
    %scan3A_7 = arith.addi %scan3A_5, %scan3A_6 : i32
    %scan3A_8 = arith.constant 1 : i32
    scf.for %scan3A_11 = %scan3A_5 to %scan3A_7 step %scan3A_8  : i32 {
      "tpu.region"() ({
        %run_scoped3A = tpu.sem_alloc : memref<!tpu.dma_semaphore, #tpu.memory_space<semaphore_mem>>
        %dma_start3A = arith.constant 0 : i32
        %dma_start3A_12 = tpu.memref_slice %arg6[%scan3A_11, %dma_start3A] : memref<80x128xi32, #tpu.memory_space<vmem>> -> memref<1x128xi32, #tpu.memory_space<vmem>>
        %dma_start3A_13 = tpu.memref_squeeze %dma_start3A_12 : memref<1x128xi32, #tpu.memory_space<vmem>> -> memref<128xi32, #tpu.memory_space<vmem>>
        %dma_start3A_14 = arith.constant 0 : i32
        %dma_start3A_15 = arith.constant 0 : i32
        %dma_start3A_16 = tpu.memref_slice %arg8[%dma_start3A_14, %dma_start3A_15] : memref<10240x128xf32, #tpu.memory_space<vmem_shared>> -> memref<10240x128xf32, #tpu.memory_space<vmem_shared>>
        tpu.enqueue_indirect_dma source(%arg7 : memref<128x128xf32, #tpu.memory_space<vmem>>) target(%dma_start3A_16 : memref<10240x128xf32, #tpu.memory_space<vmem_shared>>) offsets(%dma_start3A_13 : memref<128xi32, #tpu.memory_space<vmem>>) semaphore(%run_scoped3A : memref<!tpu.dma_semaphore, #tpu.memory_space<semaphore_mem>>) {add = true}
        %dma_wait3A = arith.constant 0 : i32
        %dma_wait3A_17 = tpu.memref_slice %arg6[%scan3A_11, %dma_wait3A] : memref<80x128xi32, #tpu.memory_space<vmem>> -> memref<1x128xi32, #tpu.memory_space<vmem>>
        %dma_wait3A_18 = tpu.memref_squeeze %dma_wait3A_17 : memref<1x128xi32, #tpu.memory_space<vmem>> -> memref<128xi32, #tpu.memory_space<vmem>>
        %dma_wait3A_19 = arith.constant 0 : i32
        %dma_wait3A_20 = arith.constant 0 : i32
        %dma_wait3A_21 = tpu.memref_slice %arg8[%dma_wait3A_19, %dma_wait3A_20] : memref<10240x128xf32, #tpu.memory_space<vmem_shared>> -> memref<10240x128xf32, #tpu.memory_space<vmem_shared>>
        tpu.wait_indirect_dma semaphore(%run_scoped3A : memref<!tpu.dma_semaphore, #tpu.memory_space<semaphore_mem>>) src(%arg7 : memref<128x128xf32, #tpu.memory_space<vmem>>) dst(%dma_wait3A_21 : memref<10240x128xf32, #tpu.memory_space<vmem_shared>>)
        tpu.yield
      }) : () -> ()
    }
    %scan3A_9 = arith.constant 80 : i32
    %barrier3A_10 = arith.constant 0 : index
    tpu.barrier barrier_id(%barrier3A_10)
    "tpu.region"() ({
      %run_scoped3A = tpu.sem_alloc : memref<!tpu.dma_semaphore, #tpu.memory_space<semaphore_mem>>
      %dma_start3A = arith.constant 0 : i32
      %dma_start3A_11 = tpu.memref_slice %arg5[%arg0, %mul3A_4, %dma_start3A] : memref<2x10240x128xf32, #tpu.memory_space<hbm>> -> memref<1x640x128xf32, #tpu.memory_space<hbm>>
      %dma_start3A_12 = tpu.memref_squeeze %dma_start3A_11 : memref<1x640x128xf32, #tpu.memory_space<hbm>> -> memref<640x128xf32, #tpu.memory_space<hbm>>
      %dma_start3A_13 = arith.constant 0 : i32
      %dma_start3A_14 = tpu.memref_slice %arg8[%mul3A_4, %dma_start3A_13] : memref<10240x128xf32, #tpu.memory_space<vmem_shared>> -> memref<640x128xf32, #tpu.memory_space<vmem_shared>>
      tpu.enqueue_dma source(%dma_start3A_14 : memref<640x128xf32, #tpu.memory_space<vmem_shared>>) target(%dma_start3A_12 : memref<640x128xf32, #tpu.memory_space<hbm>>) target_semaphore(%run_scoped3A : memref<!tpu.dma_semaphore, #tpu.memory_space<semaphore_mem>>)
      %dma_wait3A = arith.constant 0 : i32
      %dma_wait3A_15 = tpu.memref_slice %arg5[%arg0, %mul3A_4, %dma_wait3A] : memref<2x10240x128xf32, #tpu.memory_space<hbm>> -> memref<1x640x128xf32, #tpu.memory_space<hbm>>
      %dma_wait3A_16 = tpu.memref_squeeze %dma_wait3A_15 : memref<1x640x128xf32, #tpu.memory_space<hbm>> -> memref<640x128xf32, #tpu.memory_space<hbm>>
      %dma_wait3A_17 = arith.constant 0 : i32
      %dma_wait3A_18 = tpu.memref_slice %arg8[%mul3A_4, %dma_wait3A_17] : memref<10240x128xf32, #tpu.memory_space<vmem_shared>> -> memref<640x128xf32, #tpu.memory_space<vmem_shared>>
      tpu.wait_dma2 semaphore(%run_scoped3A : memref<!tpu.dma_semaphore, #tpu.memory_space<semaphore_mem>>) src(%dma_wait3A_18 : memref<640x128xf32, #tpu.memory_space<vmem_shared>>) dst(%dma_wait3A_16 : memref<640x128xf32, #tpu.memory_space<hbm>>)
      tpu.yield
    }) : () -> ()
    return
  }
}

module attributes {stable_mosaic.version = 14 : i64} {
  func.func @_xr_body(%arg0: i32, %arg1: memref<400x128xf32, #tpu.memory_space<vmem>>, %arg2: memref<4x128x128xf32, #tpu.memory_space<vmem>>, %arg3: memref<4x400x128xf32, #tpu.memory_space<vmem>>) attributes {dimension_semantics = [#tpu.dimension_semantics<arbitrary>], iteration_bounds = array<i64: 25>, scalar_prefetch = 0 : i64, scratch_operands = 0 : i64, tpu.core_type = #tpu.core_type<tc>, window_params = [{transform_indices = @transform_0, window_bounds = array<i64: 400, 128>}, {pipeline_mode = #tpu.pipeline_mode<synchronous>, transform_indices = @transform_1, window_bounds = array<i64: 4, 128, 128>}, {transform_indices = @transform_2, window_bounds = array<i64: 4, 400, 128>}]} {
    %get3A = arith.constant 0 : index
    %get3A_0 = arith.constant 0 : index
    %get3A_1 = vector.load %arg1[%get3A, %get3A_0] : memref<400x128xf32, #tpu.memory_space<vmem>>, vector<400x128xf32>
    %get3A_2 = arith.constant 0 : index
    %get3A_3 = arith.constant 0 : index
    %get3A_4 = arith.constant 0 : index
    %get3A_5 = vector.load %arg2[%get3A_2, %get3A_3, %get3A_4] : memref<4x128x128xf32, #tpu.memory_space<vmem>>, vector<1x128x128xf32>
    %get3A_6 = vector.shape_cast %get3A_5 : vector<1x128x128xf32> to vector<128x128xf32>
    %dot_general3A = arith.constant dense<0.000000e+00> : vector<400x128xf32>
    %dot_general3A_7 = tpu.matmul %get3A_1, %get3A_6, %dot_general3A {dimension_numbers = #tpu.dot_dimension_numbers<[1], [0], [0], [1], [0, 0, 1, 1], [], []>, precision = #tpu.contract_precision<fp32>, transpose_lhs_hint = false} : vector<400x128xf32>, vector<128x128xf32>, vector<400x128xf32> -> vector<400x128xf32>
    %get3A_8 = arith.constant 1 : index
    %get3A_9 = arith.constant 0 : index
    %get3A_10 = arith.constant 0 : index
    %get3A_11 = vector.load %arg2[%get3A_8, %get3A_9, %get3A_10] : memref<4x128x128xf32, #tpu.memory_space<vmem>>, vector<1x128x128xf32>
    %get3A_12 = vector.shape_cast %get3A_11 : vector<1x128x128xf32> to vector<128x128xf32>
    %dot_general3A_13 = arith.constant dense<0.000000e+00> : vector<400x128xf32>
    %dot_general3A_14 = tpu.matmul %get3A_1, %get3A_12, %dot_general3A_13 {dimension_numbers = #tpu.dot_dimension_numbers<[1], [0], [0], [1], [0, 0, 1, 1], [], []>, precision = #tpu.contract_precision<fp32>, transpose_lhs_hint = false} : vector<400x128xf32>, vector<128x128xf32>, vector<400x128xf32> -> vector<400x128xf32>
    %get3A_15 = arith.constant 2 : index
    %get3A_16 = arith.constant 0 : index
    %get3A_17 = arith.constant 0 : index
    %get3A_18 = vector.load %arg2[%get3A_15, %get3A_16, %get3A_17] : memref<4x128x128xf32, #tpu.memory_space<vmem>>, vector<1x128x128xf32>
    %get3A_19 = vector.shape_cast %get3A_18 : vector<1x128x128xf32> to vector<128x128xf32>
    %dot_general3A_20 = arith.constant dense<0.000000e+00> : vector<400x128xf32>
    %dot_general3A_21 = tpu.matmul %get3A_1, %get3A_19, %dot_general3A_20 {dimension_numbers = #tpu.dot_dimension_numbers<[1], [0], [0], [1], [0, 0, 1, 1], [], []>, precision = #tpu.contract_precision<fp32>, transpose_lhs_hint = false} : vector<400x128xf32>, vector<128x128xf32>, vector<400x128xf32> -> vector<400x128xf32>
    %get3A_22 = arith.constant 3 : index
    %get3A_23 = arith.constant 0 : index
    %get3A_24 = arith.constant 0 : index
    %get3A_25 = vector.load %arg2[%get3A_22, %get3A_23, %get3A_24] : memref<4x128x128xf32, #tpu.memory_space<vmem>>, vector<1x128x128xf32>
    %get3A_26 = vector.shape_cast %get3A_25 : vector<1x128x128xf32> to vector<128x128xf32>
    %dot_general3A_27 = arith.constant dense<0.000000e+00> : vector<400x128xf32>
    %dot_general3A_28 = tpu.matmul %get3A_1, %get3A_26, %dot_general3A_27 {dimension_numbers = #tpu.dot_dimension_numbers<[1], [0], [0], [1], [0, 0, 1, 1], [], []>, precision = #tpu.contract_precision<fp32>, transpose_lhs_hint = false} : vector<400x128xf32>, vector<128x128xf32>, vector<400x128xf32> -> vector<400x128xf32>
    %stack3A = vector.shape_cast %dot_general3A_7 : vector<400x128xf32> to vector<1x400x128xf32>
    %stack3A_29 = vector.shape_cast %dot_general3A_14 : vector<400x128xf32> to vector<1x400x128xf32>
    %stack3A_30 = vector.shape_cast %dot_general3A_21 : vector<400x128xf32> to vector<1x400x128xf32>
    %stack3A_31 = vector.shape_cast %dot_general3A_28 : vector<400x128xf32> to vector<1x400x128xf32>
    %stack3A_32 = tpu.concatenate %stack3A, %stack3A_29, %stack3A_30, %stack3A_31 in 0 : vector<1x400x128xf32>, vector<1x400x128xf32>, vector<1x400x128xf32>, vector<1x400x128xf32> -> vector<4x400x128xf32>
    %swap3A = arith.constant 0 : index
    %swap3A_33 = arith.constant 0 : index
    %swap3A_34 = arith.constant 0 : index
    %swap3A_35 = vector.load %arg3[%swap3A, %swap3A_33, %swap3A_34] : memref<4x400x128xf32, #tpu.memory_space<vmem>>, vector<4x400x128xf32>
    tpu.vector_store %arg3[%swap3A, %swap3A_33, %swap3A_34], %stack3A_32 {strides = array<i32>} : memref<4x400x128xf32, #tpu.memory_space<vmem>>, vector<4x400x128xf32>,
    return
  }
  func.func @transform_0(%arg0: i32) -> (i32, i32) {
    %c0_i32 = arith.constant 0 : i32
    %c0_i32_0 = arith.constant 0 : i32
    return %arg0, %c0_i32 : i32, i32
  }
  func.func @transform_1(%arg0: i32) -> (i32, i32, i32) {
    %c0_i32 = arith.constant 0 : i32
    %c0_i32_0 = arith.constant 0 : i32
    %c0_i32_1 = arith.constant 0 : i32
    %c0_i32_2 = arith.constant 0 : i32
    return %c0_i32, %c0_i32_0, %c0_i32_1 : i32, i32, i32
  }
  func.func @transform_2(%arg0: i32) -> (i32, i32, i32) {
    %c0_i32 = arith.constant 0 : i32
    %c0_i32_0 = arith.constant 0 : i32
    %c0_i32_1 = arith.constant 0 : i32
    return %c0_i32, %arg0, %c0_i32_0 : i32, i32, i32
  }
}

module attributes {stable_mosaic.version = 14 : i64} {
  func.func @_mid_body(%arg0: i32, %arg1: memref<400x128xf32, #tpu.memory_space<vmem>>, %arg2: memref<2x400x128xf32, #tpu.memory_space<vmem>>, %arg3: memref<2x400x128xf32, #tpu.memory_space<vmem>>, %arg4: memref<128x128xf32, #tpu.memory_space<vmem>>, %arg5: memref<1x128xf32, #tpu.memory_space<vmem>>, %arg6: memref<4x128x128xf32, #tpu.memory_space<vmem>>, %arg7: memref<400x128xf32, #tpu.memory_space<vmem>>, %arg8: memref<4x400x128xf32, #tpu.memory_space<vmem>>) attributes {dimension_semantics = [#tpu.dimension_semantics<arbitrary>], iteration_bounds = array<i64: 25>, scalar_prefetch = 0 : i64, scratch_operands = 0 : i64, tpu.core_type = #tpu.core_type<tc>, window_params = [{transform_indices = @transform_0, window_bounds = array<i64: 400, 128>}, {transform_indices = @transform_1, window_bounds = array<i64: 2, 400, 128>}, {transform_indices = @transform_2, window_bounds = array<i64: 2, 400, 128>}, {pipeline_mode = #tpu.pipeline_mode<synchronous>, transform_indices = @transform_3, window_bounds = array<i64: 128, 128>}, {pipeline_mode = #tpu.pipeline_mode<synchronous>, transform_indices = @transform_4, window_bounds = array<i64: 1, 128>}, {pipeline_mode = #tpu.pipeline_mode<synchronous>, transform_indices = @transform_5, window_bounds = array<i64: 4, 128, 128>}, {transform_indices = @transform_6, window_bounds = array<i64: 400, 128>}, {transform_indices = @transform_7, window_bounds = array<i64: 4, 400, 128>}]} {
    %get3A = arith.constant 0 : index
    %get3A_0 = arith.constant 0 : index
    %get3A_1 = arith.constant 0 : index
    %get3A_2 = vector.load %arg2[%get3A, %get3A_0, %get3A_1] : memref<2x400x128xf32, #tpu.memory_space<vmem>>, vector<1x400x128xf32>
    %get3A_3 = vector.shape_cast %get3A_2 : vector<1x400x128xf32> to vector<400x128xf32>
    %get3A_4 = arith.constant 1 : index
    %get3A_5 = arith.constant 0 : index
    %get3A_6 = arith.constant 0 : index
    %get3A_7 = vector.load %arg2[%get3A_4, %get3A_5, %get3A_6] : memref<2x400x128xf32, #tpu.memory_space<vmem>>, vector<1x400x128xf32>
    %get3A_8 = vector.shape_cast %get3A_7 : vector<1x400x128xf32> to vector<400x128xf32>
    %add3A = arith.addf %get3A_3, %get3A_8 : vector<400x128xf32>
    %get3A_9 = arith.constant 0 : index
    %get3A_10 = arith.constant 0 : index
    %get3A_11 = arith.constant 0 : index
    %get3A_12 = vector.load %arg3[%get3A_9, %get3A_10, %get3A_11] : memref<2x400x128xf32, #tpu.memory_space<vmem>>, vector<1x400x1xf32>
    %get3A_13 = vector.shape_cast %get3A_12 : vector<1x400x1xf32> to vector<400x1xf32>
    %get3A_14 = arith.constant 1 : index
    %get3A_15 = arith.constant 0 : index
    %get3A_16 = arith.constant 0 : index
    %get3A_17 = vector.load %arg3[%get3A_14, %get3A_15, %get3A_16] : memref<2x400x128xf32, #tpu.memory_space<vmem>>, vector<1x400x1xf32>
    %get3A_18 = vector.shape_cast %get3A_17 : vector<1x400x1xf32> to vector<400x1xf32>
    %add3A_19 = arith.addf %get3A_13, %get3A_18 : vector<400x1xf32>
    %max3A = arith.constant 1.000000e+00 : f32
    %max3A_20 = vector.broadcast %max3A : f32 to vector<400x1xf32>
    %max3A_21 = arith.maximumf %add3A_19, %max3A_20 : vector<400x1xf32>
    %get3A_22 = arith.constant 0 : index
    %get3A_23 = arith.constant 0 : index
    %get3A_24 = vector.load %arg1[%get3A_22, %get3A_23] : memref<400x128xf32, #tpu.memory_space<vmem>>, vector<400x128xf32>
    %get3A_25 = arith.constant 0 : index
    %get3A_26 = arith.constant 0 : index
    %get3A_27 = vector.load %arg4[%get3A_25, %get3A_26] : memref<128x128xf32, #tpu.memory_space<vmem>>, vector<128x128xf32>
    %dot_general3A = arith.constant dense<0.000000e+00> : vector<400x128xf32>
    %dot_general3A_28 = tpu.matmul %get3A_24, %get3A_27, %dot_general3A {dimension_numbers = #tpu.dot_dimension_numbers<[1], [0], [0], [1], [0, 0, 1, 1], [], []>, precision = #tpu.contract_precision<fp32>, transpose_lhs_hint = false} : vector<400x128xf32>, vector<128x128xf32>, vector<400x128xf32> -> vector<400x128xf32>
    %div3A = vector.broadcast %max3A_21 : vector<400x1xf32> to vector<400x128xf32>
    %div3A_29 = arith.divf %add3A, %div3A : vector<400x128xf32>
    %add3A_30 = arith.addf %dot_general3A_28, %div3A_29 : vector<400x128xf32>
    %get3A_31 = arith.constant 0 : index
    %get3A_32 = arith.constant 0 : index
    %get3A_33 = vector.load %arg5[%get3A_31, %get3A_32] : memref<1x128xf32, #tpu.memory_space<vmem>>, vector<1x128xf32>
    %add3A_34 = vector.broadcast %get3A_33 : vector<1x128xf32> to vector<400x128xf32>
    %add3A_35 = arith.addf %add3A_30, %add3A_34 : vector<400x128xf32>
    %max3A_36 = arith.constant 0.000000e+00 : f32
    %max3A_37 = vector.broadcast %max3A_36 : f32 to vector<400x128xf32>
    %max3A_38 = arith.maximumf %add3A_35, %max3A_37 : vector<400x128xf32>
    %swap3A = arith.constant 0 : index
    %swap3A_39 = arith.constant 0 : index
    %swap3A_40 = vector.load %arg7[%swap3A, %swap3A_39] : memref<400x128xf32, #tpu.memory_space<vmem>>, vector<400x128xf32>
    tpu.vector_store %arg7[%swap3A, %swap3A_39], %max3A_38 {strides = array<i32>} : memref<400x128xf32, #tpu.memory_space<vmem>>, vector<400x128xf32>,
    %get3A_41 = arith.constant 0 : index
    %get3A_42 = arith.constant 0 : index
    %get3A_43 = arith.constant 0 : index
    %get3A_44 = vector.load %arg6[%get3A_41, %get3A_42, %get3A_43] : memref<4x128x128xf32, #tpu.memory_space<vmem>>, vector<1x128x128xf32>
    %get3A_45 = vector.shape_cast %get3A_44 : vector<1x128x128xf32> to vector<128x128xf32>
    %dot_general3A_46 = arith.constant dense<0.000000e+00> : vector<400x128xf32>
    %dot_general3A_47 = tpu.matmul %max3A_38, %get3A_45, %dot_general3A_46 {dimension_numbers = #tpu.dot_dimension_numbers<[1], [0], [0], [1], [0, 0, 1, 1], [], []>, precision = #tpu.contract_precision<fp32>, transpose_lhs_hint = false} : vector<400x128xf32>, vector<128x128xf32>, vector<400x128xf32> -> vector<400x128xf32>
    %get3A_48 = arith.constant 1 : index
    %get3A_49 = arith.constant 0 : index
    %get3A_50 = arith.constant 0 : index
    %get3A_51 = vector.load %arg6[%get3A_48, %get3A_49, %get3A_50] : memref<4x128x128xf32, #tpu.memory_space<vmem>>, vector<1x128x128xf32>
    %get3A_52 = vector.shape_cast %get3A_51 : vector<1x128x128xf32> to vector<128x128xf32>
    %dot_general3A_53 = arith.constant dense<0.000000e+00> : vector<400x128xf32>
    %dot_general3A_54 = tpu.matmul %max3A_38, %get3A_52, %dot_general3A_53 {dimension_numbers = #tpu.dot_dimension_numbers<[1], [0], [0], [1], [0, 0, 1, 1], [], []>, precision = #tpu.contract_precision<fp32>, transpose_lhs_hint = false} : vector<400x128xf32>, vector<128x128xf32>, vector<400x128xf32> -> vector<400x128xf32>
    %get3A_55 = arith.constant 2 : index
    %get3A_56 = arith.constant 0 : index
    %get3A_57 = arith.constant 0 : index
    %get3A_58 = vector.load %arg6[%get3A_55, %get3A_56, %get3A_57] : memref<4x128x128xf32, #tpu.memory_space<vmem>>, vector<1x128x128xf32>
    %get3A_59 = vector.shape_cast %get3A_58 : vector<1x128x128xf32> to vector<128x128xf32>
    %dot_general3A_60 = arith.constant dense<0.000000e+00> : vector<400x128xf32>
    %dot_general3A_61 = tpu.matmul %max3A_38, %get3A_59, %dot_general3A_60 {dimension_numbers = #tpu.dot_dimension_numbers<[1], [0], [0], [1], [0, 0, 1, 1], [], []>, precision = #tpu.contract_precision<fp32>, transpose_lhs_hint = false} : vector<400x128xf32>, vector<128x128xf32>, vector<400x128xf32> -> vector<400x128xf32>
    %get3A_62 = arith.constant 3 : index
    %get3A_63 = arith.constant 0 : index
    %get3A_64 = arith.constant 0 : index
    %get3A_65 = vector.load %arg6[%get3A_62, %get3A_63, %get3A_64] : memref<4x128x128xf32, #tpu.memory_space<vmem>>, vector<1x128x128xf32>
    %get3A_66 = vector.shape_cast %get3A_65 : vector<1x128x128xf32> to vector<128x128xf32>
    %dot_general3A_67 = arith.constant dense<0.000000e+00> : vector<400x128xf32>
    %dot_general3A_68 = tpu.matmul %max3A_38, %get3A_66, %dot_general3A_67 {dimension_numbers = #tpu.dot_dimension_numbers<[1], [0], [0], [1], [0, 0, 1, 1], [], []>, precision = #tpu.contract_precision<fp32>, transpose_lhs_hint = false} : vector<400x128xf32>, vector<128x128xf32>, vector<400x128xf32> -> vector<400x128xf32>
    %stack3A = vector.shape_cast %dot_general3A_47 : vector<400x128xf32> to vector<1x400x128xf32>
    %stack3A_69 = vector.shape_cast %dot_general3A_54 : vector<400x128xf32> to vector<1x400x128xf32>
    %stack3A_70 = vector.shape_cast %dot_general3A_61 : vector<400x128xf32> to vector<1x400x128xf32>
    %stack3A_71 = vector.shape_cast %dot_general3A_68 : vector<400x128xf32> to vector<1x400x128xf32>
    %stack3A_72 = tpu.concatenate %stack3A, %stack3A_69, %stack3A_70, %stack3A_71 in 0 : vector<1x400x128xf32>, vector<1x400x128xf32>, vector<1x400x128xf32>, vector<1x400x128xf32> -> vector<4x400x128xf32>
    %swap3A_73 = arith.constant 0 : index
    %swap3A_74 = arith.constant 0 : index
    %swap3A_75 = arith.constant 0 : index
    %swap3A_76 = vector.load %arg8[%swap3A_73, %swap3A_74, %swap3A_75] : memref<4x400x128xf32, #tpu.memory_space<vmem>>, vector<4x400x128xf32>
    tpu.vector_store %arg8[%swap3A_73, %swap3A_74, %swap3A_75], %stack3A_72 {strides = array<i32>} : memref<4x400x128xf32, #tpu.memory_space<vmem>>, vector<4x400x128xf32>,
    return
  }
  func.func @transform_0(%arg0: i32) -> (i32, i32) {
    %c0_i32 = arith.constant 0 : i32
    %c0_i32_0 = arith.constant 0 : i32
    return %arg0, %c0_i32 : i32, i32
  }
  func.func @transform_1(%arg0: i32) -> (i32, i32, i32) {
    %c0_i32 = arith.constant 0 : i32
    %c0_i32_0 = arith.constant 0 : i32
    %c0_i32_1 = arith.constant 0 : i32
    return %c0_i32, %arg0, %c0_i32_0 : i32, i32, i32
  }
  func.func @transform_2(%arg0: i32) -> (i32, i32, i32) {
    %c0_i32 = arith.constant 0 : i32
    %c0_i32_0 = arith.constant 0 : i32
    %c0_i32_1 = arith.constant 0 : i32
    return %c0_i32, %arg0, %c0_i32_0 : i32, i32, i32
  }
  func.func @transform_3(%arg0: i32) -> (i32, i32) {
    %c0_i32 = arith.constant 0 : i32
    %c0_i32_0 = arith.constant 0 : i32
    %c0_i32_1 = arith.constant 0 : i32
    return %c0_i32, %c0_i32_0 : i32, i32
  }
  func.func @transform_4(%arg0: i32) -> (i32, i32) {
    %c0_i32 = arith.constant 0 : i32
    %c0_i32_0 = arith.constant 0 : i32
    %c0_i32_1 = arith.constant 0 : i32
    return %c0_i32, %c0_i32_0 : i32, i32
  }
  func.func @transform_5(%arg0: i32) -> (i32, i32, i32) {
    %c0_i32 = arith.constant 0 : i32
    %c0_i32_0 = arith.constant 0 : i32
    %c0_i32_1 = arith.constant 0 : i32
    %c0_i32_2 = arith.constant 0 : i32
    return %c0_i32, %c0_i32_0, %c0_i32_1 : i32, i32, i32
  }
  func.func @transform_6(%arg0: i32) -> (i32, i32) {
    %c0_i32 = arith.constant 0 : i32
    %c0_i32_0 = arith.constant 0 : i32
    return %arg0, %c0_i32 : i32, i32
  }
  func.func @transform_7(%arg0: i32) -> (i32, i32, i32) {
    %c0_i32 = arith.constant 0 : i32
    %c0_i32_0 = arith.constant 0 : i32
    %c0_i32_1 = arith.constant 0 : i32
    return %c0_i32, %arg0, %c0_i32_0 : i32, i32, i32
  }
}

module attributes {stable_mosaic.version = 14 : i64} {
  func.func @_final_body(%arg0: i32, %arg1: memref<400x128xf32, #tpu.memory_space<vmem>>, %arg2: memref<2x400x128xf32, #tpu.memory_space<vmem>>, %arg3: memref<2x400x128xf32, #tpu.memory_space<vmem>>, %arg4: memref<1x1x400xi32, #tpu.memory_space<vmem>>, %arg5: memref<128x128xf32, #tpu.memory_space<vmem>>, %arg6: memref<1x128xf32, #tpu.memory_space<vmem>>, %arg7: memref<128x128xf32, #tpu.memory_space<vmem>>, %arg8: memref<1x128xf32, #tpu.memory_space<vmem>>, %arg9: memref<128x128xf32, #tpu.memory_space<vmem>>, %arg10: memref<128x128xf32, #tpu.memory_space<vmem>>, %arg11: memref<8x128xf32, #tpu.memory_space<vmem>>) attributes {dimension_semantics = [#tpu.dimension_semantics<arbitrary>], iteration_bounds = array<i64: 25>, scalar_prefetch = 0 : i64, scratch_operands = 2 : i64, tpu.core_type = #tpu.core_type<tc>, window_params = [{transform_indices = @transform_0, window_bounds = array<i64: 400, 128>}, {transform_indices = @transform_1, window_bounds = array<i64: 2, 400, 128>}, {transform_indices = @transform_2, window_bounds = array<i64: 2, 400, 128>}, {transform_indices = @transform_3, window_bounds = array<i64: 1, 1, 400>}, {pipeline_mode = #tpu.pipeline_mode<synchronous>, transform_indices = @transform_4, window_bounds = array<i64: 128, 128>}, {pipeline_mode = #tpu.pipeline_mode<synchronous>, transform_indices = @transform_5, window_bounds = array<i64: 1, 128>}, {pipeline_mode = #tpu.pipeline_mode<synchronous>, transform_indices = @transform_6, window_bounds = array<i64: 128, 128>}, {pipeline_mode = #tpu.pipeline_mode<synchronous>, transform_indices = @transform_7, window_bounds = array<i64: 1, 128>}, {pipeline_mode = #tpu.pipeline_mode<synchronous>, transform_indices = @transform_8, window_bounds = array<i64: 128, 128>}]} {
    %eq3A = arith.constant 0 : i32
    %eq3A_0 = arith.cmpi eq, %arg0, %eq3A : i32
    %convert_element_type3A = arith.extui %eq3A_0 : i1 to i32
    %cond3A = arith.constant 0 : i32
    %cond3A_1 = arith.cmpi ne, %convert_element_type3A, %cond3A : i32
    scf.if %cond3A_1 {
      %broadcast_in_dim3A_71 = arith.constant 0.000000e+00 : f32
      %broadcast_in_dim3A_72 = vector.broadcast %broadcast_in_dim3A_71 : f32 to vector<128x128xf32>
      %swap3A_73 = arith.constant 0 : index
      %swap3A_74 = arith.constant 0 : index
      %swap3A_75 = vector.load %arg10[%swap3A_73, %swap3A_74] : memref<128x128xf32, #tpu.memory_space<vmem>>, vector<128x128xf32>
      tpu.vector_store %arg10[%swap3A_73, %swap3A_74], %broadcast_in_dim3A_72 {strides = array<i32>} : memref<128x128xf32, #tpu.memory_space<vmem>>, vector<128x128xf32>,
      %broadcast_in_dim3A_76 = arith.constant 0.000000e+00 : f32
      %broadcast_in_dim3A_77 = vector.broadcast %broadcast_in_dim3A_76 : f32 to vector<8x128xf32>
      %swap3A_78 = arith.constant 0 : index
      %swap3A_79 = arith.constant 0 : index
      %swap3A_80 = vector.load %arg11[%swap3A_78, %swap3A_79] : memref<8x128xf32, #tpu.memory_space<vmem>>, vector<8x128xf32>
      tpu.vector_store %arg11[%swap3A_78, %swap3A_79], %broadcast_in_dim3A_77 {strides = array<i32>} : memref<8x128xf32, #tpu.memory_space<vmem>>, vector<8x128xf32>,
    } else {
    }
    %get3A = arith.constant 0 : index
    %get3A_2 = arith.constant 0 : index
    %get3A_3 = arith.constant 0 : index
    %get3A_4 = vector.load %arg2[%get3A, %get3A_2, %get3A_3] : memref<2x400x128xf32, #tpu.memory_space<vmem>>, vector<1x400x128xf32>
    %get3A_5 = vector.shape_cast %get3A_4 : vector<1x400x128xf32> to vector<400x128xf32>
    %get3A_6 = arith.constant 1 : index
    %get3A_7 = arith.constant 0 : index
    %get3A_8 = arith.constant 0 : index
    %get3A_9 = vector.load %arg2[%get3A_6, %get3A_7, %get3A_8] : memref<2x400x128xf32, #tpu.memory_space<vmem>>, vector<1x400x128xf32>
    %get3A_10 = vector.shape_cast %get3A_9 : vector<1x400x128xf32> to vector<400x128xf32>
    %add3A = arith.addf %get3A_5, %get3A_10 : vector<400x128xf32>
    %get3A_11 = arith.constant 0 : index
    %get3A_12 = arith.constant 0 : index
    %get3A_13 = arith.constant 0 : index
    %get3A_14 = vector.load %arg3[%get3A_11, %get3A_12, %get3A_13] : memref<2x400x128xf32, #tpu.memory_space<vmem>>, vector<1x400x1xf32>
    %get3A_15 = vector.shape_cast %get3A_14 : vector<1x400x1xf32> to vector<400x1xf32>
    %get3A_16 = arith.constant 1 : index
    %get3A_17 = arith.constant 0 : index
    %get3A_18 = arith.constant 0 : index
    %get3A_19 = vector.load %arg3[%get3A_16, %get3A_17, %get3A_18] : memref<2x400x128xf32, #tpu.memory_space<vmem>>, vector<1x400x1xf32>
    %get3A_20 = vector.shape_cast %get3A_19 : vector<1x400x1xf32> to vector<400x1xf32>
    %add3A_21 = arith.addf %get3A_15, %get3A_20 : vector<400x1xf32>
    %max3A = arith.constant 1.000000e+00 : f32
    %max3A_22 = vector.broadcast %max3A : f32 to vector<400x1xf32>
    %max3A_23 = arith.maximumf %add3A_21, %max3A_22 : vector<400x1xf32>
    %get3A_24 = arith.constant 0 : index
    %get3A_25 = arith.constant 0 : index
    %get3A_26 = vector.load %arg1[%get3A_24, %get3A_25] : memref<400x128xf32, #tpu.memory_space<vmem>>, vector<400x128xf32>
    %get3A_27 = arith.constant 0 : index
    %get3A_28 = arith.constant 0 : index
    %get3A_29 = vector.load %arg5[%get3A_27, %get3A_28] : memref<128x128xf32, #tpu.memory_space<vmem>>, vector<128x128xf32>
    %dot_general3A = arith.constant dense<0.000000e+00> : vector<400x128xf32>
    %dot_general3A_30 = tpu.matmul %get3A_26, %get3A_29, %dot_general3A {dimension_numbers = #tpu.dot_dimension_numbers<[1], [0], [0], [1], [0, 0, 1, 1], [], []>, precision = #tpu.contract_precision<fp32>, transpose_lhs_hint = false} : vector<400x128xf32>, vector<128x128xf32>, vector<400x128xf32> -> vector<400x128xf32>
    %div3A = vector.broadcast %max3A_23 : vector<400x1xf32> to vector<400x128xf32>
    %div3A_31 = arith.divf %add3A, %div3A : vector<400x128xf32>
    %add3A_32 = arith.addf %dot_general3A_30, %div3A_31 : vector<400x128xf32>
    %get3A_33 = arith.constant 0 : index
    %get3A_34 = arith.constant 0 : index
    %get3A_35 = vector.load %arg6[%get3A_33, %get3A_34] : memref<1x128xf32, #tpu.memory_space<vmem>>, vector<1x128xf32>
    %add3A_36 = vector.broadcast %get3A_35 : vector<1x128xf32> to vector<400x128xf32>
    %add3A_37 = arith.addf %add3A_32, %add3A_36 : vector<400x128xf32>
    %get3A_38 = arith.constant 0 : index
    %get3A_39 = arith.constant 0 : index
    %get3A_40 = arith.constant 0 : index
    %get3A_41 = vector.load %arg4[%get3A_38, %get3A_39, %get3A_40] : memref<1x1x400xi32, #tpu.memory_space<vmem>>, vector<1x1x400xi32>
    %get3A_42 = vector.shape_cast %get3A_41 : vector<1x1x400xi32> to vector<400xi32>
    %broadcast_in_dim3A = vector.shape_cast %get3A_42 : vector<400xi32> to vector<400x1xi32>
    %iota3A = tpu.iota {dimensions = array<i32: 1>} : vector<400x128xi32>
    %eq3A_43 = vector.broadcast %broadcast_in_dim3A : vector<400x1xi32> to vector<400x128xi32>
    %eq3A_44 = arith.cmpi eq, %eq3A_43, %iota3A : vector<400x128xi32>
    %convert_element_type3A_45 = arith.extui %eq3A_44 : vector<400x128xi1> to vector<400x128xi32>
    %convert_element_type3A_46 = arith.sitofp %convert_element_type3A_45 : vector<400x128xi32> to vector<400x128xf32>
    %get3A_47 = arith.constant 0 : index
    %get3A_48 = arith.constant 0 : index
    %get3A_49 = vector.load %arg10[%get3A_47, %get3A_48] : memref<128x128xf32, #tpu.memory_space<vmem>>, vector<128x128xf32>
    %dot_general3A_50 = arith.constant dense<0.000000e+00> : vector<128x128xf32>
    %dot_general3A_51 = tpu.matmul %convert_element_type3A_46, %add3A_37, %dot_general3A_50 {dimension_numbers = #tpu.dot_dimension_numbers<[0], [0], [1], [1], [0, 1, 1, 1], [], []>, precision = #tpu.contract_precision<fp32>, transpose_lhs_hint = false} : vector<400x128xf32>, vector<400x128xf32>, vector<128x128xf32> -> vector<128x128xf32>
    %add3A_52 = arith.addf %get3A_49, %dot_general3A_51 : vector<128x128xf32>
    %swap3A = arith.constant 0 : index
    %swap3A_53 = arith.constant 0 : index
    %swap3A_54 = vector.load %arg10[%swap3A, %swap3A_53] : memref<128x128xf32, #tpu.memory_space<vmem>>, vector<128x128xf32>
    tpu.vector_store %arg10[%swap3A, %swap3A_53], %add3A_52 {strides = array<i32>} : memref<128x128xf32, #tpu.memory_space<vmem>>, vector<128x128xf32>,
    %get3A_55 = arith.constant 0 : index
    %get3A_56 = arith.constant 0 : index
    %get3A_57 = vector.load %arg11[%get3A_55, %get3A_56] : memref<8x128xf32, #tpu.memory_space<vmem>>, vector<1x128xf32>
    %get3A_58 = vector.shape_cast %get3A_57 : vector<1x128xf32> to vector<128xf32>
    %reduce_sum3A = arith.constant dense<0.000000e+00> : vector<128xf32>
    %reduce_sum3A_59 = vector.multi_reduction <add>, %convert_element_type3A_46, %reduce_sum3A [0] : vector<400x128xf32> to vector<128xf32>
    %add3A_60 = arith.addf %get3A_58, %reduce_sum3A_59 : vector<128xf32>
    %swap3A_61 = arith.constant 0 : index
    %swap3A_62 = arith.constant 0 : index
    %swap3A_63 = vector.load %arg11[%swap3A_61, %swap3A_62] : memref<8x128xf32, #tpu.memory_space<vmem>>, vector<1x128xf32>
    %swap3A_64 = vector.shape_cast %swap3A_63 : vector<1x128xf32> to vector<128xf32>
    %swap3A_65 = vector.shape_cast %add3A_60 : vector<128xf32> to vector<1x128xf32>
    tpu.vector_store %arg11[%swap3A_61, %swap3A_62], %swap3A_65 {strides = array<i32>} : memref<8x128xf32, #tpu.memory_space<vmem>>, vector<1x128xf32>,
    %eq3A_66 = arith.constant 24 : i32
    %eq3A_67 = arith.cmpi eq, %arg0, %eq3A_66 : i32
    %convert_element_type3A_68 = arith.extui %eq3A_67 : i1 to i32
    %cond3A_69 = arith.constant 0 : i32
    %cond3A_70 = arith.cmpi ne, %convert_element_type3A_68, %cond3A_69 : i32
    scf.if %cond3A_70 {
      %get3A_71 = arith.constant 0 : index
      %get3A_72 = arith.constant 0 : index
      %get3A_73 = vector.load %arg11[%get3A_71, %get3A_72] : memref<8x128xf32, #tpu.memory_space<vmem>>, vector<1x128xf32>
      %get3A_74 = vector.shape_cast %get3A_73 : vector<1x128xf32> to vector<128xf32>
      %max3A_75 = arith.constant 1.000000e+00 : f32
      %max3A_76 = vector.broadcast %max3A_75 : f32 to vector<128xf32>
      %max3A_77 = arith.maximumf %get3A_74, %max3A_76 : vector<128xf32>
      %get3A_78 = arith.constant 0 : index
      %get3A_79 = arith.constant 0 : index
      %get3A_80 = vector.load %arg10[%get3A_78, %get3A_79] : memref<128x128xf32, #tpu.memory_space<vmem>>, vector<128x128xf32>
      %broadcast_in_dim3A_81 = vector.shape_cast %max3A_77 : vector<128xf32> to vector<128x1xf32>
      %div3A_82 = vector.broadcast %broadcast_in_dim3A_81 : vector<128x1xf32> to vector<128x128xf32>
      %div3A_83 = arith.divf %get3A_80, %div3A_82 : vector<128x128xf32>
      %get3A_84 = arith.constant 0 : index
      %get3A_85 = arith.constant 0 : index
      %get3A_86 = vector.load %arg7[%get3A_84, %get3A_85] : memref<128x128xf32, #tpu.memory_space<vmem>>, vector<128x128xf32>
      %dot_general3A_87 = arith.constant dense<0.000000e+00> : vector<128x128xf32>
      %dot_general3A_88 = tpu.matmul %div3A_83, %get3A_86, %dot_general3A_87 {dimension_numbers = #tpu.dot_dimension_numbers<[1], [0], [0], [1], [0, 0, 1, 1], [], []>, precision = #tpu.contract_precision<fp32>, transpose_lhs_hint = false} : vector<128x128xf32>, vector<128x128xf32>, vector<128x128xf32> -> vector<128x128xf32>
      %get3A_89 = arith.constant 0 : index
      %get3A_90 = arith.constant 0 : index
      %get3A_91 = vector.load %arg8[%get3A_89, %get3A_90] : memref<1x128xf32, #tpu.memory_space<vmem>>, vector<1x128xf32>
      %add3A_92 = vector.broadcast %get3A_91 : vector<1x128xf32> to vector<128x128xf32>
      %add3A_93 = arith.addf %dot_general3A_88, %add3A_92 : vector<128x128xf32>
      %swap3A_94 = arith.constant 0 : index
      %swap3A_95 = arith.constant 0 : index
      %swap3A_96 = vector.load %arg9[%swap3A_94, %swap3A_95] : memref<128x128xf32, #tpu.memory_space<vmem>>, vector<128x128xf32>
      tpu.vector_store %arg9[%swap3A_94, %swap3A_95], %add3A_93 {strides = array<i32>} : memref<128x128xf32, #tpu.memory_space<vmem>>, vector<128x128xf32>,
    } else {
    }
    return
  }
  func.func @transform_0(%arg0: i32) -> (i32, i32) {
    %c0_i32 = arith.constant 0 : i32
    %c0_i32_0 = arith.constant 0 : i32
    return %arg0, %c0_i32 : i32, i32
  }
  func.func @transform_1(%arg0: i32) -> (i32, i32, i32) {
    %c0_i32 = arith.constant 0 : i32
    %c0_i32_0 = arith.constant 0 : i32
    %c0_i32_1 = arith.constant 0 : i32
    return %c0_i32, %arg0, %c0_i32_0 : i32, i32, i32
  }
  func.func @transform_2(%arg0: i32) -> (i32, i32, i32) {
    %c0_i32 = arith.constant 0 : i32
    %c0_i32_0 = arith.constant 0 : i32
    %c0_i32_1 = arith.constant 0 : i32
    return %c0_i32, %arg0, %c0_i32_0 : i32, i32, i32
  }
  func.func @transform_3(%arg0: i32) -> (i32, i32, i32) {
    %c0_i32 = arith.constant 0 : i32
    %c0_i32_0 = arith.constant 0 : i32
    %c0_i32_1 = arith.constant 0 : i32
    return %arg0, %c0_i32, %c0_i32_0 : i32, i32, i32
  }
  func.func @transform_4(%arg0: i32) -> (i32, i32) {
    %c0_i32 = arith.constant 0 : i32
    %c0_i32_0 = arith.constant 0 : i32
    %c0_i32_1 = arith.constant 0 : i32
    return %c0_i32, %c0_i32_0 : i32, i32
  }
  func.func @transform_5(%arg0: i32) -> (i32, i32) {
    %c0_i32 = arith.constant 0 : i32
    %c0_i32_0 = arith.constant 0 : i32
    %c0_i32_1 = arith.constant 0 : i32
    return %c0_i32, %c0_i32_0 : i32, i32
  }
  func.func @transform_6(%arg0: i32) -> (i32, i32) {
    %c0_i32 = arith.constant 0 : i32
    %c0_i32_0 = arith.constant 0 : i32
    %c0_i32_1 = arith.constant 0 : i32
    return %c0_i32, %c0_i32_0 : i32, i32
  }
  func.func @transform_7(%arg0: i32) -> (i32, i32) {
    %c0_i32 = arith.constant 0 : i32
    %c0_i32_0 = arith.constant 0 : i32
    %c0_i32_1 = arith.constant 0 : i32
    return %c0_i32, %c0_i32_0 : i32, i32
  }
  func.func @transform_8(%arg0: i32) -> (i32, i32) {
    %c0_i32 = arith.constant 0 : i32
    %c0_i32_0 = arith.constant 0 : i32
    %c0_i32_1 = arith.constant 0 : i32
    return %c0_i32, %c0_i32_0 : i32, i32
  }
}

</mosaic_0001>

<sc_bundles>
// kernel: kernel.11.cloned.1.call-start
scs
__scs_entry_jumppad:
0x0: {  	(pc) =	sbr.rel $0x88, $3  }
0x1: {  	(tag) =	ssettag $0x0;
	lr =	simm.s32 $0x1  }
0x2: {  	[smem:$0x3F98] =	sst lr;
	_ =	strace $0xD0000000  }
0x3: {  	_ = 	snop  }
0x4: {  	_ = 	snop  }
0x5: {  	_ = 	snop  }
0x6: {  	_ = 	snop  }
0x7: {  	_ = 	snop  }
__scs_overlays_trampoline_lowered:
0x8: {  	[smem:$0x3FA7] =	sst s0  }
0x9: {  	[smem:$0x3FA8] =	sst s1  }
0xa: {  	[smem:$0x3FA9] =	sst s2  }
0xb: {  	[smem:$0x3FAA] =	sst s3  }
0xc: {  	[smem:$0x3FAB] =	sst s4  }
0xd: {  	[smem:$0x3FAC] =	sst s5  }
0xe: {  	[smem:$0x3FAD] =	sst s6  }
0xf: {  	[smem:$0x3FAE] =	sst s7  }
0x10: {  	[smem:$0x3FAF] =	sst s8  }
0x11: {  	[smem:$0x3FB0] =	sst s9;
	s0 =	simm.s32 @!p0 $0x0  }
0x12: {  	s1 =	sld [smem:$0x3F96];
	s0 =	simm.s32 @p0 $0x1  }
0x13: {  	[smem:$0x3FB1] =	sst s0;
	s0 =	simm.s32 @!p1 $0x0  }
0x14: {  	s2 =	sld [smem:$0x3F95];
	s0 =	simm.s32 @p1 $0x1  }
0x15: {  	[smem:$0x3FB2] =	sst s0;
	s0 =	simm.s32 @!p2 $0x0  }
0x16: {  	s3 =	sld [smem:$0x3FDB];
	s0 =	simm.s32 @p2 $0x1  }
0x17: {  	s4 =	simm.s32 $0x1BF5;
	[smem:$0x3FB4] =	sst s0  }
0x18: {  	s0 =	sld [smem:$0x3F97];
	_ =	swait.ge [sflag:s4], $0x0  }
0x19: {  	s7 =	sld [smem:$0x3F98]  }
0x1a: {  	s8 =	sadd.s32 $0xFFFFE003, lr  }
0x1b: {  	s9 =	sadd.s32 $0xFFFFFEF7, lr;
	s5 =	simm.s32 $0xFFFFFFFF;
	p2 =	slt.u32 s8, $0xFFFFF086  }
0x1c: {  	p1 =	slt.u32 s9, $0xF7A;
	s5 =	simm.s32 @!p2 $0x0  }
0x1d: {  	s5 =	simm.s32 @p1 $0x1;
	p0 =	seq.s32 s7, s2  }
0x1e: {  	s7 =	smul.u32 @!p0 $0xF7A, s2;
	p2 =	seq.s32 @!p0 s5, $0x0  }
0x1f: {  	s9 =	smul.u32 $0xF7A, s1;
	s8 =	simm.s32 @!p0 $0x1BF5;
	p2 =	por !p2, p0  }
0x20: {  	[sflag:s8] =	ssyncset.s32 @!p0 $0xFFFFF086;
	s6 =	sadd.s32 @!p0 s3, s7;
	s7 =	simm.s32 @!p0 $0x108  }
0x21: {  	s3 =	sadd.s32 s3, s9;
	s6 =	sadd.s32 @!p0 $0x88, s6;
	s7 =	simm.s32 @p2 $0x1082  }
0x22: {  	[simem:s7], [sflag:s8] =	dma.local @!p0 [hbm:s6], $0xF7A  }
0x23: {  	s9 =	sor.u32 $0xD0000000, s2;
	s6 =	simm.s32 $0x108;
	_ =	swait.ge @!p0 [sflag:s8], $0x0  }
0x24: {  	s3 =	sadd.s32 $0x88, s3;
	s6 =	simm.s32 @!p1 $0x1082;
	[sflag:s4] =	ssyncset.s32 $0xFFFFF086  }
0x25: {  	[simem:s6], [sflag:s4] =	dma.local [hbm:s3], $0xF7A  }
0x26: {  	[smem:$0x3F98] =	sst s1;
	(tag) =	ssettag s2;
	_ =	strace s9  }
0x27: {  	s1 =	sld [smem:$0x3FA8]  }
0x28: {  	s2 =	sld [smem:$0x3FA9]  }
0x29: {  	s4 =	sld [smem:$0x3FAB]  }
0x2a: {  	p0 =	seq.s32 s5, $0x0;
	s5 =	sld [smem:$0x3FAC]  }
0x2b: {  	s6 =	sld [smem:$0x3FAD]  }
0x2c: {  	s7 =	sld [smem:$0x3FAE]  }
0x2d: {  	s3 =	simm.s32 $0x108;
	s8 =	sld [smem:$0x3FAF]  }
0x2e: {  	s3 =	simm.s32 @!p0 $0x1082;
	s9 =	sld [smem:$0x3FB0]  }
0x2f: {  	lr =	sadd.s32 s0, s3;
	s0 =	sld [smem:$0x3FA7]  }
0x30: {  	s3 =	sld [smem:$0x3FAA]  }
0x31: {  	[smem:$0x3FB3] =	sst s10  }
0x32: {  	s10 =	sld [smem:$0x3FB1];
	_ =	sdelay $0x3  }
0x33: {  	p0 =	seq.s32 s10, $0x1;
	s10 =	sld [smem:$0x3FB3];
	_ =	sdelay $0x3  }
0x34: {  	[smem:$0x3FB3] =	sst s10  }
0x35: {  	s10 =	sld [smem:$0x3FB2];
	_ =	sdelay $0x3  }
0x36: {  	p1 =	seq.s32 s10, $0x1;
	s10 =	sld [smem:$0x3FB3];
	_ =	sdelay $0x3  }
0x37: {  	[smem:$0x3FB3] =	sst s10  }
0x38: {  	s10 =	sld [smem:$0x3FB4]  }
0x39: {  	_ = 	snop;
	(pc) =	sbr.ind lr, $3  }
0x3a: {  	_ = 	snop  }
0x3b: {  	_ = 	snop  }
0x3c: {  	p2 =	seq.s32 s10, $0x1;
	s10 =	sld [smem:$0x3FB3]  }
0x3d: {  	_ =	shalt  }
0x3e: {  	_ =	shalt  }
0x3f: {  	_ =	shalt  }
0x40: {  	_ =	shalt  }
0x41: {  	_ =	shalt  }
0x42: {  	_ =	shalt  }
0x43: {  	_ =	shalt  }
0x44: {  	_ =	shalt  }
0x45: {  	_ =	shalt  }
0x46: {  	_ =	shalt  }
0x47: {  	_ =	shalt  }
0x48: {  	_ =	shalt  }
0x49: {  	_ =	shalt  }
0x4a: {  	_ =	shalt  }
0x4b: {  	_ =	shalt  }
0x4c: {  	_ =	shalt  }
0x4d: {  	_ =	shalt  }
0x4e: {  	_ =	shalt  }
0x4f: {  	_ =	shalt  }
0x50: {  	_ =	shalt  }
0x51: {  	_ =	shalt  }
0x52: {  	_ =	shalt  }
0x53: {  	_ =	shalt  }
0x54: {  	_ =	shalt  }
0x55: {  	_ =	shalt  }
0x56: {  	_ =	shalt  }
0x57: {  	_ =	shalt  }
0x58: {  	_ =	shalt  }
0x59: {  	_ =	shalt  }
0x5a: {  	_ =	shalt  }
0x5b: {  	_ =	shalt  }
0x5c: {  	_ =	shalt  }
0x5d: {  	_ =	shalt  }
0x5e: {  	_ =	shalt  }
0x5f: {  	_ =	shalt  }
0x60: {  	_ =	shalt  }
0x61: {  	_ =	shalt  }
0x62: {  	_ =	shalt  }
0x63: {  	_ =	shalt  }
0x64: {  	_ =	shalt  }
0x65: {  	_ =	shalt  }
0x66: {  	_ =	shalt  }
0x67: {  	_ =	shalt  }
0x68: {  	_ =	shalt  }
0x69: {  	_ =	shalt  }
0x6a: {  	_ =	shalt  }
0x6b: {  	_ =	shalt  }
0x6c: {  	_ =	shalt  }
0x6d: {  	_ =	shalt  }
0x6e: {  	_ =	shalt  }
0x6f: {  	_ =	shalt  }
0x70: {  	_ =	shalt  }
0x71: {  	_ =	shalt  }
0x72: {  	_ =	shalt  }
0x73: {  	_ =	shalt  }
0x74: {  	_ =	shalt  }
0x75: {  	_ =	shalt  }
0x76: {  	_ =	shalt  }
0x77: {  	_ =	shalt  }
0x78: {  	_ =	shalt  }
0x79: {  	_ =	shalt  }
0x7a: {  	_ =	shalt  }
0x7b: {  	_ =	shalt  }
0x7c: {  	_ =	shalt  }
0x7d: {  	_ =	shalt  }
0x7e: {  	_ =	shalt  }
0x7f: {  	_ =	shalt  }
0x80: {  	_ =	shalt  }
0x81: {  	_ =	shalt  }
0x82: {  	_ =	shalt  }
0x83: {  	_ =	shalt  }
0x84: {  	_ =	shalt  }
0x85: {  	_ =	shalt  }
0x86: {  	_ =	shalt  }
0x87: {  	_ =	shalt  }
.Lfunc_end0:
.L_simem_size_0:
called_computation.1_lowered:
.L_overlay_start_0:
0x88: {  	s2 =	sld [smem:$0x3FD9]  }
0x89: {  	s3 =	sld [smem:$0x3FFE];
	_ =	sdelay $0x1  }
0x8a: {  	s1 =	srdreg.scid  }
0x8b: {  	s0 =	sand.u32 $0x1, s1  }
0x8c: {  	s16 =	sshll.u32 s0, $0xA;
	s2 =	sadd.s32 s3, s2  }
0x8d: {  	s2 =	sadd.s32 s2, s16  }
0x8e: {  	[smem:$0x3FBF] =	sst s2  }
0x8f: {  	_ = 	snop  }
0x90: {  	(tm) =	ssettm $0x1  }
0x91: {  	s17 =	sld [smem:$0x3FFB];
	_ =	sdelay $0x3  }
0x92: {  	_ =	strace s17  }
0x93: {  	s2 =	sld [smem:$0x3FFC];
	_ =	sdelay $0x3  }
0x94: {  	_ =	strace s2  }
0x95: {  	s2 =	sld [smem:$0x3FFD];
	_ =	sdelay $0x3  }
0x96: {  	_ =	strace s2  }
0x97: {  	_ =	strace $0x8FFFFFFF  }
0x98: {  	s18 =	sld [smem:$0x3FDB];
	_ =	sdelay $0x1  }
0x99: {  	s19 =	simm.s32 $_scs_section_size  }
0x9a: {  	s4 =	simm.s32 $_size__tile_overlayer_lowered;
	s5 =	simm.s32 $_tile_overlayer_lowered  }
0x9b: {  	s22 =	simm.s32 $0x1BFF;
	s21 =	sshll.u32 s5, $0x1;
	s2 =	sadd.s32 s19, s18  }
0x9c: {  	s6 =	simm.s32 $0x0;
	s20 =	sshll.u32 s4, $0x1;
	s4 =	sadd.s32 s21, s2  }
0x9d: {  	[timem:s6], [sflag:s22] =	dma.local [hbm:s4], s20  }
0x9e: {  	_ =	swait.ge [sflag:s22], s20  }
0x9f: {  	s3 =	ssub.s32 $0x0, s20;
	[sflag:s22] =	ssyncset.done $0x0  }
0xa0: {  	[sflag:s22] =	ssyncadd.s32 s3;
	_ =	sdelay $0x1  }
0xa1: {  	s23 =	simm.s32 $0x1B8B  }
0xa2: {  	_ =	swait.ge [sflag:s23], $0x1  }
0xa3: {  	[sflag:s23] =	ssyncset.done $0x0  }
0xa4: {  	s25 =	simm.s32 $0x1B8E;
	s24 =	sld [smem:$0x3FFE];
	[sflag:s23] =	ssyncadd.s32 $0xFFFFFFFF  }
0xa5: {  	s26 =	simm.s32 $execute0_lowered;
	[smem:$0x3FD2] =	sst s25  }
0xa6: {  	s4 =	sshll.u32 s26, $0x1;
	_ =	strace $0x80000046;
	[dreg:$0x1] =	wrdreg $0xFFFFFFFF  }
0xa7: {  	s28 =	simm.s32 $_size_execute0_lowered;
	s2 =	sadd.s32 s2, s4;
	[dreg:$0x0] =	wrdreg $0x0  }
0xa8: {  	s4 =	sshll.u32 s28, $0x1;
	[dreg:$0x2] =	wrdreg s2  }
0xa9: {  	[dreg:$0x3] =	wrdreg s4  }
0xaa: {  	[dreg:$0x4] =	wrdreg $0xC0  }
0xab: {  	_ =	task [dreg:s6], $0x5FFFF  }
0xac: {  	[dreg:$0x1] =	wrdreg $0xFFFFFFFF  }
0xad: {  	[dreg:$0x0] =	wrdreg $0x60  }
0xae: {  	[dreg:$0x2] =	wrdreg s24  }
0xaf: {  	[dreg:$0x3] =	wrdreg $0x90000  }
0xb0: {  	[dreg:$0x4] =	wrdreg $0xA  }
0xb1: {  	_ =	task.clear_ibuf [dreg:s6], $0x5FFFF;
	_ =	strace $0x90000046  }
0xb2: {  	s29 =	simm.s32 $0xA;
	_ =	strace $0x80000048  }
0xb3: {  	_ =	swait.ge [sflag:s29], $0x1  }
0xb4: {  	[sflag:s29] =	ssyncadd.s32 $0xFFFFFFFF  }
0xb5: {  	_ =	strace $0x90000048  }
0xb6: {  	_ =	sfence  }
0xb7: {  	s30 =	sld [smem:$0x0];
	_ =	sdelay $0x2  }
0xb8: {  	s31 =	sshll.u32 s1, $0xD;
	s1 =	sshrl.u32 s1, $0x2  }
0xb9: {  	s3 =	sand.u32 $0x4000, s31;
	s1 =	sadd.s32 s1, s30  }
0xba: {  	s0 =	sor.u32 s3, s0;
	s1 =	sshll.u32 s1, $0x11  }
0xbb: {  	s0 =	sor.u32 s1, s0  }
0xbc: {  	s0 =	sadd.s32 $0x8F2B, s0  }
0xbd: {  	[sflag:s0] =	ssyncadd.remote.s32 $0x1  }
0xbe: {  	_ =	sfence.sel $0xFFFF  }
0xbf: {  	[dreg:$0x0] =	wrdreg $0xFFFFFFFF;
	(pc) =	sbr.abs _section_cstart, $3  }
0xc0: {  	[dreg:$0x1] =	wrdreg $0xFFFFFFFF  }
0xc1: {  	_ =	task.clear_ibuf [dreg:s6], $0x2FFFF;
	_ =	strace $0x9FFFFFFF  }
0xc2: {  	(tm) =	ssettm $0x7FFFFFFF  }
0xc3: {  	_ =	shalt  }
tec
execute0_lowered:
.L_overlay_start_1:
0x0: {  	(tag) =	ssettag $0x1  }
0x1: {  	s0 =	srdreg.scid;
	s5 =	rddreg [dreg:$0x0]  }
0x2: {  	s9 =	stileid.u32;
	s2 =	rddreg [dreg:$0x1];
	s3 =	simm.s32 $0x0  }
0x3: {  	s14 =	simm.s32 $0x100;
	s15 =	simm.s32 $0x880;
	s17 =	simm.s32 $0x180  }
0x4: {  	s18 =	simm.s32 $0x900;
	[smem:$0x7FF] =	sst s3;
	s10 =	sadd.s32 $0xB2200, s5  }
0x5: {  	s19 =	simm.s32 $0x200;
	_ =	strace $0x80000047;
	[dreg:$0x11] =	wrdreg s10  }
0x6: {  	s20 =	simm.s32 $0x980;
	s21 =	simm.s32 $0x280;
	[dreg:$0x5] =	wrdreg s14  }
0x7: {  	s22 =	simm.s32 $0xA00;
	s23 =	simm.s32 $0x300;
	[dreg:$0x6] =	wrdreg s15  }
0x8: {  	s24 =	simm.s32 $0xA80;
	s25 =	simm.s32 $0x380;
	[dreg:$0x7] =	wrdreg s17  }
0x9: {  	s26 =	simm.s32 $0xB00;
	s28 =	simm.s32 $0x680;
	[dreg:$0x8] =	wrdreg s18  }
0xa: {  	s29 =	simm.s32 $0xE00;
	s30 =	simm.s32 $0x700;
	[dreg:$0x9] =	wrdreg s19  }
0xb: {  	s31 =	simm.s32 $0xE80;
	s4 =	smul.u32 $0x2800, s9;
	[dreg:$0xa] =	wrdreg s20  }
0xc: {  	s0 =	sand.u32 $0x1, s0;
	s7 =	smul.u32 $0x14000, s9;
	[dreg:$0xb] =	wrdreg s21  }
0xd: {  	s12 =	smul.u32 $0x50000, s9;
	s16 =	sshll.u32 s9, $0x6;
	[dreg:$0xc] =	wrdreg s22  }
0xe: {  	s9 =	simm.s32 $0x0;
	s1 =	smul.u32 $0x28000, s0;
	[dreg:$0xd] =	wrdreg s23  }
0xf: {  	s6 =	smul.u32 $0x140000, s0;
	s0 =	ssub.s32 $0x2, s0;
	[dreg:$0xe] =	wrdreg s24  }
0x10: {  	s10 =	simm.s32 $0x3;
	s14 =	simm.s32 $0x5000;
	[dreg:$0xf] =	wrdreg s25  }
0x11: {  	s15 =	simm.s32 $0x1;
	[dreg:$0x10] =	wrdreg s26;
	s17 =	simm.s32 $0x400  }
0x12: {  	s18 =	simm.s32 $0xB80;
	s19 =	simm.s32 $0x480;
	s20 =	simm.s32 $0xC00  }
0x13: {  	s21 =	simm.s32 $0x500;
	s22 =	simm.s32 $0xC80;
	s23 =	simm.s32 $0x580  }
0x14: {  	s24 =	simm.s32 $0xD00;
	s25 =	simm.s32 $0x600;
	s26 =	simm.s32 $0xD80  }
0x15: {  	s11 =	sshrl.u32 s0, $0x1;
	s13 =	sshrl.u32 s12, $0x2;
	s12 =	simm.s32 $0x80  }
0x16: {  	s1 =	sadd.s32 s4, s1;
	s6 =	sadd.s32 s7, s6;
	s4 =	sadd.s32 $0x1E00, s5  }
0x17: {  	s0 =	ssub.s32 s0, s11;
	s7 =	sor.u32 $0x1C03, s16;
	s11 =	simm.s32 $0x800  }
0x18: {  	s16 =	simm.s32 $0x2;
	s1 =	sshrl.u32 s1, $0x3;
	s6 =	sshrl.u32 s6, $0x3  }
0x19: {  	s0 =	smax.u32 s0, $0x1;
	[dreg:$0x12] =	wrdreg s7;
	s1 =	sadd.s32 s1, s5  }
0x1a: {  	s5 =	sadd.s32 s6, s5;
	[dreg:$0x14] =	wrdreg s0;
	s8 =	sadd.s32 $0xA8200, s1  }
0x1b: {  	s6 =	sadd.s32 s13, s2;
	s1 =	sadd.s32 $0x9E200, s1;
	[dreg:$0x3] =	wrdreg s8  }
0x1c: {  	s13 =	simm.s32 $0x1000;
	s5 =	sadd.s32 $0xB4A00, s5;
	[dreg:$0x4] =	wrdreg s1  }
0x1d: {  	s0 =	simm.s32 $0xF00;
	[dreg:$0x13] =	wrdreg s5;
	s8 =	sshrl.u32 s6, $0x3  }
0x1e: {  	s1 =	simm.s32 $0x780;
	s5 =	simm.s32 $0xF80;
	[dreg:$0x15] =	wrdreg s8  }
.LBB2_1:
0x1f: {  	[dreg:$0x16] =	wrdreg s9  }
0x20: {  	s6 =	rddreg [dreg:$0x11]  }
0x21: {  	[spmem:s8], [sflag:s7] =	dma.local [hbm:s6], $0x2800  }
0x22: {  	_ =	swait.ge [sflag:s10], $0x2800  }
0x23: {  	[sflag:s10] =	ssyncset.done $0x0  }
0x24: {  	[sflag:s10] =	ssyncadd.s32 $0xFFFFD800  }
0x25: {  	[bflag:$0x0] =	sbarrier.arrive $0xFFFF  }
0x26: {  	s8 =	rddreg [dreg:$0x4]  }
0x27: {  	s6 =	sadd.s32 $0x0, s8  }
0x28: {  	[tilespmem:s3], [sflag:$0x3] =	stream.linear.gather [hbm4b:s6+s3], $0x800, $0x38;
	[tilespmem:$0x1D000] =	vst v63  }
0x29: {  	_ =	swait.ge [sflag:s10], $0x800  }
0x2a: {  	s9 =	rddreg [dreg:$0x3];
	[sflag:s10] =	ssyncset.done $0x0  }
0x2b: {  	[sflag:s10] =	ssyncadd.s32 $0xFFFFF800;
	s6 =	sadd.s32 $0x0, s9  }
0x2c: {  	[tilespmem:s11], [sflag:$0x3] =	stream.linear.gather [hbm4b:s6+s3], $0x800, $0x38;
	[tilespmem:$0x1D000] =	vst v63  }
0x2d: {  	_ =	swait.ge [sflag:s10], $0x800  }
0x2e: {  	[sflag:s10] =	ssyncset.done $0x0  }
0x2f: {  	[sflag:s10] =	ssyncadd.s32 $0xFFFFF800  }
0x30: {  	[tilespmem:s13], [sflag:$0x1] =	stream.indirect.gather [hbm4b:s4+s12], $0x80, s3, s12, $0xb8;
	[tilespmem:$0x1D000] =	vst v63  }
0x31: {  	_ = 	snop  }
0x32: {  	[tilespmem:s14], [sflag:$0x2] =	stream.indirect.gather [hbm4b:s4+s12], $0x80, s12, s12, $0xb8;
	[tilespmem:$0x1D000] =	vst v63  }
0x33: {  	_ =	swait.ge [sflag:s15], $0x4000  }
0x34: {  	[sflag:s15] =	ssyncset.done $0x0  }
0x35: {  	[sflag:s15] =	ssyncadd.s32 $0xFFFFC000  }
0x36: {  	[spmem:s2] =	stream.indirect.scatter.add.f32 [tilespmem:s13], [sflag:$0x3], $0x80, s11, s12, $0xb8;
	[tilespmem:$0x1D000] =	vst v63  }
0x37: {  	_ =	swait.ge [sflag:s10], $0x4000  }
0x38: {  	[sflag:s10] =	ssyncset.done $0x0  }
0x39: {  	s7 =	rddreg [dreg:$0x5];
	[sflag:s10] =	ssyncadd.s32 $0xFFFFC000  }
0x3a: {  	[tilespmem:s13], [sflag:$0x1] =	stream.indirect.gather [hbm4b:s4+s12], $0x80, s7, s12, $0xb8;
	[tilespmem:$0x1D000] =	vst v63  }
0x3b: {  	_ =	swait.ge [sflag:s16], $0x4000  }
0x3c: {  	[sflag:s16] =	ssyncset.done $0x0  }
0x3d: {  	s8 =	rddreg [dreg:$0x6];
	[sflag:s16] =	ssyncadd.s32 $0xFFFFC000  }
0x3e: {  	[spmem:s2] =	stream.indirect.scatter.add.f32 [tilespmem:s14], [sflag:$0x3], $0x80, s8, s12, $0xb8;
	[tilespmem:$0x1D000] =	vst v63  }
0x3f: {  	_ =	swait.ge [sflag:s10], $0x4000  }
0x40: {  	[sflag:s10] =	ssyncset.done $0x0  }
0x41: {  	s9 =	rddreg [dreg:$0x7];
	[sflag:s10] =	ssyncadd.s32 $0xFFFFC000  }
0x42: {  	[tilespmem:s14], [sflag:$0x2] =	stream.indirect.gather [hbm4b:s4+s12], $0x80, s9, s12, $0xb8;
	[tilespmem:$0x1D000] =	vst v63  }
0x43: {  	_ =	swait.ge [sflag:s15], $0x4000  }
0x44: {  	[sflag:s15] =	ssyncset.done $0x0  }
0x45: {  	s7 =	rddreg [dreg:$0x8];
	[sflag:s15] =	ssyncadd.s32 $0xFFFFC000  }
0x46: {  	[spmem:s2] =	stream.indirect.scatter.add.f32 [tilespmem:s13], [sflag:$0x3], $0x80, s7, s12, $0xb8;
	[tilespmem:$0x1D000] =	vst v63  }
0x47: {  	_ =	swait.ge [sflag:s10], $0x4000  }
0x48: {  	[sflag:s10] =	ssyncset.done $0x0  }
0x49: {  	s8 =	rddreg [dreg:$0x9];
	[sflag:s10] =	ssyncadd.s32 $0xFFFFC000  }
0x4a: {  	[tilespmem:s13], [sflag:$0x1] =	stream.indirect.gather [hbm4b:s4+s12], $0x80, s8, s12, $0xb8;
	[tilespmem:$0x1D000] =	vst v63  }
0x4b: {  	_ =	swait.ge [sflag:s16], $0x4000  }
0x4c: {  	[sflag:s16] =	ssyncset.done $0x0  }
0x4d: {  	s9 =	rddreg [dreg:$0xa];
	[sflag:s16] =	ssyncadd.s32 $0xFFFFC000  }
0x4e: {  	[spmem:s2] =	stream.indirect.scatter.add.f32 [tilespmem:s14], [sflag:$0x3], $0x80, s9, s12, $0xb8;
	[tilespmem:$0x1D000] =	vst v63  }
0x4f: {  	_ =	swait.ge [sflag:s10], $0x4000  }
0x50: {  	[sflag:s10] =	ssyncset.done $0x0  }
0x51: {  	s7 =	rddreg [dreg:$0xb];
	[sflag:s10] =	ssyncadd.s32 $0xFFFFC000  }
0x52: {  	[tilespmem:s14], [sflag:$0x2] =	stream.indirect.gather [hbm4b:s4+s12], $0x80, s7, s12, $0xb8;
	[tilespmem:$0x1D000] =	vst v63  }
0x53: {  	_ =	swait.ge [sflag:s15], $0x4000  }
0x54: {  	[sflag:s15] =	ssyncset.done $0x0  }
0x55: {  	s8 =	rddreg [dreg:$0xc];
	[sflag:s15] =	ssyncadd.s32 $0xFFFFC000  }
0x56: {  	[spmem:s2] =	stream.indirect.scatter.add.f32 [tilespmem:s13], [sflag:$0x3], $0x80, s8, s12, $0xb8;
	[tilespmem:$0x1D000] =	vst v63  }
0x57: {  	_ =	swait.ge [sflag:s10], $0x4000  }
0x58: {  	[sflag:s10] =	ssyncset.done $0x0  }
0x59: {  	s9 =	rddreg [dreg:$0xd];
	[sflag:s10] =	ssyncadd.s32 $0xFFFFC000  }
0x5a: {  	[tilespmem:s13], [sflag:$0x1] =	stream.indirect.gather [hbm4b:s4+s12], $0x80, s9, s12, $0xb8;
	[tilespmem:$0x1D000] =	vst v63  }
0x5b: {  	_ =	swait.ge [sflag:s16], $0x4000  }
0x5c: {  	[sflag:s16] =	ssyncset.done $0x0  }
0x5d: {  	s7 =	rddreg [dreg:$0xe];
	[sflag:s16] =	ssyncadd.s32 $0xFFFFC000  }
0x5e: {  	[spmem:s2] =	stream.indirect.scatter.add.f32 [tilespmem:s14], [sflag:$0x3], $0x80, s7, s12, $0xb8;
	[tilespmem:$0x1D000] =	vst v63  }
0x5f: {  	_ =	swait.ge [sflag:s10], $0x4000  }
0x60: {  	[sflag:s10] =	ssyncset.done $0x0  }
0x61: {  	s8 =	rddreg [dreg:$0xf];
	[sflag:s10] =	ssyncadd.s32 $0xFFFFC000  }
0x62: {  	[tilespmem:s14], [sflag:$0x2] =	stream.indirect.gather [hbm4b:s4+s12], $0x80, s8, s12, $0xb8;
	[tilespmem:$0x1D000] =	vst v63  }
0x63: {  	_ =	swait.ge [sflag:s15], $0x4000  }
0x64: {  	[sflag:s15] =	ssyncset.done $0x0  }
0x65: {  	s9 =	rddreg [dreg:$0x10];
	[sflag:s15] =	ssyncadd.s32 $0xFFFFC000  }
0x66: {  	[spmem:s2] =	stream.indirect.scatter.add.f32 [tilespmem:s13], [sflag:$0x3], $0x80, s9, s12, $0xb8;
	[tilespmem:$0x1D000] =	vst v63  }
0x67: {  	_ =	swait.ge [sflag:s10], $0x4000  }
0x68: {  	[sflag:s10] =	ssyncset.done $0x0  }
0x69: {  	[sflag:s10] =	ssyncadd.s32 $0xFFFFC000  }
0x6a: {  	[tilespmem:s13], [sflag:$0x1] =	stream.indirect.gather [hbm4b:s4+s12], $0x80, s17, s12, $0xb8;
	[tilespmem:$0x1D000] =	vst v63  }
0x6b: {  	_ =	swait.ge [sflag:s16], $0x4000  }
0x6c: {  	[sflag:s16] =	ssyncset.done $0x0  }
0x6d: {  	[sflag:s16] =	ssyncadd.s32 $0xFFFFC000  }
0x6e: {  	[spmem:s2] =	stream.indirect.scatter.add.f32 [tilespmem:s14], [sflag:$0x3], $0x80, s18, s12, $0xb8;
	[tilespmem:$0x1D000] =	vst v63  }
0x6f: {  	_ =	swait.ge [sflag:s10], $0x4000  }
0x70: {  	[sflag:s10] =	ssyncset.done $0x0  }
0x71: {  	[sflag:s10] =	ssyncadd.s32 $0xFFFFC000  }
0x72: {  	[tilespmem:s14], [sflag:$0x2] =	stream.indirect.gather [hbm4b:s4+s12], $0x80, s19, s12, $0xb8;
	[tilespmem:$0x1D000] =	vst v63  }
0x73: {  	_ =	swait.ge [sflag:s15], $0x4000  }
0x74: {  	[sflag:s15] =	ssyncset.done $0x0  }
0x75: {  	[sflag:s15] =	ssyncadd.s32 $0xFFFFC000  }
0x76: {  	[spmem:s2] =	stream.indirect.scatter.add.f32 [tilespmem:s13], [sflag:$0x3], $0x80, s20, s12, $0xb8;
	[tilespmem:$0x1D000] =	vst v63  }
0x77: {  	_ =	swait.ge [sflag:s10], $0x4000  }
0x78: {  	[sflag:s10] =	ssyncset.done $0x0  }
0x79: {  	[sflag:s10] =	ssyncadd.s32 $0xFFFFC000  }
0x7a: {  	[tilespmem:s13], [sflag:$0x1] =	stream.indirect.gather [hbm4b:s4+s12], $0x80, s21, s12, $0xb8;
	[tilespmem:$0x1D000] =	vst v63  }
0x7b: {  	_ =	swait.ge [sflag:s16], $0x4000  }
0x7c: {  	[sflag:s16] =	ssyncset.done $0x0  }
0x7d: {  	[sflag:s16] =	ssyncadd.s32 $0xFFFFC000  }
0x7e: {  	[spmem:s2] =	stream.indirect.scatter.add.f32 [tilespmem:s14], [sflag:$0x3], $0x80, s22, s12, $0xb8;
	[tilespmem:$0x1D000] =	vst v63  }
0x7f: {  	_ =	swait.ge [sflag:s10], $0x4000  }
0x80: {  	[sflag:s10] =	ssyncset.done $0x0  }
0x81: {  	[sflag:s10] =	ssyncadd.s32 $0xFFFFC000  }
0x82: {  	[tilespmem:s14], [sflag:$0x2] =	stream.indirect.gather [hbm4b:s4+s12], $0x80, s23, s12, $0xb8;
	[tilespmem:$0x1D000] =	vst v63  }
0x83: {  	_ =	swait.ge [sflag:s15], $0x4000  }
0x84: {  	[sflag:s15] =	ssyncset.done $0x0  }
0x85: {  	[sflag:s15] =	ssyncadd.s32 $0xFFFFC000  }
0x86: {  	[spmem:s2] =	stream.indirect.scatter.add.f32 [tilespmem:s13], [sflag:$0x3], $0x80, s24, s12, $0xb8;
	[tilespmem:$0x1D000] =	vst v63  }
0x87: {  	_ =	swait.ge [sflag:s10], $0x4000  }
0x88: {  	[sflag:s10] =	ssyncset.done $0x0  }
0x89: {  	[sflag:s10] =	ssyncadd.s32 $0xFFFFC000  }
0x8a: {  	[tilespmem:s13], [sflag:$0x1] =	stream.indirect.gather [hbm4b:s4+s12], $0x80, s25, s12, $0xb8;
	[tilespmem:$0x1D000] =	vst v63  }
0x8b: {  	_ =	swait.ge [sflag:s16], $0x4000  }
0x8c: {  	[sflag:s16] =	ssyncset.done $0x0  }
0x8d: {  	[sflag:s16] =	ssyncadd.s32 $0xFFFFC000  }
0x8e: {  	[spmem:s2] =	stream.indirect.scatter.add.f32 [tilespmem:s14], [sflag:$0x3], $0x80, s26, s12, $0xb8;
	[tilespmem:$0x1D000] =	vst v63  }
0x8f: {  	_ =	swait.ge [sflag:s10], $0x4000  }
0x90: {  	[sflag:s10] =	ssyncset.done $0x0  }
0x91: {  	[sflag:s10] =	ssyncadd.s32 $0xFFFFC000  }
0x92: {  	[tilespmem:s14], [sflag:$0x2] =	stream.indirect.gather [hbm4b:s4+s12], $0x80, s28, s12, $0xb8;
	[tilespmem:$0x1D000] =	vst v63  }
0x93: {  	_ =	swait.ge [sflag:s15], $0x4000  }
0x94: {  	[sflag:s15] =	ssyncset.done $0x0  }
0x95: {  	[sflag:s15] =	ssyncadd.s32 $0xFFFFC000  }
0x96: {  	[spmem:s2] =	stream.indirect.scatter.add.f32 [tilespmem:s13], [sflag:$0x3], $0x80, s29, s12, $0xb8;
	[tilespmem:$0x1D000] =	vst v63  }
0x97: {  	_ =	swait.ge [sflag:s10], $0x4000  }
0x98: {  	[sflag:s10] =	ssyncset.done $0x0  }
0x99: {  	[sflag:s10] =	ssyncadd.s32 $0xFFFFC000  }
0x9a: {  	[tilespmem:s13], [sflag:$0x1] =	stream.indirect.gather [hbm4b:s4+s12], $0x80, s30, s12, $0xb8;
	[tilespmem:$0x1D000] =	vst v63  }
0x9b: {  	_ =	swait.ge [sflag:s16], $0x4000  }
0x9c: {  	[sflag:s16] =	ssyncset.done $0x0  }
0x9d: {  	[sflag:s16] =	ssyncadd.s32 $0xFFFFC000  }
0x9e: {  	[spmem:s2] =	stream.indirect.scatter.add.f32 [tilespmem:s14], [sflag:$0x3], $0x80, s31, s12, $0xb8;
	[tilespmem:$0x1D000] =	vst v63  }
0x9f: {  	_ =	swait.ge [sflag:s10], $0x4000  }
0xa0: {  	[sflag:s10] =	ssyncset.done $0x0  }
0xa1: {  	[sflag:s10] =	ssyncadd.s32 $0xFFFFC000  }
0xa2: {  	[tilespmem:s14], [sflag:$0x2] =	stream.indirect.gather [hbm4b:s4+s12], $0x80, s1, s12, $0xb8;
	[tilespmem:$0x1D000] =	vst v63  }
0xa3: {  	_ =	swait.ge [sflag:s15], $0x4000  }
0xa4: {  	[sflag:s15] =	ssyncset.done $0x0  }
0xa5: {  	[sflag:s15] =	ssyncadd.s32 $0xFFFFC000  }
0xa6: {  	[spmem:s2] =	stream.indirect.scatter.add.f32 [tilespmem:s13], [sflag:$0x3], $0x80, s0, s12, $0xb8;
	[tilespmem:$0x1D000] =	vst v63  }
0xa7: {  	_ =	swait.ge [sflag:s10], $0x4000  }
0xa8: {  	[sflag:s10] =	ssyncset.done $0x0  }
0xa9: {  	[sflag:s10] =	ssyncadd.s32 $0xFFFFC000  }
0xaa: {  	_ =	swait.ge [sflag:s16], $0x4000  }
0xab: {  	[sflag:s16] =	ssyncset.done $0x0  }
0xac: {  	[sflag:s16] =	ssyncadd.s32 $0xFFFFC000  }
0xad: {  	[spmem:s2] =	stream.indirect.scatter.add.f32 [tilespmem:s14], [sflag:$0x3], $0x80, s5, s12, $0xb8;
	[tilespmem:$0x1D000] =	vst v63  }
0xae: {  	s6 =	simm.s32 $0x200;
	_ =	swait.ge [sflag:s10], $0x4000  }
0xaf: {  	s8 =	simm.s32 $0x100;
	s9 =	rddreg [dreg:$0x4];
	[sflag:s10] =	ssyncset.done $0x0  }
.LBB2_2:
0xb0: {  	[sflag:s10] =	ssyncadd.s32 $0xFFFFC000;
	s9 =	sadd.s32 s8, s9  }
0xb1: {  	[tilespmem:s3], [sflag:$0x3] =	stream.linear.gather [hbm4b:s9+s3], $0x800, $0x38;
	[tilespmem:$0x1D000] =	vst v63  }
0xb2: {  	_ =	swait.ge [sflag:s10], $0x800  }
0xb3: {  	s9 =	rddreg [dreg:$0x3];
	[sflag:s10] =	ssyncset.done $0x0  }
0xb4: {  	[sflag:s10] =	ssyncadd.s32 $0xFFFFF800;
	s9 =	sadd.s32 s8, s9  }
0xb5: {  	[tilespmem:s11], [sflag:$0x3] =	stream.linear.gather [hbm4b:s9+s3], $0x800, $0x38;
	[tilespmem:$0x1D000] =	vst v63  }
0xb6: {  	_ =	swait.ge [sflag:s10], $0x800  }
0xb7: {  	[sflag:s10] =	ssyncset.done $0x0  }
0xb8: {  	[sflag:s10] =	ssyncadd.s32 $0xFFFFF800  }
0xb9: {  	[tilespmem:s13], [sflag:$0x1] =	stream.indirect.gather [hbm4b:s4+s12], $0x80, s3, s12, $0xb8;
	[tilespmem:$0x1D000] =	vst v63  }
0xba: {  	_ = 	snop  }
0xbb: {  	[tilespmem:s14], [sflag:$0x2] =	stream.indirect.gather [hbm4b:s4+s12], $0x80, s12, s12, $0xb8;
	[tilespmem:$0x1D000] =	vst v63  }
0xbc: {  	_ =	swait.ge [sflag:s15], $0x4000  }
0xbd: {  	[sflag:s15] =	ssyncset.done $0x0  }
0xbe: {  	[sflag:s15] =	ssyncadd.s32 $0xFFFFC000  }
0xbf: {  	[spmem:s2] =	stream.indirect.scatter.add.f32 [tilespmem:s13], [sflag:$0x3], $0x80, s11, s12, $0xb8;
	[tilespmem:$0x1D000] =	vst v63  }
0xc0: {  	_ =	swait.ge [sflag:s10], $0x4000  }
0xc1: {  	[sflag:s10] =	ssyncset.done $0x0  }
0xc2: {  	s9 =	rddreg [dreg:$0x5];
	[sflag:s10] =	ssyncadd.s32 $0xFFFFC000  }
0xc3: {  	[tilespmem:s13], [sflag:$0x1] =	stream.indirect.gather [hbm4b:s4+s12], $0x80, s9, s12, $0xb8;
	[tilespmem:$0x1D000] =	vst v63  }
0xc4: {  	_ =	swait.ge [sflag:s16], $0x4000  }
0xc5: {  	[sflag:s16] =	ssyncset.done $0x0  }
0xc6: {  	s9 =	rddreg [dreg:$0x6];
	[sflag:s16] =	ssyncadd.s32 $0xFFFFC000  }
0xc7: {  	[spmem:s2] =	stream.indirect.scatter.add.f32 [tilespmem:s14], [sflag:$0x3], $0x80, s9, s12, $0xb8;
	[tilespmem:$0x1D000] =	vst v63  }
0xc8: {  	_ =	swait.ge [sflag:s10], $0x4000  }
0xc9: {  	[sflag:s10] =	ssyncset.done $0x0  }
0xca: {  	s9 =	rddreg [dreg:$0x7];
	[sflag:s10] =	ssyncadd.s32 $0xFFFFC000  }
0xcb: {  	[tilespmem:s14], [sflag:$0x2] =	stream.indirect.gather [hbm4b:s4+s12], $0x80, s9, s12, $0xb8;
	[tilespmem:$0x1D000] =	vst v63  }
0xcc: {  	_ =	swait.ge [sflag:s15], $0x4000  }
0xcd: {  	[sflag:s15] =	ssyncset.done $0x0  }
0xce: {  	s9 =	rddreg [dreg:$0x8];
	[sflag:s15] =	ssyncadd.s32 $0xFFFFC000  }
0xcf: {  	[spmem:s2] =	stream.indirect.scatter.add.f32 [tilespmem:s13], [sflag:$0x3], $0x80, s9, s12, $0xb8;
	[tilespmem:$0x1D000] =	vst v63  }
0xd0: {  	_ =	swait.ge [sflag:s10], $0x4000  }
0xd1: {  	[sflag:s10] =	ssyncset.done $0x0  }
0xd2: {  	s9 =	rddreg [dreg:$0x9];
	[sflag:s10] =	ssyncadd.s32 $0xFFFFC000  }
0xd3: {  	[tilespmem:s13], [sflag:$0x1] =	stream.indirect.gather [hbm4b:s4+s12], $0x80, s9, s12, $0xb8;
	[tilespmem:$0x1D000] =	vst v63  }
0xd4: {  	_ =	swait.ge [sflag:s16], $0x4000  }
0xd5: {  	[sflag:s16] =	ssyncset.done $0x0  }
0xd6: {  	s9 =	rddreg [dreg:$0xa];
	[sflag:s16] =	ssyncadd.s32 $0xFFFFC000  }
0xd7: {  	[spmem:s2] =	stream.indirect.scatter.add.f32 [tilespmem:s14], [sflag:$0x3], $0x80, s9, s12, $0xb8;
	[tilespmem:$0x1D000] =	vst v63  }
0xd8: {  	_ =	swait.ge [sflag:s10], $0x4000  }
0xd9: {  	[sflag:s10] =	ssyncset.done $0x0  }
0xda: {  	s9 =	rddreg [dreg:$0xb];
	[sflag:s10] =	ssyncadd.s32 $0xFFFFC000  }
0xdb: {  	[tilespmem:s14], [sflag:$0x2] =	stream.indirect.gather [hbm4b:s4+s12], $0x80, s9, s12, $0xb8;
	[tilespmem:$0x1D000] =	vst v63  }
0xdc: {  	_ =	swait.ge [sflag:s15], $0x4000  }
0xdd: {  	[sflag:s15] =	ssyncset.done $0x0  }
0xde: {  	s9 =	rddreg [dreg:$0xc];
	[sflag:s15] =	ssyncadd.s32 $0xFFFFC000  }
0xdf: {  	[spmem:s2] =	stream.indirect.scatter.add.f32 [tilespmem:s13], [sflag:$0x3], $0x80, s9, s12, $0xb8;
	[tilespmem:$0x1D000] =	vst v63  }
0xe0: {  	_ =	swait.ge [sflag:s10], $0x4000  }
0xe1: {  	[sflag:s10] =	ssyncset.done $0x0  }
0xe2: {  	s9 =	rddreg [dreg:$0xd];
	[sflag:s10] =	ssyncadd.s32 $0xFFFFC000  }
0xe3: {  	[tilespmem:s13], [sflag:$0x1] =	stream.indirect.gather [hbm4b:s4+s12], $0x80, s9, s12, $0xb8;
	[tilespmem:$0x1D000] =	vst v63  }
0xe4: {  	_ =	swait.ge [sflag:s16], $0x4000  }
0xe5: {  	[sflag:s16] =	ssyncset.done $0x0  }
0xe6: {  	s9 =	rddreg [dreg:$0xe];
	[sflag:s16] =	ssyncadd.s32 $0xFFFFC000  }
0xe7: {  	[spmem:s2] =	stream.indirect.scatter.add.f32 [tilespmem:s14], [sflag:$0x3], $0x80, s9, s12, $0xb8;
	[tilespmem:$0x1D000] =	vst v63  }
0xe8: {  	_ =	swait.ge [sflag:s10], $0x4000  }
0xe9: {  	[sflag:s10] =	ssyncset.done $0x0  }
0xea: {  	s9 =	rddreg [dreg:$0xf];
	[sflag:s10] =	ssyncadd.s32 $0xFFFFC000  }
0xeb: {  	[tilespmem:s14], [sflag:$0x2] =	stream.indirect.gather [hbm4b:s4+s12], $0x80, s9, s12, $0xb8;
	[tilespmem:$0x1D000] =	vst v63  }
0xec: {  	_ =	swait.ge [sflag:s15], $0x4000  }
0xed: {  	[sflag:s15] =	ssyncset.done $0x0  }
0xee: {  	s9 =	rddreg [dreg:$0x10];
	[sflag:s15] =	ssyncadd.s32 $0xFFFFC000  }
0xef: {  	[spmem:s2] =	stream.indirect.scatter.add.f32 [tilespmem:s13], [sflag:$0x3], $0x80, s9, s12, $0xb8;
	[tilespmem:$0x1D000] =	vst v63  }
0xf0: {  	_ =	swait.ge [sflag:s10], $0x4000  }
0xf1: {  	[sflag:s10] =	ssyncset.done $0x0  }
0xf2: {  	[sflag:s10] =	ssyncadd.s32 $0xFFFFC000  }
0xf3: {  	[tilespmem:s13], [sflag:$0x1] =	stream.indirect.gather [hbm4b:s4+s12], $0x80, s17, s12, $0xb8;
	[tilespmem:$0x1D000] =	vst v63  }
0xf4: {  	_ =	swait.ge [sflag:s16], $0x4000  }
0xf5: {  	[sflag:s16] =	ssyncset.done $0x0  }
0xf6: {  	[sflag:s16] =	ssyncadd.s32 $0xFFFFC000  }
0xf7: {  	[spmem:s2] =	stream.indirect.scatter.add.f32 [tilespmem:s14], [sflag:$0x3], $0x80, s18, s12, $0xb8;
	[tilespmem:$0x1D000] =	vst v63  }
0xf8: {  	_ =	swait.ge [sflag:s10], $0x4000  }
0xf9: {  	[sflag:s10] =	ssyncset.done $0x0  }
0xfa: {  	[sflag:s10] =	ssyncadd.s32 $0xFFFFC000  }
0xfb: {  	[tilespmem:s14], [sflag:$0x2] =	stream.indirect.gather [hbm4b:s4+s12], $0x80, s19, s12, $0xb8;
	[tilespmem:$0x1D000] =	vst v63  }
0xfc: {  	_ =	swait.ge [sflag:s15], $0x4000  }
0xfd: {  	[sflag:s15] =	ssyncset.done $0x0  }
0xfe: {  	[sflag:s15] =	ssyncadd.s32 $0xFFFFC000  }
0xff: {  	[spmem:s2] =	stream.indirect.scatter.add.f32 [tilespmem:s13], [sflag:$0x3], $0x80, s20, s12, $0xb8;
	[tilespmem:$0x1D000] =	vst v63  }
0x100: {  	_ =	swait.ge [sflag:s10], $0x4000  }
0x101: {  	[sflag:s10] =	ssyncset.done $0x0  }
0x102: {  	[sflag:s10] =	ssyncadd.s32 $0xFFFFC000  }
0x103: {  	[tilespmem:s13], [sflag:$0x1] =	stream.indirect.gather [hbm4b:s4+s12], $0x80, s21, s12, $0xb8;
	[tilespmem:$0x1D000] =	vst v63  }
0x104: {  	_ =	swait.ge [sflag:s16], $0x4000  }
0x105: {  	[sflag:s16] =	ssyncset.done $0x0  }
0x106: {  	[sflag:s16] =	ssyncadd.s32 $0xFFFFC000  }
0x107: {  	[spmem:s2] =	stream.indirect.scatter.add.f32 [tilespmem:s14], [sflag:$0x3], $0x80, s22, s12, $0xb8;
	[tilespmem:$0x1D000] =	vst v63  }
0x108: {  	_ =	swait.ge [sflag:s10], $0x4000  }
0x109: {  	[sflag:s10] =	ssyncset.done $0x0  }
0x10a: {  	[sflag:s10] =	ssyncadd.s32 $0xFFFFC000  }
0x10b: {  	[tilespmem:s14], [sflag:$0x2] =	stream.indirect.gather [hbm4b:s4+s12], $0x80, s23, s12, $0xb8;
	[tilespmem:$0x1D000] =	vst v63  }
0x10c: {  	_ =	swait.ge [sflag:s15], $0x4000  }
0x10d: {  	[sflag:s15] =	ssyncset.done $0x0  }
0x10e: {  	[sflag:s15] =	ssyncadd.s32 $0xFFFFC000  }
0x10f: {  	[spmem:s2] =	stream.indirect.scatter.add.f32 [tilespmem:s13], [sflag:$0x3], $0x80, s24, s12, $0xb8;
	[tilespmem:$0x1D000] =	vst v63  }
0x110: {  	_ =	swait.ge [sflag:s10], $0x4000  }
0x111: {  	[sflag:s10] =	ssyncset.done $0x0  }
0x112: {  	[sflag:s10] =	ssyncadd.s32 $0xFFFFC000  }
0x113: {  	[tilespmem:s13], [sflag:$0x1] =	stream.indirect.gather [hbm4b:s4+s12], $0x80, s25, s12, $0xb8;
	[tilespmem:$0x1D000] =	vst v63  }
0x114: {  	_ =	swait.ge [sflag:s16], $0x4000  }
0x115: {  	[sflag:s16] =	ssyncset.done $0x0  }
0x116: {  	[sflag:s16] =	ssyncadd.s32 $0xFFFFC000  }
0x117: {  	[spmem:s2] =	stream.indirect.scatter.add.f32 [tilespmem:s14], [sflag:$0x3], $0x80, s26, s12, $0xb8;
	[tilespmem:$0x1D000] =	vst v63  }
0x118: {  	_ =	swait.ge [sflag:s10], $0x4000  }
0x119: {  	[sflag:s10] =	ssyncset.done $0x0  }
0x11a: {  	[sflag:s10] =	ssyncadd.s32 $0xFFFFC000  }
0x11b: {  	[tilespmem:s14], [sflag:$0x2] =	stream.indirect.gather [hbm4b:s4+s12], $0x80, s28, s12, $0xb8;
	[tilespmem:$0x1D000] =	vst v63  }
0x11c: {  	_ =	swait.ge [sflag:s15], $0x4000  }
0x11d: {  	[sflag:s15] =	ssyncset.done $0x0  }
0x11e: {  	[sflag:s15] =	ssyncadd.s32 $0xFFFFC000  }
0x11f: {  	[spmem:s2] =	stream.indirect.scatter.add.f32 [tilespmem:s13], [sflag:$0x3], $0x80, s29, s12, $0xb8;
	[tilespmem:$0x1D000] =	vst v63  }
0x120: {  	_ =	swait.ge [sflag:s10], $0x4000  }
0x121: {  	[sflag:s10] =	ssyncset.done $0x0  }
0x122: {  	[sflag:s10] =	ssyncadd.s32 $0xFFFFC000  }
0x123: {  	[tilespmem:s13], [sflag:$0x1] =	stream.indirect.gather [hbm4b:s4+s12], $0x80, s30, s12, $0xb8;
	[tilespmem:$0x1D000] =	vst v63  }
0x124: {  	_ =	swait.ge [sflag:s16], $0x4000  }
0x125: {  	[sflag:s16] =	ssyncset.done $0x0  }
0x126: {  	[sflag:s16] =	ssyncadd.s32 $0xFFFFC000  }
0x127: {  	[spmem:s2] =	stream.indirect.scatter.add.f32 [tilespmem:s14], [sflag:$0x3], $0x80, s31, s12, $0xb8;
	[tilespmem:$0x1D000] =	vst v63  }
0x128: {  	_ =	swait.ge [sflag:s10], $0x4000  }
0x129: {  	[sflag:s10] =	ssyncset.done $0x0  }
0x12a: {  	[sflag:s10] =	ssyncadd.s32 $0xFFFFC000  }
0x12b: {  	[tilespmem:s14], [sflag:$0x2] =	stream.indirect.gather [hbm4b:s4+s12], $0x80, s1, s12, $0xb8;
	[tilespmem:$0x1D000] =	vst v63  }
0x12c: {  	_ =	swait.ge [sflag:s15], $0x4000  }
0x12d: {  	[sflag:s15] =	ssyncset.done $0x0  }
0x12e: {  	[sflag:s15] =	ssyncadd.s32 $0xFFFFC000  }
0x12f: {  	[spmem:s2] =	stream.indirect.scatter.add.f32 [tilespmem:s13], [sflag:$0x3], $0x80, s0, s12, $0xb8;
	[tilespmem:$0x1D000] =	vst v63  }
0x130: {  	_ =	swait.ge [sflag:s10], $0x4000  }
0x131: {  	[sflag:s10] =	ssyncset.done $0x0  }
0x132: {  	[sflag:s10] =	ssyncadd.s32 $0xFFFFC000  }
0x133: {  	p0 =	sne.s32 s6, $0x400;
	_ =	swait.ge [sflag:s16], $0x4000  }
.Ltmp0:
0x134: {  	[sflag:s16] =	ssyncset.done $0x0;
	(pc) =	sbr.rel @p0 .LBB2_2-.Ltmp0, $4  }
0x135: {  	[sflag:s16] =	ssyncadd.s32 $0xFFFFC000  }
0x136: {  	[spmem:s2] =	stream.indirect.scatter.add.f32 [tilespmem:s14], [sflag:$0x3], $0x80, s5, s12, $0xb8;
	[tilespmem:$0x1D000] =	vst v63  }
0x137: {  	s7 =	smov.u32 s6;
	s6 =	sadd.s32 $0x100, s6;
	_ =	swait.ge [sflag:s10], $0x4000  }
0x138: {  	s8 =	smov.u32 s7;
	s9 =	rddreg [dreg:$0x4];
	[sflag:s10] =	ssyncset.done $0x0  }
0x139: {  	[sflag:s10] =	ssyncadd.s32 $0xFFFFC000;
	s6 =	sadd.s32 s8, s9  }
0x13a: {  	[tilespmem:s3], [sflag:$0x3] =	stream.linear.gather [hbm4b:s6+s3], $0x800, $0x38;
	[tilespmem:$0x1D000] =	vst v63  }
0x13b: {  	_ =	swait.ge [sflag:s10], $0x800  }
0x13c: {  	s7 =	rddreg [dreg:$0x3];
	[sflag:s10] =	ssyncset.done $0x0  }
0x13d: {  	s6 =	sadd.s32 s8, s7;
	[sflag:s10] =	ssyncadd.s32 $0xFFFFF800  }
0x13e: {  	[tilespmem:s11], [sflag:$0x3] =	stream.linear.gather [hbm4b:s6+s3], $0x800, $0x38;
	[tilespmem:$0x1D000] =	vst v63  }
0x13f: {  	_ =	swait.ge [sflag:s10], $0x800  }
0x140: {  	[sflag:s10] =	ssyncset.done $0x0  }
0x141: {  	[sflag:s10] =	ssyncadd.s32 $0xFFFFF800  }
0x142: {  	[tilespmem:s13], [sflag:$0x1] =	stream.indirect.gather [hbm4b:s4+s12], $0x80, s3, s12, $0xb8;
	[tilespmem:$0x1D000] =	vst v63  }
0x143: {  	_ = 	snop  }
0x144: {  	[tilespmem:s14], [sflag:$0x2] =	stream.indirect.gather [hbm4b:s4+s12], $0x80, s12, s12, $0xb8;
	[tilespmem:$0x1D000] =	vst v63  }
0x145: {  	_ =	swait.ge [sflag:s15], $0x4000  }
0x146: {  	[sflag:s15] =	ssyncset.done $0x0  }
0x147: {  	[sflag:s15] =	ssyncadd.s32 $0xFFFFC000  }
0x148: {  	[spmem:s2] =	stream.indirect.scatter.add.f32 [tilespmem:s13], [sflag:$0x3], $0x80, s11, s12, $0xb8;
	[tilespmem:$0x1D000] =	vst v63  }
0x149: {  	_ =	swait.ge [sflag:s10], $0x4000  }
0x14a: {  	[sflag:s10] =	ssyncset.done $0x0  }
0x14b: {  	s9 =	rddreg [dreg:$0x5];
	[sflag:s10] =	ssyncadd.s32 $0xFFFFC000  }
0x14c: {  	[tilespmem:s13], [sflag:$0x1] =	stream.indirect.gather [hbm4b:s4+s12], $0x80, s9, s12, $0xb8;
	[tilespmem:$0x1D000] =	vst v63  }
0x14d: {  	_ =	swait.ge [sflag:s16], $0x4000  }
0x14e: {  	[sflag:s16] =	ssyncset.done $0x0  }
0x14f: {  	s7 =	rddreg [dreg:$0x6];
	[sflag:s16] =	ssyncadd.s32 $0xFFFFC000  }
0x150: {  	[spmem:s2] =	stream.indirect.scatter.add.f32 [tilespmem:s14], [sflag:$0x3], $0x80, s7, s12, $0xb8;
	[tilespmem:$0x1D000] =	vst v63  }
0x151: {  	_ =	swait.ge [sflag:s10], $0x4000  }
0x152: {  	[sflag:s10] =	ssyncset.done $0x0  }
0x153: {  	s8 =	rddreg [dreg:$0x7];
	[sflag:s10] =	ssyncadd.s32 $0xFFFFC000  }
0x154: {  	[tilespmem:s14], [sflag:$0x2] =	stream.indirect.gather [hbm4b:s4+s12], $0x80, s8, s12, $0xb8;
	[tilespmem:$0x1D000] =	vst v63  }
0x155: {  	_ =	swait.ge [sflag:s15], $0x4000  }
0x156: {  	[sflag:s15] =	ssyncset.done $0x0  }
0x157: {  	s9 =	rddreg [dreg:$0x8];
	[sflag:s15] =	ssyncadd.s32 $0xFFFFC000  }
0x158: {  	[spmem:s2] =	stream.indirect.scatter.add.f32 [tilespmem:s13], [sflag:$0x3], $0x80, s9, s12, $0xb8;
	[tilespmem:$0x1D000] =	vst v63  }
0x159: {  	_ =	swait.ge [sflag:s10], $0x4000  }
0x15a: {  	[sflag:s10] =	ssyncset.done $0x0  }
0x15b: {  	s7 =	rddreg [dreg:$0x9];
	[sflag:s10] =	ssyncadd.s32 $0xFFFFC000  }
0x15c: {  	[tilespmem:s13], [sflag:$0x1] =	stream.indirect.gather [hbm4b:s4+s12], $0x80, s7, s12, $0xb8;
	[tilespmem:$0x1D000] =	vst v63  }
0x15d: {  	_ =	swait.ge [sflag:s16], $0x4000  }
0x15e: {  	[sflag:s16] =	ssyncset.done $0x0  }
0x15f: {  	s8 =	rddreg [dreg:$0xa];
	[sflag:s16] =	ssyncadd.s32 $0xFFFFC000  }
0x160: {  	[spmem:s2] =	stream.indirect.scatter.add.f32 [tilespmem:s14], [sflag:$0x3], $0x80, s8, s12, $0xb8;
	[tilespmem:$0x1D000] =	vst v63  }
0x161: {  	_ =	swait.ge [sflag:s10], $0x4000  }
0x162: {  	[sflag:s10] =	ssyncset.done $0x0  }
0x163: {  	s9 =	rddreg [dreg:$0xb];
	[sflag:s10] =	ssyncadd.s32 $0xFFFFC000  }
0x164: {  	[tilespmem:s14], [sflag:$0x2] =	stream.indirect.gather [hbm4b:s4+s12], $0x80, s9, s12, $0xb8;
	[tilespmem:$0x1D000] =	vst v63  }
0x165: {  	_ =	swait.ge [sflag:s15], $0x4000  }
0x166: {  	[sflag:s15] =	ssyncset.done $0x0  }
0x167: {  	s7 =	rddreg [dreg:$0xc];
	[sflag:s15] =	ssyncadd.s32 $0xFFFFC000  }
0x168: {  	[spmem:s2] =	stream.indirect.scatter.add.f32 [tilespmem:s13], [sflag:$0x3], $0x80, s7, s12, $0xb8;
	[tilespmem:$0x1D000] =	vst v63  }
0x169: {  	_ =	swait.ge [sflag:s10], $0x4000  }
0x16a: {  	[sflag:s10] =	ssyncset.done $0x0  }
0x16b: {  	s8 =	rddreg [dreg:$0xd];
	[sflag:s10] =	ssyncadd.s32 $0xFFFFC000  }
0x16c: {  	[tilespmem:s13], [sflag:$0x1] =	stream.indirect.gather [hbm4b:s4+s12], $0x80, s8, s12, $0xb8;
	[tilespmem:$0x1D000] =	vst v63  }
0x16d: {  	_ =	swait.ge [sflag:s16], $0x4000  }
0x16e: {  	[sflag:s16] =	ssyncset.done $0x0  }
0x16f: {  	s9 =	rddreg [dreg:$0xe];
	[sflag:s16] =	ssyncadd.s32 $0xFFFFC000  }
0x170: {  	[spmem:s2] =	stream.indirect.scatter.add.f32 [tilespmem:s14], [sflag:$0x3], $0x80, s9, s12, $0xb8;
	[tilespmem:$0x1D000] =	vst v63  }
0x171: {  	_ =	swait.ge [sflag:s10], $0x4000  }
0x172: {  	[sflag:s10] =	ssyncset.done $0x0  }
0x173: {  	s7 =	rddreg [dreg:$0xf];
	[sflag:s10] =	ssyncadd.s32 $0xFFFFC000  }
0x174: {  	[tilespmem:s14], [sflag:$0x2] =	stream.indirect.gather [hbm4b:s4+s12], $0x80, s7, s12, $0xb8;
	[tilespmem:$0x1D000] =	vst v63  }
0x175: {  	_ =	swait.ge [sflag:s15], $0x4000  }
0x176: {  	[sflag:s15] =	ssyncset.done $0x0  }
0x177: {  	s8 =	rddreg [dreg:$0x10];
	[sflag:s15] =	ssyncadd.s32 $0xFFFFC000  }
0x178: {  	[spmem:s2] =	stream.indirect.scatter.add.f32 [tilespmem:s13], [sflag:$0x3], $0x80, s8, s12, $0xb8;
	[tilespmem:$0x1D000] =	vst v63  }
0x179: {  	_ =	swait.ge [sflag:s10], $0x4000  }
0x17a: {  	[sflag:s10] =	ssyncset.done $0x0  }
0x17b: {  	[sflag:s10] =	ssyncadd.s32 $0xFFFFC000  }
0x17c: {  	[tilespmem:s13], [sflag:$0x1] =	stream.indirect.gather [hbm4b:s4+s12], $0x80, s17, s12, $0xb8;
	[tilespmem:$0x1D000] =	vst v63  }
0x17d: {  	_ =	swait.ge [sflag:s16], $0x4000  }
0x17e: {  	[sflag:s16] =	ssyncset.done $0x0  }
0x17f: {  	[sflag:s16] =	ssyncadd.s32 $0xFFFFC000  }
0x180: {  	[spmem:s2] =	stream.indirect.scatter.add.f32 [tilespmem:s14], [sflag:$0x3], $0x80, s18, s12, $0xb8;
	[tilespmem:$0x1D000] =	vst v63  }
0x181: {  	_ =	swait.ge [sflag:s10], $0x4000  }
0x182: {  	[sflag:s10] =	ssyncset.done $0x0  }
0x183: {  	[sflag:s10] =	ssyncadd.s32 $0xFFFFC000  }
0x184: {  	[tilespmem:s14], [sflag:$0x2] =	stream.indirect.gather [hbm4b:s4+s12], $0x80, s19, s12, $0xb8;
	[tilespmem:$0x1D000] =	vst v63  }
0x185: {  	_ =	swait.ge [sflag:s15], $0x4000  }
0x186: {  	[sflag:s15] =	ssyncset.done $0x0  }
0x187: {  	[sflag:s15] =	ssyncadd.s32 $0xFFFFC000  }
0x188: {  	[spmem:s2] =	stream.indirect.scatter.add.f32 [tilespmem:s13], [sflag:$0x3], $0x80, s20, s12, $0xb8;
	[tilespmem:$0x1D000] =	vst v63  }
0x189: {  	_ =	swait.ge [sflag:s10], $0x4000  }
0x18a: {  	[sflag:s10] =	ssyncset.done $0x0  }
0x18b: {  	[sflag:s10] =	ssyncadd.s32 $0xFFFFC000  }
0x18c: {  	[tilespmem:s13], [sflag:$0x1] =	stream.indirect.gather [hbm4b:s4+s12], $0x80, s21, s12, $0xb8;
	[tilespmem:$0x1D000] =	vst v63  }
0x18d: {  	_ =	swait.ge [sflag:s16], $0x4000  }
0x18e: {  	[sflag:s16] =	ssyncset.done $0x0  }
0x18f: {  	[sflag:s16] =	ssyncadd.s32 $0xFFFFC000  }
0x190: {  	[spmem:s2] =	stream.indirect.scatter.add.f32 [tilespmem:s14], [sflag:$0x3], $0x80, s22, s12, $0xb8;
	[tilespmem:$0x1D000] =	vst v63  }
0x191: {  	_ =	swait.ge [sflag:s10], $0x4000  }
0x192: {  	[sflag:s10] =	ssyncset.done $0x0  }
0x193: {  	[sflag:s10] =	ssyncadd.s32 $0xFFFFC000  }
0x194: {  	[tilespmem:s14], [sflag:$0x2] =	stream.indirect.gather [hbm4b:s4+s12], $0x80, s23, s12, $0xb8;
	[tilespmem:$0x1D000] =	vst v63  }
0x195: {  	_ =	swait.ge [sflag:s15], $0x4000  }
0x196: {  	[sflag:s15] =	ssyncset.done $0x0  }
0x197: {  	[sflag:s15] =	ssyncadd.s32 $0xFFFFC000  }
0x198: {  	[spmem:s2] =	stream.indirect.scatter.add.f32 [tilespmem:s13], [sflag:$0x3], $0x80, s24, s12, $0xb8;
	[tilespmem:$0x1D000] =	vst v63  }
0x199: {  	_ =	swait.ge [sflag:s10], $0x4000  }
0x19a: {  	[sflag:s10] =	ssyncset.done $0x0  }
0x19b: {  	[sflag:s10] =	ssyncadd.s32 $0xFFFFC000  }
0x19c: {  	[tilespmem:s13], [sflag:$0x1] =	stream.indirect.gather [hbm4b:s4+s12], $0x80, s25, s12, $0xb8;
	[tilespmem:$0x1D000] =	vst v63  }
0x19d: {  	_ =	swait.ge [sflag:s16], $0x4000  }
0x19e: {  	[sflag:s16] =	ssyncset.done $0x0  }
0x19f: {  	[sflag:s16] =	ssyncadd.s32 $0xFFFFC000  }
0x1a0: {  	[spmem:s2] =	stream.indirect.scatter.add.f32 [tilespmem:s14], [sflag:$0x3], $0x80, s26, s12, $0xb8;
	[tilespmem:$0x1D000] =	vst v63  }
0x1a1: {  	_ =	swait.ge [sflag:s10], $0x4000  }
0x1a2: {  	[sflag:s10] =	ssyncset.done $0x0  }
0x1a3: {  	[sflag:s10] =	ssyncadd.s32 $0xFFFFC000  }
0x1a4: {  	[tilespmem:s14], [sflag:$0x2] =	stream.indirect.gather [hbm4b:s4+s12], $0x80, s28, s12, $0xb8;
	[tilespmem:$0x1D000] =	vst v63  }
0x1a5: {  	_ =	swait.ge [sflag:s15], $0x4000  }
0x1a6: {  	[sflag:s15] =	ssyncset.done $0x0  }
0x1a7: {  	[sflag:s15] =	ssyncadd.s32 $0xFFFFC000  }
0x1a8: {  	[spmem:s2] =	stream.indirect.scatter.add.f32 [tilespmem:s13], [sflag:$0x3], $0x80, s29, s12, $0xb8;
	[tilespmem:$0x1D000] =	vst v63  }
0x1a9: {  	_ =	swait.ge [sflag:s10], $0x4000  }
0x1aa: {  	[sflag:s10] =	ssyncset.done $0x0  }
0x1ab: {  	[sflag:s10] =	ssyncadd.s32 $0xFFFFC000  }
0x1ac: {  	[tilespmem:s13], [sflag:$0x1] =	stream.indirect.gather [hbm4b:s4+s12], $0x80, s30, s12, $0xb8;
	[tilespmem:$0x1D000] =	vst v63  }
0x1ad: {  	_ =	swait.ge [sflag:s16], $0x4000  }
0x1ae: {  	[sflag:s16] =	ssyncset.done $0x0  }
0x1af: {  	[sflag:s16] =	ssyncadd.s32 $0xFFFFC000  }
0x1b0: {  	[spmem:s2] =	stream.indirect.scatter.add.f32 [tilespmem:s14], [sflag:$0x3], $0x80, s31, s12, $0xb8;
	[tilespmem:$0x1D000] =	vst v63  }
0x1b1: {  	_ =	swait.ge [sflag:s10], $0x4000  }
0x1b2: {  	[sflag:s10] =	ssyncset.done $0x0  }
0x1b3: {  	[sflag:s10] =	ssyncadd.s32 $0xFFFFC000  }
0x1b4: {  	[tilespmem:s14], [sflag:$0x2] =	stream.indirect.gather [hbm4b:s4+s12], $0x80, s1, s12, $0xb8;
	[tilespmem:$0x1D000] =	vst v63  }
0x1b5: {  	_ =	swait.ge [sflag:s15], $0x4000  }
0x1b6: {  	[sflag:s15] =	ssyncset.done $0x0  }
0x1b7: {  	[sflag:s15] =	ssyncadd.s32 $0xFFFFC000  }
0x1b8: {  	[spmem:s2] =	stream.indirect.scatter.add.f32 [tilespmem:s13], [sflag:$0x3], $0x80, s0, s12, $0xb8;
	[tilespmem:$0x1D000] =	vst v63  }
0x1b9: {  	_ =	swait.ge [sflag:s10], $0x4000  }
0x1ba: {  	[sflag:s10] =	ssyncset.done $0x0  }
0x1bb: {  	[sflag:s10] =	ssyncadd.s32 $0xFFFFC000  }
0x1bc: {  	_ =	swait.ge [sflag:s16], $0x4000  }
0x1bd: {  	[sflag:s16] =	ssyncset.done $0x0  }
0x1be: {  	[sflag:s16] =	ssyncadd.s32 $0xFFFFC000  }
0x1bf: {  	[spmem:s2] =	stream.indirect.scatter.add.f32 [tilespmem:s14], [sflag:$0x3], $0x80, s5, s12, $0xb8;
	[tilespmem:$0x1D000] =	vst v63  }
0x1c0: {  	_ =	swait.ge [sflag:s10], $0x4000  }
0x1c1: {  	[sflag:s10] =	ssyncset.done $0x0  }
0x1c2: {  	[sflag:s10] =	ssyncadd.s32 $0xFFFFC000  }
0x1c3: {  	[bflag:$0x0] =	sbarrier.arrive $0xFFFF  }
0x1c4: {  	s7 =	rddreg [dreg:$0x12]  }
0x1c5: {  	s9 =	rddreg [dreg:$0x13]  }
0x1c6: {  	s8 =	rddreg [dreg:$0x15]  }
0x1c7: {  	[hbm:s9], [sflag:s7] =	dma.local [spmem:s8], $0x2800  }
0x1c8: {  	_ =	swait.ge [sflag:s10], $0x2800  }
0x1c9: {  	s6 =	rddreg [dreg:$0x16]  }
0x1ca: {  	s9 =	sadd.s32 $0x1, s6;
	s6 =	rddreg [dreg:$0x14]  }
0x1cb: {  	p0 =	sne.s32 s9, s6  }
.Ltmp1:
0x1cc: {  	_ = 	snop;
	(pc) =	sbr.rel @p0 .LBB2_1-.Ltmp1, $3  }
0x1cd: {  	_ =	sdelay $0x1  }
0x1ce: {  	[sflag:s10] =	ssyncset.done $0x0  }
0x1cf: {  	[sflag:s10] =	ssyncadd.s32 $0xFFFFD800  }
0x1d0: {  	_ =	sfence.sel $0x180000  }
0x1d1: {  	[bflag:$0x0] =	sbarrier.arrive $0xFFFF  }
0x1d2: {  	_ =	strace $0x90000047  }
0x1d3: {  	s0 =	stileid.u32;
	[bflag:$0x2] =	sbarrier.arrive $0xFFFF  }
0x1d4: {  	p0 =	sne.s32 s0, $0x0;
	s0 =	rddreg [dreg:$0x2]  }
0x1d5: {  	s0 =	sadd.s32 @!p0 $0x100000, s0  }
0x1d6: {  	[sflag:s0] =	ssyncadd.tile.s32 @!p0 $0x1;
	_ =	shalt  }
.Lfunc_end2:
_tile_overlayer_lowered:
.L_overlay_start_2:
0x1d7: {  	(tag) =	ssettag $0x2  }
0x1d8: {  	s0 =	rddreg [dreg:$0x0];
	s2 =	stileid.u32  }
0x1d9: {  	s1 =	rddreg [dreg:$0x1];
	p0 =	sne.s32 s2, $0x0  }
0x1da: {  	s3 =	rddreg [dreg:$0x2];
	[bflag:$0x3] =	sbarrier.arrive $0xFFFF;
	s2 =	simm.s32 @!p0 $0x1C03  }
0x1db: {  	[timem:s3], [sflag:s2] =	dma.local @!p0 [hbm:s0], s1  }
0x1dc: {  	s0 =	simm.s32 @!p0 $0x3  }
0x1dd: {  	_ =	swait.ge @!p0 [sflag:s0], s1  }
0x1de: {  	s1 =	ssub.s32 @!p0 $0x0, s1;
	[sflag:s0] =	ssyncset.done @!p0 $0x0  }
0x1df: {  	[sflag:s0] =	ssyncadd.s32 @!p0 s1  }
0x1e0: {  	[bflag:$0x3] =	sbarrier.arrive $0xFFFF  }
0x1e1: {  	_ =	shalt  }

// kernel: kernel.14.cloned.1.call-start
scs
__scs_entry_jumppad:
0x0: {  	(pc) =	sbr.rel $0x88, $3  }
0x1: {  	(tag) =	ssettag $0x0;
	lr =	simm.s32 $0x1  }
0x2: {  	[smem:$0x3F98] =	sst lr;
	_ =	strace $0xD0000000  }
0x3: {  	_ = 	snop  }
0x4: {  	_ = 	snop  }
0x5: {  	_ = 	snop  }
0x6: {  	_ = 	snop  }
0x7: {  	_ = 	snop  }
__scs_overlays_trampoline_lowered:
0x8: {  	[smem:$0x3FA7] =	sst s0  }
0x9: {  	[smem:$0x3FA8] =	sst s1  }
0xa: {  	[smem:$0x3FA9] =	sst s2  }
0xb: {  	[smem:$0x3FAA] =	sst s3  }
0xc: {  	[smem:$0x3FAB] =	sst s4  }
0xd: {  	[smem:$0x3FAC] =	sst s5  }
0xe: {  	[smem:$0x3FAD] =	sst s6  }
0xf: {  	[smem:$0x3FAE] =	sst s7  }
0x10: {  	[smem:$0x3FAF] =	sst s8  }
0x11: {  	[smem:$0x3FB0] =	sst s9;
	s0 =	simm.s32 @!p0 $0x0  }
0x12: {  	s1 =	sld [smem:$0x3F96];
	s0 =	simm.s32 @p0 $0x1  }
0x13: {  	[smem:$0x3FB1] =	sst s0;
	s0 =	simm.s32 @!p1 $0x0  }
0x14: {  	s2 =	sld [smem:$0x3F95];
	s0 =	simm.s32 @p1 $0x1  }
0x15: {  	[smem:$0x3FB2] =	sst s0;
	s0 =	simm.s32 @!p2 $0x0  }
0x16: {  	s3 =	sld [smem:$0x3FDB];
	s0 =	simm.s32 @p2 $0x1  }
0x17: {  	s4 =	simm.s32 $0x1BF5;
	[smem:$0x3FB4] =	sst s0  }
0x18: {  	s0 =	sld [smem:$0x3F97];
	_ =	swait.ge [sflag:s4], $0x0  }
0x19: {  	s7 =	sld [smem:$0x3F98]  }
0x1a: {  	s8 =	sadd.s32 $0xFFFFE003, lr  }
0x1b: {  	s9 =	sadd.s32 $0xFFFFFEF7, lr;
	s5 =	simm.s32 $0xFFFFFFFF;
	p2 =	slt.u32 s8, $0xFFFFF086  }
0x1c: {  	p1 =	slt.u32 s9, $0xF7A;
	s5 =	simm.s32 @!p2 $0x0  }
0x1d: {  	s5 =	simm.s32 @p1 $0x1;
	p0 =	seq.s32 s7, s2  }
0x1e: {  	s7 =	smul.u32 @!p0 $0xF7A, s2;
	p2 =	seq.s32 @!p0 s5, $0x0  }
0x1f: {  	s9 =	smul.u32 $0xF7A, s1;
	s8 =	simm.s32 @!p0 $0x1BF5;
	p2 =	por !p2, p0  }
0x20: {  	[sflag:s8] =	ssyncset.s32 @!p0 $0xFFFFF086;
	s6 =	sadd.s32 @!p0 s3, s7;
	s7 =	simm.s32 @!p0 $0x108  }
0x21: {  	s3 =	sadd.s32 s3, s9;
	s6 =	sadd.s32 @!p0 $0x88, s6;
	s7 =	simm.s32 @p2 $0x1082  }
0x22: {  	[simem:s7], [sflag:s8] =	dma.local @!p0 [hbm:s6], $0xF7A  }
0x23: {  	s9 =	sor.u32 $0xD0000000, s2;
	s6 =	simm.s32 $0x108;
	_ =	swait.ge @!p0 [sflag:s8], $0x0  }
0x24: {  	s3 =	sadd.s32 $0x88, s3;
	s6 =	simm.s32 @!p1 $0x1082;
	[sflag:s4] =	ssyncset.s32 $0xFFFFF086  }
0x25: {  	[simem:s6], [sflag:s4] =	dma.local [hbm:s3], $0xF7A  }
0x26: {  	[smem:$0x3F98] =	sst s1;
	(tag) =	ssettag s2;
	_ =	strace s9  }
0x27: {  	s1 =	sld [smem:$0x3FA8]  }
0x28: {  	s2 =	sld [smem:$0x3FA9]  }
0x29: {  	s4 =	sld [smem:$0x3FAB]  }
0x2a: {  	p0 =	seq.s32 s5, $0x0;
	s5 =	sld [smem:$0x3FAC]  }
0x2b: {  	s6 =	sld [smem:$0x3FAD]  }
0x2c: {  	s7 =	sld [smem:$0x3FAE]  }
0x2d: {  	s3 =	simm.s32 $0x108;
	s8 =	sld [smem:$0x3FAF]  }
0x2e: {  	s3 =	simm.s32 @!p0 $0x1082;
	s9 =	sld [smem:$0x3FB0]  }
0x2f: {  	lr =	sadd.s32 s0, s3;
	s0 =	sld [smem:$0x3FA7]  }
0x30: {  	s3 =	sld [smem:$0x3FAA]  }
0x31: {  	[smem:$0x3FB3] =	sst s10  }
0x32: {  	s10 =	sld [smem:$0x3FB1];
	_ =	sdelay $0x3  }
0x33: {  	p0 =	seq.s32 s10, $0x1;
	s10 =	sld [smem:$0x3FB3];
	_ =	sdelay $0x3  }
0x34: {  	[smem:$0x3FB3] =	sst s10  }
0x35: {  	s10 =	sld [smem:$0x3FB2];
	_ =	sdelay $0x3  }
0x36: {  	p1 =	seq.s32 s10, $0x1;
	s10 =	sld [smem:$0x3FB3];
	_ =	sdelay $0x3  }
0x37: {  	[smem:$0x3FB3] =	sst s10  }
0x38: {  	s10 =	sld [smem:$0x3FB4]  }
0x39: {  	_ = 	snop;
	(pc) =	sbr.ind lr, $3  }
0x3a: {  	_ = 	snop  }
0x3b: {  	_ = 	snop  }
0x3c: {  	p2 =	seq.s32 s10, $0x1;
	s10 =	sld [smem:$0x3FB3]  }
0x3d: {  	_ =	shalt  }
0x3e: {  	_ =	shalt  }
0x3f: {  	_ =	shalt  }
0x40: {  	_ =	shalt  }
0x41: {  	_ =	shalt  }
0x42: {  	_ =	shalt  }
0x43: {  	_ =	shalt  }
0x44: {  	_ =	shalt  }
0x45: {  	_ =	shalt  }
0x46: {  	_ =	shalt  }
0x47: {  	_ =	shalt  }
0x48: {  	_ =	shalt  }
0x49: {  	_ =	shalt  }
0x4a: {  	_ =	shalt  }
0x4b: {  	_ =	shalt  }
0x4c: {  	_ =	shalt  }
0x4d: {  	_ =	shalt  }
0x4e: {  	_ =	shalt  }
0x4f: {  	_ =	shalt  }
0x50: {  	_ =	shalt  }
0x51: {  	_ =	shalt  }
0x52: {  	_ =	shalt  }
0x53: {  	_ =	shalt  }
0x54: {  	_ =	shalt  }
0x55: {  	_ =	shalt  }
0x56: {  	_ =	shalt  }
0x57: {  	_ =	shalt  }
0x58: {  	_ =	shalt  }
0x59: {  	_ =	shalt  }
0x5a: {  	_ =	shalt  }
0x5b: {  	_ =	shalt  }
0x5c: {  	_ =	shalt  }
0x5d: {  	_ =	shalt  }
0x5e: {  	_ =	shalt  }
0x5f: {  	_ =	shalt  }
0x60: {  	_ =	shalt  }
0x61: {  	_ =	shalt  }
0x62: {  	_ =	shalt  }
0x63: {  	_ =	shalt  }
0x64: {  	_ =	shalt  }
0x65: {  	_ =	shalt  }
0x66: {  	_ =	shalt  }
0x67: {  	_ =	shalt  }
0x68: {  	_ =	shalt  }
0x69: {  	_ =	shalt  }
0x6a: {  	_ =	shalt  }
0x6b: {  	_ =	shalt  }
0x6c: {  	_ =	shalt  }
0x6d: {  	_ =	shalt  }
0x6e: {  	_ =	shalt  }
0x6f: {  	_ =	shalt  }
0x70: {  	_ =	shalt  }
0x71: {  	_ =	shalt  }
0x72: {  	_ =	shalt  }
0x73: {  	_ =	shalt  }
0x74: {  	_ =	shalt  }
0x75: {  	_ =	shalt  }
0x76: {  	_ =	shalt  }
0x77: {  	_ =	shalt  }
0x78: {  	_ =	shalt  }
0x79: {  	_ =	shalt  }
0x7a: {  	_ =	shalt  }
0x7b: {  	_ =	shalt  }
0x7c: {  	_ =	shalt  }
0x7d: {  	_ =	shalt  }
0x7e: {  	_ =	shalt  }
0x7f: {  	_ =	shalt  }
0x80: {  	_ =	shalt  }
0x81: {  	_ =	shalt  }
0x82: {  	_ =	shalt  }
0x83: {  	_ =	shalt  }
0x84: {  	_ =	shalt  }
0x85: {  	_ =	shalt  }
0x86: {  	_ =	shalt  }
0x87: {  	_ =	shalt  }
.Lfunc_end0:
.L_simem_size_0:
called_computation.2_lowered:
.L_overlay_start_0:
0x88: {  	s2 =	sld [smem:$0x3FD9]  }
0x89: {  	s3 =	sld [smem:$0x3FFE];
	_ =	sdelay $0x1  }
0x8a: {  	s1 =	srdreg.scid  }
0x8b: {  	s0 =	sand.u32 $0x1, s1  }
0x8c: {  	s16 =	sshll.u32 s0, $0xA;
	s2 =	sadd.s32 s3, s2  }
0x8d: {  	s2 =	sadd.s32 s2, s16  }
0x8e: {  	[smem:$0x3FBF] =	sst s2  }
0x8f: {  	_ = 	snop  }
0x90: {  	(tm) =	ssettm $0x1  }
0x91: {  	s17 =	sld [smem:$0x3FFB];
	_ =	sdelay $0x3  }
0x92: {  	_ =	strace s17  }
0x93: {  	s2 =	sld [smem:$0x3FFC];
	_ =	sdelay $0x3  }
0x94: {  	_ =	strace s2  }
0x95: {  	s2 =	sld [smem:$0x3FFD];
	_ =	sdelay $0x3  }
0x96: {  	_ =	strace s2  }
0x97: {  	_ =	strace $0x8FFFFFFF  }
0x98: {  	s18 =	sld [smem:$0x3FDB];
	_ =	sdelay $0x1  }
0x99: {  	s19 =	simm.s32 $_scs_section_size  }
0x9a: {  	s4 =	simm.s32 $_size__tile_overlayer_lowered;
	s5 =	simm.s32 $_tile_overlayer_lowered  }
0x9b: {  	s22 =	simm.s32 $0x1BFF;
	s21 =	sshll.u32 s5, $0x1;
	s2 =	sadd.s32 s19, s18  }
0x9c: {  	s6 =	simm.s32 $0x0;
	s20 =	sshll.u32 s4, $0x1;
	s4 =	sadd.s32 s21, s2  }
0x9d: {  	[timem:s6], [sflag:s22] =	dma.local [hbm:s4], s20  }
0x9e: {  	_ =	swait.ge [sflag:s22], s20  }
0x9f: {  	s3 =	ssub.s32 $0x0, s20;
	[sflag:s22] =	ssyncset.done $0x0  }
0xa0: {  	[sflag:s22] =	ssyncadd.s32 s3;
	_ =	sdelay $0x1  }
0xa1: {  	s23 =	simm.s32 $0x1B8B  }
0xa2: {  	_ =	swait.ge [sflag:s23], $0x1  }
0xa3: {  	[sflag:s23] =	ssyncset.done $0x0  }
0xa4: {  	s25 =	simm.s32 $0x1B8E;
	s24 =	sld [smem:$0x3FFE];
	[sflag:s23] =	ssyncadd.s32 $0xFFFFFFFF  }
0xa5: {  	s26 =	simm.s32 $execute0_lowered;
	[smem:$0x3FD2] =	sst s25  }
0xa6: {  	s4 =	sshll.u32 s26, $0x1;
	_ =	strace $0x8000004C;
	[dreg:$0x1] =	wrdreg $0xFFFFFFFF  }
0xa7: {  	s28 =	simm.s32 $_size_execute0_lowered;
	s2 =	sadd.s32 s2, s4;
	[dreg:$0x0] =	wrdreg $0x0  }
0xa8: {  	s4 =	sshll.u32 s28, $0x1;
	[dreg:$0x2] =	wrdreg s2  }
0xa9: {  	[dreg:$0x3] =	wrdreg s4  }
0xaa: {  	[dreg:$0x4] =	wrdreg $0xC0  }
0xab: {  	_ =	task [dreg:s6], $0x5FFFF  }
0xac: {  	[dreg:$0x1] =	wrdreg $0xFFFFFFFF  }
0xad: {  	[dreg:$0x0] =	wrdreg $0x60  }
0xae: {  	[dreg:$0x2] =	wrdreg s24  }
0xaf: {  	[dreg:$0x3] =	wrdreg $0x90000  }
0xb0: {  	[dreg:$0x4] =	wrdreg $0x9  }
0xb1: {  	_ =	task.clear_ibuf [dreg:s6], $0x5FFFF;
	_ =	strace $0x9000004C  }
0xb2: {  	s29 =	simm.s32 $0x9;
	_ =	strace $0x8000004E  }
0xb3: {  	_ =	swait.ge [sflag:s29], $0x1  }
0xb4: {  	[sflag:s29] =	ssyncadd.s32 $0xFFFFFFFF  }
0xb5: {  	_ =	strace $0x9000004E  }
0xb6: {  	_ =	sfence  }
0xb7: {  	s30 =	sld [smem:$0x0];
	_ =	sdelay $0x2  }
0xb8: {  	s31 =	sshll.u32 s1, $0xD;
	s1 =	sshrl.u32 s1, $0x2  }
0xb9: {  	s3 =	sand.u32 $0x4000, s31;
	s1 =	sadd.s32 s1, s30  }
0xba: {  	s0 =	sor.u32 s3, s0;
	s1 =	sshll.u32 s1, $0x11  }
0xbb: {  	s0 =	sor.u32 s1, s0  }
0xbc: {  	s0 =	sadd.s32 $0x8F2B, s0  }
0xbd: {  	[sflag:s0] =	ssyncadd.remote.s32 $0x1  }
0xbe: {  	_ =	sfence.sel $0xFFFF  }
0xbf: {  	[dreg:$0x0] =	wrdreg $0xFFFFFFFF;
	(pc) =	sbr.abs _section_cstart, $3  }
0xc0: {  	[dreg:$0x1] =	wrdreg $0xFFFFFFFF  }
0xc1: {  	_ =	task.clear_ibuf [dreg:s6], $0x2FFFF;
	_ =	strace $0x9FFFFFFF  }
0xc2: {  	(tm) =	ssettm $0x7FFFFFFF  }
0xc3: {  	_ =	shalt  }
tec
execute0_lowered:
.L_overlay_start_1:
0x0: {  	(tag) =	ssettag $0x1  }
0x1: {  	s0 =	srdreg.scid;
	s5 =	rddreg [dreg:$0x0]  }
0x2: {  	s9 =	stileid.u32;
	s2 =	rddreg [dreg:$0x1];
	s3 =	simm.s32 $0x0  }
0x3: {  	s14 =	simm.s32 $0x100;
	s15 =	simm.s32 $0x880;
	s17 =	simm.s32 $0x180  }
0x4: {  	s18 =	simm.s32 $0x900;
	[smem:$0x7FF] =	sst s3;
	s10 =	sadd.s32 $0xB2200, s5  }
0x5: {  	s19 =	simm.s32 $0x200;
	_ =	strace $0x8000004D;
	[dreg:$0x11] =	wrdreg s10  }
0x6: {  	s20 =	simm.s32 $0x980;
	s21 =	simm.s32 $0x280;
	[dreg:$0x5] =	wrdreg s14  }
0x7: {  	s22 =	simm.s32 $0xA00;
	s23 =	simm.s32 $0x300;
	[dreg:$0x6] =	wrdreg s15  }
0x8: {  	s24 =	simm.s32 $0xA80;
	s25 =	simm.s32 $0x380;
	[dreg:$0x7] =	wrdreg s17  }
0x9: {  	s26 =	simm.s32 $0xB00;
	s28 =	simm.s32 $0x680;
	[dreg:$0x8] =	wrdreg s18  }
0xa: {  	s29 =	simm.s32 $0xE00;
	s30 =	simm.s32 $0x700;
	[dreg:$0x9] =	wrdreg s19  }
0xb: {  	s31 =	simm.s32 $0xE80;
	s4 =	smul.u32 $0x2800, s9;
	[dreg:$0xa] =	wrdreg s20  }
0xc: {  	s0 =	sand.u32 $0x1, s0;
	s7 =	smul.u32 $0x14000, s9;
	[dreg:$0xb] =	wrdreg s21  }
0xd: {  	s12 =	smul.u32 $0x50000, s9;
	s16 =	sshll.u32 s9, $0x6;
	[dreg:$0xc] =	wrdreg s22  }
0xe: {  	s9 =	simm.s32 $0x0;
	s1 =	smul.u32 $0x28000, s0;
	[dreg:$0xd] =	wrdreg s23  }
0xf: {  	s6 =	smul.u32 $0x140000, s0;
	s0 =	ssub.s32 $0x2, s0;
	[dreg:$0xe] =	wrdreg s24  }
0x10: {  	s10 =	simm.s32 $0x3;
	s14 =	simm.s32 $0x5000;
	[dreg:$0xf] =	wrdreg s25  }
0x11: {  	s15 =	simm.s32 $0x1;
	[dreg:$0x10] =	wrdreg s26;
	s17 =	simm.s32 $0x400  }
0x12: {  	s18 =	simm.s32 $0xB80;
	s19 =	simm.s32 $0x480;
	s20 =	simm.s32 $0xC00  }
0x13: {  	s21 =	simm.s32 $0x500;
	s22 =	simm.s32 $0xC80;
	s23 =	simm.s32 $0x580  }
0x14: {  	s24 =	simm.s32 $0xD00;
	s25 =	simm.s32 $0x600;
	s26 =	simm.s32 $0xD80  }
0x15: {  	s11 =	sshrl.u32 s0, $0x1;
	s13 =	sshrl.u32 s12, $0x2;
	s12 =	simm.s32 $0x80  }
0x16: {  	s1 =	sadd.s32 s4, s1;
	s6 =	sadd.s32 s7, s6;
	s4 =	sadd.s32 $0x1E00, s5  }
0x17: {  	s0 =	ssub.s32 s0, s11;
	s7 =	sor.u32 $0x1C03, s16;
	s11 =	simm.s32 $0x800  }
0x18: {  	s16 =	simm.s32 $0x2;
	s1 =	sshrl.u32 s1, $0x3;
	s6 =	sshrl.u32 s6, $0x3  }
0x19: {  	s0 =	smax.u32 s0, $0x1;
	[dreg:$0x12] =	wrdreg s7;
	s1 =	sadd.s32 s1, s5  }
0x1a: {  	s5 =	sadd.s32 s6, s5;
	[dreg:$0x14] =	wrdreg s0;
	s8 =	sadd.s32 $0xA8200, s1  }
0x1b: {  	s6 =	sadd.s32 s13, s2;
	s1 =	sadd.s32 $0x9E200, s1;
	[dreg:$0x3] =	wrdreg s8  }
0x1c: {  	s13 =	simm.s32 $0x1000;
	s5 =	sadd.s32 $0xB4A00, s5;
	[dreg:$0x4] =	wrdreg s1  }
0x1d: {  	s0 =	simm.s32 $0xF00;
	[dreg:$0x13] =	wrdreg s5;
	s8 =	sshrl.u32 s6, $0x3  }
0x1e: {  	s1 =	simm.s32 $0x780;
	s5 =	simm.s32 $0xF80;
	[dreg:$0x15] =	wrdreg s8  }
.LBB2_1:
0x1f: {  	[dreg:$0x16] =	wrdreg s9  }
0x20: {  	s6 =	rddreg [dreg:$0x11]  }
0x21: {  	[spmem:s8], [sflag:s7] =	dma.local [hbm:s6], $0x2800  }
0x22: {  	_ =	swait.ge [sflag:s10], $0x2800  }
0x23: {  	[sflag:s10] =	ssyncset.done $0x0  }
0x24: {  	[sflag:s10] =	ssyncadd.s32 $0xFFFFD800  }
0x25: {  	[bflag:$0x0] =	sbarrier.arrive $0xFFFF  }
0x26: {  	s8 =	rddreg [dreg:$0x4]  }
0x27: {  	s6 =	sadd.s32 $0x0, s8  }
0x28: {  	[tilespmem:s3], [sflag:$0x3] =	stream.linear.gather [hbm4b:s6+s3], $0x800, $0x38;
	[tilespmem:$0x1D000] =	vst v63  }
0x29: {  	_ =	swait.ge [sflag:s10], $0x800  }
0x2a: {  	s9 =	rddreg [dreg:$0x3];
	[sflag:s10] =	ssyncset.done $0x0  }
0x2b: {  	[sflag:s10] =	ssyncadd.s32 $0xFFFFF800;
	s6 =	sadd.s32 $0x0, s9  }
0x2c: {  	[tilespmem:s11], [sflag:$0x3] =	stream.linear.gather [hbm4b:s6+s3], $0x800, $0x38;
	[tilespmem:$0x1D000] =	vst v63  }
0x2d: {  	_ =	swait.ge [sflag:s10], $0x800  }
0x2e: {  	[sflag:s10] =	ssyncset.done $0x0  }
0x2f: {  	[sflag:s10] =	ssyncadd.s32 $0xFFFFF800  }
0x30: {  	[tilespmem:s13], [sflag:$0x1] =	stream.indirect.gather [hbm4b:s4+s12], $0x80, s3, s12, $0xb8;
	[tilespmem:$0x1D000] =	vst v63  }
0x31: {  	_ = 	snop  }
0x32: {  	[tilespmem:s14], [sflag:$0x2] =	stream.indirect.gather [hbm4b:s4+s12], $0x80, s12, s12, $0xb8;
	[tilespmem:$0x1D000] =	vst v63  }
0x33: {  	_ =	swait.ge [sflag:s15], $0x4000  }
0x34: {  	[sflag:s15] =	ssyncset.done $0x0  }
0x35: {  	[sflag:s15] =	ssyncadd.s32 $0xFFFFC000  }
0x36: {  	[spmem:s2] =	stream.indirect.scatter.add.f32 [tilespmem:s13], [sflag:$0x3], $0x80, s11, s12, $0xb8;
	[tilespmem:$0x1D000] =	vst v63  }
0x37: {  	_ =	swait.ge [sflag:s10], $0x4000  }
0x38: {  	[sflag:s10] =	ssyncset.done $0x0  }
0x39: {  	s7 =	rddreg [dreg:$0x5];
	[sflag:s10] =	ssyncadd.s32 $0xFFFFC000  }
0x3a: {  	[tilespmem:s13], [sflag:$0x1] =	stream.indirect.gather [hbm4b:s4+s12], $0x80, s7, s12, $0xb8;
	[tilespmem:$0x1D000] =	vst v63  }
0x3b: {  	_ =	swait.ge [sflag:s16], $0x4000  }
0x3c: {  	[sflag:s16] =	ssyncset.done $0x0  }
0x3d: {  	s8 =	rddreg [dreg:$0x6];
	[sflag:s16] =	ssyncadd.s32 $0xFFFFC000  }
0x3e: {  	[spmem:s2] =	stream.indirect.scatter.add.f32 [tilespmem:s14], [sflag:$0x3], $0x80, s8, s12, $0xb8;
	[tilespmem:$0x1D000] =	vst v63  }
0x3f: {  	_ =	swait.ge [sflag:s10], $0x4000  }
0x40: {  	[sflag:s10] =	ssyncset.done $0x0  }
0x41: {  	s9 =	rddreg [dreg:$0x7];
	[sflag:s10] =	ssyncadd.s32 $0xFFFFC000  }
0x42: {  	[tilespmem:s14], [sflag:$0x2] =	stream.indirect.gather [hbm4b:s4+s12], $0x80, s9, s12, $0xb8;
	[tilespmem:$0x1D000] =	vst v63  }
0x43: {  	_ =	swait.ge [sflag:s15], $0x4000  }
0x44: {  	[sflag:s15] =	ssyncset.done $0x0  }
0x45: {  	s7 =	rddreg [dreg:$0x8];
	[sflag:s15] =	ssyncadd.s32 $0xFFFFC000  }
0x46: {  	[spmem:s2] =	stream.indirect.scatter.add.f32 [tilespmem:s13], [sflag:$0x3], $0x80, s7, s12, $0xb8;
	[tilespmem:$0x1D000] =	vst v63  }
0x47: {  	_ =	swait.ge [sflag:s10], $0x4000  }
0x48: {  	[sflag:s10] =	ssyncset.done $0x0  }
0x49: {  	s8 =	rddreg [dreg:$0x9];
	[sflag:s10] =	ssyncadd.s32 $0xFFFFC000  }
0x4a: {  	[tilespmem:s13], [sflag:$0x1] =	stream.indirect.gather [hbm4b:s4+s12], $0x80, s8, s12, $0xb8;
	[tilespmem:$0x1D000] =	vst v63  }
0x4b: {  	_ =	swait.ge [sflag:s16], $0x4000  }
0x4c: {  	[sflag:s16] =	ssyncset.done $0x0  }
0x4d: {  	s9 =	rddreg [dreg:$0xa];
	[sflag:s16] =	ssyncadd.s32 $0xFFFFC000  }
0x4e: {  	[spmem:s2] =	stream.indirect.scatter.add.f32 [tilespmem:s14], [sflag:$0x3], $0x80, s9, s12, $0xb8;
	[tilespmem:$0x1D000] =	vst v63  }
0x4f: {  	_ =	swait.ge [sflag:s10], $0x4000  }
0x50: {  	[sflag:s10] =	ssyncset.done $0x0  }
0x51: {  	s7 =	rddreg [dreg:$0xb];
	[sflag:s10] =	ssyncadd.s32 $0xFFFFC000  }
0x52: {  	[tilespmem:s14], [sflag:$0x2] =	stream.indirect.gather [hbm4b:s4+s12], $0x80, s7, s12, $0xb8;
	[tilespmem:$0x1D000] =	vst v63  }
0x53: {  	_ =	swait.ge [sflag:s15], $0x4000  }
0x54: {  	[sflag:s15] =	ssyncset.done $0x0  }
0x55: {  	s8 =	rddreg [dreg:$0xc];
	[sflag:s15] =	ssyncadd.s32 $0xFFFFC000  }
0x56: {  	[spmem:s2] =	stream.indirect.scatter.add.f32 [tilespmem:s13], [sflag:$0x3], $0x80, s8, s12, $0xb8;
	[tilespmem:$0x1D000] =	vst v63  }
0x57: {  	_ =	swait.ge [sflag:s10], $0x4000  }
0x58: {  	[sflag:s10] =	ssyncset.done $0x0  }
0x59: {  	s9 =	rddreg [dreg:$0xd];
	[sflag:s10] =	ssyncadd.s32 $0xFFFFC000  }
0x5a: {  	[tilespmem:s13], [sflag:$0x1] =	stream.indirect.gather [hbm4b:s4+s12], $0x80, s9, s12, $0xb8;
	[tilespmem:$0x1D000] =	vst v63  }
0x5b: {  	_ =	swait.ge [sflag:s16], $0x4000  }
0x5c: {  	[sflag:s16] =	ssyncset.done $0x0  }
0x5d: {  	s7 =	rddreg [dreg:$0xe];
	[sflag:s16] =	ssyncadd.s32 $0xFFFFC000  }
0x5e: {  	[spmem:s2] =	stream.indirect.scatter.add.f32 [tilespmem:s14], [sflag:$0x3], $0x80, s7, s12, $0xb8;
	[tilespmem:$0x1D000] =	vst v63  }
0x5f: {  	_ =	swait.ge [sflag:s10], $0x4000  }
0x60: {  	[sflag:s10] =	ssyncset.done $0x0  }
0x61: {  	s8 =	rddreg [dreg:$0xf];
	[sflag:s10] =	ssyncadd.s32 $0xFFFFC000  }
0x62: {  	[tilespmem:s14], [sflag:$0x2] =	stream.indirect.gather [hbm4b:s4+s12], $0x80, s8, s12, $0xb8;
	[tilespmem:$0x1D000] =	vst v63  }
0x63: {  	_ =	swait.ge [sflag:s15], $0x4000  }
0x64: {  	[sflag:s15] =	ssyncset.done $0x0  }
0x65: {  	s9 =	rddreg [dreg:$0x10];
	[sflag:s15] =	ssyncadd.s32 $0xFFFFC000  }
0x66: {  	[spmem:s2] =	stream.indirect.scatter.add.f32 [tilespmem:s13], [sflag:$0x3], $0x80, s9, s12, $0xb8;
	[tilespmem:$0x1D000] =	vst v63  }
0x67: {  	_ =	swait.ge [sflag:s10], $0x4000  }
0x68: {  	[sflag:s10] =	ssyncset.done $0x0  }
0x69: {  	[sflag:s10] =	ssyncadd.s32 $0xFFFFC000  }
0x6a: {  	[tilespmem:s13], [sflag:$0x1] =	stream.indirect.gather [hbm4b:s4+s12], $0x80, s17, s12, $0xb8;
	[tilespmem:$0x1D000] =	vst v63  }
0x6b: {  	_ =	swait.ge [sflag:s16], $0x4000  }
0x6c: {  	[sflag:s16] =	ssyncset.done $0x0  }
0x6d: {  	[sflag:s16] =	ssyncadd.s32 $0xFFFFC000  }
0x6e: {  	[spmem:s2] =	stream.indirect.scatter.add.f32 [tilespmem:s14], [sflag:$0x3], $0x80, s18, s12, $0xb8;
	[tilespmem:$0x1D000] =	vst v63  }
0x6f: {  	_ =	swait.ge [sflag:s10], $0x4000  }
0x70: {  	[sflag:s10] =	ssyncset.done $0x0  }
0x71: {  	[sflag:s10] =	ssyncadd.s32 $0xFFFFC000  }
0x72: {  	[tilespmem:s14], [sflag:$0x2] =	stream.indirect.gather [hbm4b:s4+s12], $0x80, s19, s12, $0xb8;
	[tilespmem:$0x1D000] =	vst v63  }
0x73: {  	_ =	swait.ge [sflag:s15], $0x4000  }
0x74: {  	[sflag:s15] =	ssyncset.done $0x0  }
0x75: {  	[sflag:s15] =	ssyncadd.s32 $0xFFFFC000  }
0x76: {  	[spmem:s2] =	stream.indirect.scatter.add.f32 [tilespmem:s13], [sflag:$0x3], $0x80, s20, s12, $0xb8;
	[tilespmem:$0x1D000] =	vst v63  }
0x77: {  	_ =	swait.ge [sflag:s10], $0x4000  }
0x78: {  	[sflag:s10] =	ssyncset.done $0x0  }
0x79: {  	[sflag:s10] =	ssyncadd.s32 $0xFFFFC000  }
0x7a: {  	[tilespmem:s13], [sflag:$0x1] =	stream.indirect.gather [hbm4b:s4+s12], $0x80, s21, s12, $0xb8;
	[tilespmem:$0x1D000] =	vst v63  }
0x7b: {  	_ =	swait.ge [sflag:s16], $0x4000  }
0x7c: {  	[sflag:s16] =	ssyncset.done $0x0  }
0x7d: {  	[sflag:s16] =	ssyncadd.s32 $0xFFFFC000  }
0x7e: {  	[spmem:s2] =	stream.indirect.scatter.add.f32 [tilespmem:s14], [sflag:$0x3], $0x80, s22, s12, $0xb8;
	[tilespmem:$0x1D000] =	vst v63  }
0x7f: {  	_ =	swait.ge [sflag:s10], $0x4000  }
0x80: {  	[sflag:s10] =	ssyncset.done $0x0  }
0x81: {  	[sflag:s10] =	ssyncadd.s32 $0xFFFFC000  }
0x82: {  	[tilespmem:s14], [sflag:$0x2] =	stream.indirect.gather [hbm4b:s4+s12], $0x80, s23, s12, $0xb8;
	[tilespmem:$0x1D000] =	vst v63  }
0x83: {  	_ =	swait.ge [sflag:s15], $0x4000  }
0x84: {  	[sflag:s15] =	ssyncset.done $0x0  }
0x85: {  	[sflag:s15] =	ssyncadd.s32 $0xFFFFC000  }
0x86: {  	[spmem:s2] =	stream.indirect.scatter.add.f32 [tilespmem:s13], [sflag:$0x3], $0x80, s24, s12, $0xb8;
	[tilespmem:$0x1D000] =	vst v63  }
0x87: {  	_ =	swait.ge [sflag:s10], $0x4000  }
0x88: {  	[sflag:s10] =	ssyncset.done $0x0  }
0x89: {  	[sflag:s10] =	ssyncadd.s32 $0xFFFFC000  }
0x8a: {  	[tilespmem:s13], [sflag:$0x1] =	stream.indirect.gather [hbm4b:s4+s12], $0x80, s25, s12, $0xb8;
	[tilespmem:$0x1D000] =	vst v63  }
0x8b: {  	_ =	swait.ge [sflag:s16], $0x4000  }
0x8c: {  	[sflag:s16] =	ssyncset.done $0x0  }
0x8d: {  	[sflag:s16] =	ssyncadd.s32 $0xFFFFC000  }
0x8e: {  	[spmem:s2] =	stream.indirect.scatter.add.f32 [tilespmem:s14], [sflag:$0x3], $0x80, s26, s12, $0xb8;
	[tilespmem:$0x1D000] =	vst v63  }
0x8f: {  	_ =	swait.ge [sflag:s10], $0x4000  }
0x90: {  	[sflag:s10] =	ssyncset.done $0x0  }
0x91: {  	[sflag:s10] =	ssyncadd.s32 $0xFFFFC000  }
0x92: {  	[tilespmem:s14], [sflag:$0x2] =	stream.indirect.gather [hbm4b:s4+s12], $0x80, s28, s12, $0xb8;
	[tilespmem:$0x1D000] =	vst v63  }
0x93: {  	_ =	swait.ge [sflag:s15], $0x4000  }
0x94: {  	[sflag:s15] =	ssyncset.done $0x0  }
0x95: {  	[sflag:s15] =	ssyncadd.s32 $0xFFFFC000  }
0x96: {  	[spmem:s2] =	stream.indirect.scatter.add.f32 [tilespmem:s13], [sflag:$0x3], $0x80, s29, s12, $0xb8;
	[tilespmem:$0x1D000] =	vst v63  }
0x97: {  	_ =	swait.ge [sflag:s10], $0x4000  }
0x98: {  	[sflag:s10] =	ssyncset.done $0x0  }
0x99: {  	[sflag:s10] =	ssyncadd.s32 $0xFFFFC000  }
0x9a: {  	[tilespmem:s13], [sflag:$0x1] =	stream.indirect.gather [hbm4b:s4+s12], $0x80, s30, s12, $0xb8;
	[tilespmem:$0x1D000] =	vst v63  }
0x9b: {  	_ =	swait.ge [sflag:s16], $0x4000  }
0x9c: {  	[sflag:s16] =	ssyncset.done $0x0  }
0x9d: {  	[sflag:s16] =	ssyncadd.s32 $0xFFFFC000  }
0x9e: {  	[spmem:s2] =	stream.indirect.scatter.add.f32 [tilespmem:s14], [sflag:$0x3], $0x80, s31, s12, $0xb8;
	[tilespmem:$0x1D000] =	vst v63  }
0x9f: {  	_ =	swait.ge [sflag:s10], $0x4000  }
0xa0: {  	[sflag:s10] =	ssyncset.done $0x0  }
0xa1: {  	[sflag:s10] =	ssyncadd.s32 $0xFFFFC000  }
0xa2: {  	[tilespmem:s14], [sflag:$0x2] =	stream.indirect.gather [hbm4b:s4+s12], $0x80, s1, s12, $0xb8;
	[tilespmem:$0x1D000] =	vst v63  }
0xa3: {  	_ =	swait.ge [sflag:s15], $0x4000  }
0xa4: {  	[sflag:s15] =	ssyncset.done $0x0  }
0xa5: {  	[sflag:s15] =	ssyncadd.s32 $0xFFFFC000  }
0xa6: {  	[spmem:s2] =	stream.indirect.scatter.add.f32 [tilespmem:s13], [sflag:$0x3], $0x80, s0, s12, $0xb8;
	[tilespmem:$0x1D000] =	vst v63  }
0xa7: {  	_ =	swait.ge [sflag:s10], $0x4000  }
0xa8: {  	[sflag:s10] =	ssyncset.done $0x0  }
0xa9: {  	[sflag:s10] =	ssyncadd.s32 $0xFFFFC000  }
0xaa: {  	_ =	swait.ge [sflag:s16], $0x4000  }
0xab: {  	[sflag:s16] =	ssyncset.done $0x0  }
0xac: {  	[sflag:s16] =	ssyncadd.s32 $0xFFFFC000  }
0xad: {  	[spmem:s2] =	stream.indirect.scatter.add.f32 [tilespmem:s14], [sflag:$0x3], $0x80, s5, s12, $0xb8;
	[tilespmem:$0x1D000] =	vst v63  }
0xae: {  	s6 =	simm.s32 $0x200;
	_ =	swait.ge [sflag:s10], $0x4000  }
0xaf: {  	s8 =	simm.s32 $0x100;
	s9 =	rddreg [dreg:$0x4];
	[sflag:s10] =	ssyncset.done $0x0  }
.LBB2_2:
0xb0: {  	[sflag:s10] =	ssyncadd.s32 $0xFFFFC000;
	s9 =	sadd.s32 s8, s9  }
0xb1: {  	[tilespmem:s3], [sflag:$0x3] =	stream.linear.gather [hbm4b:s9+s3], $0x800, $0x38;
	[tilespmem:$0x1D000] =	vst v63  }
0xb2: {  	_ =	swait.ge [sflag:s10], $0x800  }
0xb3: {  	s9 =	rddreg [dreg:$0x3];
	[sflag:s10] =	ssyncset.done $0x0  }
0xb4: {  	[sflag:s10] =	ssyncadd.s32 $0xFFFFF800;
	s9 =	sadd.s32 s8, s9  }
0xb5: {  	[tilespmem:s11], [sflag:$0x3] =	stream.linear.gather [hbm4b:s9+s3], $0x800, $0x38;
	[tilespmem:$0x1D000] =	vst v63  }
0xb6: {  	_ =	swait.ge [sflag:s10], $0x800  }
0xb7: {  	[sflag:s10] =	ssyncset.done $0x0  }
0xb8: {  	[sflag:s10] =	ssyncadd.s32 $0xFFFFF800  }
0xb9: {  	[tilespmem:s13], [sflag:$0x1] =	stream.indirect.gather [hbm4b:s4+s12], $0x80, s3, s12, $0xb8;
	[tilespmem:$0x1D000] =	vst v63  }
0xba: {  	_ = 	snop  }
0xbb: {  	[tilespmem:s14], [sflag:$0x2] =	stream.indirect.gather [hbm4b:s4+s12], $0x80, s12, s12, $0xb8;
	[tilespmem:$0x1D000] =	vst v63  }
0xbc: {  	_ =	swait.ge [sflag:s15], $0x4000  }
0xbd: {  	[sflag:s15] =	ssyncset.done $0x0  }
0xbe: {  	[sflag:s15] =	ssyncadd.s32 $0xFFFFC000  }
0xbf: {  	[spmem:s2] =	stream.indirect.scatter.add.f32 [tilespmem:s13], [sflag:$0x3], $0x80, s11, s12, $0xb8;
	[tilespmem:$0x1D000] =	vst v63  }
0xc0: {  	_ =	swait.ge [sflag:s10], $0x4000  }
0xc1: {  	[sflag:s10] =	ssyncset.done $0x0  }
0xc2: {  	s9 =	rddreg [dreg:$0x5];
	[sflag:s10] =	ssyncadd.s32 $0xFFFFC000  }
0xc3: {  	[tilespmem:s13], [sflag:$0x1] =	stream.indirect.gather [hbm4b:s4+s12], $0x80, s9, s12, $0xb8;
	[tilespmem:$0x1D000] =	vst v63  }
0xc4: {  	_ =	swait.ge [sflag:s16], $0x4000  }
0xc5: {  	[sflag:s16] =	ssyncset.done $0x0  }
0xc6: {  	s9 =	rddreg [dreg:$0x6];
	[sflag:s16] =	ssyncadd.s32 $0xFFFFC000  }
0xc7: {  	[spmem:s2] =	stream.indirect.scatter.add.f32 [tilespmem:s14], [sflag:$0x3], $0x80, s9, s12, $0xb8;
	[tilespmem:$0x1D000] =	vst v63  }
0xc8: {  	_ =	swait.ge [sflag:s10], $0x4000  }
0xc9: {  	[sflag:s10] =	ssyncset.done $0x0  }
0xca: {  	s9 =	rddreg [dreg:$0x7];
	[sflag:s10] =	ssyncadd.s32 $0xFFFFC000  }
0xcb: {  	[tilespmem:s14], [sflag:$0x2] =	stream.indirect.gather [hbm4b:s4+s12], $0x80, s9, s12, $0xb8;
	[tilespmem:$0x1D000] =	vst v63  }
0xcc: {  	_ =	swait.ge [sflag:s15], $0x4000  }
0xcd: {  	[sflag:s15] =	ssyncset.done $0x0  }
0xce: {  	s9 =	rddreg [dreg:$0x8];
	[sflag:s15] =	ssyncadd.s32 $0xFFFFC000  }
0xcf: {  	[spmem:s2] =	stream.indirect.scatter.add.f32 [tilespmem:s13], [sflag:$0x3], $0x80, s9, s12, $0xb8;
	[tilespmem:$0x1D000] =	vst v63  }
0xd0: {  	_ =	swait.ge [sflag:s10], $0x4000  }
0xd1: {  	[sflag:s10] =	ssyncset.done $0x0  }
0xd2: {  	s9 =	rddreg [dreg:$0x9];
	[sflag:s10] =	ssyncadd.s32 $0xFFFFC000  }
0xd3: {  	[tilespmem:s13], [sflag:$0x1] =	stream.indirect.gather [hbm4b:s4+s12], $0x80, s9, s12, $0xb8;
	[tilespmem:$0x1D000] =	vst v63  }
0xd4: {  	_ =	swait.ge [sflag:s16], $0x4000  }
0xd5: {  	[sflag:s16] =	ssyncset.done $0x0  }
0xd6: {  	s9 =	rddreg [dreg:$0xa];
	[sflag:s16] =	ssyncadd.s32 $0xFFFFC000  }
0xd7: {  	[spmem:s2] =	stream.indirect.scatter.add.f32 [tilespmem:s14], [sflag:$0x3], $0x80, s9, s12, $0xb8;
	[tilespmem:$0x1D000] =	vst v63  }
0xd8: {  	_ =	swait.ge [sflag:s10], $0x4000  }
0xd9: {  	[sflag:s10] =	ssyncset.done $0x0  }
0xda: {  	s9 =	rddreg [dreg:$0xb];
	[sflag:s10] =	ssyncadd.s32 $0xFFFFC000  }
0xdb: {  	[tilespmem:s14], [sflag:$0x2] =	stream.indirect.gather [hbm4b:s4+s12], $0x80, s9, s12, $0xb8;
	[tilespmem:$0x1D000] =	vst v63  }
0xdc: {  	_ =	swait.ge [sflag:s15], $0x4000  }
0xdd: {  	[sflag:s15] =	ssyncset.done $0x0  }
0xde: {  	s9 =	rddreg [dreg:$0xc];
	[sflag:s15] =	ssyncadd.s32 $0xFFFFC000  }
0xdf: {  	[spmem:s2] =	stream.indirect.scatter.add.f32 [tilespmem:s13], [sflag:$0x3], $0x80, s9, s12, $0xb8;
	[tilespmem:$0x1D000] =	vst v63  }
0xe0: {  	_ =	swait.ge [sflag:s10], $0x4000  }
0xe1: {  	[sflag:s10] =	ssyncset.done $0x0  }
0xe2: {  	s9 =	rddreg [dreg:$0xd];
	[sflag:s10] =	ssyncadd.s32 $0xFFFFC000  }
0xe3: {  	[tilespmem:s13], [sflag:$0x1] =	stream.indirect.gather [hbm4b:s4+s12], $0x80, s9, s12, $0xb8;
	[tilespmem:$0x1D000] =	vst v63  }
0xe4: {  	_ =	swait.ge [sflag:s16], $0x4000  }
0xe5: {  	[sflag:s16] =	ssyncset.done $0x0  }
0xe6: {  	s9 =	rddreg [dreg:$0xe];
	[sflag:s16] =	ssyncadd.s32 $0xFFFFC000  }
0xe7: {  	[spmem:s2] =	stream.indirect.scatter.add.f32 [tilespmem:s14], [sflag:$0x3], $0x80, s9, s12, $0xb8;
	[tilespmem:$0x1D000] =	vst v63  }
0xe8: {  	_ =	swait.ge [sflag:s10], $0x4000  }
0xe9: {  	[sflag:s10] =	ssyncset.done $0x0  }
0xea: {  	s9 =	rddreg [dreg:$0xf];
	[sflag:s10] =	ssyncadd.s32 $0xFFFFC000  }
0xeb: {  	[tilespmem:s14], [sflag:$0x2] =	stream.indirect.gather [hbm4b:s4+s12], $0x80, s9, s12, $0xb8;
	[tilespmem:$0x1D000] =	vst v63  }
0xec: {  	_ =	swait.ge [sflag:s15], $0x4000  }
0xed: {  	[sflag:s15] =	ssyncset.done $0x0  }
0xee: {  	s9 =	rddreg [dreg:$0x10];
	[sflag:s15] =	ssyncadd.s32 $0xFFFFC000  }
0xef: {  	[spmem:s2] =	stream.indirect.scatter.add.f32 [tilespmem:s13], [sflag:$0x3], $0x80, s9, s12, $0xb8;
	[tilespmem:$0x1D000] =	vst v63  }
0xf0: {  	_ =	swait.ge [sflag:s10], $0x4000  }
0xf1: {  	[sflag:s10] =	ssyncset.done $0x0  }
0xf2: {  	[sflag:s10] =	ssyncadd.s32 $0xFFFFC000  }
0xf3: {  	[tilespmem:s13], [sflag:$0x1] =	stream.indirect.gather [hbm4b:s4+s12], $0x80, s17, s12, $0xb8;
	[tilespmem:$0x1D000] =	vst v63  }
0xf4: {  	_ =	swait.ge [sflag:s16], $0x4000  }
0xf5: {  	[sflag:s16] =	ssyncset.done $0x0  }
0xf6: {  	[sflag:s16] =	ssyncadd.s32 $0xFFFFC000  }
0xf7: {  	[spmem:s2] =	stream.indirect.scatter.add.f32 [tilespmem:s14], [sflag:$0x3], $0x80, s18, s12, $0xb8;
	[tilespmem:$0x1D000] =	vst v63  }
0xf8: {  	_ =	swait.ge [sflag:s10], $0x4000  }
0xf9: {  	[sflag:s10] =	ssyncset.done $0x0  }
0xfa: {  	[sflag:s10] =	ssyncadd.s32 $0xFFFFC000  }
0xfb: {  	[tilespmem:s14], [sflag:$0x2] =	stream.indirect.gather [hbm4b:s4+s12], $0x80, s19, s12, $0xb8;
	[tilespmem:$0x1D000] =	vst v63  }
0xfc: {  	_ =	swait.ge [sflag:s15], $0x4000  }
0xfd: {  	[sflag:s15] =	ssyncset.done $0x0  }
0xfe: {  	[sflag:s15] =	ssyncadd.s32 $0xFFFFC000  }
0xff: {  	[spmem:s2] =	stream.indirect.scatter.add.f32 [tilespmem:s13], [sflag:$0x3], $0x80, s20, s12, $0xb8;
	[tilespmem:$0x1D000] =	vst v63  }
0x100: {  	_ =	swait.ge [sflag:s10], $0x4000  }
0x101: {  	[sflag:s10] =	ssyncset.done $0x0  }
0x102: {  	[sflag:s10] =	ssyncadd.s32 $0xFFFFC000  }
0x103: {  	[tilespmem:s13], [sflag:$0x1] =	stream.indirect.gather [hbm4b:s4+s12], $0x80, s21, s12, $0xb8;
	[tilespmem:$0x1D000] =	vst v63  }
0x104: {  	_ =	swait.ge [sflag:s16], $0x4000  }
0x105: {  	[sflag:s16] =	ssyncset.done $0x0  }
0x106: {  	[sflag:s16] =	ssyncadd.s32 $0xFFFFC000  }
0x107: {  	[spmem:s2] =	stream.indirect.scatter.add.f32 [tilespmem:s14], [sflag:$0x3], $0x80, s22, s12, $0xb8;
	[tilespmem:$0x1D000] =	vst v63  }
0x108: {  	_ =	swait.ge [sflag:s10], $0x4000  }
0x109: {  	[sflag:s10] =	ssyncset.done $0x0  }
0x10a: {  	[sflag:s10] =	ssyncadd.s32 $0xFFFFC000  }
0x10b: {  	[tilespmem:s14], [sflag:$0x2] =	stream.indirect.gather [hbm4b:s4+s12], $0x80, s23, s12, $0xb8;
	[tilespmem:$0x1D000] =	vst v63  }
0x10c: {  	_ =	swait.ge [sflag:s15], $0x4000  }
0x10d: {  	[sflag:s15] =	ssyncset.done $0x0  }
0x10e: {  	[sflag:s15] =	ssyncadd.s32 $0xFFFFC000  }
0x10f: {  	[spmem:s2] =	stream.indirect.scatter.add.f32 [tilespmem:s13], [sflag:$0x3], $0x80, s24, s12, $0xb8;
	[tilespmem:$0x1D000] =	vst v63  }
0x110: {  	_ =	swait.ge [sflag:s10], $0x4000  }
0x111: {  	[sflag:s10] =	ssyncset.done $0x0  }
0x112: {  	[sflag:s10] =	ssyncadd.s32 $0xFFFFC000  }
0x113: {  	[tilespmem:s13], [sflag:$0x1] =	stream.indirect.gather [hbm4b:s4+s12], $0x80, s25, s12, $0xb8;
	[tilespmem:$0x1D000] =	vst v63  }
0x114: {  	_ =	swait.ge [sflag:s16], $0x4000  }
0x115: {  	[sflag:s16] =	ssyncset.done $0x0  }
0x116: {  	[sflag:s16] =	ssyncadd.s32 $0xFFFFC000  }
0x117: {  	[spmem:s2] =	stream.indirect.scatter.add.f32 [tilespmem:s14], [sflag:$0x3], $0x80, s26, s12, $0xb8;
	[tilespmem:$0x1D000] =	vst v63  }
0x118: {  	_ =	swait.ge [sflag:s10], $0x4000  }
0x119: {  	[sflag:s10] =	ssyncset.done $0x0  }
0x11a: {  	[sflag:s10] =	ssyncadd.s32 $0xFFFFC000  }
0x11b: {  	[tilespmem:s14], [sflag:$0x2] =	stream.indirect.gather [hbm4b:s4+s12], $0x80, s28, s12, $0xb8;
	[tilespmem:$0x1D000] =	vst v63  }
0x11c: {  	_ =	swait.ge [sflag:s15], $0x4000  }
0x11d: {  	[sflag:s15] =	ssyncset.done $0x0  }
0x11e: {  	[sflag:s15] =	ssyncadd.s32 $0xFFFFC000  }
0x11f: {  	[spmem:s2] =	stream.indirect.scatter.add.f32 [tilespmem:s13], [sflag:$0x3], $0x80, s29, s12, $0xb8;
	[tilespmem:$0x1D000] =	vst v63  }
0x120: {  	_ =	swait.ge [sflag:s10], $0x4000  }
0x121: {  	[sflag:s10] =	ssyncset.done $0x0  }
0x122: {  	[sflag:s10] =	ssyncadd.s32 $0xFFFFC000  }
0x123: {  	[tilespmem:s13], [sflag:$0x1] =	stream.indirect.gather [hbm4b:s4+s12], $0x80, s30, s12, $0xb8;
	[tilespmem:$0x1D000] =	vst v63  }
0x124: {  	_ =	swait.ge [sflag:s16], $0x4000  }
0x125: {  	[sflag:s16] =	ssyncset.done $0x0  }
0x126: {  	[sflag:s16] =	ssyncadd.s32 $0xFFFFC000  }
0x127: {  	[spmem:s2] =	stream.indirect.scatter.add.f32 [tilespmem:s14], [sflag:$0x3], $0x80, s31, s12, $0xb8;
	[tilespmem:$0x1D000] =	vst v63  }
0x128: {  	_ =	swait.ge [sflag:s10], $0x4000  }
0x129: {  	[sflag:s10] =	ssyncset.done $0x0  }
0x12a: {  	[sflag:s10] =	ssyncadd.s32 $0xFFFFC000  }
0x12b: {  	[tilespmem:s14], [sflag:$0x2] =	stream.indirect.gather [hbm4b:s4+s12], $0x80, s1, s12, $0xb8;
	[tilespmem:$0x1D000] =	vst v63  }
0x12c: {  	_ =	swait.ge [sflag:s15], $0x4000  }
0x12d: {  	[sflag:s15] =	ssyncset.done $0x0  }
0x12e: {  	[sflag:s15] =	ssyncadd.s32 $0xFFFFC000  }
0x12f: {  	[spmem:s2] =	stream.indirect.scatter.add.f32 [tilespmem:s13], [sflag:$0x3], $0x80, s0, s12, $0xb8;
	[tilespmem:$0x1D000] =	vst v63  }
0x130: {  	_ =	swait.ge [sflag:s10], $0x4000  }
0x131: {  	[sflag:s10] =	ssyncset.done $0x0  }
0x132: {  	[sflag:s10] =	ssyncadd.s32 $0xFFFFC000  }
0x133: {  	p0 =	sne.s32 s6, $0x400;
	_ =	swait.ge [sflag:s16], $0x4000  }
.Ltmp0:
0x134: {  	[sflag:s16] =	ssyncset.done $0x0;
	(pc) =	sbr.rel @p0 .LBB2_2-.Ltmp0, $4  }
0x135: {  	[sflag:s16] =	ssyncadd.s32 $0xFFFFC000  }
0x136: {  	[spmem:s2] =	stream.indirect.scatter.add.f32 [tilespmem:s14], [sflag:$0x3], $0x80, s5, s12, $0xb8;
	[tilespmem:$0x1D000] =	vst v63  }
0x137: {  	s7 =	smov.u32 s6;
	s6 =	sadd.s32 $0x100, s6;
	_ =	swait.ge [sflag:s10], $0x4000  }
0x138: {  	s8 =	smov.u32 s7;
	s9 =	rddreg [dreg:$0x4];
	[sflag:s10] =	ssyncset.done $0x0  }
0x139: {  	[sflag:s10] =	ssyncadd.s32 $0xFFFFC000;
	s6 =	sadd.s32 s8, s9  }
0x13a: {  	[tilespmem:s3], [sflag:$0x3] =	stream.linear.gather [hbm4b:s6+s3], $0x800, $0x38;
	[tilespmem:$0x1D000] =	vst v63  }
0x13b: {  	_ =	swait.ge [sflag:s10], $0x800  }
0x13c: {  	s7 =	rddreg [dreg:$0x3];
	[sflag:s10] =	ssyncset.done $0x0  }
0x13d: {  	s6 =	sadd.s32 s8, s7;
	[sflag:s10] =	ssyncadd.s32 $0xFFFFF800  }
0x13e: {  	[tilespmem:s11], [sflag:$0x3] =	stream.linear.gather [hbm4b:s6+s3], $0x800, $0x38;
	[tilespmem:$0x1D000] =	vst v63  }
0x13f: {  	_ =	swait.ge [sflag:s10], $0x800  }
0x140: {  	[sflag:s10] =	ssyncset.done $0x0  }
0x141: {  	[sflag:s10] =	ssyncadd.s32 $0xFFFFF800  }
0x142: {  	[tilespmem:s13], [sflag:$0x1] =	stream.indirect.gather [hbm4b:s4+s12], $0x80, s3, s12, $0xb8;
	[tilespmem:$0x1D000] =	vst v63  }
0x143: {  	_ = 	snop  }
0x144: {  	[tilespmem:s14], [sflag:$0x2] =	stream.indirect.gather [hbm4b:s4+s12], $0x80, s12, s12, $0xb8;
	[tilespmem:$0x1D000] =	vst v63  }
0x145: {  	_ =	swait.ge [sflag:s15], $0x4000  }
0x146: {  	[sflag:s15] =	ssyncset.done $0x0  }
0x147: {  	[sflag:s15] =	ssyncadd.s32 $0xFFFFC000  }
0x148: {  	[spmem:s2] =	stream.indirect.scatter.add.f32 [tilespmem:s13], [sflag:$0x3], $0x80, s11, s12, $0xb8;
	[tilespmem:$0x1D000] =	vst v63  }
0x149: {  	_ =	swait.ge [sflag:s10], $0x4000  }
0x14a: {  	[sflag:s10] =	ssyncset.done $0x0  }
0x14b: {  	s9 =	rddreg [dreg:$0x5];
	[sflag:s10] =	ssyncadd.s32 $0xFFFFC000  }
0x14c: {  	[tilespmem:s13], [sflag:$0x1] =	stream.indirect.gather [hbm4b:s4+s12], $0x80, s9, s12, $0xb8;
	[tilespmem:$0x1D000] =	vst v63  }
0x14d: {  	_ =	swait.ge [sflag:s16], $0x4000  }
0x14e: {  	[sflag:s16] =	ssyncset.done $0x0  }
0x14f: {  	s7 =	rddreg [dreg:$0x6];
	[sflag:s16] =	ssyncadd.s32 $0xFFFFC000  }
0x150: {  	[spmem:s2] =	stream.indirect.scatter.add.f32 [tilespmem:s14], [sflag:$0x3], $0x80, s7, s12, $0xb8;
	[tilespmem:$0x1D000] =	vst v63  }
0x151: {  	_ =	swait.ge [sflag:s10], $0x4000  }
0x152: {  	[sflag:s10] =	ssyncset.done $0x0  }
0x153: {  	s8 =	rddreg [dreg:$0x7];
	[sflag:s10] =	ssyncadd.s32 $0xFFFFC000  }
0x154: {  	[tilespmem:s14], [sflag:$0x2] =	stream.indirect.gather [hbm4b:s4+s12], $0x80, s8, s12, $0xb8;
	[tilespmem:$0x1D000] =	vst v63  }
0x155: {  	_ =	swait.ge [sflag:s15], $0x4000  }
0x156: {  	[sflag:s15] =	ssyncset.done $0x0  }
0x157: {  	s9 =	rddreg [dreg:$0x8];
	[sflag:s15] =	ssyncadd.s32 $0xFFFFC000  }
0x158: {  	[spmem:s2] =	stream.indirect.scatter.add.f32 [tilespmem:s13], [sflag:$0x3], $0x80, s9, s12, $0xb8;
	[tilespmem:$0x1D000] =	vst v63  }
0x159: {  	_ =	swait.ge [sflag:s10], $0x4000  }
0x15a: {  	[sflag:s10] =	ssyncset.done $0x0  }
0x15b: {  	s7 =	rddreg [dreg:$0x9];
	[sflag:s10] =	ssyncadd.s32 $0xFFFFC000  }
0x15c: {  	[tilespmem:s13], [sflag:$0x1] =	stream.indirect.gather [hbm4b:s4+s12], $0x80, s7, s12, $0xb8;
	[tilespmem:$0x1D000] =	vst v63  }
0x15d: {  	_ =	swait.ge [sflag:s16], $0x4000  }
0x15e: {  	[sflag:s16] =	ssyncset.done $0x0  }
0x15f: {  	s8 =	rddreg [dreg:$0xa];
	[sflag:s16] =	ssyncadd.s32 $0xFFFFC000  }
0x160: {  	[spmem:s2] =	stream.indirect.scatter.add.f32 [tilespmem:s14], [sflag:$0x3], $0x80, s8, s12, $0xb8;
	[tilespmem:$0x1D000] =	vst v63  }
0x161: {  	_ =	swait.ge [sflag:s10], $0x4000  }
0x162: {  	[sflag:s10] =	ssyncset.done $0x0  }
0x163: {  	s9 =	rddreg [dreg:$0xb];
	[sflag:s10] =	ssyncadd.s32 $0xFFFFC000  }
0x164: {  	[tilespmem:s14], [sflag:$0x2] =	stream.indirect.gather [hbm4b:s4+s12], $0x80, s9, s12, $0xb8;
	[tilespmem:$0x1D000] =	vst v63  }
0x165: {  	_ =	swait.ge [sflag:s15], $0x4000  }
0x166: {  	[sflag:s15] =	ssyncset.done $0x0  }
0x167: {  	s7 =	rddreg [dreg:$0xc];
	[sflag:s15] =	ssyncadd.s32 $0xFFFFC000  }
0x168: {  	[spmem:s2] =	stream.indirect.scatter.add.f32 [tilespmem:s13], [sflag:$0x3], $0x80, s7, s12, $0xb8;
	[tilespmem:$0x1D000] =	vst v63  }
0x169: {  	_ =	swait.ge [sflag:s10], $0x4000  }
0x16a: {  	[sflag:s10] =	ssyncset.done $0x0  }
0x16b: {  	s8 =	rddreg [dreg:$0xd];
	[sflag:s10] =	ssyncadd.s32 $0xFFFFC000  }
0x16c: {  	[tilespmem:s13], [sflag:$0x1] =	stream.indirect.gather [hbm4b:s4+s12], $0x80, s8, s12, $0xb8;
	[tilespmem:$0x1D000] =	vst v63  }
0x16d: {  	_ =	swait.ge [sflag:s16], $0x4000  }
0x16e: {  	[sflag:s16] =	ssyncset.done $0x0  }
0x16f: {  	s9 =	rddreg [dreg:$0xe];
	[sflag:s16] =	ssyncadd.s32 $0xFFFFC000  }
0x170: {  	[spmem:s2] =	stream.indirect.scatter.add.f32 [tilespmem:s14], [sflag:$0x3], $0x80, s9, s12, $0xb8;
	[tilespmem:$0x1D000] =	vst v63  }
0x171: {  	_ =	swait.ge [sflag:s10], $0x4000  }
0x172: {  	[sflag:s10] =	ssyncset.done $0x0  }
0x173: {  	s7 =	rddreg [dreg:$0xf];
	[sflag:s10] =	ssyncadd.s32 $0xFFFFC000  }
0x174: {  	[tilespmem:s14], [sflag:$0x2] =	stream.indirect.gather [hbm4b:s4+s12], $0x80, s7, s12, $0xb8;
	[tilespmem:$0x1D000] =	vst v63  }
0x175: {  	_ =	swait.ge [sflag:s15], $0x4000  }
0x176: {  	[sflag:s15] =	ssyncset.done $0x0  }
0x177: {  	s8 =	rddreg [dreg:$0x10];
	[sflag:s15] =	ssyncadd.s32 $0xFFFFC000  }
0x178: {  	[spmem:s2] =	stream.indirect.scatter.add.f32 [tilespmem:s13], [sflag:$0x3], $0x80, s8, s12, $0xb8;
	[tilespmem:$0x1D000] =	vst v63  }
0x179: {  	_ =	swait.ge [sflag:s10], $0x4000  }
0x17a: {  	[sflag:s10] =	ssyncset.done $0x0  }
0x17b: {  	[sflag:s10] =	ssyncadd.s32 $0xFFFFC000  }
0x17c: {  	[tilespmem:s13], [sflag:$0x1] =	stream.indirect.gather [hbm4b:s4+s12], $0x80, s17, s12, $0xb8;
	[tilespmem:$0x1D000] =	vst v63  }
0x17d: {  	_ =	swait.ge [sflag:s16], $0x4000  }
0x17e: {  	[sflag:s16] =	ssyncset.done $0x0  }
0x17f: {  	[sflag:s16] =	ssyncadd.s32 $0xFFFFC000  }
0x180: {  	[spmem:s2] =	stream.indirect.scatter.add.f32 [tilespmem:s14], [sflag:$0x3], $0x80, s18, s12, $0xb8;
	[tilespmem:$0x1D000] =	vst v63  }
0x181: {  	_ =	swait.ge [sflag:s10], $0x4000  }
0x182: {  	[sflag:s10] =	ssyncset.done $0x0  }
0x183: {  	[sflag:s10] =	ssyncadd.s32 $0xFFFFC000  }
0x184: {  	[tilespmem:s14], [sflag:$0x2] =	stream.indirect.gather [hbm4b:s4+s12], $0x80, s19, s12, $0xb8;
	[tilespmem:$0x1D000] =	vst v63  }
0x185: {  	_ =	swait.ge [sflag:s15], $0x4000  }
0x186: {  	[sflag:s15] =	ssyncset.done $0x0  }
0x187: {  	[sflag:s15] =	ssyncadd.s32 $0xFFFFC000  }
0x188: {  	[spmem:s2] =	stream.indirect.scatter.add.f32 [tilespmem:s13], [sflag:$0x3], $0x80, s20, s12, $0xb8;
	[tilespmem:$0x1D000] =	vst v63  }
0x189: {  	_ =	swait.ge [sflag:s10], $0x4000  }
0x18a: {  	[sflag:s10] =	ssyncset.done $0x0  }
0x18b: {  	[sflag:s10] =	ssyncadd.s32 $0xFFFFC000  }
0x18c: {  	[tilespmem:s13], [sflag:$0x1] =	stream.indirect.gather [hbm4b:s4+s12], $0x80, s21, s12, $0xb8;
	[tilespmem:$0x1D000] =	vst v63  }
0x18d: {  	_ =	swait.ge [sflag:s16], $0x4000  }
0x18e: {  	[sflag:s16] =	ssyncset.done $0x0  }
0x18f: {  	[sflag:s16] =	ssyncadd.s32 $0xFFFFC000  }
0x190: {  	[spmem:s2] =	stream.indirect.scatter.add.f32 [tilespmem:s14], [sflag:$0x3], $0x80, s22, s12, $0xb8;
	[tilespmem:$0x1D000] =	vst v63  }
0x191: {  	_ =	swait.ge [sflag:s10], $0x4000  }
0x192: {  	[sflag:s10] =	ssyncset.done $0x0  }
0x193: {  	[sflag:s10] =	ssyncadd.s32 $0xFFFFC000  }
0x194: {  	[tilespmem:s14], [sflag:$0x2] =	stream.indirect.gather [hbm4b:s4+s12], $0x80, s23, s12, $0xb8;
	[tilespmem:$0x1D000] =	vst v63  }
0x195: {  	_ =	swait.ge [sflag:s15], $0x4000  }
0x196: {  	[sflag:s15] =	ssyncset.done $0x0  }
0x197: {  	[sflag:s15] =	ssyncadd.s32 $0xFFFFC000  }
0x198: {  	[spmem:s2] =	stream.indirect.scatter.add.f32 [tilespmem:s13], [sflag:$0x3], $0x80, s24, s12, $0xb8;
	[tilespmem:$0x1D000] =	vst v63  }
0x199: {  	_ =	swait.ge [sflag:s10], $0x4000  }
0x19a: {  	[sflag:s10] =	ssyncset.done $0x0  }
0x19b: {  	[sflag:s10] =	ssyncadd.s32 $0xFFFFC000  }
0x19c: {  	[tilespmem:s13], [sflag:$0x1] =	stream.indirect.gather [hbm4b:s4+s12], $0x80, s25, s12, $0xb8;
	[tilespmem:$0x1D000] =	vst v63  }
0x19d: {  	_ =	swait.ge [sflag:s16], $0x4000  }
0x19e: {  	[sflag:s16] =	ssyncset.done $0x0  }
0x19f: {  	[sflag:s16] =	ssyncadd.s32 $0xFFFFC000  }
0x1a0: {  	[spmem:s2] =	stream.indirect.scatter.add.f32 [tilespmem:s14], [sflag:$0x3], $0x80, s26, s12, $0xb8;
	[tilespmem:$0x1D000] =	vst v63  }
0x1a1: {  	_ =	swait.ge [sflag:s10], $0x4000  }
0x1a2: {  	[sflag:s10] =	ssyncset.done $0x0  }
0x1a3: {  	[sflag:s10] =	ssyncadd.s32 $0xFFFFC000  }
0x1a4: {  	[tilespmem:s14], [sflag:$0x2] =	stream.indirect.gather [hbm4b:s4+s12], $0x80, s28, s12, $0xb8;
	[tilespmem:$0x1D000] =	vst v63  }
0x1a5: {  	_ =	swait.ge [sflag:s15], $0x4000  }
0x1a6: {  	[sflag:s15] =	ssyncset.done $0x0  }
0x1a7: {  	[sflag:s15] =	ssyncadd.s32 $0xFFFFC000  }
0x1a8: {  	[spmem:s2] =	stream.indirect.scatter.add.f32 [tilespmem:s13], [sflag:$0x3], $0x80, s29, s12, $0xb8;
	[tilespmem:$0x1D000] =	vst v63  }
0x1a9: {  	_ =	swait.ge [sflag:s10], $0x4000  }
0x1aa: {  	[sflag:s10] =	ssyncset.done $0x0  }
0x1ab: {  	[sflag:s10] =	ssyncadd.s32 $0xFFFFC000  }
0x1ac: {  	[tilespmem:s13], [sflag:$0x1] =	stream.indirect.gather [hbm4b:s4+s12], $0x80, s30, s12, $0xb8;
	[tilespmem:$0x1D000] =	vst v63  }
0x1ad: {  	_ =	swait.ge [sflag:s16], $0x4000  }
0x1ae: {  	[sflag:s16] =	ssyncset.done $0x0  }
0x1af: {  	[sflag:s16] =	ssyncadd.s32 $0xFFFFC000  }
0x1b0: {  	[spmem:s2] =	stream.indirect.scatter.add.f32 [tilespmem:s14], [sflag:$0x3], $0x80, s31, s12, $0xb8;
	[tilespmem:$0x1D000] =	vst v63  }
0x1b1: {  	_ =	swait.ge [sflag:s10], $0x4000  }
0x1b2: {  	[sflag:s10] =	ssyncset.done $0x0  }
0x1b3: {  	[sflag:s10] =	ssyncadd.s32 $0xFFFFC000  }
0x1b4: {  	[tilespmem:s14], [sflag:$0x2] =	stream.indirect.gather [hbm4b:s4+s12], $0x80, s1, s12, $0xb8;
	[tilespmem:$0x1D000] =	vst v63  }
0x1b5: {  	_ =	swait.ge [sflag:s15], $0x4000  }
0x1b6: {  	[sflag:s15] =	ssyncset.done $0x0  }
0x1b7: {  	[sflag:s15] =	ssyncadd.s32 $0xFFFFC000  }
0x1b8: {  	[spmem:s2] =	stream.indirect.scatter.add.f32 [tilespmem:s13], [sflag:$0x3], $0x80, s0, s12, $0xb8;
	[tilespmem:$0x1D000] =	vst v63  }
0x1b9: {  	_ =	swait.ge [sflag:s10], $0x4000  }
0x1ba: {  	[sflag:s10] =	ssyncset.done $0x0  }
0x1bb: {  	[sflag:s10] =	ssyncadd.s32 $0xFFFFC000  }
0x1bc: {  	_ =	swait.ge [sflag:s16], $0x4000  }
0x1bd: {  	[sflag:s16] =	ssyncset.done $0x0  }
0x1be: {  	[sflag:s16] =	ssyncadd.s32 $0xFFFFC000  }
0x1bf: {  	[spmem:s2] =	stream.indirect.scatter.add.f32 [tilespmem:s14], [sflag:$0x3], $0x80, s5, s12, $0xb8;
	[tilespmem:$0x1D000] =	vst v63  }
0x1c0: {  	_ =	swait.ge [sflag:s10], $0x4000  }
0x1c1: {  	[sflag:s10] =	ssyncset.done $0x0  }
0x1c2: {  	[sflag:s10] =	ssyncadd.s32 $0xFFFFC000  }
0x1c3: {  	[bflag:$0x0] =	sbarrier.arrive $0xFFFF  }
0x1c4: {  	s7 =	rddreg [dreg:$0x12]  }
0x1c5: {  	s9 =	rddreg [dreg:$0x13]  }
0x1c6: {  	s8 =	rddreg [dreg:$0x15]  }
0x1c7: {  	[hbm:s9], [sflag:s7] =	dma.local [spmem:s8], $0x2800  }
0x1c8: {  	_ =	swait.ge [sflag:s10], $0x2800  }
0x1c9: {  	s6 =	rddreg [dreg:$0x16]  }
0x1ca: {  	s9 =	sadd.s32 $0x1, s6;
	s6 =	rddreg [dreg:$0x14]  }
0x1cb: {  	p0 =	sne.s32 s9, s6  }
.Ltmp1:
0x1cc: {  	_ = 	snop;
	(pc) =	sbr.rel @p0 .LBB2_1-.Ltmp1, $3  }
0x1cd: {  	_ =	sdelay $0x1  }
0x1ce: {  	[sflag:s10] =	ssyncset.done $0x0  }
0x1cf: {  	[sflag:s10] =	ssyncadd.s32 $0xFFFFD800  }
0x1d0: {  	_ =	sfence.sel $0x180000  }
0x1d1: {  	[bflag:$0x0] =	sbarrier.arrive $0xFFFF  }
0x1d2: {  	_ =	strace $0x9000004D  }
0x1d3: {  	s0 =	stileid.u32;
	[bflag:$0x2] =	sbarrier.arrive $0xFFFF  }
0x1d4: {  	p0 =	sne.s32 s0, $0x0;
	s0 =	rddreg [dreg:$0x2]  }
0x1d5: {  	s0 =	sadd.s32 @!p0 $0x100000, s0  }
0x1d6: {  	[sflag:s0] =	ssyncadd.tile.s32 @!p0 $0x1;
	_ =	shalt  }
.Lfunc_end2:
_tile_overlayer_lowered:
.L_overlay_start_2:
0x1d7: {  	(tag) =	ssettag $0x2  }
0x1d8: {  	s0 =	rddreg [dreg:$0x0];
	s2 =	stileid.u32  }
0x1d9: {  	s1 =	rddreg [dreg:$0x1];
	p0 =	sne.s32 s2, $0x0  }
0x1da: {  	s3 =	rddreg [dreg:$0x2];
	[bflag:$0x3] =	sbarrier.arrive $0xFFFF;
	s2 =	simm.s32 @!p0 $0x1C03  }
0x1db: {  	[timem:s3], [sflag:s2] =	dma.local @!p0 [hbm:s0], s1  }
0x1dc: {  	s0 =	simm.s32 @!p0 $0x3  }
0x1dd: {  	_ =	swait.ge @!p0 [sflag:s0], s1  }
0x1de: {  	s1 =	ssub.s32 @!p0 $0x0, s1;
	[sflag:s0] =	ssyncset.done @!p0 $0x0  }
0x1df: {  	[sflag:s0] =	ssyncadd.s32 @!p0 s1  }
0x1e0: {  	[bflag:$0x3] =	sbarrier.arrive $0xFFFF  }
0x1e1: {  	_ =	shalt  }

// kernel: kernel.8.cloned.1.call-start
scs
__scs_entry_jumppad:
0x0: {  	(pc) =	sbr.rel $0x88, $3  }
0x1: {  	(tag) =	ssettag $0x0;
	lr =	simm.s32 $0x1  }
0x2: {  	[smem:$0x3F98] =	sst lr;
	_ =	strace $0xD0000000  }
0x3: {  	_ = 	snop  }
0x4: {  	_ = 	snop  }
0x5: {  	_ = 	snop  }
0x6: {  	_ = 	snop  }
0x7: {  	_ = 	snop  }
__scs_overlays_trampoline_lowered:
0x8: {  	[smem:$0x3FA7] =	sst s0  }
0x9: {  	[smem:$0x3FA8] =	sst s1  }
0xa: {  	[smem:$0x3FA9] =	sst s2  }
0xb: {  	[smem:$0x3FAA] =	sst s3  }
0xc: {  	[smem:$0x3FAB] =	sst s4  }
0xd: {  	[smem:$0x3FAC] =	sst s5  }
0xe: {  	[smem:$0x3FAD] =	sst s6  }
0xf: {  	[smem:$0x3FAE] =	sst s7  }
0x10: {  	[smem:$0x3FAF] =	sst s8  }
0x11: {  	[smem:$0x3FB0] =	sst s9;
	s0 =	simm.s32 @!p0 $0x0  }
0x12: {  	s1 =	sld [smem:$0x3F96];
	s0 =	simm.s32 @p0 $0x1  }
0x13: {  	[smem:$0x3FB1] =	sst s0;
	s0 =	simm.s32 @!p1 $0x0  }
0x14: {  	s2 =	sld [smem:$0x3F95];
	s0 =	simm.s32 @p1 $0x1  }
0x15: {  	[smem:$0x3FB2] =	sst s0;
	s0 =	simm.s32 @!p2 $0x0  }
0x16: {  	s3 =	sld [smem:$0x3FDB];
	s0 =	simm.s32 @p2 $0x1  }
0x17: {  	s4 =	simm.s32 $0x1BF5;
	[smem:$0x3FB4] =	sst s0  }
0x18: {  	s0 =	sld [smem:$0x3F97];
	_ =	swait.ge [sflag:s4], $0x0  }
0x19: {  	s7 =	sld [smem:$0x3F98]  }
0x1a: {  	s8 =	sadd.s32 $0xFFFFE003, lr  }
0x1b: {  	s9 =	sadd.s32 $0xFFFFFEF7, lr;
	s5 =	simm.s32 $0xFFFFFFFF;
	p2 =	slt.u32 s8, $0xFFFFF086  }
0x1c: {  	p1 =	slt.u32 s9, $0xF7A;
	s5 =	simm.s32 @!p2 $0x0  }
0x1d: {  	s5 =	simm.s32 @p1 $0x1;
	p0 =	seq.s32 s7, s2  }
0x1e: {  	s7 =	smul.u32 @!p0 $0xF7A, s2;
	p2 =	seq.s32 @!p0 s5, $0x0  }
0x1f: {  	s9 =	smul.u32 $0xF7A, s1;
	s8 =	simm.s32 @!p0 $0x1BF5;
	p2 =	por !p2, p0  }
0x20: {  	[sflag:s8] =	ssyncset.s32 @!p0 $0xFFFFF086;
	s6 =	sadd.s32 @!p0 s3, s7;
	s7 =	simm.s32 @!p0 $0x108  }
0x21: {  	s3 =	sadd.s32 s3, s9;
	s6 =	sadd.s32 @!p0 $0x88, s6;
	s7 =	simm.s32 @p2 $0x1082  }
0x22: {  	[simem:s7], [sflag:s8] =	dma.local @!p0 [hbm:s6], $0xF7A  }
0x23: {  	s9 =	sor.u32 $0xD0000000, s2;
	s6 =	simm.s32 $0x108;
	_ =	swait.ge @!p0 [sflag:s8], $0x0  }
0x24: {  	s3 =	sadd.s32 $0x88, s3;
	s6 =	simm.s32 @!p1 $0x1082;
	[sflag:s4] =	ssyncset.s32 $0xFFFFF086  }
0x25: {  	[simem:s6], [sflag:s4] =	dma.local [hbm:s3], $0xF7A  }
0x26: {  	[smem:$0x3F98] =	sst s1;
	(tag) =	ssettag s2;
	_ =	strace s9  }
0x27: {  	s1 =	sld [smem:$0x3FA8]  }
0x28: {  	s2 =	sld [smem:$0x3FA9]  }
0x29: {  	s4 =	sld [smem:$0x3FAB]  }
0x2a: {  	p0 =	seq.s32 s5, $0x0;
	s5 =	sld [smem:$0x3FAC]  }
0x2b: {  	s6 =	sld [smem:$0x3FAD]  }
0x2c: {  	s7 =	sld [smem:$0x3FAE]  }
0x2d: {  	s3 =	simm.s32 $0x108;
	s8 =	sld [smem:$0x3FAF]  }
0x2e: {  	s3 =	simm.s32 @!p0 $0x1082;
	s9 =	sld [smem:$0x3FB0]  }
0x2f: {  	lr =	sadd.s32 s0, s3;
	s0 =	sld [smem:$0x3FA7]  }
0x30: {  	s3 =	sld [smem:$0x3FAA]  }
0x31: {  	[smem:$0x3FB3] =	sst s10  }
0x32: {  	s10 =	sld [smem:$0x3FB1];
	_ =	sdelay $0x3  }
0x33: {  	p0 =	seq.s32 s10, $0x1;
	s10 =	sld [smem:$0x3FB3];
	_ =	sdelay $0x3  }
0x34: {  	[smem:$0x3FB3] =	sst s10  }
0x35: {  	s10 =	sld [smem:$0x3FB2];
	_ =	sdelay $0x3  }
0x36: {  	p1 =	seq.s32 s10, $0x1;
	s10 =	sld [smem:$0x3FB3];
	_ =	sdelay $0x3  }
0x37: {  	[smem:$0x3FB3] =	sst s10  }
0x38: {  	s10 =	sld [smem:$0x3FB4]  }
0x39: {  	_ = 	snop;
	(pc) =	sbr.ind lr, $3  }
0x3a: {  	_ = 	snop  }
0x3b: {  	_ = 	snop  }
0x3c: {  	p2 =	seq.s32 s10, $0x1;
	s10 =	sld [smem:$0x3FB3]  }
0x3d: {  	_ =	shalt  }
0x3e: {  	_ =	shalt  }
0x3f: {  	_ =	shalt  }
0x40: {  	_ =	shalt  }
0x41: {  	_ =	shalt  }
0x42: {  	_ =	shalt  }
0x43: {  	_ =	shalt  }
0x44: {  	_ =	shalt  }
0x45: {  	_ =	shalt  }
0x46: {  	_ =	shalt  }
0x47: {  	_ =	shalt  }
0x48: {  	_ =	shalt  }
0x49: {  	_ =	shalt  }
0x4a: {  	_ =	shalt  }
0x4b: {  	_ =	shalt  }
0x4c: {  	_ =	shalt  }
0x4d: {  	_ =	shalt  }
0x4e: {  	_ =	shalt  }
0x4f: {  	_ =	shalt  }
0x50: {  	_ =	shalt  }
0x51: {  	_ =	shalt  }
0x52: {  	_ =	shalt  }
0x53: {  	_ =	shalt  }
0x54: {  	_ =	shalt  }
0x55: {  	_ =	shalt  }
0x56: {  	_ =	shalt  }
0x57: {  	_ =	shalt  }
0x58: {  	_ =	shalt  }
0x59: {  	_ =	shalt  }
0x5a: {  	_ =	shalt  }
0x5b: {  	_ =	shalt  }
0x5c: {  	_ =	shalt  }
0x5d: {  	_ =	shalt  }
0x5e: {  	_ =	shalt  }
0x5f: {  	_ =	shalt  }
0x60: {  	_ =	shalt  }
0x61: {  	_ =	shalt  }
0x62: {  	_ =	shalt  }
0x63: {  	_ =	shalt  }
0x64: {  	_ =	shalt  }
0x65: {  	_ =	shalt  }
0x66: {  	_ =	shalt  }
0x67: {  	_ =	shalt  }
0x68: {  	_ =	shalt  }
0x69: {  	_ =	shalt  }
0x6a: {  	_ =	shalt  }
0x6b: {  	_ =	shalt  }
0x6c: {  	_ =	shalt  }
0x6d: {  	_ =	shalt  }
0x6e: {  	_ =	shalt  }
0x6f: {  	_ =	shalt  }
0x70: {  	_ =	shalt  }
0x71: {  	_ =	shalt  }
0x72: {  	_ =	shalt  }
0x73: {  	_ =	shalt  }
0x74: {  	_ =	shalt  }
0x75: {  	_ =	shalt  }
0x76: {  	_ =	shalt  }
0x77: {  	_ =	shalt  }
0x78: {  	_ =	shalt  }
0x79: {  	_ =	shalt  }
0x7a: {  	_ =	shalt  }
0x7b: {  	_ =	shalt  }
0x7c: {  	_ =	shalt  }
0x7d: {  	_ =	shalt  }
0x7e: {  	_ =	shalt  }
0x7f: {  	_ =	shalt  }
0x80: {  	_ =	shalt  }
0x81: {  	_ =	shalt  }
0x82: {  	_ =	shalt  }
0x83: {  	_ =	shalt  }
0x84: {  	_ =	shalt  }
0x85: {  	_ =	shalt  }
0x86: {  	_ =	shalt  }
0x87: {  	_ =	shalt  }
.Lfunc_end0:
.L_simem_size_0:
called_computation_lowered:
.L_overlay_start_0:
0x88: {  	s2 =	sld [smem:$0x3FD9]  }
0x89: {  	s3 =	sld [smem:$0x3FFE];
	_ =	sdelay $0x1  }
0x8a: {  	s1 =	srdreg.scid  }
0x8b: {  	s0 =	sand.u32 $0x1, s1  }
0x8c: {  	s17 =	sshll.u32 s0, $0xA;
	s2 =	sadd.s32 s3, s2  }
0x8d: {  	s2 =	sadd.s32 s2, s17  }
0x8e: {  	[smem:$0x3FBF] =	sst s2  }
0x8f: {  	_ = 	snop  }
0x90: {  	s18 =	sld [smem:$0x3FD0];
	(tm) =	ssettm $0x1  }
0x91: {  	s19 =	sld [smem:$0x3FFB];
	_ =	sdelay $0x3  }
0x92: {  	_ =	strace s19  }
0x93: {  	s2 =	sld [smem:$0x3FFC];
	_ =	sdelay $0x3  }
0x94: {  	_ =	strace s2  }
0x95: {  	s2 =	sld [smem:$0x3FFD];
	_ =	sdelay $0x3  }
0x96: {  	_ =	strace s2  }
0x97: {  	_ =	strace $0x8FFFFFFF  }
0x98: {  	s20 =	sld [smem:$0x3FDB];
	_ =	sdelay $0x1  }
0x99: {  	s4 =	simm.s32 $_scs_section_size  }
0x9a: {  	s5 =	simm.s32 $_size__tile_overlayer_lowered;
	s6 =	simm.s32 $_tile_overlayer_lowered  }
0x9b: {  	s7 =	simm.s32 $0x1BFF;
	s21 =	sshll.u32 s6, $0x1;
	s4 =	sadd.s32 s4, s20  }
0x9c: {  	s22 =	simm.s32 $0x0;
	s5 =	sshll.u32 s5, $0x1;
	s6 =	sadd.s32 s21, s4  }
0x9d: {  	[timem:s22], [sflag:s7] =	dma.local [hbm:s6], s5  }
0x9e: {  	_ =	swait.ge [sflag:s7], s5  }
0x9f: {  	s5 =	ssub.s32 $0x0, s5;
	[sflag:s7] =	ssyncset.done $0x0  }
0xa0: {  	[sflag:s7] =	ssyncadd.s32 s5;
	_ =	sdelay $0x1  }
0xa1: {  	s23 =	simm.s32 $0x1B8B  }
0xa2: {  	_ =	swait.ge [sflag:s23], $0x1  }
0xa3: {  	[sflag:s23] =	ssyncset.done $0x0  }
0xa4: {  	[sflag:s23] =	ssyncadd.s32 $0xFFFFFFFF  }
0xa5: {  	s5 =	sld [smem:$0x0]  }
0xa6: {  	s6 =	sand.u32 $0xFFFFFFFE, s1  }
0xa7: {  	p0 =	sne.s32 s1, s6  }
0xa8: {  	s6 =	sshll.u32 @p0 s6, $0xE  }
0xa9: {  	s6 =	sadd.s32 @p0 $0x11B8D, s6;
	s7 =	sshll.u32 @p0 s5, $0x11  }
0xaa: {  	s6 =	sor.u32 @p0 s7, s6  }
0xab: {  	[sflag:s6] =	ssyncadd.remote.s32 @p0 $0x1;
	_ =	sdelay $0x1  }
0xac: {  	s6 =	simm.s32 @p0 $0x1B8D  }
0xad: {  	_ =	swait.eq @p0 [sflag:s6], $0x1  }
0xae: {  	[sflag:s6] =	ssyncadd.s32 @p0 $0xFFFFFFFF  }
0xaf: {  	s7 =	sshll.u32 @!p0 s1, $0xE  }
0xb0: {  	s7 =	sor.u32 @!p0 $0x4000, s7;
	s6 =	simm.s32 @!p0 $0x1B8D  }
0xb1: {  	s5 =	sshll.u32 @!p0 s5, $0x11;
	s7 =	sadd.s32 @!p0 $0x11B8D, s7;
	_ =	swait.eq @!p0 [sflag:s6], $0x1  }
0xb2: {  	s5 =	sor.u32 @!p0 s5, s7;
	[sflag:s6] =	ssyncadd.s32 @!p0 $0xFFFFFFFF  }
0xb3: {  	s25 =	simm.s32 $0x1B8E;
	s24 =	sld [smem:$0x3FFE];
	[sflag:s5] =	ssyncadd.remote.s32 @!p0 $0x1  }
0xb4: {  	s26 =	simm.s32 $execute0_lowered;
	[smem:$0x3FD2] =	sst s25  }
0xb5: {  	s6 =	sshll.u32 s26, $0x1;
	_ =	strace $0x80000049;
	[dreg:$0x1] =	wrdreg $0xFFFFFFFF  }
0xb6: {  	s28 =	simm.s32 $_size_execute0_lowered;
	s4 =	sadd.s32 s4, s6;
	[dreg:$0x0] =	wrdreg $0x0  }
0xb7: {  	s6 =	sshll.u32 s28, $0x1;
	[dreg:$0x2] =	wrdreg s4  }
0xb8: {  	[dreg:$0x3] =	wrdreg s6  }
0xb9: {  	[dreg:$0x4] =	wrdreg $0xC0  }
0xba: {  	_ =	task [dreg:s22], $0x5FFFF  }
0xbb: {  	[dreg:$0x1] =	wrdreg $0xFFFFFFFF  }
0xbc: {  	[dreg:$0x0] =	wrdreg $0x60  }
0xbd: {  	[dreg:$0x2] =	wrdreg s24  }
0xbe: {  	[dreg:$0x3] =	wrdreg s18  }
0xbf: {  	[dreg:$0x4] =	wrdreg $0x68000  }
0xc0: {  	[dreg:$0x5] =	wrdreg $0x9  }
0xc1: {  	_ =	task.clear_ibuf [dreg:s22], $0x6FFFF;
	_ =	strace $0x90000049  }
0xc2: {  	s29 =	simm.s32 $0x9;
	_ =	strace $0x8000004B  }
0xc3: {  	_ =	swait.ge [sflag:s29], $0x1  }
0xc4: {  	[sflag:s29] =	ssyncadd.s32 $0xFFFFFFFF  }
0xc5: {  	_ =	strace $0x9000004B  }
0xc6: {  	_ =	sfence  }
0xc7: {  	s30 =	sld [smem:$0x0];
	_ =	sdelay $0x2  }
0xc8: {  	s31 =	sshll.u32 s1, $0xD;
	s1 =	sshrl.u32 s1, $0x2  }
0xc9: {  	s4 =	sand.u32 $0x4000, s31;
	s1 =	sadd.s32 s1, s30  }
0xca: {  	s0 =	sor.u32 s4, s0;
	s1 =	sshll.u32 s1, $0x11  }
0xcb: {  	s0 =	sor.u32 s1, s0  }
0xcc: {  	s0 =	sadd.s32 $0x8F2B, s0  }
0xcd: {  	[sflag:s0] =	ssyncadd.remote.s32 $0x1  }
0xce: {  	_ =	sfence.sel $0xFFFF  }
0xcf: {  	[dreg:$0x0] =	wrdreg $0xFFFFFFFF;
	(pc) =	sbr.abs _section_cstart, $3  }
0xd0: {  	[dreg:$0x1] =	wrdreg $0xFFFFFFFF  }
0xd1: {  	_ =	task.clear_ibuf [dreg:s22], $0x2FFFF;
	_ =	strace $0x9FFFFFFF  }
0xd2: {  	(tm) =	ssettm $0x7FFFFFFF  }
0xd3: {  	_ =	shalt  }
tec
execute0_lowered:
.L_overlay_start_1:
0x0: {  	(tag) =	ssettag $0x1  }
0x1: {  	s7 =	rddreg [dreg:$0x0]  }
0x2: {  	s0 =	srdreg.scid;
	s2 =	rddreg [dreg:$0x1]  }
0x3: {  	s3 =	rddreg [dreg:$0x2];
	s4 =	simm.s32 $0x0;
	s6 =	sand.u32 $0x1, s0  }
0x4: {  	s13 =	simm.s32 $0x80;
	s0 =	stileid.u32;
	s8 =	smul.u32 $0x140000, s6  }
0x5: {  	s14 =	simm.s32 $0x0;
	[smem:$0x7FF] =	sst s4;
	s9 =	smul.u32 $0x14000, s0  }
0x6: {  	s1 =	sshll.u32 s6, $0x4;
	s29 =	smul.u32 $0x50000, s0;
	s6 =	ssub.s32 $0x2, s6  }
0x7: {  	s31 =	sshll.u32 s0, $0x6;
	s1 =	sor.u32 s0, s1;
	s30 =	sshrl.u32 s6, $0x1  }
0x8: {  	s5 =	smul.u32 $0x500, s1;
	s1 =	rddreg [dreg:$0x3];
	_ =	strace $0x8000004A  }
0x9: {  	s8 =	sadd.s32 s9, s8;
	s9 =	sshrl.u32 s29, $0x2;
	s11 =	ssub.s32 s6, s30  }
0xa: {  	s6 =	sor.u32 $0x1C01, s31;
	s8 =	sshrl.u32 s8, $0x3;
	s12 =	sadd.s32 s9, s3  }
0xb: {  	s9 =	smax.u32 s11, $0x1;
	s11 =	simm.s32 $0x1;
	s10 =	sadd.s32 s5, s7  }
0xc: {  	s5 =	sadd.s32 $0xB2200, s7;
	s8 =	sadd.s32 s8, s7;
	s7 =	sadd.s32 $0xA8200, s10  }
0xd: {  	s8 =	sadd.s32 $0x104A00, s8;
	s10 =	sshrl.u32 s12, $0x3;
	s12 =	simm.s32 $0x2800  }
.LBB2_1:
0xe: {  	[spmem:s10], [sflag:s6] =	dma.local [hbm:s5], $0x2800  }
0xf: {  	_ =	swait.ge [sflag:s11], $0x2800  }
0x10: {  	[sflag:s11] =	ssyncset.done $0x0  }
0x11: {  	[sflag:s11] =	ssyncadd.s32 $0xFFFFD800  }
0x12: {  	[tilespmem:s12], [sflag:$0x1] =	stream.linear.gather [hbm4b:s2+s4], $0x4000, $0x38;
	[tilespmem:$0x1A800] =	vst v63  }
0x13: {  	_ =	swait.ge [sflag:s11], $0x4000  }
0x14: {  	[sflag:s11] =	ssyncset.done $0x0  }
0x15: {  	[sflag:s11] =	ssyncadd.s32 $0xFFFFC000  }
0x16: {  	[tilespmem:s4], [sflag:$0x1] =	stream.linear.gather [hbm4b:s7+s4], $0x2800, $0x38;
	[tilespmem:$0x1A800] =	vst v63  }
0x17: {  	_ =	swait.ge [sflag:s11], $0x2800  }
0x18: {  	[sflag:s11] =	ssyncset.done $0x0  }
0x19: {  	[sflag:s11] =	ssyncadd.s32 $0xFFFFD800  }
0x1a: {  	s15 =	simm.s32 $0x0;
	[bflag:$0x0] =	sbarrier.arrive $0xFFFF  }
0x1b: {  	[spmem:s3] =	stream.indirect.scatter.add.f32 [tilespmem:s12], [sflag:$0x1], $0x80, s15, s13, $0xb8;
	[tilespmem:$0x1A800] =	vst v63  }
0x1c: {  	_ =	swait.ge [sflag:s11], $0x4000  }
0x1d: {  	s15 =	simm.s32 $0x200;
	[sflag:s11] =	ssyncset.done $0x0  }
.LBB2_2:
0x1e: {  	s16 =	sshra.s32 s15, $0x2;
	[sflag:s11] =	ssyncadd.s32 $0xFFFFC000;
	p0 =	sne.s32 s15, $0x9E00  }
0x1f: {  	[spmem:s3] =	stream.indirect.scatter.add.f32 [tilespmem:s12], [sflag:$0x1], $0x80, s16, s13, $0xb8;
	[tilespmem:$0x1A800] =	vst v63  }
.Ltmp0:
0x20: {  	_ = 	snop;
	(pc) =	sbr.rel @p0 .LBB2_2-.Ltmp0, $4  }
0x21: {  	_ = 	snop  }
0x22: {  	s15 =	sadd.s32 $0x200, s15  }
0x23: {  	_ =	swait.ge [sflag:s11], $0x4000  }
0x24: {  	[sflag:s11] =	ssyncset.done $0x0  }
0x25: {  	s14 =	sadd.s32 $0x1, s14  }
0x26: {  	[sflag:s11] =	ssyncadd.s32 $0xFFFFC000;
	p0 =	sne.s32 s14, s9  }
.Ltmp1:
0x27: {  	[bflag:$0x0] =	sbarrier.arrive $0xFFFF;
	(pc) =	sbr.rel @p0 .LBB2_1-.Ltmp1, $4  }
0x28: {  	[hbm:s8], [sflag:s6] =	dma.local [spmem:s10], $0x2800  }
0x29: {  	_ =	swait.ge [sflag:s11], $0x2800  }
0x2a: {  	[sflag:s11] =	ssyncset.done $0x0  }
0x2b: {  	[sflag:s11] =	ssyncadd.s32 $0xFFFFD800  }
0x2c: {  	_ =	sfence.sel $0x180000  }
0x2d: {  	[bflag:$0x0] =	sbarrier.arrive $0xFFFF  }
0x2e: {  	p0 =	sne.s32 s0, $0x0;
	_ =	strace $0x9000004A  }
0x2f: {  	s0 =	sadd.s32 @!p0 $0x100000, s1;
	[bflag:$0x2] =	sbarrier.arrive $0xFFFF  }
0x30: {  	[sflag:s0] =	ssyncadd.tile.s32 @!p0 $0x1;
	_ =	shalt  }
.Lfunc_end2:
_tile_overlayer_lowered:
.L_overlay_start_2:
0x31: {  	(tag) =	ssettag $0x2  }
0x32: {  	s0 =	rddreg [dreg:$0x0];
	s2 =	stileid.u32  }
0x33: {  	s1 =	rddreg [dreg:$0x1];
	p0 =	sne.s32 s2, $0x0  }
0x34: {  	s3 =	rddreg [dreg:$0x2];
	[bflag:$0x3] =	sbarrier.arrive $0xFFFF;
	s2 =	simm.s32 @!p0 $0x1C01  }
0x35: {  	[timem:s3], [sflag:s2] =	dma.local @!p0 [hbm:s0], s1  }
0x36: {  	s0 =	simm.s32 @!p0 $0x1  }
0x37: {  	_ =	swait.ge @!p0 [sflag:s0], s1  }
0x38: {  	s1 =	ssub.s32 @!p0 $0x0, s1;
	[sflag:s0] =	ssyncset.done @!p0 $0x0  }
0x39: {  	[sflag:s0] =	ssyncadd.s32 @!p0 s1  }
0x3a: {  	[bflag:$0x3] =	sbarrier.arrive $0xFFFF  }
0x3b: {  	_ =	shalt  }

</sc_bundles>
